<compile_context>
chip_gen: v7x
topology: tpu7x:2x2x1
jax: 0.10.2.dev20260603
libtpu: 0.0.44.dev20260713+nightly
codegen_flags: <defaults>
</compile_context>

<pallas_src>
import functools

import jax
import jax.numpy as jnp
from jax import lax
from jax.experimental import pallas as pl
from jax.experimental.pallas import tpu as pltpu
from jax.experimental.pallas import tpu_sc as plsc

N = 10000
K = 32
D = 128

M_SC = 4800
N_TC = N - M_SC
SC_ROW0 = N_TC * K

NW = 32
NPW = M_SC // NW
C = 10
CHUNKS = NPW // C
RC = C * K

BLOCK = 400


def _sc_sums(nx1d):
    mesh = plsc.VectorSubcoreMesh(core_axis_name="c", subcore_axis_name="s")

    @functools.partial(
        pl.kernel,
        out_type=jax.ShapeDtypeStruct((M_SC * D,), jnp.float32),
        mesh=mesh,
        scratch_types=[
            pltpu.VMEM((RC * D,), jnp.float32),
            pltpu.VMEM((RC * D,), jnp.float32),
            pltpu.VMEM((NPW * D,), jnp.float32),
            pltpu.SemaphoreType.DMA,
            pltpu.SemaphoreType.DMA,
        ],
    )
    def sc_kernel(nx_ref, out_ref, buf_a, buf_b, obuf, sem_a, sem_b):
        wid = lax.axis_index("s") * 2 + lax.axis_index("c")
        base = wid * NPW

        def src(g):
            return nx_ref.at[pl.ds((SC_ROW0 + (base + g * C) * K) * D, RC * D)]

        def reduce_chunk(g, buf):
            def node(c, carry):
                accs = [buf[pl.ds(c * K * D + d * 16, 16)] for d in range(8)]
                for k in range(1, K):
                    for d in range(8):
                        accs[d] = accs[d] + buf[
                            pl.ds(c * K * D + k * D + d * 16, 16)
                        ]
                for d in range(8):
                    obuf[pl.ds((g * C + c) * D + d * 16, 16)] = accs[d]
                return carry

            lax.fori_loop(0, C, node, 0)

        pltpu.async_copy(src(0), buf_a, sem_a)

        def pair(p, carry):
            g0 = 2 * p
            pltpu.make_async_copy(src(0), buf_a, sem_a).wait()

            @pl.when(g0 + 1 < CHUNKS)
            def _():
                pltpu.async_copy(src(g0 + 1), buf_b, sem_b)

            reduce_chunk(g0, buf_a)

            @pl.when(g0 + 1 < CHUNKS)
            def _():
                pltpu.make_async_copy(src(0), buf_b, sem_b).wait()

                @pl.when(g0 + 2 < CHUNKS)
                def _():
                    pltpu.async_copy(src(g0 + 2), buf_a, sem_a)

                reduce_chunk(g0 + 1, buf_b)

            return carry

        lax.fori_loop(0, (CHUNKS + 1) // 2, pair, 0)
        pltpu.sync_copy(obuf, out_ref.at[pl.ds(base * D, NPW * D)])

    return sc_kernel(nx1d)


def _tc_fused_body(x_ref, n_ref, wl_ref, wr_ref, b_ref, o_ref):
    mean = jnp.mean(n_ref[...].reshape(BLOCK, K, D), axis=1)
    acc = jnp.dot(x_ref[...], wl_ref[...], preferred_element_type=jnp.float32)
    acc = acc + jnp.dot(mean, wr_ref[...], preferred_element_type=jnp.float32)
    o_ref[...] = acc + b_ref[...]


def _tc_combine_body(x_ref, s_ref, wl_ref, wr_ref, b_ref, o_ref):
    acc = jnp.dot(x_ref[...], wl_ref[...], preferred_element_type=jnp.float32)
    acc = acc + jnp.dot(s_ref[...], wr_ref[...], preferred_element_type=jnp.float32)
    o_ref[...] = acc + b_ref[...]


def kernel(x, neigh_x, W_l, b_l, W_r, b_r):
    wl_t = W_l.T
    wr_t = W_r.T
    bias = (b_l + b_r).reshape(1, D)
    nx2d = neigh_x.reshape(N * K, D)

    sums = _sc_sums(neigh_x.reshape(-1)).reshape(M_SC, D)

    out_tc = pl.pallas_call(
        _tc_fused_body,
        grid=(N_TC // BLOCK,),
        in_specs=[
            pl.BlockSpec((BLOCK, D), lambda i: (i, 0)),
            pl.BlockSpec((BLOCK * K, D), lambda i: (i, 0)),
            pl.BlockSpec((D, D), lambda i: (0, 0)),
            pl.BlockSpec((D, D), lambda i: (0, 0)),
            pl.BlockSpec((1, D), lambda i: (0, 0)),
        ],
        out_specs=pl.BlockSpec((BLOCK, D), lambda i: (i, 0)),
        out_shape=jax.ShapeDtypeStruct((N_TC, D), jnp.float32),
    )(x, nx2d, wl_t, wr_t, bias)

    off = N_TC // BLOCK
    out_sc = pl.pallas_call(
        _tc_combine_body,
        grid=(M_SC // BLOCK,),
        in_specs=[
            pl.BlockSpec((BLOCK, D), lambda i: (i + off, 0)),
            pl.BlockSpec((BLOCK, D), lambda i: (i, 0)),
            pl.BlockSpec((D, D), lambda i: (0, 0)),
            pl.BlockSpec((D, D), lambda i: (0, 0)),
            pl.BlockSpec((1, D), lambda i: (0, 0)),
        ],
        out_specs=pl.BlockSpec((BLOCK, D), lambda i: (i, 0)),
        out_shape=jax.ShapeDtypeStruct((M_SC, D), jnp.float32),
    )(x, sums, wl_t, wr_t * (1.0 / K), bias)

    return jnp.concatenate([out_tc, out_sc], axis=0)

# --- scband reference (transcript-rebuilt; emitter-appended) ---
"""Pipeline reference for scband-sageaggregator-26465588478211 (READ-ONLY COPY).

The authoritative reference and input builder live on the scoring server;
editing this copy changes nothing except your own understanding.
"""

import jax, jax.numpy as jnp
import numpy as np

N = 10000
K = 32
D_IN = 128
D_OUT = 128

def setup_inputs(seed: int = 0) -> dict:
    key = jax.random.key(seed)
    k1, k2, k3, k4, k5, k6 = jax.random.split(key, 6)
    x = jax.random.normal(k1, (N, D_IN), dtype=jnp.float32)
    neigh_x = jax.random.normal(k2, (N, K, D_IN), dtype=jnp.float32)
    # Linear params, PyTorch-style: weight [out, in], bias [out]
    bound = 1.0 / np.sqrt(D_IN)
    W_l = jax.random.uniform(k3, (D_OUT, D_IN), minval=-bound, maxval=bound, dtype=jnp.float32)
    b_l = jax.random.uniform(k4, (D_OUT,), minval=-bound, maxval=bound, dtype=jnp.float32)
    W_r = jax.random.uniform(k5, (D_OUT, D_IN), minval=-bound, maxval=bound, dtype=jnp.float32)
    b_r = jax.random.uniform(k6, (D_OUT,), minval=-bound, maxval=bound, dtype=jnp.float32)
    return {"x": x, "neigh_x": neigh_x, "W_l": W_l, "b_l": b_l, "W_r": W_r, "b_r": b_r}

def reference(x, neigh_x, W_l, b_l, W_r, b_r):
    # aggr='mean': reduce neighbor axis (dim=1)
    neigh = jnp.mean(neigh_x, axis=1)
    out_self = x @ W_l.T + b_l
    out_neigh = neigh @ W_r.T + b_r
    return out_self + out_neigh

if __name__ == "__main__":
    import jax
    _d = setup_inputs()
    print(jax.jit(kernel)(*tuple(_d.values())))

</pallas_src>

<mosaic_0001>
#map = affine_map<(d0, d1) -> (0)>
module attributes {stable_mosaic.version = 14 : i64} {
  func.func @sc_kernel(%arg0: i32, %arg1: i32, %arg2: memref<40960000xf32, #tpu.memory_space<hbm>>, %arg3: memref<614400xf32, #tpu.memory_space<hbm>>, %arg4: memref<40960xf32, #tpu.memory_space<vmem>>, %arg5: memref<40960xf32, #tpu.memory_space<vmem>>, %arg6: memref<19200xf32, #tpu.memory_space<vmem>>, %arg7: memref<!tpu.dma_semaphore, #tpu.memory_space<semaphore_mem>>, %arg8: memref<!tpu.dma_semaphore, #tpu.memory_space<semaphore_mem>>) attributes {dimension_semantics = [#tpu.dimension_semantics<core_parallel>, #tpu.dimension_semantics<subcore_parallel>], iteration_bounds = array<i64: 2, 16>, scalar_prefetch = 0 : i64, scratch_operands = 5 : i64, tpu.core_type = #tpu.core_type<sc_vector_subcore>, window_params = [{transform_indices = #map}, {transform_indices = #map}]} {
    %mul3A = arith.constant 2 : i32
    %mul3A_0 = arith.muli %arg1, %mul3A : i32
    %add3A = arith.addi %mul3A_0, %arg0 : i32
    %mul3A_1 = arith.constant 150 : i32
    %mul3A_2 = arith.muli %add3A, %mul3A_1 : i32
    %add3A_3 = arith.constant 0 : i32
    %add3A_4 = arith.addi %mul3A_2, %add3A_3 : i32
    %mul3A_5 = arith.constant 32 : i32
    %mul3A_6 = arith.muli %add3A_4, %mul3A_5 : i32
    %add3A_7 = arith.constant 166400 : i32
    %add3A_8 = arith.addi %add3A_7, %mul3A_6 : i32
    %mul3A_9 = arith.constant 128 : i32
    %mul3A_10 = arith.muli %add3A_8, %mul3A_9 : i32
    %dma_start3A = tpu.memref_slice %arg2[%mul3A_10] : memref<40960000xf32, #tpu.memory_space<hbm>> -> memref<40960xf32, #tpu.memory_space<hbm>>
    %dma_start3A_11 = tpu.memref_slice %arg2[%mul3A_10] : memref<40960000xf32, #tpu.memory_space<hbm>> -> memref<40960xf32, #tpu.memory_space<hbm>>
    tpu.enqueue_dma source(%dma_start3A_11 : memref<40960xf32, #tpu.memory_space<hbm>>) target(%arg4 : memref<40960xf32, #tpu.memory_space<vmem>>) target_semaphore(%arg7 : memref<!tpu.dma_semaphore, #tpu.memory_space<semaphore_mem>>)
    %scan3A = arith.constant 0 : i32
    %scan3A_12 = arith.constant 0 : i32
    %scan3A_13 = arith.constant 8 : i32
    %scan3A_14 = arith.addi %scan3A_12, %scan3A_13 : i32
    %scan3A_15 = arith.constant 1 : i32
    scf.for %scan3A_19 = %scan3A_12 to %scan3A_14 step %scan3A_15  : i32 {
      %mul3A_20 = arith.constant 2 : i32
      %mul3A_21 = arith.muli %mul3A_20, %scan3A_19 : i32
      %add3A_22 = arith.constant 0 : i32
      %add3A_23 = arith.addi %mul3A_2, %add3A_22 : i32
      %mul3A_24 = arith.constant 32 : i32
      %mul3A_25 = arith.muli %add3A_23, %mul3A_24 : i32
      %add3A_26 = arith.constant 166400 : i32
      %add3A_27 = arith.addi %add3A_26, %mul3A_25 : i32
      %mul3A_28 = arith.constant 128 : i32
      %mul3A_29 = arith.muli %add3A_27, %mul3A_28 : i32
      %dma_wait3A = tpu.memref_slice %arg2[%mul3A_29] : memref<40960000xf32, #tpu.memory_space<hbm>> -> memref<40960xf32, #tpu.memory_space<hbm>>
      %dma_wait3A_30 = tpu.memref_slice %arg2[%mul3A_29] : memref<40960000xf32, #tpu.memory_space<hbm>> -> memref<40960xf32, #tpu.memory_space<hbm>>
      tpu.wait_dma2 semaphore(%arg7 : memref<!tpu.dma_semaphore, #tpu.memory_space<semaphore_mem>>) src(%dma_wait3A_30 : memref<40960xf32, #tpu.memory_space<hbm>>) dst(%arg4 : memref<40960xf32, #tpu.memory_space<vmem>>)
      %add3A_31 = arith.constant 1 : i32
      %add3A_32 = arith.addi %mul3A_21, %add3A_31 : i32
      %lt3A = arith.constant 15 : i32
      %lt3A_33 = arith.cmpi slt, %add3A_32, %lt3A : i32
      %convert_element_type3A = arith.extui %lt3A_33 : i1 to i32
      %cond3A = arith.constant 0 : i32
      %cond3A_34 = arith.cmpi ne, %convert_element_type3A, %cond3A : i32
      scf.if %cond3A_34 {
        %add3A_48 = arith.constant 1 : i32
        %add3A_49 = arith.addi %mul3A_21, %add3A_48 : i32
        %mul3A_50 = arith.constant 10 : i32
        %mul3A_51 = arith.muli %add3A_49, %mul3A_50 : i32
        %add3A_52 = arith.addi %mul3A_2, %mul3A_51 : i32
        %mul3A_53 = arith.constant 32 : i32
        %mul3A_54 = arith.muli %add3A_52, %mul3A_53 : i32
        %add3A_55 = arith.constant 166400 : i32
        %add3A_56 = arith.addi %add3A_55, %mul3A_54 : i32
        %mul3A_57 = arith.constant 128 : i32
        %mul3A_58 = arith.muli %add3A_56, %mul3A_57 : i32
        %dma_start3A_59 = tpu.memref_slice %arg2[%mul3A_58] : memref<40960000xf32, #tpu.memory_space<hbm>> -> memref<40960xf32, #tpu.memory_space<hbm>>
        %dma_start3A_60 = tpu.memref_slice %arg2[%mul3A_58] : memref<40960000xf32, #tpu.memory_space<hbm>> -> memref<40960xf32, #tpu.memory_space<hbm>>
        tpu.enqueue_dma source(%dma_start3A_60 : memref<40960xf32, #tpu.memory_space<hbm>>) target(%arg5 : memref<40960xf32, #tpu.memory_space<vmem>>) target_semaphore(%arg8 : memref<!tpu.dma_semaphore, #tpu.memory_space<semaphore_mem>>)
      } else {
      }
      %scan3A_35 = arith.constant 0 : i32
      %scan3A_36 = arith.constant 0 : i32
      %scan3A_37 = arith.constant 10 : i32
      %scan3A_38 = arith.addi %scan3A_36, %scan3A_37 : i32
      %scan3A_39 = arith.constant 1 : i32
      scf.for %scan3A_48 = %scan3A_36 to %scan3A_38 step %scan3A_39  : i32 {
        %mul3A_49 = arith.constant 32 : i32
        %mul3A_50 = arith.muli %scan3A_48, %mul3A_49 : i32
        %mul3A_51 = arith.constant 128 : i32
        %mul3A_52 = arith.muli %mul3A_50, %mul3A_51 : i32
        %add3A_53 = arith.constant 0 : i32
        %add3A_54 = arith.addi %mul3A_52, %add3A_53 : i32
        %get3A = arith.index_cast %add3A_54 : i32 to index
        %get3A_55 = tpu.vector_load %arg4[%get3A] {strides = array<i32>} : memref<40960xf32, #tpu.memory_space<vmem>>, vector<16xf32>,
        %get3A_56 = vector.shape_cast %get3A_55 : vector<16xf32> to vector<16xf32>
        %mul3A_57 = arith.constant 32 : i32
        %mul3A_58 = arith.muli %scan3A_48, %mul3A_57 : i32
        %mul3A_59 = arith.constant 128 : i32
        %mul3A_60 = arith.muli %mul3A_58, %mul3A_59 : i32
        %add3A_61 = arith.constant 16 : i32
        %add3A_62 = arith.addi %mul3A_60, %add3A_61 : i32
        %get3A_63 = arith.index_cast %add3A_62 : i32 to index
        %get3A_64 = tpu.vector_load %arg4[%get3A_63] {strides = array<i32>} : memref<40960xf32, #tpu.memory_space<vmem>>, vector<16xf32>,
        %get3A_65 = vector.shape_cast %get3A_64 : vector<16xf32> to vector<16xf32>
        %mul3A_66 = arith.constant 32 : i32
        %mul3A_67 = arith.muli %scan3A_48, %mul3A_66 : i32
        %mul3A_68 = arith.constant 128 : i32
        %mul3A_69 = arith.muli %mul3A_67, %mul3A_68 : i32
        %add3A_70 = arith.constant 32 : i32
        %add3A_71 = arith.addi %mul3A_69, %add3A_70 : i32
        %get3A_72 = arith.index_cast %add3A_71 : i32 to index
        %get3A_73 = tpu.vector_load %arg4[%get3A_72] {strides = array<i32>} : memref<40960xf32, #tpu.memory_space<vmem>>, vector<16xf32>,
        %get3A_74 = vector.shape_cast %get3A_73 : vector<16xf32> to vector<16xf32>
        %mul3A_75 = arith.constant 32 : i32
        %mul3A_76 = arith.muli %scan3A_48, %mul3A_75 : i32
        %mul3A_77 = arith.constant 128 : i32
        %mul3A_78 = arith.muli %mul3A_76, %mul3A_77 : i32
        %add3A_79 = arith.constant 48 : i32
        %add3A_80 = arith.addi %mul3A_78, %add3A_79 : i32
        %get3A_81 = arith.index_cast %add3A_80 : i32 to index
        %get3A_82 = tpu.vector_load %arg4[%get3A_81] {strides = array<i32>} : memref<40960xf32, #tpu.memory_space<vmem>>, vector<16xf32>,
        %get3A_83 = vector.shape_cast %get3A_82 : vector<16xf32> to vector<16xf32>
        %mul3A_84 = arith.constant 32 : i32
        %mul3A_85 = arith.muli %scan3A_48, %mul3A_84 : i32
        %mul3A_86 = arith.constant 128 : i32
        %mul3A_87 = arith.muli %mul3A_85, %mul3A_86 : i32
        %add3A_88 = arith.constant 64 : i32
        %add3A_89 = arith.addi %mul3A_87, %add3A_88 : i32
        %get3A_90 = arith.index_cast %add3A_89 : i32 to index
        %get3A_91 = tpu.vector_load %arg4[%get3A_90] {strides = array<i32>} : memref<40960xf32, #tpu.memory_space<vmem>>, vector<16xf32>,
        %get3A_92 = vector.shape_cast %get3A_91 : vector<16xf32> to vector<16xf32>
        %mul3A_93 = arith.constant 32 : i32
        %mul3A_94 = arith.muli %scan3A_48, %mul3A_93 : i32
        %mul3A_95 = arith.constant 128 : i32
        %mul3A_96 = arith.muli %mul3A_94, %mul3A_95 : i32
        %add3A_97 = arith.constant 80 : i32
        %add3A_98 = arith.addi %mul3A_96, %add3A_97 : i32
        %get3A_99 = arith.index_cast %add3A_98 : i32 to index
        %get3A_100 = tpu.vector_load %arg4[%get3A_99] {strides = array<i32>} : memref<40960xf32, #tpu.memory_space<vmem>>, vector<16xf32>,
        %get3A_101 = vector.shape_cast %get3A_100 : vector<16xf32> to vector<16xf32>
        %mul3A_102 = arith.constant 32 : i32
        %mul3A_103 = arith.muli %scan3A_48, %mul3A_102 : i32
        %mul3A_104 = arith.constant 128 : i32
        %mul3A_105 = arith.muli %mul3A_103, %mul3A_104 : i32
        %add3A_106 = arith.constant 96 : i32
        %add3A_107 = arith.addi %mul3A_105, %add3A_106 : i32
        %get3A_108 = arith.index_cast %add3A_107 : i32 to index
        %get3A_109 = tpu.vector_load %arg4[%get3A_108] {strides = array<i32>} : memref<40960xf32, #tpu.memory_space<vmem>>, vector<16xf32>,
        %get3A_110 = vector.shape_cast %get3A_109 : vector<16xf32> to vector<16xf32>
        %mul3A_111 = arith.constant 32 : i32
        %mul3A_112 = arith.muli %scan3A_48, %mul3A_111 : i32
        %mul3A_113 = arith.constant 128 : i32
        %mul3A_114 = arith.muli %mul3A_112, %mul3A_113 : i32
        %add3A_115 = arith.constant 112 : i32
        %add3A_116 = arith.addi %mul3A_114, %add3A_115 : i32
        %get3A_117 = arith.index_cast %add3A_116 : i32 to index
        %get3A_118 = tpu.vector_load %arg4[%get3A_117] {strides = array<i32>} : memref<40960xf32, #tpu.memory_space<vmem>>, vector<16xf32>,
        %get3A_119 = vector.shape_cast %get3A_118 : vector<16xf32> to vector<16xf32>
        %mul3A_120 = arith.constant 32 : i32
        %mul3A_121 = arith.muli %scan3A_48, %mul3A_120 : i32
        %mul3A_122 = arith.constant 128 : i32
        %mul3A_123 = arith.muli %mul3A_121, %mul3A_122 : i32
        %add3A_124 = arith.constant 128 : i32
        %add3A_125 = arith.addi %mul3A_123, %add3A_124 : i32
        %add3A_126 = arith.constant 0 : i32
        %add3A_127 = arith.addi %add3A_125, %add3A_126 : i32
        %get3A_128 = arith.index_cast %add3A_127 : i32 to index
        %get3A_129 = tpu.vector_load %arg4[%get3A_128] {strides = array<i32>} : memref<40960xf32, #tpu.memory_space<vmem>>, vector<16xf32>,
        %get3A_130 = vector.shape_cast %get3A_129 : vector<16xf32> to vector<16xf32>
        %add3A_131 = arith.addf %get3A_56, %get3A_130 : vector<16xf32>
        %mul3A_132 = arith.constant 32 : i32
        %mul3A_133 = arith.muli %scan3A_48, %mul3A_132 : i32
        %mul3A_134 = arith.constant 128 : i32
        %mul3A_135 = arith.muli %mul3A_133, %mul3A_134 : i32
        %add3A_136 = arith.constant 128 : i32
        %add3A_137 = arith.addi %mul3A_135, %add3A_136 : i32
        %add3A_138 = arith.constant 16 : i32
        %add3A_139 = arith.addi %add3A_137, %add3A_138 : i32
        %get3A_140 = arith.index_cast %add3A_139 : i32 to index
        %get3A_141 = tpu.vector_load %arg4[%get3A_140] {strides = array<i32>} : memref<40960xf32, #tpu.memory_space<vmem>>, vector<16xf32>,
        %get3A_142 = vector.shape_cast %get3A_141 : vector<16xf32> to vector<16xf32>
        %add3A_143 = arith.addf %get3A_65, %get3A_142 : vector<16xf32>
        %mul3A_144 = arith.constant 32 : i32
        %mul3A_145 = arith.muli %scan3A_48, %mul3A_144 : i32
        %mul3A_146 = arith.constant 128 : i32
        %mul3A_147 = arith.muli %mul3A_145, %mul3A_146 : i32
        %add3A_148 = arith.constant 128 : i32
        %add3A_149 = arith.addi %mul3A_147, %add3A_148 : i32
        %add3A_150 = arith.constant 32 : i32
        %add3A_151 = arith.addi %add3A_149, %add3A_150 : i32
        %get3A_152 = arith.index_cast %add3A_151 : i32 to index
        %get3A_153 = tpu.vector_load %arg4[%get3A_152] {strides = array<i32>} : memref<40960xf32, #tpu.memory_space<vmem>>, vector<16xf32>,
        %get3A_154 = vector.shape_cast %get3A_153 : vector<16xf32> to vector<16xf32>
        %add3A_155 = arith.addf %get3A_74, %get3A_154 : vector<16xf32>
        %mul3A_156 = arith.constant 32 : i32
        %mul3A_157 = arith.muli %scan3A_48, %mul3A_156 : i32
        %mul3A_158 = arith.constant 128 : i32
        %mul3A_159 = arith.muli %mul3A_157, %mul3A_158 : i32
        %add3A_160 = arith.constant 128 : i32
        %add3A_161 = arith.addi %mul3A_159, %add3A_160 : i32
        %add3A_162 = arith.constant 48 : i32
        %add3A_163 = arith.addi %add3A_161, %add3A_162 : i32
        %get3A_164 = arith.index_cast %add3A_163 : i32 to index
        %get3A_165 = tpu.vector_load %arg4[%get3A_164] {strides = array<i32>} : memref<40960xf32, #tpu.memory_space<vmem>>, vector<16xf32>,
        %get3A_166 = vector.shape_cast %get3A_165 : vector<16xf32> to vector<16xf32>
        %add3A_167 = arith.addf %get3A_83, %get3A_166 : vector<16xf32>
        %mul3A_168 = arith.constant 32 : i32
        %mul3A_169 = arith.muli %scan3A_48, %mul3A_168 : i32
        %mul3A_170 = arith.constant 128 : i32
        %mul3A_171 = arith.muli %mul3A_169, %mul3A_170 : i32
        %add3A_172 = arith.constant 128 : i32
        %add3A_173 = arith.addi %mul3A_171, %add3A_172 : i32
        %add3A_174 = arith.constant 64 : i32
        %add3A_175 = arith.addi %add3A_173, %add3A_174 : i32
        %get3A_176 = arith.index_cast %add3A_175 : i32 to index
        %get3A_177 = tpu.vector_load %arg4[%get3A_176] {strides = array<i32>} : memref<40960xf32, #tpu.memory_space<vmem>>, vector<16xf32>,
        %get3A_178 = vector.shape_cast %get3A_177 : vector<16xf32> to vector<16xf32>
        %add3A_179 = arith.addf %get3A_92, %get3A_178 : vector<16xf32>
        %mul3A_180 = arith.constant 32 : i32
        %mul3A_181 = arith.muli %scan3A_48, %mul3A_180 : i32
        %mul3A_182 = arith.constant 128 : i32
        %mul3A_183 = arith.muli %mul3A_181, %mul3A_182 : i32
        %add3A_184 = arith.constant 128 : i32
        %add3A_185 = arith.addi %mul3A_183, %add3A_184 : i32
        %add3A_186 = arith.constant 80 : i32
        %add3A_187 = arith.addi %add3A_185, %add3A_186 : i32
        %get3A_188 = arith.index_cast %add3A_187 : i32 to index
        %get3A_189 = tpu.vector_load %arg4[%get3A_188] {strides = array<i32>} : memref<40960xf32, #tpu.memory_space<vmem>>, vector<16xf32>,
        %get3A_190 = vector.shape_cast %get3A_189 : vector<16xf32> to vector<16xf32>
        %add3A_191 = arith.addf %get3A_101, %get3A_190 : vector<16xf32>
        %mul3A_192 = arith.constant 32 : i32
        %mul3A_193 = arith.muli %scan3A_48, %mul3A_192 : i32
        %mul3A_194 = arith.constant 128 : i32
        %mul3A_195 = arith.muli %mul3A_193, %mul3A_194 : i32
        %add3A_196 = arith.constant 128 : i32
        %add3A_197 = arith.addi %mul3A_195, %add3A_196 : i32
        %add3A_198 = arith.constant 96 : i32
        %add3A_199 = arith.addi %add3A_197, %add3A_198 : i32
        %get3A_200 = arith.index_cast %add3A_199 : i32 to index
        %get3A_201 = tpu.vector_load %arg4[%get3A_200] {strides = array<i32>} : memref<40960xf32, #tpu.memory_space<vmem>>, vector<16xf32>,
        %get3A_202 = vector.shape_cast %get3A_201 : vector<16xf32> to vector<16xf32>
        %add3A_203 = arith.addf %get3A_110, %get3A_202 : vector<16xf32>
        %mul3A_204 = arith.constant 32 : i32
        %mul3A_205 = arith.muli %scan3A_48, %mul3A_204 : i32
        %mul3A_206 = arith.constant 128 : i32
        %mul3A_207 = arith.muli %mul3A_205, %mul3A_206 : i32
        %add3A_208 = arith.constant 128 : i32
        %add3A_209 = arith.addi %mul3A_207, %add3A_208 : i32
        %add3A_210 = arith.constant 112 : i32
        %add3A_211 = arith.addi %add3A_209, %add3A_210 : i32
        %get3A_212 = arith.index_cast %add3A_211 : i32 to index
        %get3A_213 = tpu.vector_load %arg4[%get3A_212] {strides = array<i32>} : memref<40960xf32, #tpu.memory_space<vmem>>, vector<16xf32>,
        %get3A_214 = vector.shape_cast %get3A_213 : vector<16xf32> to vector<16xf32>
        %add3A_215 = arith.addf %get3A_119, %get3A_214 : vector<16xf32>
        %mul3A_216 = arith.constant 32 : i32
        %mul3A_217 = arith.muli %scan3A_48, %mul3A_216 : i32
        %mul3A_218 = arith.constant 128 : i32
        %mul3A_219 = arith.muli %mul3A_217, %mul3A_218 : i32
        %add3A_220 = arith.constant 256 : i32
        %add3A_221 = arith.addi %mul3A_219, %add3A_220 : i32
        %add3A_222 = arith.constant 0 : i32
        %add3A_223 = arith.addi %add3A_221, %add3A_222 : i32
        %get3A_224 = arith.index_cast %add3A_223 : i32 to index
        %get3A_225 = tpu.vector_load %arg4[%get3A_224] {strides = array<i32>} : memref<40960xf32, #tpu.memory_space<vmem>>, vector<16xf32>,
        %get3A_226 = vector.shape_cast %get3A_225 : vector<16xf32> to vector<16xf32>
        %add3A_227 = arith.addf %add3A_131, %get3A_226 : vector<16xf32>
        %mul3A_228 = arith.constant 32 : i32
        %mul3A_229 = arith.muli %scan3A_48, %mul3A_228 : i32
        %mul3A_230 = arith.constant 128 : i32
        %mul3A_231 = arith.muli %mul3A_229, %mul3A_230 : i32
        %add3A_232 = arith.constant 256 : i32
        %add3A_233 = arith.addi %mul3A_231, %add3A_232 : i32
        %add3A_234 = arith.constant 16 : i32
        %add3A_235 = arith.addi %add3A_233, %add3A_234 : i32
        %get3A_236 = arith.index_cast %add3A_235 : i32 to index
        %get3A_237 = tpu.vector_load %arg4[%get3A_236] {strides = array<i32>} : memref<40960xf32, #tpu.memory_space<vmem>>, vector<16xf32>,
        %get3A_238 = vector.shape_cast %get3A_237 : vector<16xf32> to vector<16xf32>
        %add3A_239 = arith.addf %add3A_143, %get3A_238 : vector<16xf32>
        %mul3A_240 = arith.constant 32 : i32
        %mul3A_241 = arith.muli %scan3A_48, %mul3A_240 : i32
        %mul3A_242 = arith.constant 128 : i32
        %mul3A_243 = arith.muli %mul3A_241, %mul3A_242 : i32
        %add3A_244 = arith.constant 256 : i32
        %add3A_245 = arith.addi %mul3A_243, %add3A_244 : i32
        %add3A_246 = arith.constant 32 : i32
        %add3A_247 = arith.addi %add3A_245, %add3A_246 : i32
        %get3A_248 = arith.index_cast %add3A_247 : i32 to index
        %get3A_249 = tpu.vector_load %arg4[%get3A_248] {strides = array<i32>} : memref<40960xf32, #tpu.memory_space<vmem>>, vector<16xf32>,
        %get3A_250 = vector.shape_cast %get3A_249 : vector<16xf32> to vector<16xf32>
        %add3A_251 = arith.addf %add3A_155, %get3A_250 : vector<16xf32>
        %mul3A_252 = arith.constant 32 : i32
        %mul3A_253 = arith.muli %scan3A_48, %mul3A_252 : i32
        %mul3A_254 = arith.constant 128 : i32
        %mul3A_255 = arith.muli %mul3A_253, %mul3A_254 : i32
        %add3A_256 = arith.constant 256 : i32
        %add3A_257 = arith.addi %mul3A_255, %add3A_256 : i32
        %add3A_258 = arith.constant 48 : i32
        %add3A_259 = arith.addi %add3A_257, %add3A_258 : i32
        %get3A_260 = arith.index_cast %add3A_259 : i32 to index
        %get3A_261 = tpu.vector_load %arg4[%get3A_260] {strides = array<i32>} : memref<40960xf32, #tpu.memory_space<vmem>>, vector<16xf32>,
        %get3A_262 = vector.shape_cast %get3A_261 : vector<16xf32> to vector<16xf32>
        %add3A_263 = arith.addf %add3A_167, %get3A_262 : vector<16xf32>
        %mul3A_264 = arith.constant 32 : i32
        %mul3A_265 = arith.muli %scan3A_48, %mul3A_264 : i32
        %mul3A_266 = arith.constant 128 : i32
        %mul3A_267 = arith.muli %mul3A_265, %mul3A_266 : i32
        %add3A_268 = arith.constant 256 : i32
        %add3A_269 = arith.addi %mul3A_267, %add3A_268 : i32
        %add3A_270 = arith.constant 64 : i32
        %add3A_271 = arith.addi %add3A_269, %add3A_270 : i32
        %get3A_272 = arith.index_cast %add3A_271 : i32 to index
        %get3A_273 = tpu.vector_load %arg4[%get3A_272] {strides = array<i32>} : memref<40960xf32, #tpu.memory_space<vmem>>, vector<16xf32>,
        %get3A_274 = vector.shape_cast %get3A_273 : vector<16xf32> to vector<16xf32>
        %add3A_275 = arith.addf %add3A_179, %get3A_274 : vector<16xf32>
        %mul3A_276 = arith.constant 32 : i32
        %mul3A_277 = arith.muli %scan3A_48, %mul3A_276 : i32
        %mul3A_278 = arith.constant 128 : i32
        %mul3A_279 = arith.muli %mul3A_277, %mul3A_278 : i32
        %add3A_280 = arith.constant 256 : i32
        %add3A_281 = arith.addi %mul3A_279, %add3A_280 : i32
        %add3A_282 = arith.constant 80 : i32
        %add3A_283 = arith.addi %add3A_281, %add3A_282 : i32
        %get3A_284 = arith.index_cast %add3A_283 : i32 to index
        %get3A_285 = tpu.vector_load %arg4[%get3A_284] {strides = array<i32>} : memref<40960xf32, #tpu.memory_space<vmem>>, vector<16xf32>,
        %get3A_286 = vector.shape_cast %get3A_285 : vector<16xf32> to vector<16xf32>
        %add3A_287 = arith.addf %add3A_191, %get3A_286 : vector<16xf32>
        %mul3A_288 = arith.constant 32 : i32
        %mul3A_289 = arith.muli %scan3A_48, %mul3A_288 : i32
        %mul3A_290 = arith.constant 128 : i32
        %mul3A_291 = arith.muli %mul3A_289, %mul3A_290 : i32
        %add3A_292 = arith.constant 256 : i32
        %add3A_293 = arith.addi %mul3A_291, %add3A_292 : i32
        %add3A_294 = arith.constant 96 : i32
        %add3A_295 = arith.addi %add3A_293, %add3A_294 : i32
        %get3A_296 = arith.index_cast %add3A_295 : i32 to index
        %get3A_297 = tpu.vector_load %arg4[%get3A_296] {strides = array<i32>} : memref<40960xf32, #tpu.memory_space<vmem>>, vector<16xf32>,
        %get3A_298 = vector.shape_cast %get3A_297 : vector<16xf32> to vector<16xf32>
        %add3A_299 = arith.addf %add3A_203, %get3A_298 : vector<16xf32>
        %mul3A_300 = arith.constant 32 : i32
        %mul3A_301 = arith.muli %scan3A_48, %mul3A_300 : i32
        %mul3A_302 = arith.constant 128 : i32
        %mul3A_303 = arith.muli %mul3A_301, %mul3A_302 : i32
        %add3A_304 = arith.constant 256 : i32
        %add3A_305 = arith.addi %mul3A_303, %add3A_304 : i32
        %add3A_306 = arith.constant 112 : i32
        %add3A_307 = arith.addi %add3A_305, %add3A_306 : i32
        %get3A_308 = arith.index_cast %add3A_307 : i32 to index
        %get3A_309 = tpu.vector_load %arg4[%get3A_308] {strides = array<i32>} : memref<40960xf32, #tpu.memory_space<vmem>>, vector<16xf32>,
        %get3A_310 = vector.shape_cast %get3A_309 : vector<16xf32> to vector<16xf32>
        %add3A_311 = arith.addf %add3A_215, %get3A_310 : vector<16xf32>
        %mul3A_312 = arith.constant 32 : i32
        %mul3A_313 = arith.muli %scan3A_48, %mul3A_312 : i32
        %mul3A_314 = arith.constant 128 : i32
        %mul3A_315 = arith.muli %mul3A_313, %mul3A_314 : i32
        %add3A_316 = arith.constant 384 : i32
        %add3A_317 = arith.addi %mul3A_315, %add3A_316 : i32
        %add3A_318 = arith.constant 0 : i32
        %add3A_319 = arith.addi %add3A_317, %add3A_318 : i32
        %get3A_320 = arith.index_cast %add3A_319 : i32 to index
        %get3A_321 = tpu.vector_load %arg4[%get3A_320] {strides = array<i32>} : memref<40960xf32, #tpu.memory_space<vmem>>, vector<16xf32>,
        %get3A_322 = vector.shape_cast %get3A_321 : vector<16xf32> to vector<16xf32>
        %add3A_323 = arith.addf %add3A_227, %get3A_322 : vector<16xf32>
        %mul3A_324 = arith.constant 32 : i32
        %mul3A_325 = arith.muli %scan3A_48, %mul3A_324 : i32
        %mul3A_326 = arith.constant 128 : i32
        %mul3A_327 = arith.muli %mul3A_325, %mul3A_326 : i32
        %add3A_328 = arith.constant 384 : i32
        %add3A_329 = arith.addi %mul3A_327, %add3A_328 : i32
        %add3A_330 = arith.constant 16 : i32
        %add3A_331 = arith.addi %add3A_329, %add3A_330 : i32
        %get3A_332 = arith.index_cast %add3A_331 : i32 to index
        %get3A_333 = tpu.vector_load %arg4[%get3A_332] {strides = array<i32>} : memref<40960xf32, #tpu.memory_space<vmem>>, vector<16xf32>,
        %get3A_334 = vector.shape_cast %get3A_333 : vector<16xf32> to vector<16xf32>
        %add3A_335 = arith.addf %add3A_239, %get3A_334 : vector<16xf32>
        %mul3A_336 = arith.constant 32 : i32
        %mul3A_337 = arith.muli %scan3A_48, %mul3A_336 : i32
        %mul3A_338 = arith.constant 128 : i32
        %mul3A_339 = arith.muli %mul3A_337, %mul3A_338 : i32
        %add3A_340 = arith.constant 384 : i32
        %add3A_341 = arith.addi %mul3A_339, %add3A_340 : i32
        %add3A_342 = arith.constant 32 : i32
        %add3A_343 = arith.addi %add3A_341, %add3A_342 : i32
        %get3A_344 = arith.index_cast %add3A_343 : i32 to index
        %get3A_345 = tpu.vector_load %arg4[%get3A_344] {strides = array<i32>} : memref<40960xf32, #tpu.memory_space<vmem>>, vector<16xf32>,
        %get3A_346 = vector.shape_cast %get3A_345 : vector<16xf32> to vector<16xf32>
        %add3A_347 = arith.addf %add3A_251, %get3A_346 : vector<16xf32>
        %mul3A_348 = arith.constant 32 : i32
        %mul3A_349 = arith.muli %scan3A_48, %mul3A_348 : i32
        %mul3A_350 = arith.constant 128 : i32
        %mul3A_351 = arith.muli %mul3A_349, %mul3A_350 : i32
        %add3A_352 = arith.constant 384 : i32
        %add3A_353 = arith.addi %mul3A_351, %add3A_352 : i32
        %add3A_354 = arith.constant 48 : i32
        %add3A_355 = arith.addi %add3A_353, %add3A_354 : i32
        %get3A_356 = arith.index_cast %add3A_355 : i32 to index
        %get3A_357 = tpu.vector_load %arg4[%get3A_356] {strides = array<i32>} : memref<40960xf32, #tpu.memory_space<vmem>>, vector<16xf32>,
        %get3A_358 = vector.shape_cast %get3A_357 : vector<16xf32> to vector<16xf32>
        %add3A_359 = arith.addf %add3A_263, %get3A_358 : vector<16xf32>
        %mul3A_360 = arith.constant 32 : i32
        %mul3A_361 = arith.muli %scan3A_48, %mul3A_360 : i32
        %mul3A_362 = arith.constant 128 : i32
        %mul3A_363 = arith.muli %mul3A_361, %mul3A_362 : i32
        %add3A_364 = arith.constant 384 : i32
        %add3A_365 = arith.addi %mul3A_363, %add3A_364 : i32
        %add3A_366 = arith.constant 64 : i32
        %add3A_367 = arith.addi %add3A_365, %add3A_366 : i32
        %get3A_368 = arith.index_cast %add3A_367 : i32 to index
        %get3A_369 = tpu.vector_load %arg4[%get3A_368] {strides = array<i32>} : memref<40960xf32, #tpu.memory_space<vmem>>, vector<16xf32>,
        %get3A_370 = vector.shape_cast %get3A_369 : vector<16xf32> to vector<16xf32>
        %add3A_371 = arith.addf %add3A_275, %get3A_370 : vector<16xf32>
        %mul3A_372 = arith.constant 32 : i32
        %mul3A_373 = arith.muli %scan3A_48, %mul3A_372 : i32
        %mul3A_374 = arith.constant 128 : i32
        %mul3A_375 = arith.muli %mul3A_373, %mul3A_374 : i32
        %add3A_376 = arith.constant 384 : i32
        %add3A_377 = arith.addi %mul3A_375, %add3A_376 : i32
        %add3A_378 = arith.constant 80 : i32
        %add3A_379 = arith.addi %add3A_377, %add3A_378 : i32
        %get3A_380 = arith.index_cast %add3A_379 : i32 to index
        %get3A_381 = tpu.vector_load %arg4[%get3A_380] {strides = array<i32>} : memref<40960xf32, #tpu.memory_space<vmem>>, vector<16xf32>,
        %get3A_382 = vector.shape_cast %get3A_381 : vector<16xf32> to vector<16xf32>
        %add3A_383 = arith.addf %add3A_287, %get3A_382 : vector<16xf32>
        %mul3A_384 = arith.constant 32 : i32
        %mul3A_385 = arith.muli %scan3A_48, %mul3A_384 : i32
        %mul3A_386 = arith.constant 128 : i32
        %mul3A_387 = arith.muli %mul3A_385, %mul3A_386 : i32
        %add3A_388 = arith.constant 384 : i32
        %add3A_389 = arith.addi %mul3A_387, %add3A_388 : i32
        %add3A_390 = arith.constant 96 : i32
        %add3A_391 = arith.addi %add3A_389, %add3A_390 : i32
        %get3A_392 = arith.index_cast %add3A_391 : i32 to index
        %get3A_393 = tpu.vector_load %arg4[%get3A_392] {strides = array<i32>} : memref<40960xf32, #tpu.memory_space<vmem>>, vector<16xf32>,
        %get3A_394 = vector.shape_cast %get3A_393 : vector<16xf32> to vector<16xf32>
        %add3A_395 = arith.addf %add3A_299, %get3A_394 : vector<16xf32>
        %mul3A_396 = arith.constant 32 : i32
        %mul3A_397 = arith.muli %scan3A_48, %mul3A_396 : i32
        %mul3A_398 = arith.constant 128 : i32
        %mul3A_399 = arith.muli %mul3A_397, %mul3A_398 : i32
        %add3A_400 = arith.constant 384 : i32
        %add3A_401 = arith.addi %mul3A_399, %add3A_400 : i32
        %add3A_402 = arith.constant 112 : i32
        %add3A_403 = arith.addi %add3A_401, %add3A_402 : i32
        %get3A_404 = arith.index_cast %add3A_403 : i32 to index
        %get3A_405 = tpu.vector_load %arg4[%get3A_404] {strides = array<i32>} : memref<40960xf32, #tpu.memory_space<vmem>>, vector<16xf32>,
        %get3A_406 = vector.shape_cast %get3A_405 : vector<16xf32> to vector<16xf32>
        %add3A_407 = arith.addf %add3A_311, %get3A_406 : vector<16xf32>
        %mul3A_408 = arith.constant 32 : i32
        %mul3A_409 = arith.muli %scan3A_48, %mul3A_408 : i32
        %mul3A_410 = arith.constant 128 : i32
        %mul3A_411 = arith.muli %mul3A_409, %mul3A_410 : i32
        %add3A_412 = arith.constant 512 : i32
        %add3A_413 = arith.addi %mul3A_411, %add3A_412 : i32
        %add3A_414 = arith.constant 0 : i32
        %add3A_415 = arith.addi %add3A_413, %add3A_414 : i32
        %get3A_416 = arith.index_cast %add3A_415 : i32 to index
        %get3A_417 = tpu.vector_load %arg4[%get3A_416] {strides = array<i32>} : memref<40960xf32, #tpu.memory_space<vmem>>, vector<16xf32>,
        %get3A_418 = vector.shape_cast %get3A_417 : vector<16xf32> to vector<16xf32>
        %add3A_419 = arith.addf %add3A_323, %get3A_418 : vector<16xf32>
        %mul3A_420 = arith.constant 32 : i32
        %mul3A_421 = arith.muli %scan3A_48, %mul3A_420 : i32
        %mul3A_422 = arith.constant 128 : i32
        %mul3A_423 = arith.muli %mul3A_421, %mul3A_422 : i32
        %add3A_424 = arith.constant 512 : i32
        %add3A_425 = arith.addi %mul3A_423, %add3A_424 : i32
        %add3A_426 = arith.constant 16 : i32
        %add3A_427 = arith.addi %add3A_425, %add3A_426 : i32
        %get3A_428 = arith.index_cast %add3A_427 : i32 to index
        %get3A_429 = tpu.vector_load %arg4[%get3A_428] {strides = array<i32>} : memref<40960xf32, #tpu.memory_space<vmem>>, vector<16xf32>,
        %get3A_430 = vector.shape_cast %get3A_429 : vector<16xf32> to vector<16xf32>
        %add3A_431 = arith.addf %add3A_335, %get3A_430 : vector<16xf32>
        %mul3A_432 = arith.constant 32 : i32
        %mul3A_433 = arith.muli %scan3A_48, %mul3A_432 : i32
        %mul3A_434 = arith.constant 128 : i32
        %mul3A_435 = arith.muli %mul3A_433, %mul3A_434 : i32
        %add3A_436 = arith.constant 512 : i32
        %add3A_437 = arith.addi %mul3A_435, %add3A_436 : i32
        %add3A_438 = arith.constant 32 : i32
        %add3A_439 = arith.addi %add3A_437, %add3A_438 : i32
        %get3A_440 = arith.index_cast %add3A_439 : i32 to index
        %get3A_441 = tpu.vector_load %arg4[%get3A_440] {strides = array<i32>} : memref<40960xf32, #tpu.memory_space<vmem>>, vector<16xf32>,
        %get3A_442 = vector.shape_cast %get3A_441 : vector<16xf32> to vector<16xf32>
        %add3A_443 = arith.addf %add3A_347, %get3A_442 : vector<16xf32>
        %mul3A_444 = arith.constant 32 : i32
        %mul3A_445 = arith.muli %scan3A_48, %mul3A_444 : i32
        %mul3A_446 = arith.constant 128 : i32
        %mul3A_447 = arith.muli %mul3A_445, %mul3A_446 : i32
        %add3A_448 = arith.constant 512 : i32
        %add3A_449 = arith.addi %mul3A_447, %add3A_448 : i32
        %add3A_450 = arith.constant 48 : i32
        %add3A_451 = arith.addi %add3A_449, %add3A_450 : i32
        %get3A_452 = arith.index_cast %add3A_451 : i32 to index
        %get3A_453 = tpu.vector_load %arg4[%get3A_452] {strides = array<i32>} : memref<40960xf32, #tpu.memory_space<vmem>>, vector<16xf32>,
        %get3A_454 = vector.shape_cast %get3A_453 : vector<16xf32> to vector<16xf32>
        %add3A_455 = arith.addf %add3A_359, %get3A_454 : vector<16xf32>
        %mul3A_456 = arith.constant 32 : i32
        %mul3A_457 = arith.muli %scan3A_48, %mul3A_456 : i32
        %mul3A_458 = arith.constant 128 : i32
        %mul3A_459 = arith.muli %mul3A_457, %mul3A_458 : i32
        %add3A_460 = arith.constant 512 : i32
        %add3A_461 = arith.addi %mul3A_459, %add3A_460 : i32
        %add3A_462 = arith.constant 64 : i32
        %add3A_463 = arith.addi %add3A_461, %add3A_462 : i32
        %get3A_464 = arith.index_cast %add3A_463 : i32 to index
        %get3A_465 = tpu.vector_load %arg4[%get3A_464] {strides = array<i32>} : memref<40960xf32, #tpu.memory_space<vmem>>, vector<16xf32>,
        %get3A_466 = vector.shape_cast %get3A_465 : vector<16xf32> to vector<16xf32>
        %add3A_467 = arith.addf %add3A_371, %get3A_466 : vector<16xf32>
        %mul3A_468 = arith.constant 32 : i32
        %mul3A_469 = arith.muli %scan3A_48, %mul3A_468 : i32
        %mul3A_470 = arith.constant 128 : i32
        %mul3A_471 = arith.muli %mul3A_469, %mul3A_470 : i32
        %add3A_472 = arith.constant 512 : i32
        %add3A_473 = arith.addi %mul3A_471, %add3A_472 : i32
        %add3A_474 = arith.constant 80 : i32
        %add3A_475 = arith.addi %add3A_473, %add3A_474 : i32
        %get3A_476 = arith.index_cast %add3A_475 : i32 to index
        %get3A_477 = tpu.vector_load %arg4[%get3A_476] {strides = array<i32>} : memref<40960xf32, #tpu.memory_space<vmem>>, vector<16xf32>,
        %get3A_478 = vector.shape_cast %get3A_477 : vector<16xf32> to vector<16xf32>
        %add3A_479 = arith.addf %add3A_383, %get3A_478 : vector<16xf32>
        %mul3A_480 = arith.constant 32 : i32
        %mul3A_481 = arith.muli %scan3A_48, %mul3A_480 : i32
        %mul3A_482 = arith.constant 128 : i32
        %mul3A_483 = arith.muli %mul3A_481, %mul3A_482 : i32
        %add3A_484 = arith.constant 512 : i32
        %add3A_485 = arith.addi %mul3A_483, %add3A_484 : i32
        %add3A_486 = arith.constant 96 : i32
        %add3A_487 = arith.addi %add3A_485, %add3A_486 : i32
        %get3A_488 = arith.index_cast %add3A_487 : i32 to index
        %get3A_489 = tpu.vector_load %arg4[%get3A_488] {strides = array<i32>} : memref<40960xf32, #tpu.memory_space<vmem>>, vector<16xf32>,
        %get3A_490 = vector.shape_cast %get3A_489 : vector<16xf32> to vector<16xf32>
        %add3A_491 = arith.addf %add3A_395, %get3A_490 : vector<16xf32>
        %mul3A_492 = arith.constant 32 : i32
        %mul3A_493 = arith.muli %scan3A_48, %mul3A_492 : i32
        %mul3A_494 = arith.constant 128 : i32
        %mul3A_495 = arith.muli %mul3A_493, %mul3A_494 : i32
        %add3A_496 = arith.constant 512 : i32
        %add3A_497 = arith.addi %mul3A_495, %add3A_496 : i32
        %add3A_498 = arith.constant 112 : i32
        %add3A_499 = arith.addi %add3A_497, %add3A_498 : i32
        %get3A_500 = arith.index_cast %add3A_499 : i32 to index
        %get3A_501 = tpu.vector_load %arg4[%get3A_500] {strides = array<i32>} : memref<40960xf32, #tpu.memory_space<vmem>>, vector<16xf32>,
        %get3A_502 = vector.shape_cast %get3A_501 : vector<16xf32> to vector<16xf32>
        %add3A_503 = arith.addf %add3A_407, %get3A_502 : vector<16xf32>
        %mul3A_504 = arith.constant 32 : i32
        %mul3A_505 = arith.muli %scan3A_48, %mul3A_504 : i32
        %mul3A_506 = arith.constant 128 : i32
        %mul3A_507 = arith.muli %mul3A_505, %mul3A_506 : i32
        %add3A_508 = arith.constant 640 : i32
        %add3A_509 = arith.addi %mul3A_507, %add3A_508 : i32
        %add3A_510 = arith.constant 0 : i32
        %add3A_511 = arith.addi %add3A_509, %add3A_510 : i32
        %get3A_512 = arith.index_cast %add3A_511 : i32 to index
        %get3A_513 = tpu.vector_load %arg4[%get3A_512] {strides = array<i32>} : memref<40960xf32, #tpu.memory_space<vmem>>, vector<16xf32>,
        %get3A_514 = vector.shape_cast %get3A_513 : vector<16xf32> to vector<16xf32>
        %add3A_515 = arith.addf %add3A_419, %get3A_514 : vector<16xf32>
        %mul3A_516 = arith.constant 32 : i32
        %mul3A_517 = arith.muli %scan3A_48, %mul3A_516 : i32
        %mul3A_518 = arith.constant 128 : i32
        %mul3A_519 = arith.muli %mul3A_517, %mul3A_518 : i32
        %add3A_520 = arith.constant 640 : i32
        %add3A_521 = arith.addi %mul3A_519, %add3A_520 : i32
        %add3A_522 = arith.constant 16 : i32
        %add3A_523 = arith.addi %add3A_521, %add3A_522 : i32
        %get3A_524 = arith.index_cast %add3A_523 : i32 to index
        %get3A_525 = tpu.vector_load %arg4[%get3A_524] {strides = array<i32>} : memref<40960xf32, #tpu.memory_space<vmem>>, vector<16xf32>,
        %get3A_526 = vector.shape_cast %get3A_525 : vector<16xf32> to vector<16xf32>
        %add3A_527 = arith.addf %add3A_431, %get3A_526 : vector<16xf32>
        %mul3A_528 = arith.constant 32 : i32
        %mul3A_529 = arith.muli %scan3A_48, %mul3A_528 : i32
        %mul3A_530 = arith.constant 128 : i32
        %mul3A_531 = arith.muli %mul3A_529, %mul3A_530 : i32
        %add3A_532 = arith.constant 640 : i32
        %add3A_533 = arith.addi %mul3A_531, %add3A_532 : i32
        %add3A_534 = arith.constant 32 : i32
        %add3A_535 = arith.addi %add3A_533, %add3A_534 : i32
        %get3A_536 = arith.index_cast %add3A_535 : i32 to index
        %get3A_537 = tpu.vector_load %arg4[%get3A_536] {strides = array<i32>} : memref<40960xf32, #tpu.memory_space<vmem>>, vector<16xf32>,
        %get3A_538 = vector.shape_cast %get3A_537 : vector<16xf32> to vector<16xf32>
        %add3A_539 = arith.addf %add3A_443, %get3A_538 : vector<16xf32>
        %mul3A_540 = arith.constant 32 : i32
        %mul3A_541 = arith.muli %scan3A_48, %mul3A_540 : i32
        %mul3A_542 = arith.constant 128 : i32
        %mul3A_543 = arith.muli %mul3A_541, %mul3A_542 : i32
        %add3A_544 = arith.constant 640 : i32
        %add3A_545 = arith.addi %mul3A_543, %add3A_544 : i32
        %add3A_546 = arith.constant 48 : i32
        %add3A_547 = arith.addi %add3A_545, %add3A_546 : i32
        %get3A_548 = arith.index_cast %add3A_547 : i32 to index
        %get3A_549 = tpu.vector_load %arg4[%get3A_548] {strides = array<i32>} : memref<40960xf32, #tpu.memory_space<vmem>>, vector<16xf32>,
        %get3A_550 = vector.shape_cast %get3A_549 : vector<16xf32> to vector<16xf32>
        %add3A_551 = arith.addf %add3A_455, %get3A_550 : vector<16xf32>
        %mul3A_552 = arith.constant 32 : i32
        %mul3A_553 = arith.muli %scan3A_48, %mul3A_552 : i32
        %mul3A_554 = arith.constant 128 : i32
        %mul3A_555 = arith.muli %mul3A_553, %mul3A_554 : i32
        %add3A_556 = arith.constant 640 : i32
        %add3A_557 = arith.addi %mul3A_555, %add3A_556 : i32
        %add3A_558 = arith.constant 64 : i32
        %add3A_559 = arith.addi %add3A_557, %add3A_558 : i32
        %get3A_560 = arith.index_cast %add3A_559 : i32 to index
        %get3A_561 = tpu.vector_load %arg4[%get3A_560] {strides = array<i32>} : memref<40960xf32, #tpu.memory_space<vmem>>, vector<16xf32>,
        %get3A_562 = vector.shape_cast %get3A_561 : vector<16xf32> to vector<16xf32>
        %add3A_563 = arith.addf %add3A_467, %get3A_562 : vector<16xf32>
        %mul3A_564 = arith.constant 32 : i32
        %mul3A_565 = arith.muli %scan3A_48, %mul3A_564 : i32
        %mul3A_566 = arith.constant 128 : i32
        %mul3A_567 = arith.muli %mul3A_565, %mul3A_566 : i32
        %add3A_568 = arith.constant 640 : i32
        %add3A_569 = arith.addi %mul3A_567, %add3A_568 : i32
        %add3A_570 = arith.constant 80 : i32
        %add3A_571 = arith.addi %add3A_569, %add3A_570 : i32
        %get3A_572 = arith.index_cast %add3A_571 : i32 to index
        %get3A_573 = tpu.vector_load %arg4[%get3A_572] {strides = array<i32>} : memref<40960xf32, #tpu.memory_space<vmem>>, vector<16xf32>,
        %get3A_574 = vector.shape_cast %get3A_573 : vector<16xf32> to vector<16xf32>
        %add3A_575 = arith.addf %add3A_479, %get3A_574 : vector<16xf32>
        %mul3A_576 = arith.constant 32 : i32
        %mul3A_577 = arith.muli %scan3A_48, %mul3A_576 : i32
        %mul3A_578 = arith.constant 128 : i32
        %mul3A_579 = arith.muli %mul3A_577, %mul3A_578 : i32
        %add3A_580 = arith.constant 640 : i32
        %add3A_581 = arith.addi %mul3A_579, %add3A_580 : i32
        %add3A_582 = arith.constant 96 : i32
        %add3A_583 = arith.addi %add3A_581, %add3A_582 : i32
        %get3A_584 = arith.index_cast %add3A_583 : i32 to index
        %get3A_585 = tpu.vector_load %arg4[%get3A_584] {strides = array<i32>} : memref<40960xf32, #tpu.memory_space<vmem>>, vector<16xf32>,
        %get3A_586 = vector.shape_cast %get3A_585 : vector<16xf32> to vector<16xf32>
        %add3A_587 = arith.addf %add3A_491, %get3A_586 : vector<16xf32>
        %mul3A_588 = arith.constant 32 : i32
        %mul3A_589 = arith.muli %scan3A_48, %mul3A_588 : i32
        %mul3A_590 = arith.constant 128 : i32
        %mul3A_591 = arith.muli %mul3A_589, %mul3A_590 : i32
        %add3A_592 = arith.constant 640 : i32
        %add3A_593 = arith.addi %mul3A_591, %add3A_592 : i32
        %add3A_594 = arith.constant 112 : i32
        %add3A_595 = arith.addi %add3A_593, %add3A_594 : i32
        %get3A_596 = arith.index_cast %add3A_595 : i32 to index
        %get3A_597 = tpu.vector_load %arg4[%get3A_596] {strides = array<i32>} : memref<40960xf32, #tpu.memory_space<vmem>>, vector<16xf32>,
        %get3A_598 = vector.shape_cast %get3A_597 : vector<16xf32> to vector<16xf32>
        %add3A_599 = arith.addf %add3A_503, %get3A_598 : vector<16xf32>
        %mul3A_600 = arith.constant 32 : i32
        %mul3A_601 = arith.muli %scan3A_48, %mul3A_600 : i32
        %mul3A_602 = arith.constant 128 : i32
        %mul3A_603 = arith.muli %mul3A_601, %mul3A_602 : i32
        %add3A_604 = arith.constant 768 : i32
        %add3A_605 = arith.addi %mul3A_603, %add3A_604 : i32
        %add3A_606 = arith.constant 0 : i32
        %add3A_607 = arith.addi %add3A_605, %add3A_606 : i32
        %get3A_608 = arith.index_cast %add3A_607 : i32 to index
        %get3A_609 = tpu.vector_load %arg4[%get3A_608] {strides = array<i32>} : memref<40960xf32, #tpu.memory_space<vmem>>, vector<16xf32>,
        %get3A_610 = vector.shape_cast %get3A_609 : vector<16xf32> to vector<16xf32>
        %add3A_611 = arith.addf %add3A_515, %get3A_610 : vector<16xf32>
        %mul3A_612 = arith.constant 32 : i32
        %mul3A_613 = arith.muli %scan3A_48, %mul3A_612 : i32
        %mul3A_614 = arith.constant 128 : i32
        %mul3A_615 = arith.muli %mul3A_613, %mul3A_614 : i32
        %add3A_616 = arith.constant 768 : i32
        %add3A_617 = arith.addi %mul3A_615, %add3A_616 : i32
        %add3A_618 = arith.constant 16 : i32
        %add3A_619 = arith.addi %add3A_617, %add3A_618 : i32
        %get3A_620 = arith.index_cast %add3A_619 : i32 to index
        %get3A_621 = tpu.vector_load %arg4[%get3A_620] {strides = array<i32>} : memref<40960xf32, #tpu.memory_space<vmem>>, vector<16xf32>,
        %get3A_622 = vector.shape_cast %get3A_621 : vector<16xf32> to vector<16xf32>
        %add3A_623 = arith.addf %add3A_527, %get3A_622 : vector<16xf32>
        %mul3A_624 = arith.constant 32 : i32
        %mul3A_625 = arith.muli %scan3A_48, %mul3A_624 : i32
        %mul3A_626 = arith.constant 128 : i32
        %mul3A_627 = arith.muli %mul3A_625, %mul3A_626 : i32
        %add3A_628 = arith.constant 768 : i32
        %add3A_629 = arith.addi %mul3A_627, %add3A_628 : i32
        %add3A_630 = arith.constant 32 : i32
        %add3A_631 = arith.addi %add3A_629, %add3A_630 : i32
        %get3A_632 = arith.index_cast %add3A_631 : i32 to index
        %get3A_633 = tpu.vector_load %arg4[%get3A_632] {strides = array<i32>} : memref<40960xf32, #tpu.memory_space<vmem>>, vector<16xf32>,
        %get3A_634 = vector.shape_cast %get3A_633 : vector<16xf32> to vector<16xf32>
        %add3A_635 = arith.addf %add3A_539, %get3A_634 : vector<16xf32>
        %mul3A_636 = arith.constant 32 : i32
        %mul3A_637 = arith.muli %scan3A_48, %mul3A_636 : i32
        %mul3A_638 = arith.constant 128 : i32
        %mul3A_639 = arith.muli %mul3A_637, %mul3A_638 : i32
        %add3A_640 = arith.constant 768 : i32
        %add3A_641 = arith.addi %mul3A_639, %add3A_640 : i32
        %add3A_642 = arith.constant 48 : i32
        %add3A_643 = arith.addi %add3A_641, %add3A_642 : i32
        %get3A_644 = arith.index_cast %add3A_643 : i32 to index
        %get3A_645 = tpu.vector_load %arg4[%get3A_644] {strides = array<i32>} : memref<40960xf32, #tpu.memory_space<vmem>>, vector<16xf32>,
        %get3A_646 = vector.shape_cast %get3A_645 : vector<16xf32> to vector<16xf32>
        %add3A_647 = arith.addf %add3A_551, %get3A_646 : vector<16xf32>
        %mul3A_648 = arith.constant 32 : i32
        %mul3A_649 = arith.muli %scan3A_48, %mul3A_648 : i32
        %mul3A_650 = arith.constant 128 : i32
        %mul3A_651 = arith.muli %mul3A_649, %mul3A_650 : i32
        %add3A_652 = arith.constant 768 : i32
        %add3A_653 = arith.addi %mul3A_651, %add3A_652 : i32
        %add3A_654 = arith.constant 64 : i32
        %add3A_655 = arith.addi %add3A_653, %add3A_654 : i32
        %get3A_656 = arith.index_cast %add3A_655 : i32 to index
        %get3A_657 = tpu.vector_load %arg4[%get3A_656] {strides = array<i32>} : memref<40960xf32, #tpu.memory_space<vmem>>, vector<16xf32>,
        %get3A_658 = vector.shape_cast %get3A_657 : vector<16xf32> to vector<16xf32>
        %add3A_659 = arith.addf %add3A_563, %get3A_658 : vector<16xf32>
        %mul3A_660 = arith.constant 32 : i32
        %mul3A_661 = arith.muli %scan3A_48, %mul3A_660 : i32
        %mul3A_662 = arith.constant 128 : i32
        %mul3A_663 = arith.muli %mul3A_661, %mul3A_662 : i32
        %add3A_664 = arith.constant 768 : i32
        %add3A_665 = arith.addi %mul3A_663, %add3A_664 : i32
        %add3A_666 = arith.constant 80 : i32
        %add3A_667 = arith.addi %add3A_665, %add3A_666 : i32
        %get3A_668 = arith.index_cast %add3A_667 : i32 to index
        %get3A_669 = tpu.vector_load %arg4[%get3A_668] {strides = array<i32>} : memref<40960xf32, #tpu.memory_space<vmem>>, vector<16xf32>,
        %get3A_670 = vector.shape_cast %get3A_669 : vector<16xf32> to vector<16xf32>
        %add3A_671 = arith.addf %add3A_575, %get3A_670 : vector<16xf32>
        %mul3A_672 = arith.constant 32 : i32
        %mul3A_673 = arith.muli %scan3A_48, %mul3A_672 : i32
        %mul3A_674 = arith.constant 128 : i32
        %mul3A_675 = arith.muli %mul3A_673, %mul3A_674 : i32
        %add3A_676 = arith.constant 768 : i32
        %add3A_677 = arith.addi %mul3A_675, %add3A_676 : i32
        %add3A_678 = arith.constant 96 : i32
        %add3A_679 = arith.addi %add3A_677, %add3A_678 : i32
        %get3A_680 = arith.index_cast %add3A_679 : i32 to index
        %get3A_681 = tpu.vector_load %arg4[%get3A_680] {strides = array<i32>} : memref<40960xf32, #tpu.memory_space<vmem>>, vector<16xf32>,
        %get3A_682 = vector.shape_cast %get3A_681 : vector<16xf32> to vector<16xf32>
        %add3A_683 = arith.addf %add3A_587, %get3A_682 : vector<16xf32>
        %mul3A_684 = arith.constant 32 : i32
        %mul3A_685 = arith.muli %scan3A_48, %mul3A_684 : i32
        %mul3A_686 = arith.constant 128 : i32
        %mul3A_687 = arith.muli %mul3A_685, %mul3A_686 : i32
        %add3A_688 = arith.constant 768 : i32
        %add3A_689 = arith.addi %mul3A_687, %add3A_688 : i32
        %add3A_690 = arith.constant 112 : i32
        %add3A_691 = arith.addi %add3A_689, %add3A_690 : i32
        %get3A_692 = arith.index_cast %add3A_691 : i32 to index
        %get3A_693 = tpu.vector_load %arg4[%get3A_692] {strides = array<i32>} : memref<40960xf32, #tpu.memory_space<vmem>>, vector<16xf32>,
        %get3A_694 = vector.shape_cast %get3A_693 : vector<16xf32> to vector<16xf32>
        %add3A_695 = arith.addf %add3A_599, %get3A_694 : vector<16xf32>
        %mul3A_696 = arith.constant 32 : i32
        %mul3A_697 = arith.muli %scan3A_48, %mul3A_696 : i32
        %mul3A_698 = arith.constant 128 : i32
        %mul3A_699 = arith.muli %mul3A_697, %mul3A_698 : i32
        %add3A_700 = arith.constant 896 : i32
        %add3A_701 = arith.addi %mul3A_699, %add3A_700 : i32
        %add3A_702 = arith.constant 0 : i32
        %add3A_703 = arith.addi %add3A_701, %add3A_702 : i32
        %get3A_704 = arith.index_cast %add3A_703 : i32 to index
        %get3A_705 = tpu.vector_load %arg4[%get3A_704] {strides = array<i32>} : memref<40960xf32, #tpu.memory_space<vmem>>, vector<16xf32>,
        %get3A_706 = vector.shape_cast %get3A_705 : vector<16xf32> to vector<16xf32>
        %add3A_707 = arith.addf %add3A_611, %get3A_706 : vector<16xf32>
        %mul3A_708 = arith.constant 32 : i32
        %mul3A_709 = arith.muli %scan3A_48, %mul3A_708 : i32
        %mul3A_710 = arith.constant 128 : i32
        %mul3A_711 = arith.muli %mul3A_709, %mul3A_710 : i32
        %add3A_712 = arith.constant 896 : i32
        %add3A_713 = arith.addi %mul3A_711, %add3A_712 : i32
        %add3A_714 = arith.constant 16 : i32
        %add3A_715 = arith.addi %add3A_713, %add3A_714 : i32
        %get3A_716 = arith.index_cast %add3A_715 : i32 to index
        %get3A_717 = tpu.vector_load %arg4[%get3A_716] {strides = array<i32>} : memref<40960xf32, #tpu.memory_space<vmem>>, vector<16xf32>,
        %get3A_718 = vector.shape_cast %get3A_717 : vector<16xf32> to vector<16xf32>
        %add3A_719 = arith.addf %add3A_623, %get3A_718 : vector<16xf32>
        %mul3A_720 = arith.constant 32 : i32
        %mul3A_721 = arith.muli %scan3A_48, %mul3A_720 : i32
        %mul3A_722 = arith.constant 128 : i32
        %mul3A_723 = arith.muli %mul3A_721, %mul3A_722 : i32
        %add3A_724 = arith.constant 896 : i32
        %add3A_725 = arith.addi %mul3A_723, %add3A_724 : i32
        %add3A_726 = arith.constant 32 : i32
        %add3A_727 = arith.addi %add3A_725, %add3A_726 : i32
        %get3A_728 = arith.index_cast %add3A_727 : i32 to index
        %get3A_729 = tpu.vector_load %arg4[%get3A_728] {strides = array<i32>} : memref<40960xf32, #tpu.memory_space<vmem>>, vector<16xf32>,
        %get3A_730 = vector.shape_cast %get3A_729 : vector<16xf32> to vector<16xf32>
        %add3A_731 = arith.addf %add3A_635, %get3A_730 : vector<16xf32>
        %mul3A_732 = arith.constant 32 : i32
        %mul3A_733 = arith.muli %scan3A_48, %mul3A_732 : i32
        %mul3A_734 = arith.constant 128 : i32
        %mul3A_735 = arith.muli %mul3A_733, %mul3A_734 : i32
        %add3A_736 = arith.constant 896 : i32
        %add3A_737 = arith.addi %mul3A_735, %add3A_736 : i32
        %add3A_738 = arith.constant 48 : i32
        %add3A_739 = arith.addi %add3A_737, %add3A_738 : i32
        %get3A_740 = arith.index_cast %add3A_739 : i32 to index
        %get3A_741 = tpu.vector_load %arg4[%get3A_740] {strides = array<i32>} : memref<40960xf32, #tpu.memory_space<vmem>>, vector<16xf32>,
        %get3A_742 = vector.shape_cast %get3A_741 : vector<16xf32> to vector<16xf32>
        %add3A_743 = arith.addf %add3A_647, %get3A_742 : vector<16xf32>
        %mul3A_744 = arith.constant 32 : i32
        %mul3A_745 = arith.muli %scan3A_48, %mul3A_744 : i32
        %mul3A_746 = arith.constant 128 : i32
        %mul3A_747 = arith.muli %mul3A_745, %mul3A_746 : i32
        %add3A_748 = arith.constant 896 : i32
        %add3A_749 = arith.addi %mul3A_747, %add3A_748 : i32
        %add3A_750 = arith.constant 64 : i32
        %add3A_751 = arith.addi %add3A_749, %add3A_750 : i32
        %get3A_752 = arith.index_cast %add3A_751 : i32 to index
        %get3A_753 = tpu.vector_load %arg4[%get3A_752] {strides = array<i32>} : memref<40960xf32, #tpu.memory_space<vmem>>, vector<16xf32>,
        %get3A_754 = vector.shape_cast %get3A_753 : vector<16xf32> to vector<16xf32>
        %add3A_755 = arith.addf %add3A_659, %get3A_754 : vector<16xf32>
        %mul3A_756 = arith.constant 32 : i32
        %mul3A_757 = arith.muli %scan3A_48, %mul3A_756 : i32
        %mul3A_758 = arith.constant 128 : i32
        %mul3A_759 = arith.muli %mul3A_757, %mul3A_758 : i32
        %add3A_760 = arith.constant 896 : i32
        %add3A_761 = arith.addi %mul3A_759, %add3A_760 : i32
        %add3A_762 = arith.constant 80 : i32
        %add3A_763 = arith.addi %add3A_761, %add3A_762 : i32
        %get3A_764 = arith.index_cast %add3A_763 : i32 to index
        %get3A_765 = tpu.vector_load %arg4[%get3A_764] {strides = array<i32>} : memref<40960xf32, #tpu.memory_space<vmem>>, vector<16xf32>,
        %get3A_766 = vector.shape_cast %get3A_765 : vector<16xf32> to vector<16xf32>
        %add3A_767 = arith.addf %add3A_671, %get3A_766 : vector<16xf32>
        %mul3A_768 = arith.constant 32 : i32
        %mul3A_769 = arith.muli %scan3A_48, %mul3A_768 : i32
        %mul3A_770 = arith.constant 128 : i32
        %mul3A_771 = arith.muli %mul3A_769, %mul3A_770 : i32
        %add3A_772 = arith.constant 896 : i32
        %add3A_773 = arith.addi %mul3A_771, %add3A_772 : i32
        %add3A_774 = arith.constant 96 : i32
        %add3A_775 = arith.addi %add3A_773, %add3A_774 : i32
        %get3A_776 = arith.index_cast %add3A_775 : i32 to index
        %get3A_777 = tpu.vector_load %arg4[%get3A_776] {strides = array<i32>} : memref<40960xf32, #tpu.memory_space<vmem>>, vector<16xf32>,
        %get3A_778 = vector.shape_cast %get3A_777 : vector<16xf32> to vector<16xf32>
        %add3A_779 = arith.addf %add3A_683, %get3A_778 : vector<16xf32>
        %mul3A_780 = arith.constant 32 : i32
        %mul3A_781 = arith.muli %scan3A_48, %mul3A_780 : i32
        %mul3A_782 = arith.constant 128 : i32
        %mul3A_783 = arith.muli %mul3A_781, %mul3A_782 : i32
        %add3A_784 = arith.constant 896 : i32
        %add3A_785 = arith.addi %mul3A_783, %add3A_784 : i32
        %add3A_786 = arith.constant 112 : i32
        %add3A_787 = arith.addi %add3A_785, %add3A_786 : i32
        %get3A_788 = arith.index_cast %add3A_787 : i32 to index
        %get3A_789 = tpu.vector_load %arg4[%get3A_788] {strides = array<i32>} : memref<40960xf32, #tpu.memory_space<vmem>>, vector<16xf32>,
        %get3A_790 = vector.shape_cast %get3A_789 : vector<16xf32> to vector<16xf32>
        %add3A_791 = arith.addf %add3A_695, %get3A_790 : vector<16xf32>
        %mul3A_792 = arith.constant 32 : i32
        %mul3A_793 = arith.muli %scan3A_48, %mul3A_792 : i32
        %mul3A_794 = arith.constant 128 : i32
        %mul3A_795 = arith.muli %mul3A_793, %mul3A_794 : i32
        %add3A_796 = arith.constant 1024 : i32
        %add3A_797 = arith.addi %mul3A_795, %add3A_796 : i32
        %add3A_798 = arith.constant 0 : i32
        %add3A_799 = arith.addi %add3A_797, %add3A_798 : i32
        %get3A_800 = arith.index_cast %add3A_799 : i32 to index
        %get3A_801 = tpu.vector_load %arg4[%get3A_800] {strides = array<i32>} : memref<40960xf32, #tpu.memory_space<vmem>>, vector<16xf32>,
        %get3A_802 = vector.shape_cast %get3A_801 : vector<16xf32> to vector<16xf32>
        %add3A_803 = arith.addf %add3A_707, %get3A_802 : vector<16xf32>
        %mul3A_804 = arith.constant 32 : i32
        %mul3A_805 = arith.muli %scan3A_48, %mul3A_804 : i32
        %mul3A_806 = arith.constant 128 : i32
        %mul3A_807 = arith.muli %mul3A_805, %mul3A_806 : i32
        %add3A_808 = arith.constant 1024 : i32
        %add3A_809 = arith.addi %mul3A_807, %add3A_808 : i32
        %add3A_810 = arith.constant 16 : i32
        %add3A_811 = arith.addi %add3A_809, %add3A_810 : i32
        %get3A_812 = arith.index_cast %add3A_811 : i32 to index
        %get3A_813 = tpu.vector_load %arg4[%get3A_812] {strides = array<i32>} : memref<40960xf32, #tpu.memory_space<vmem>>, vector<16xf32>,
        %get3A_814 = vector.shape_cast %get3A_813 : vector<16xf32> to vector<16xf32>
        %add3A_815 = arith.addf %add3A_719, %get3A_814 : vector<16xf32>
        %mul3A_816 = arith.constant 32 : i32
        %mul3A_817 = arith.muli %scan3A_48, %mul3A_816 : i32
        %mul3A_818 = arith.constant 128 : i32
        %mul3A_819 = arith.muli %mul3A_817, %mul3A_818 : i32
        %add3A_820 = arith.constant 1024 : i32
        %add3A_821 = arith.addi %mul3A_819, %add3A_820 : i32
        %add3A_822 = arith.constant 32 : i32
        %add3A_823 = arith.addi %add3A_821, %add3A_822 : i32
        %get3A_824 = arith.index_cast %add3A_823 : i32 to index
        %get3A_825 = tpu.vector_load %arg4[%get3A_824] {strides = array<i32>} : memref<40960xf32, #tpu.memory_space<vmem>>, vector<16xf32>,
        %get3A_826 = vector.shape_cast %get3A_825 : vector<16xf32> to vector<16xf32>
        %add3A_827 = arith.addf %add3A_731, %get3A_826 : vector<16xf32>
        %mul3A_828 = arith.constant 32 : i32
        %mul3A_829 = arith.muli %scan3A_48, %mul3A_828 : i32
        %mul3A_830 = arith.constant 128 : i32
        %mul3A_831 = arith.muli %mul3A_829, %mul3A_830 : i32
        %add3A_832 = arith.constant 1024 : i32
        %add3A_833 = arith.addi %mul3A_831, %add3A_832 : i32
        %add3A_834 = arith.constant 48 : i32
        %add3A_835 = arith.addi %add3A_833, %add3A_834 : i32
        %get3A_836 = arith.index_cast %add3A_835 : i32 to index
        %get3A_837 = tpu.vector_load %arg4[%get3A_836] {strides = array<i32>} : memref<40960xf32, #tpu.memory_space<vmem>>, vector<16xf32>,
        %get3A_838 = vector.shape_cast %get3A_837 : vector<16xf32> to vector<16xf32>
        %add3A_839 = arith.addf %add3A_743, %get3A_838 : vector<16xf32>
        %mul3A_840 = arith.constant 32 : i32
        %mul3A_841 = arith.muli %scan3A_48, %mul3A_840 : i32
        %mul3A_842 = arith.constant 128 : i32
        %mul3A_843 = arith.muli %mul3A_841, %mul3A_842 : i32
        %add3A_844 = arith.constant 1024 : i32
        %add3A_845 = arith.addi %mul3A_843, %add3A_844 : i32
        %add3A_846 = arith.constant 64 : i32
        %add3A_847 = arith.addi %add3A_845, %add3A_846 : i32
        %get3A_848 = arith.index_cast %add3A_847 : i32 to index
        %get3A_849 = tpu.vector_load %arg4[%get3A_848] {strides = array<i32>} : memref<40960xf32, #tpu.memory_space<vmem>>, vector<16xf32>,
        %get3A_850 = vector.shape_cast %get3A_849 : vector<16xf32> to vector<16xf32>
        %add3A_851 = arith.addf %add3A_755, %get3A_850 : vector<16xf32>
        %mul3A_852 = arith.constant 32 : i32
        %mul3A_853 = arith.muli %scan3A_48, %mul3A_852 : i32
        %mul3A_854 = arith.constant 128 : i32
        %mul3A_855 = arith.muli %mul3A_853, %mul3A_854 : i32
        %add3A_856 = arith.constant 1024 : i32
        %add3A_857 = arith.addi %mul3A_855, %add3A_856 : i32
        %add3A_858 = arith.constant 80 : i32
        %add3A_859 = arith.addi %add3A_857, %add3A_858 : i32
        %get3A_860 = arith.index_cast %add3A_859 : i32 to index
        %get3A_861 = tpu.vector_load %arg4[%get3A_860] {strides = array<i32>} : memref<40960xf32, #tpu.memory_space<vmem>>, vector<16xf32>,
        %get3A_862 = vector.shape_cast %get3A_861 : vector<16xf32> to vector<16xf32>
        %add3A_863 = arith.addf %add3A_767, %get3A_862 : vector<16xf32>
        %mul3A_864 = arith.constant 32 : i32
        %mul3A_865 = arith.muli %scan3A_48, %mul3A_864 : i32
        %mul3A_866 = arith.constant 128 : i32
        %mul3A_867 = arith.muli %mul3A_865, %mul3A_866 : i32
        %add3A_868 = arith.constant 1024 : i32
        %add3A_869 = arith.addi %mul3A_867, %add3A_868 : i32
        %add3A_870 = arith.constant 96 : i32
        %add3A_871 = arith.addi %add3A_869, %add3A_870 : i32
        %get3A_872 = arith.index_cast %add3A_871 : i32 to index
        %get3A_873 = tpu.vector_load %arg4[%get3A_872] {strides = array<i32>} : memref<40960xf32, #tpu.memory_space<vmem>>, vector<16xf32>,
        %get3A_874 = vector.shape_cast %get3A_873 : vector<16xf32> to vector<16xf32>
        %add3A_875 = arith.addf %add3A_779, %get3A_874 : vector<16xf32>
        %mul3A_876 = arith.constant 32 : i32
        %mul3A_877 = arith.muli %scan3A_48, %mul3A_876 : i32
        %mul3A_878 = arith.constant 128 : i32
        %mul3A_879 = arith.muli %mul3A_877, %mul3A_878 : i32
        %add3A_880 = arith.constant 1024 : i32
        %add3A_881 = arith.addi %mul3A_879, %add3A_880 : i32
        %add3A_882 = arith.constant 112 : i32
        %add3A_883 = arith.addi %add3A_881, %add3A_882 : i32
        %get3A_884 = arith.index_cast %add3A_883 : i32 to index
        %get3A_885 = tpu.vector_load %arg4[%get3A_884] {strides = array<i32>} : memref<40960xf32, #tpu.memory_space<vmem>>, vector<16xf32>,
        %get3A_886 = vector.shape_cast %get3A_885 : vector<16xf32> to vector<16xf32>
        %add3A_887 = arith.addf %add3A_791, %get3A_886 : vector<16xf32>
        %mul3A_888 = arith.constant 32 : i32
        %mul3A_889 = arith.muli %scan3A_48, %mul3A_888 : i32
        %mul3A_890 = arith.constant 128 : i32
        %mul3A_891 = arith.muli %mul3A_889, %mul3A_890 : i32
        %add3A_892 = arith.constant 1152 : i32
        %add3A_893 = arith.addi %mul3A_891, %add3A_892 : i32
        %add3A_894 = arith.constant 0 : i32
        %add3A_895 = arith.addi %add3A_893, %add3A_894 : i32
        %get3A_896 = arith.index_cast %add3A_895 : i32 to index
        %get3A_897 = tpu.vector_load %arg4[%get3A_896] {strides = array<i32>} : memref<40960xf32, #tpu.memory_space<vmem>>, vector<16xf32>,
        %get3A_898 = vector.shape_cast %get3A_897 : vector<16xf32> to vector<16xf32>
        %add3A_899 = arith.addf %add3A_803, %get3A_898 : vector<16xf32>
        %mul3A_900 = arith.constant 32 : i32
        %mul3A_901 = arith.muli %scan3A_48, %mul3A_900 : i32
        %mul3A_902 = arith.constant 128 : i32
        %mul3A_903 = arith.muli %mul3A_901, %mul3A_902 : i32
        %add3A_904 = arith.constant 1152 : i32
        %add3A_905 = arith.addi %mul3A_903, %add3A_904 : i32
        %add3A_906 = arith.constant 16 : i32
        %add3A_907 = arith.addi %add3A_905, %add3A_906 : i32
        %get3A_908 = arith.index_cast %add3A_907 : i32 to index
        %get3A_909 = tpu.vector_load %arg4[%get3A_908] {strides = array<i32>} : memref<40960xf32, #tpu.memory_space<vmem>>, vector<16xf32>,
        %get3A_910 = vector.shape_cast %get3A_909 : vector<16xf32> to vector<16xf32>
        %add3A_911 = arith.addf %add3A_815, %get3A_910 : vector<16xf32>
        %mul3A_912 = arith.constant 32 : i32
        %mul3A_913 = arith.muli %scan3A_48, %mul3A_912 : i32
        %mul3A_914 = arith.constant 128 : i32
        %mul3A_915 = arith.muli %mul3A_913, %mul3A_914 : i32
        %add3A_916 = arith.constant 1152 : i32
        %add3A_917 = arith.addi %mul3A_915, %add3A_916 : i32
        %add3A_918 = arith.constant 32 : i32
        %add3A_919 = arith.addi %add3A_917, %add3A_918 : i32
        %get3A_920 = arith.index_cast %add3A_919 : i32 to index
        %get3A_921 = tpu.vector_load %arg4[%get3A_920] {strides = array<i32>} : memref<40960xf32, #tpu.memory_space<vmem>>, vector<16xf32>,
        %get3A_922 = vector.shape_cast %get3A_921 : vector<16xf32> to vector<16xf32>
        %add3A_923 = arith.addf %add3A_827, %get3A_922 : vector<16xf32>
        %mul3A_924 = arith.constant 32 : i32
        %mul3A_925 = arith.muli %scan3A_48, %mul3A_924 : i32
        %mul3A_926 = arith.constant 128 : i32
        %mul3A_927 = arith.muli %mul3A_925, %mul3A_926 : i32
        %add3A_928 = arith.constant 1152 : i32
        %add3A_929 = arith.addi %mul3A_927, %add3A_928 : i32
        %add3A_930 = arith.constant 48 : i32
        %add3A_931 = arith.addi %add3A_929, %add3A_930 : i32
        %get3A_932 = arith.index_cast %add3A_931 : i32 to index
        %get3A_933 = tpu.vector_load %arg4[%get3A_932] {strides = array<i32>} : memref<40960xf32, #tpu.memory_space<vmem>>, vector<16xf32>,
        %get3A_934 = vector.shape_cast %get3A_933 : vector<16xf32> to vector<16xf32>
        %add3A_935 = arith.addf %add3A_839, %get3A_934 : vector<16xf32>
        %mul3A_936 = arith.constant 32 : i32
        %mul3A_937 = arith.muli %scan3A_48, %mul3A_936 : i32
        %mul3A_938 = arith.constant 128 : i32
        %mul3A_939 = arith.muli %mul3A_937, %mul3A_938 : i32
        %add3A_940 = arith.constant 1152 : i32
        %add3A_941 = arith.addi %mul3A_939, %add3A_940 : i32
        %add3A_942 = arith.constant 64 : i32
        %add3A_943 = arith.addi %add3A_941, %add3A_942 : i32
        %get3A_944 = arith.index_cast %add3A_943 : i32 to index
        %get3A_945 = tpu.vector_load %arg4[%get3A_944] {strides = array<i32>} : memref<40960xf32, #tpu.memory_space<vmem>>, vector<16xf32>,
        %get3A_946 = vector.shape_cast %get3A_945 : vector<16xf32> to vector<16xf32>
        %add3A_947 = arith.addf %add3A_851, %get3A_946 : vector<16xf32>
        %mul3A_948 = arith.constant 32 : i32
        %mul3A_949 = arith.muli %scan3A_48, %mul3A_948 : i32
        %mul3A_950 = arith.constant 128 : i32
        %mul3A_951 = arith.muli %mul3A_949, %mul3A_950 : i32
        %add3A_952 = arith.constant 1152 : i32
        %add3A_953 = arith.addi %mul3A_951, %add3A_952 : i32
        %add3A_954 = arith.constant 80 : i32
        %add3A_955 = arith.addi %add3A_953, %add3A_954 : i32
        %get3A_956 = arith.index_cast %add3A_955 : i32 to index
        %get3A_957 = tpu.vector_load %arg4[%get3A_956] {strides = array<i32>} : memref<40960xf32, #tpu.memory_space<vmem>>, vector<16xf32>,
        %get3A_958 = vector.shape_cast %get3A_957 : vector<16xf32> to vector<16xf32>
        %add3A_959 = arith.addf %add3A_863, %get3A_958 : vector<16xf32>
        %mul3A_960 = arith.constant 32 : i32
        %mul3A_961 = arith.muli %scan3A_48, %mul3A_960 : i32
        %mul3A_962 = arith.constant 128 : i32
        %mul3A_963 = arith.muli %mul3A_961, %mul3A_962 : i32
        %add3A_964 = arith.constant 1152 : i32
        %add3A_965 = arith.addi %mul3A_963, %add3A_964 : i32
        %add3A_966 = arith.constant 96 : i32
        %add3A_967 = arith.addi %add3A_965, %add3A_966 : i32
        %get3A_968 = arith.index_cast %add3A_967 : i32 to index
        %get3A_969 = tpu.vector_load %arg4[%get3A_968] {strides = array<i32>} : memref<40960xf32, #tpu.memory_space<vmem>>, vector<16xf32>,
        %get3A_970 = vector.shape_cast %get3A_969 : vector<16xf32> to vector<16xf32>
        %add3A_971 = arith.addf %add3A_875, %get3A_970 : vector<16xf32>
        %mul3A_972 = arith.constant 32 : i32
        %mul3A_973 = arith.muli %scan3A_48, %mul3A_972 : i32
        %mul3A_974 = arith.constant 128 : i32
        %mul3A_975 = arith.muli %mul3A_973, %mul3A_974 : i32
        %add3A_976 = arith.constant 1152 : i32
        %add3A_977 = arith.addi %mul3A_975, %add3A_976 : i32
        %add3A_978 = arith.constant 112 : i32
        %add3A_979 = arith.addi %add3A_977, %add3A_978 : i32
        %get3A_980 = arith.index_cast %add3A_979 : i32 to index
        %get3A_981 = tpu.vector_load %arg4[%get3A_980] {strides = array<i32>} : memref<40960xf32, #tpu.memory_space<vmem>>, vector<16xf32>,
        %get3A_982 = vector.shape_cast %get3A_981 : vector<16xf32> to vector<16xf32>
        %add3A_983 = arith.addf %add3A_887, %get3A_982 : vector<16xf32>
        %mul3A_984 = arith.constant 32 : i32
        %mul3A_985 = arith.muli %scan3A_48, %mul3A_984 : i32
        %mul3A_986 = arith.constant 128 : i32
        %mul3A_987 = arith.muli %mul3A_985, %mul3A_986 : i32
        %add3A_988 = arith.constant 1280 : i32
        %add3A_989 = arith.addi %mul3A_987, %add3A_988 : i32
        %add3A_990 = arith.constant 0 : i32
        %add3A_991 = arith.addi %add3A_989, %add3A_990 : i32
        %get3A_992 = arith.index_cast %add3A_991 : i32 to index
        %get3A_993 = tpu.vector_load %arg4[%get3A_992] {strides = array<i32>} : memref<40960xf32, #tpu.memory_space<vmem>>, vector<16xf32>,
        %get3A_994 = vector.shape_cast %get3A_993 : vector<16xf32> to vector<16xf32>
        %add3A_995 = arith.addf %add3A_899, %get3A_994 : vector<16xf32>
        %mul3A_996 = arith.constant 32 : i32
        %mul3A_997 = arith.muli %scan3A_48, %mul3A_996 : i32
        %mul3A_998 = arith.constant 128 : i32
        %mul3A_999 = arith.muli %mul3A_997, %mul3A_998 : i32
        %add3A_1000 = arith.constant 1280 : i32
        %add3A_1001 = arith.addi %mul3A_999, %add3A_1000 : i32
        %add3A_1002 = arith.constant 16 : i32
        %add3A_1003 = arith.addi %add3A_1001, %add3A_1002 : i32
        %get3A_1004 = arith.index_cast %add3A_1003 : i32 to index
        %get3A_1005 = tpu.vector_load %arg4[%get3A_1004] {strides = array<i32>} : memref<40960xf32, #tpu.memory_space<vmem>>, vector<16xf32>,
        %get3A_1006 = vector.shape_cast %get3A_1005 : vector<16xf32> to vector<16xf32>
        %add3A_1007 = arith.addf %add3A_911, %get3A_1006 : vector<16xf32>
        %mul3A_1008 = arith.constant 32 : i32
        %mul3A_1009 = arith.muli %scan3A_48, %mul3A_1008 : i32
        %mul3A_1010 = arith.constant 128 : i32
        %mul3A_1011 = arith.muli %mul3A_1009, %mul3A_1010 : i32
        %add3A_1012 = arith.constant 1280 : i32
        %add3A_1013 = arith.addi %mul3A_1011, %add3A_1012 : i32
        %add3A_1014 = arith.constant 32 : i32
        %add3A_1015 = arith.addi %add3A_1013, %add3A_1014 : i32
        %get3A_1016 = arith.index_cast %add3A_1015 : i32 to index
        %get3A_1017 = tpu.vector_load %arg4[%get3A_1016] {strides = array<i32>} : memref<40960xf32, #tpu.memory_space<vmem>>, vector<16xf32>,
        %get3A_1018 = vector.shape_cast %get3A_1017 : vector<16xf32> to vector<16xf32>
        %add3A_1019 = arith.addf %add3A_923, %get3A_1018 : vector<16xf32>
        %mul3A_1020 = arith.constant 32 : i32
        %mul3A_1021 = arith.muli %scan3A_48, %mul3A_1020 : i32
        %mul3A_1022 = arith.constant 128 : i32
        %mul3A_1023 = arith.muli %mul3A_1021, %mul3A_1022 : i32
        %add3A_1024 = arith.constant 1280 : i32
        %add3A_1025 = arith.addi %mul3A_1023, %add3A_1024 : i32
        %add3A_1026 = arith.constant 48 : i32
        %add3A_1027 = arith.addi %add3A_1025, %add3A_1026 : i32
        %get3A_1028 = arith.index_cast %add3A_1027 : i32 to index
        %get3A_1029 = tpu.vector_load %arg4[%get3A_1028] {strides = array<i32>} : memref<40960xf32, #tpu.memory_space<vmem>>, vector<16xf32>,
        %get3A_1030 = vector.shape_cast %get3A_1029 : vector<16xf32> to vector<16xf32>
        %add3A_1031 = arith.addf %add3A_935, %get3A_1030 : vector<16xf32>
        %mul3A_1032 = arith.constant 32 : i32
        %mul3A_1033 = arith.muli %scan3A_48, %mul3A_1032 : i32
        %mul3A_1034 = arith.constant 128 : i32
        %mul3A_1035 = arith.muli %mul3A_1033, %mul3A_1034 : i32
        %add3A_1036 = arith.constant 1280 : i32
        %add3A_1037 = arith.addi %mul3A_1035, %add3A_1036 : i32
        %add3A_1038 = arith.constant 64 : i32
        %add3A_1039 = arith.addi %add3A_1037, %add3A_1038 : i32
        %get3A_1040 = arith.index_cast %add3A_1039 : i32 to index
        %get3A_1041 = tpu.vector_load %arg4[%get3A_1040] {strides = array<i32>} : memref<40960xf32, #tpu.memory_space<vmem>>, vector<16xf32>,
        %get3A_1042 = vector.shape_cast %get3A_1041 : vector<16xf32> to vector<16xf32>
        %add3A_1043 = arith.addf %add3A_947, %get3A_1042 : vector<16xf32>
        %mul3A_1044 = arith.constant 32 : i32
        %mul3A_1045 = arith.muli %scan3A_48, %mul3A_1044 : i32
        %mul3A_1046 = arith.constant 128 : i32
        %mul3A_1047 = arith.muli %mul3A_1045, %mul3A_1046 : i32
        %add3A_1048 = arith.constant 1280 : i32
        %add3A_1049 = arith.addi %mul3A_1047, %add3A_1048 : i32
        %add3A_1050 = arith.constant 80 : i32
        %add3A_1051 = arith.addi %add3A_1049, %add3A_1050 : i32
        %get3A_1052 = arith.index_cast %add3A_1051 : i32 to index
        %get3A_1053 = tpu.vector_load %arg4[%get3A_1052] {strides = array<i32>} : memref<40960xf32, #tpu.memory_space<vmem>>, vector<16xf32>,
        %get3A_1054 = vector.shape_cast %get3A_1053 : vector<16xf32> to vector<16xf32>
        %add3A_1055 = arith.addf %add3A_959, %get3A_1054 : vector<16xf32>
        %mul3A_1056 = arith.constant 32 : i32
        %mul3A_1057 = arith.muli %scan3A_48, %mul3A_1056 : i32
        %mul3A_1058 = arith.constant 128 : i32
        %mul3A_1059 = arith.muli %mul3A_1057, %mul3A_1058 : i32
        %add3A_1060 = arith.constant 1280 : i32
        %add3A_1061 = arith.addi %mul3A_1059, %add3A_1060 : i32
        %add3A_1062 = arith.constant 96 : i32
        %add3A_1063 = arith.addi %add3A_1061, %add3A_1062 : i32
        %get3A_1064 = arith.index_cast %add3A_1063 : i32 to index
        %get3A_1065 = tpu.vector_load %arg4[%get3A_1064] {strides = array<i32>} : memref<40960xf32, #tpu.memory_space<vmem>>, vector<16xf32>,
        %get3A_1066 = vector.shape_cast %get3A_1065 : vector<16xf32> to vector<16xf32>
        %add3A_1067 = arith.addf %add3A_971, %get3A_1066 : vector<16xf32>
        %mul3A_1068 = arith.constant 32 : i32
        %mul3A_1069 = arith.muli %scan3A_48, %mul3A_1068 : i32
        %mul3A_1070 = arith.constant 128 : i32
        %mul3A_1071 = arith.muli %mul3A_1069, %mul3A_1070 : i32
        %add3A_1072 = arith.constant 1280 : i32
        %add3A_1073 = arith.addi %mul3A_1071, %add3A_1072 : i32
        %add3A_1074 = arith.constant 112 : i32
        %add3A_1075 = arith.addi %add3A_1073, %add3A_1074 : i32
        %get3A_1076 = arith.index_cast %add3A_1075 : i32 to index
        %get3A_1077 = tpu.vector_load %arg4[%get3A_1076] {strides = array<i32>} : memref<40960xf32, #tpu.memory_space<vmem>>, vector<16xf32>,
        %get3A_1078 = vector.shape_cast %get3A_1077 : vector<16xf32> to vector<16xf32>
        %add3A_1079 = arith.addf %add3A_983, %get3A_1078 : vector<16xf32>
        %mul3A_1080 = arith.constant 32 : i32
        %mul3A_1081 = arith.muli %scan3A_48, %mul3A_1080 : i32
        %mul3A_1082 = arith.constant 128 : i32
        %mul3A_1083 = arith.muli %mul3A_1081, %mul3A_1082 : i32
        %add3A_1084 = arith.constant 1408 : i32
        %add3A_1085 = arith.addi %mul3A_1083, %add3A_1084 : i32
        %add3A_1086 = arith.constant 0 : i32
        %add3A_1087 = arith.addi %add3A_1085, %add3A_1086 : i32
        %get3A_1088 = arith.index_cast %add3A_1087 : i32 to index
        %get3A_1089 = tpu.vector_load %arg4[%get3A_1088] {strides = array<i32>} : memref<40960xf32, #tpu.memory_space<vmem>>, vector<16xf32>,
        %get3A_1090 = vector.shape_cast %get3A_1089 : vector<16xf32> to vector<16xf32>
        %add3A_1091 = arith.addf %add3A_995, %get3A_1090 : vector<16xf32>
        %mul3A_1092 = arith.constant 32 : i32
        %mul3A_1093 = arith.muli %scan3A_48, %mul3A_1092 : i32
        %mul3A_1094 = arith.constant 128 : i32
        %mul3A_1095 = arith.muli %mul3A_1093, %mul3A_1094 : i32
        %add3A_1096 = arith.constant 1408 : i32
        %add3A_1097 = arith.addi %mul3A_1095, %add3A_1096 : i32
        %add3A_1098 = arith.constant 16 : i32
        %add3A_1099 = arith.addi %add3A_1097, %add3A_1098 : i32
        %get3A_1100 = arith.index_cast %add3A_1099 : i32 to index
        %get3A_1101 = tpu.vector_load %arg4[%get3A_1100] {strides = array<i32>} : memref<40960xf32, #tpu.memory_space<vmem>>, vector<16xf32>,
        %get3A_1102 = vector.shape_cast %get3A_1101 : vector<16xf32> to vector<16xf32>
        %add3A_1103 = arith.addf %add3A_1007, %get3A_1102 : vector<16xf32>
        %mul3A_1104 = arith.constant 32 : i32
        %mul3A_1105 = arith.muli %scan3A_48, %mul3A_1104 : i32
        %mul3A_1106 = arith.constant 128 : i32
        %mul3A_1107 = arith.muli %mul3A_1105, %mul3A_1106 : i32
        %add3A_1108 = arith.constant 1408 : i32
        %add3A_1109 = arith.addi %mul3A_1107, %add3A_1108 : i32
        %add3A_1110 = arith.constant 32 : i32
        %add3A_1111 = arith.addi %add3A_1109, %add3A_1110 : i32
        %get3A_1112 = arith.index_cast %add3A_1111 : i32 to index
        %get3A_1113 = tpu.vector_load %arg4[%get3A_1112] {strides = array<i32>} : memref<40960xf32, #tpu.memory_space<vmem>>, vector<16xf32>,
        %get3A_1114 = vector.shape_cast %get3A_1113 : vector<16xf32> to vector<16xf32>
        %add3A_1115 = arith.addf %add3A_1019, %get3A_1114 : vector<16xf32>
        %mul3A_1116 = arith.constant 32 : i32
        %mul3A_1117 = arith.muli %scan3A_48, %mul3A_1116 : i32
        %mul3A_1118 = arith.constant 128 : i32
        %mul3A_1119 = arith.muli %mul3A_1117, %mul3A_1118 : i32
        %add3A_1120 = arith.constant 1408 : i32
        %add3A_1121 = arith.addi %mul3A_1119, %add3A_1120 : i32
        %add3A_1122 = arith.constant 48 : i32
        %add3A_1123 = arith.addi %add3A_1121, %add3A_1122 : i32
        %get3A_1124 = arith.index_cast %add3A_1123 : i32 to index
        %get3A_1125 = tpu.vector_load %arg4[%get3A_1124] {strides = array<i32>} : memref<40960xf32, #tpu.memory_space<vmem>>, vector<16xf32>,
        %get3A_1126 = vector.shape_cast %get3A_1125 : vector<16xf32> to vector<16xf32>
        %add3A_1127 = arith.addf %add3A_1031, %get3A_1126 : vector<16xf32>
        %mul3A_1128 = arith.constant 32 : i32
        %mul3A_1129 = arith.muli %scan3A_48, %mul3A_1128 : i32
        %mul3A_1130 = arith.constant 128 : i32
        %mul3A_1131 = arith.muli %mul3A_1129, %mul3A_1130 : i32
        %add3A_1132 = arith.constant 1408 : i32
        %add3A_1133 = arith.addi %mul3A_1131, %add3A_1132 : i32
        %add3A_1134 = arith.constant 64 : i32
        %add3A_1135 = arith.addi %add3A_1133, %add3A_1134 : i32
        %get3A_1136 = arith.index_cast %add3A_1135 : i32 to index
        %get3A_1137 = tpu.vector_load %arg4[%get3A_1136] {strides = array<i32>} : memref<40960xf32, #tpu.memory_space<vmem>>, vector<16xf32>,
        %get3A_1138 = vector.shape_cast %get3A_1137 : vector<16xf32> to vector<16xf32>
        %add3A_1139 = arith.addf %add3A_1043, %get3A_1138 : vector<16xf32>
        %mul3A_1140 = arith.constant 32 : i32
        %mul3A_1141 = arith.muli %scan3A_48, %mul3A_1140 : i32
        %mul3A_1142 = arith.constant 128 : i32
        %mul3A_1143 = arith.muli %mul3A_1141, %mul3A_1142 : i32
        %add3A_1144 = arith.constant 1408 : i32
        %add3A_1145 = arith.addi %mul3A_1143, %add3A_1144 : i32
        %add3A_1146 = arith.constant 80 : i32
        %add3A_1147 = arith.addi %add3A_1145, %add3A_1146 : i32
        %get3A_1148 = arith.index_cast %add3A_1147 : i32 to index
        %get3A_1149 = tpu.vector_load %arg4[%get3A_1148] {strides = array<i32>} : memref<40960xf32, #tpu.memory_space<vmem>>, vector<16xf32>,
        %get3A_1150 = vector.shape_cast %get3A_1149 : vector<16xf32> to vector<16xf32>
        %add3A_1151 = arith.addf %add3A_1055, %get3A_1150 : vector<16xf32>
        %mul3A_1152 = arith.constant 32 : i32
        %mul3A_1153 = arith.muli %scan3A_48, %mul3A_1152 : i32
        %mul3A_1154 = arith.constant 128 : i32
        %mul3A_1155 = arith.muli %mul3A_1153, %mul3A_1154 : i32
        %add3A_1156 = arith.constant 1408 : i32
        %add3A_1157 = arith.addi %mul3A_1155, %add3A_1156 : i32
        %add3A_1158 = arith.constant 96 : i32
        %add3A_1159 = arith.addi %add3A_1157, %add3A_1158 : i32
        %get3A_1160 = arith.index_cast %add3A_1159 : i32 to index
        %get3A_1161 = tpu.vector_load %arg4[%get3A_1160] {strides = array<i32>} : memref<40960xf32, #tpu.memory_space<vmem>>, vector<16xf32>,
        %get3A_1162 = vector.shape_cast %get3A_1161 : vector<16xf32> to vector<16xf32>
        %add3A_1163 = arith.addf %add3A_1067, %get3A_1162 : vector<16xf32>
        %mul3A_1164 = arith.constant 32 : i32
        %mul3A_1165 = arith.muli %scan3A_48, %mul3A_1164 : i32
        %mul3A_1166 = arith.constant 128 : i32
        %mul3A_1167 = arith.muli %mul3A_1165, %mul3A_1166 : i32
        %add3A_1168 = arith.constant 1408 : i32
        %add3A_1169 = arith.addi %mul3A_1167, %add3A_1168 : i32
        %add3A_1170 = arith.constant 112 : i32
        %add3A_1171 = arith.addi %add3A_1169, %add3A_1170 : i32
        %get3A_1172 = arith.index_cast %add3A_1171 : i32 to index
        %get3A_1173 = tpu.vector_load %arg4[%get3A_1172] {strides = array<i32>} : memref<40960xf32, #tpu.memory_space<vmem>>, vector<16xf32>,
        %get3A_1174 = vector.shape_cast %get3A_1173 : vector<16xf32> to vector<16xf32>
        %add3A_1175 = arith.addf %add3A_1079, %get3A_1174 : vector<16xf32>
        %mul3A_1176 = arith.constant 32 : i32
        %mul3A_1177 = arith.muli %scan3A_48, %mul3A_1176 : i32
        %mul3A_1178 = arith.constant 128 : i32
        %mul3A_1179 = arith.muli %mul3A_1177, %mul3A_1178 : i32
        %add3A_1180 = arith.constant 1536 : i32
        %add3A_1181 = arith.addi %mul3A_1179, %add3A_1180 : i32
        %add3A_1182 = arith.constant 0 : i32
        %add3A_1183 = arith.addi %add3A_1181, %add3A_1182 : i32
        %get3A_1184 = arith.index_cast %add3A_1183 : i32 to index
        %get3A_1185 = tpu.vector_load %arg4[%get3A_1184] {strides = array<i32>} : memref<40960xf32, #tpu.memory_space<vmem>>, vector<16xf32>,
        %get3A_1186 = vector.shape_cast %get3A_1185 : vector<16xf32> to vector<16xf32>
        %add3A_1187 = arith.addf %add3A_1091, %get3A_1186 : vector<16xf32>
        %mul3A_1188 = arith.constant 32 : i32
        %mul3A_1189 = arith.muli %scan3A_48, %mul3A_1188 : i32
        %mul3A_1190 = arith.constant 128 : i32
        %mul3A_1191 = arith.muli %mul3A_1189, %mul3A_1190 : i32
        %add3A_1192 = arith.constant 1536 : i32
        %add3A_1193 = arith.addi %mul3A_1191, %add3A_1192 : i32
        %add3A_1194 = arith.constant 16 : i32
        %add3A_1195 = arith.addi %add3A_1193, %add3A_1194 : i32
        %get3A_1196 = arith.index_cast %add3A_1195 : i32 to index
        %get3A_1197 = tpu.vector_load %arg4[%get3A_1196] {strides = array<i32>} : memref<40960xf32, #tpu.memory_space<vmem>>, vector<16xf32>,
        %get3A_1198 = vector.shape_cast %get3A_1197 : vector<16xf32> to vector<16xf32>
        %add3A_1199 = arith.addf %add3A_1103, %get3A_1198 : vector<16xf32>
        %mul3A_1200 = arith.constant 32 : i32
        %mul3A_1201 = arith.muli %scan3A_48, %mul3A_1200 : i32
        %mul3A_1202 = arith.constant 128 : i32
        %mul3A_1203 = arith.muli %mul3A_1201, %mul3A_1202 : i32
        %add3A_1204 = arith.constant 1536 : i32
        %add3A_1205 = arith.addi %mul3A_1203, %add3A_1204 : i32
        %add3A_1206 = arith.constant 32 : i32
        %add3A_1207 = arith.addi %add3A_1205, %add3A_1206 : i32
        %get3A_1208 = arith.index_cast %add3A_1207 : i32 to index
        %get3A_1209 = tpu.vector_load %arg4[%get3A_1208] {strides = array<i32>} : memref<40960xf32, #tpu.memory_space<vmem>>, vector<16xf32>,
        %get3A_1210 = vector.shape_cast %get3A_1209 : vector<16xf32> to vector<16xf32>
        %add3A_1211 = arith.addf %add3A_1115, %get3A_1210 : vector<16xf32>
        %mul3A_1212 = arith.constant 32 : i32
        %mul3A_1213 = arith.muli %scan3A_48, %mul3A_1212 : i32
        %mul3A_1214 = arith.constant 128 : i32
        %mul3A_1215 = arith.muli %mul3A_1213, %mul3A_1214 : i32
        %add3A_1216 = arith.constant 1536 : i32
        %add3A_1217 = arith.addi %mul3A_1215, %add3A_1216 : i32
        %add3A_1218 = arith.constant 48 : i32
        %add3A_1219 = arith.addi %add3A_1217, %add3A_1218 : i32
        %get3A_1220 = arith.index_cast %add3A_1219 : i32 to index
        %get3A_1221 = tpu.vector_load %arg4[%get3A_1220] {strides = array<i32>} : memref<40960xf32, #tpu.memory_space<vmem>>, vector<16xf32>,
        %get3A_1222 = vector.shape_cast %get3A_1221 : vector<16xf32> to vector<16xf32>
        %add3A_1223 = arith.addf %add3A_1127, %get3A_1222 : vector<16xf32>
        %mul3A_1224 = arith.constant 32 : i32
        %mul3A_1225 = arith.muli %scan3A_48, %mul3A_1224 : i32
        %mul3A_1226 = arith.constant 128 : i32
        %mul3A_1227 = arith.muli %mul3A_1225, %mul3A_1226 : i32
        %add3A_1228 = arith.constant 1536 : i32
        %add3A_1229 = arith.addi %mul3A_1227, %add3A_1228 : i32
        %add3A_1230 = arith.constant 64 : i32
        %add3A_1231 = arith.addi %add3A_1229, %add3A_1230 : i32
        %get3A_1232 = arith.index_cast %add3A_1231 : i32 to index
        %get3A_1233 = tpu.vector_load %arg4[%get3A_1232] {strides = array<i32>} : memref<40960xf32, #tpu.memory_space<vmem>>, vector<16xf32>,
        %get3A_1234 = vector.shape_cast %get3A_1233 : vector<16xf32> to vector<16xf32>
        %add3A_1235 = arith.addf %add3A_1139, %get3A_1234 : vector<16xf32>
        %mul3A_1236 = arith.constant 32 : i32
        %mul3A_1237 = arith.muli %scan3A_48, %mul3A_1236 : i32
        %mul3A_1238 = arith.constant 128 : i32
        %mul3A_1239 = arith.muli %mul3A_1237, %mul3A_1238 : i32
        %add3A_1240 = arith.constant 1536 : i32
        %add3A_1241 = arith.addi %mul3A_1239, %add3A_1240 : i32
        %add3A_1242 = arith.constant 80 : i32
        %add3A_1243 = arith.addi %add3A_1241, %add3A_1242 : i32
        %get3A_1244 = arith.index_cast %add3A_1243 : i32 to index
        %get3A_1245 = tpu.vector_load %arg4[%get3A_1244] {strides = array<i32>} : memref<40960xf32, #tpu.memory_space<vmem>>, vector<16xf32>,
        %get3A_1246 = vector.shape_cast %get3A_1245 : vector<16xf32> to vector<16xf32>
        %add3A_1247 = arith.addf %add3A_1151, %get3A_1246 : vector<16xf32>
        %mul3A_1248 = arith.constant 32 : i32
        %mul3A_1249 = arith.muli %scan3A_48, %mul3A_1248 : i32
        %mul3A_1250 = arith.constant 128 : i32
        %mul3A_1251 = arith.muli %mul3A_1249, %mul3A_1250 : i32
        %add3A_1252 = arith.constant 1536 : i32
        %add3A_1253 = arith.addi %mul3A_1251, %add3A_1252 : i32
        %add3A_1254 = arith.constant 96 : i32
        %add3A_1255 = arith.addi %add3A_1253, %add3A_1254 : i32
        %get3A_1256 = arith.index_cast %add3A_1255 : i32 to index
        %get3A_1257 = tpu.vector_load %arg4[%get3A_1256] {strides = array<i32>} : memref<40960xf32, #tpu.memory_space<vmem>>, vector<16xf32>,
        %get3A_1258 = vector.shape_cast %get3A_1257 : vector<16xf32> to vector<16xf32>
        %add3A_1259 = arith.addf %add3A_1163, %get3A_1258 : vector<16xf32>
        %mul3A_1260 = arith.constant 32 : i32
        %mul3A_1261 = arith.muli %scan3A_48, %mul3A_1260 : i32
        %mul3A_1262 = arith.constant 128 : i32
        %mul3A_1263 = arith.muli %mul3A_1261, %mul3A_1262 : i32
        %add3A_1264 = arith.constant 1536 : i32
        %add3A_1265 = arith.addi %mul3A_1263, %add3A_1264 : i32
        %add3A_1266 = arith.constant 112 : i32
        %add3A_1267 = arith.addi %add3A_1265, %add3A_1266 : i32
        %get3A_1268 = arith.index_cast %add3A_1267 : i32 to index
        %get3A_1269 = tpu.vector_load %arg4[%get3A_1268] {strides = array<i32>} : memref<40960xf32, #tpu.memory_space<vmem>>, vector<16xf32>,
        %get3A_1270 = vector.shape_cast %get3A_1269 : vector<16xf32> to vector<16xf32>
        %add3A_1271 = arith.addf %add3A_1175, %get3A_1270 : vector<16xf32>
        %mul3A_1272 = arith.constant 32 : i32
        %mul3A_1273 = arith.muli %scan3A_48, %mul3A_1272 : i32
        %mul3A_1274 = arith.constant 128 : i32
        %mul3A_1275 = arith.muli %mul3A_1273, %mul3A_1274 : i32
        %add3A_1276 = arith.constant 1664 : i32
        %add3A_1277 = arith.addi %mul3A_1275, %add3A_1276 : i32
        %add3A_1278 = arith.constant 0 : i32
        %add3A_1279 = arith.addi %add3A_1277, %add3A_1278 : i32
        %get3A_1280 = arith.index_cast %add3A_1279 : i32 to index
        %get3A_1281 = tpu.vector_load %arg4[%get3A_1280] {strides = array<i32>} : memref<40960xf32, #tpu.memory_space<vmem>>, vector<16xf32>,
        %get3A_1282 = vector.shape_cast %get3A_1281 : vector<16xf32> to vector<16xf32>
        %add3A_1283 = arith.addf %add3A_1187, %get3A_1282 : vector<16xf32>
        %mul3A_1284 = arith.constant 32 : i32
        %mul3A_1285 = arith.muli %scan3A_48, %mul3A_1284 : i32
        %mul3A_1286 = arith.constant 128 : i32
        %mul3A_1287 = arith.muli %mul3A_1285, %mul3A_1286 : i32
        %add3A_1288 = arith.constant 1664 : i32
        %add3A_1289 = arith.addi %mul3A_1287, %add3A_1288 : i32
        %add3A_1290 = arith.constant 16 : i32
        %add3A_1291 = arith.addi %add3A_1289, %add3A_1290 : i32
        %get3A_1292 = arith.index_cast %add3A_1291 : i32 to index
        %get3A_1293 = tpu.vector_load %arg4[%get3A_1292] {strides = array<i32>} : memref<40960xf32, #tpu.memory_space<vmem>>, vector<16xf32>,
        %get3A_1294 = vector.shape_cast %get3A_1293 : vector<16xf32> to vector<16xf32>
        %add3A_1295 = arith.addf %add3A_1199, %get3A_1294 : vector<16xf32>
        %mul3A_1296 = arith.constant 32 : i32
        %mul3A_1297 = arith.muli %scan3A_48, %mul3A_1296 : i32
        %mul3A_1298 = arith.constant 128 : i32
        %mul3A_1299 = arith.muli %mul3A_1297, %mul3A_1298 : i32
        %add3A_1300 = arith.constant 1664 : i32
        %add3A_1301 = arith.addi %mul3A_1299, %add3A_1300 : i32
        %add3A_1302 = arith.constant 32 : i32
        %add3A_1303 = arith.addi %add3A_1301, %add3A_1302 : i32
        %get3A_1304 = arith.index_cast %add3A_1303 : i32 to index
        %get3A_1305 = tpu.vector_load %arg4[%get3A_1304] {strides = array<i32>} : memref<40960xf32, #tpu.memory_space<vmem>>, vector<16xf32>,
        %get3A_1306 = vector.shape_cast %get3A_1305 : vector<16xf32> to vector<16xf32>
        %add3A_1307 = arith.addf %add3A_1211, %get3A_1306 : vector<16xf32>
        %mul3A_1308 = arith.constant 32 : i32
        %mul3A_1309 = arith.muli %scan3A_48, %mul3A_1308 : i32
        %mul3A_1310 = arith.constant 128 : i32
        %mul3A_1311 = arith.muli %mul3A_1309, %mul3A_1310 : i32
        %add3A_1312 = arith.constant 1664 : i32
        %add3A_1313 = arith.addi %mul3A_1311, %add3A_1312 : i32
        %add3A_1314 = arith.constant 48 : i32
        %add3A_1315 = arith.addi %add3A_1313, %add3A_1314 : i32
        %get3A_1316 = arith.index_cast %add3A_1315 : i32 to index
        %get3A_1317 = tpu.vector_load %arg4[%get3A_1316] {strides = array<i32>} : memref<40960xf32, #tpu.memory_space<vmem>>, vector<16xf32>,
        %get3A_1318 = vector.shape_cast %get3A_1317 : vector<16xf32> to vector<16xf32>
        %add3A_1319 = arith.addf %add3A_1223, %get3A_1318 : vector<16xf32>
        %mul3A_1320 = arith.constant 32 : i32
        %mul3A_1321 = arith.muli %scan3A_48, %mul3A_1320 : i32
        %mul3A_1322 = arith.constant 128 : i32
        %mul3A_1323 = arith.muli %mul3A_1321, %mul3A_1322 : i32
        %add3A_1324 = arith.constant 1664 : i32
        %add3A_1325 = arith.addi %mul3A_1323, %add3A_1324 : i32
        %add3A_1326 = arith.constant 64 : i32
        %add3A_1327 = arith.addi %add3A_1325, %add3A_1326 : i32
        %get3A_1328 = arith.index_cast %add3A_1327 : i32 to index
        %get3A_1329 = tpu.vector_load %arg4[%get3A_1328] {strides = array<i32>} : memref<40960xf32, #tpu.memory_space<vmem>>, vector<16xf32>,
        %get3A_1330 = vector.shape_cast %get3A_1329 : vector<16xf32> to vector<16xf32>
        %add3A_1331 = arith.addf %add3A_1235, %get3A_1330 : vector<16xf32>
        %mul3A_1332 = arith.constant 32 : i32
        %mul3A_1333 = arith.muli %scan3A_48, %mul3A_1332 : i32
        %mul3A_1334 = arith.constant 128 : i32
        %mul3A_1335 = arith.muli %mul3A_1333, %mul3A_1334 : i32
        %add3A_1336 = arith.constant 1664 : i32
        %add3A_1337 = arith.addi %mul3A_1335, %add3A_1336 : i32
        %add3A_1338 = arith.constant 80 : i32
        %add3A_1339 = arith.addi %add3A_1337, %add3A_1338 : i32
        %get3A_1340 = arith.index_cast %add3A_1339 : i32 to index
        %get3A_1341 = tpu.vector_load %arg4[%get3A_1340] {strides = array<i32>} : memref<40960xf32, #tpu.memory_space<vmem>>, vector<16xf32>,
        %get3A_1342 = vector.shape_cast %get3A_1341 : vector<16xf32> to vector<16xf32>
        %add3A_1343 = arith.addf %add3A_1247, %get3A_1342 : vector<16xf32>
        %mul3A_1344 = arith.constant 32 : i32
        %mul3A_1345 = arith.muli %scan3A_48, %mul3A_1344 : i32
        %mul3A_1346 = arith.constant 128 : i32
        %mul3A_1347 = arith.muli %mul3A_1345, %mul3A_1346 : i32
        %add3A_1348 = arith.constant 1664 : i32
        %add3A_1349 = arith.addi %mul3A_1347, %add3A_1348 : i32
        %add3A_1350 = arith.constant 96 : i32
        %add3A_1351 = arith.addi %add3A_1349, %add3A_1350 : i32
        %get3A_1352 = arith.index_cast %add3A_1351 : i32 to index
        %get3A_1353 = tpu.vector_load %arg4[%get3A_1352] {strides = array<i32>} : memref<40960xf32, #tpu.memory_space<vmem>>, vector<16xf32>,
        %get3A_1354 = vector.shape_cast %get3A_1353 : vector<16xf32> to vector<16xf32>
        %add3A_1355 = arith.addf %add3A_1259, %get3A_1354 : vector<16xf32>
        %mul3A_1356 = arith.constant 32 : i32
        %mul3A_1357 = arith.muli %scan3A_48, %mul3A_1356 : i32
        %mul3A_1358 = arith.constant 128 : i32
        %mul3A_1359 = arith.muli %mul3A_1357, %mul3A_1358 : i32
        %add3A_1360 = arith.constant 1664 : i32
        %add3A_1361 = arith.addi %mul3A_1359, %add3A_1360 : i32
        %add3A_1362 = arith.constant 112 : i32
        %add3A_1363 = arith.addi %add3A_1361, %add3A_1362 : i32
        %get3A_1364 = arith.index_cast %add3A_1363 : i32 to index
        %get3A_1365 = tpu.vector_load %arg4[%get3A_1364] {strides = array<i32>} : memref<40960xf32, #tpu.memory_space<vmem>>, vector<16xf32>,
        %get3A_1366 = vector.shape_cast %get3A_1365 : vector<16xf32> to vector<16xf32>
        %add3A_1367 = arith.addf %add3A_1271, %get3A_1366 : vector<16xf32>
        %mul3A_1368 = arith.constant 32 : i32
        %mul3A_1369 = arith.muli %scan3A_48, %mul3A_1368 : i32
        %mul3A_1370 = arith.constant 128 : i32
        %mul3A_1371 = arith.muli %mul3A_1369, %mul3A_1370 : i32
        %add3A_1372 = arith.constant 1792 : i32
        %add3A_1373 = arith.addi %mul3A_1371, %add3A_1372 : i32
        %add3A_1374 = arith.constant 0 : i32
        %add3A_1375 = arith.addi %add3A_1373, %add3A_1374 : i32
        %get3A_1376 = arith.index_cast %add3A_1375 : i32 to index
        %get3A_1377 = tpu.vector_load %arg4[%get3A_1376] {strides = array<i32>} : memref<40960xf32, #tpu.memory_space<vmem>>, vector<16xf32>,
        %get3A_1378 = vector.shape_cast %get3A_1377 : vector<16xf32> to vector<16xf32>
        %add3A_1379 = arith.addf %add3A_1283, %get3A_1378 : vector<16xf32>
        %mul3A_1380 = arith.constant 32 : i32
        %mul3A_1381 = arith.muli %scan3A_48, %mul3A_1380 : i32
        %mul3A_1382 = arith.constant 128 : i32
        %mul3A_1383 = arith.muli %mul3A_1381, %mul3A_1382 : i32
        %add3A_1384 = arith.constant 1792 : i32
        %add3A_1385 = arith.addi %mul3A_1383, %add3A_1384 : i32
        %add3A_1386 = arith.constant 16 : i32
        %add3A_1387 = arith.addi %add3A_1385, %add3A_1386 : i32
        %get3A_1388 = arith.index_cast %add3A_1387 : i32 to index
        %get3A_1389 = tpu.vector_load %arg4[%get3A_1388] {strides = array<i32>} : memref<40960xf32, #tpu.memory_space<vmem>>, vector<16xf32>,
        %get3A_1390 = vector.shape_cast %get3A_1389 : vector<16xf32> to vector<16xf32>
        %add3A_1391 = arith.addf %add3A_1295, %get3A_1390 : vector<16xf32>
        %mul3A_1392 = arith.constant 32 : i32
        %mul3A_1393 = arith.muli %scan3A_48, %mul3A_1392 : i32
        %mul3A_1394 = arith.constant 128 : i32
        %mul3A_1395 = arith.muli %mul3A_1393, %mul3A_1394 : i32
        %add3A_1396 = arith.constant 1792 : i32
        %add3A_1397 = arith.addi %mul3A_1395, %add3A_1396 : i32
        %add3A_1398 = arith.constant 32 : i32
        %add3A_1399 = arith.addi %add3A_1397, %add3A_1398 : i32
        %get3A_1400 = arith.index_cast %add3A_1399 : i32 to index
        %get3A_1401 = tpu.vector_load %arg4[%get3A_1400] {strides = array<i32>} : memref<40960xf32, #tpu.memory_space<vmem>>, vector<16xf32>,
        %get3A_1402 = vector.shape_cast %get3A_1401 : vector<16xf32> to vector<16xf32>
        %add3A_1403 = arith.addf %add3A_1307, %get3A_1402 : vector<16xf32>
        %mul3A_1404 = arith.constant 32 : i32
        %mul3A_1405 = arith.muli %scan3A_48, %mul3A_1404 : i32
        %mul3A_1406 = arith.constant 128 : i32
        %mul3A_1407 = arith.muli %mul3A_1405, %mul3A_1406 : i32
        %add3A_1408 = arith.constant 1792 : i32
        %add3A_1409 = arith.addi %mul3A_1407, %add3A_1408 : i32
        %add3A_1410 = arith.constant 48 : i32
        %add3A_1411 = arith.addi %add3A_1409, %add3A_1410 : i32
        %get3A_1412 = arith.index_cast %add3A_1411 : i32 to index
        %get3A_1413 = tpu.vector_load %arg4[%get3A_1412] {strides = array<i32>} : memref<40960xf32, #tpu.memory_space<vmem>>, vector<16xf32>,
        %get3A_1414 = vector.shape_cast %get3A_1413 : vector<16xf32> to vector<16xf32>
        %add3A_1415 = arith.addf %add3A_1319, %get3A_1414 : vector<16xf32>
        %mul3A_1416 = arith.constant 32 : i32
        %mul3A_1417 = arith.muli %scan3A_48, %mul3A_1416 : i32
        %mul3A_1418 = arith.constant 128 : i32
        %mul3A_1419 = arith.muli %mul3A_1417, %mul3A_1418 : i32
        %add3A_1420 = arith.constant 1792 : i32
        %add3A_1421 = arith.addi %mul3A_1419, %add3A_1420 : i32
        %add3A_1422 = arith.constant 64 : i32
        %add3A_1423 = arith.addi %add3A_1421, %add3A_1422 : i32
        %get3A_1424 = arith.index_cast %add3A_1423 : i32 to index
        %get3A_1425 = tpu.vector_load %arg4[%get3A_1424] {strides = array<i32>} : memref<40960xf32, #tpu.memory_space<vmem>>, vector<16xf32>,
        %get3A_1426 = vector.shape_cast %get3A_1425 : vector<16xf32> to vector<16xf32>
        %add3A_1427 = arith.addf %add3A_1331, %get3A_1426 : vector<16xf32>
        %mul3A_1428 = arith.constant 32 : i32
        %mul3A_1429 = arith.muli %scan3A_48, %mul3A_1428 : i32
        %mul3A_1430 = arith.constant 128 : i32
        %mul3A_1431 = arith.muli %mul3A_1429, %mul3A_1430 : i32
        %add3A_1432 = arith.constant 1792 : i32
        %add3A_1433 = arith.addi %mul3A_1431, %add3A_1432 : i32
        %add3A_1434 = arith.constant 80 : i32
        %add3A_1435 = arith.addi %add3A_1433, %add3A_1434 : i32
        %get3A_1436 = arith.index_cast %add3A_1435 : i32 to index
        %get3A_1437 = tpu.vector_load %arg4[%get3A_1436] {strides = array<i32>} : memref<40960xf32, #tpu.memory_space<vmem>>, vector<16xf32>,
        %get3A_1438 = vector.shape_cast %get3A_1437 : vector<16xf32> to vector<16xf32>
        %add3A_1439 = arith.addf %add3A_1343, %get3A_1438 : vector<16xf32>
        %mul3A_1440 = arith.constant 32 : i32
        %mul3A_1441 = arith.muli %scan3A_48, %mul3A_1440 : i32
        %mul3A_1442 = arith.constant 128 : i32
        %mul3A_1443 = arith.muli %mul3A_1441, %mul3A_1442 : i32
        %add3A_1444 = arith.constant 1792 : i32
        %add3A_1445 = arith.addi %mul3A_1443, %add3A_1444 : i32
        %add3A_1446 = arith.constant 96 : i32
        %add3A_1447 = arith.addi %add3A_1445, %add3A_1446 : i32
        %get3A_1448 = arith.index_cast %add3A_1447 : i32 to index
        %get3A_1449 = tpu.vector_load %arg4[%get3A_1448] {strides = array<i32>} : memref<40960xf32, #tpu.memory_space<vmem>>, vector<16xf32>,
        %get3A_1450 = vector.shape_cast %get3A_1449 : vector<16xf32> to vector<16xf32>
        %add3A_1451 = arith.addf %add3A_1355, %get3A_1450 : vector<16xf32>
        %mul3A_1452 = arith.constant 32 : i32
        %mul3A_1453 = arith.muli %scan3A_48, %mul3A_1452 : i32
        %mul3A_1454 = arith.constant 128 : i32
        %mul3A_1455 = arith.muli %mul3A_1453, %mul3A_1454 : i32
        %add3A_1456 = arith.constant 1792 : i32
        %add3A_1457 = arith.addi %mul3A_1455, %add3A_1456 : i32
        %add3A_1458 = arith.constant 112 : i32
        %add3A_1459 = arith.addi %add3A_1457, %add3A_1458 : i32
        %get3A_1460 = arith.index_cast %add3A_1459 : i32 to index
        %get3A_1461 = tpu.vector_load %arg4[%get3A_1460] {strides = array<i32>} : memref<40960xf32, #tpu.memory_space<vmem>>, vector<16xf32>,
        %get3A_1462 = vector.shape_cast %get3A_1461 : vector<16xf32> to vector<16xf32>
        %add3A_1463 = arith.addf %add3A_1367, %get3A_1462 : vector<16xf32>
        %mul3A_1464 = arith.constant 32 : i32
        %mul3A_1465 = arith.muli %scan3A_48, %mul3A_1464 : i32
        %mul3A_1466 = arith.constant 128 : i32
        %mul3A_1467 = arith.muli %mul3A_1465, %mul3A_1466 : i32
        %add3A_1468 = arith.constant 1920 : i32
        %add3A_1469 = arith.addi %mul3A_1467, %add3A_1468 : i32
        %add3A_1470 = arith.constant 0 : i32
        %add3A_1471 = arith.addi %add3A_1469, %add3A_1470 : i32
        %get3A_1472 = arith.index_cast %add3A_1471 : i32 to index
        %get3A_1473 = tpu.vector_load %arg4[%get3A_1472] {strides = array<i32>} : memref<40960xf32, #tpu.memory_space<vmem>>, vector<16xf32>,
        %get3A_1474 = vector.shape_cast %get3A_1473 : vector<16xf32> to vector<16xf32>
        %add3A_1475 = arith.addf %add3A_1379, %get3A_1474 : vector<16xf32>
        %mul3A_1476 = arith.constant 32 : i32
        %mul3A_1477 = arith.muli %scan3A_48, %mul3A_1476 : i32
        %mul3A_1478 = arith.constant 128 : i32
        %mul3A_1479 = arith.muli %mul3A_1477, %mul3A_1478 : i32
        %add3A_1480 = arith.constant 1920 : i32
        %add3A_1481 = arith.addi %mul3A_1479, %add3A_1480 : i32
        %add3A_1482 = arith.constant 16 : i32
        %add3A_1483 = arith.addi %add3A_1481, %add3A_1482 : i32
        %get3A_1484 = arith.index_cast %add3A_1483 : i32 to index
        %get3A_1485 = tpu.vector_load %arg4[%get3A_1484] {strides = array<i32>} : memref<40960xf32, #tpu.memory_space<vmem>>, vector<16xf32>,
        %get3A_1486 = vector.shape_cast %get3A_1485 : vector<16xf32> to vector<16xf32>
        %add3A_1487 = arith.addf %add3A_1391, %get3A_1486 : vector<16xf32>
        %mul3A_1488 = arith.constant 32 : i32
        %mul3A_1489 = arith.muli %scan3A_48, %mul3A_1488 : i32
        %mul3A_1490 = arith.constant 128 : i32
        %mul3A_1491 = arith.muli %mul3A_1489, %mul3A_1490 : i32
        %add3A_1492 = arith.constant 1920 : i32
        %add3A_1493 = arith.addi %mul3A_1491, %add3A_1492 : i32
        %add3A_1494 = arith.constant 32 : i32
        %add3A_1495 = arith.addi %add3A_1493, %add3A_1494 : i32
        %get3A_1496 = arith.index_cast %add3A_1495 : i32 to index
        %get3A_1497 = tpu.vector_load %arg4[%get3A_1496] {strides = array<i32>} : memref<40960xf32, #tpu.memory_space<vmem>>, vector<16xf32>,
        %get3A_1498 = vector.shape_cast %get3A_1497 : vector<16xf32> to vector<16xf32>
        %add3A_1499 = arith.addf %add3A_1403, %get3A_1498 : vector<16xf32>
        %mul3A_1500 = arith.constant 32 : i32
        %mul3A_1501 = arith.muli %scan3A_48, %mul3A_1500 : i32
        %mul3A_1502 = arith.constant 128 : i32
        %mul3A_1503 = arith.muli %mul3A_1501, %mul3A_1502 : i32
        %add3A_1504 = arith.constant 1920 : i32
        %add3A_1505 = arith.addi %mul3A_1503, %add3A_1504 : i32
        %add3A_1506 = arith.constant 48 : i32
        %add3A_1507 = arith.addi %add3A_1505, %add3A_1506 : i32
        %get3A_1508 = arith.index_cast %add3A_1507 : i32 to index
        %get3A_1509 = tpu.vector_load %arg4[%get3A_1508] {strides = array<i32>} : memref<40960xf32, #tpu.memory_space<vmem>>, vector<16xf32>,
        %get3A_1510 = vector.shape_cast %get3A_1509 : vector<16xf32> to vector<16xf32>
        %add3A_1511 = arith.addf %add3A_1415, %get3A_1510 : vector<16xf32>
        %mul3A_1512 = arith.constant 32 : i32
        %mul3A_1513 = arith.muli %scan3A_48, %mul3A_1512 : i32
        %mul3A_1514 = arith.constant 128 : i32
        %mul3A_1515 = arith.muli %mul3A_1513, %mul3A_1514 : i32
        %add3A_1516 = arith.constant 1920 : i32
        %add3A_1517 = arith.addi %mul3A_1515, %add3A_1516 : i32
        %add3A_1518 = arith.constant 64 : i32
        %add3A_1519 = arith.addi %add3A_1517, %add3A_1518 : i32
        %get3A_1520 = arith.index_cast %add3A_1519 : i32 to index
        %get3A_1521 = tpu.vector_load %arg4[%get3A_1520] {strides = array<i32>} : memref<40960xf32, #tpu.memory_space<vmem>>, vector<16xf32>,
        %get3A_1522 = vector.shape_cast %get3A_1521 : vector<16xf32> to vector<16xf32>
        %add3A_1523 = arith.addf %add3A_1427, %get3A_1522 : vector<16xf32>
        %mul3A_1524 = arith.constant 32 : i32
        %mul3A_1525 = arith.muli %scan3A_48, %mul3A_1524 : i32
        %mul3A_1526 = arith.constant 128 : i32
        %mul3A_1527 = arith.muli %mul3A_1525, %mul3A_1526 : i32
        %add3A_1528 = arith.constant 1920 : i32
        %add3A_1529 = arith.addi %mul3A_1527, %add3A_1528 : i32
        %add3A_1530 = arith.constant 80 : i32
        %add3A_1531 = arith.addi %add3A_1529, %add3A_1530 : i32
        %get3A_1532 = arith.index_cast %add3A_1531 : i32 to index
        %get3A_1533 = tpu.vector_load %arg4[%get3A_1532] {strides = array<i32>} : memref<40960xf32, #tpu.memory_space<vmem>>, vector<16xf32>,
        %get3A_1534 = vector.shape_cast %get3A_1533 : vector<16xf32> to vector<16xf32>
        %add3A_1535 = arith.addf %add3A_1439, %get3A_1534 : vector<16xf32>
        %mul3A_1536 = arith.constant 32 : i32
        %mul3A_1537 = arith.muli %scan3A_48, %mul3A_1536 : i32
        %mul3A_1538 = arith.constant 128 : i32
        %mul3A_1539 = arith.muli %mul3A_1537, %mul3A_1538 : i32
        %add3A_1540 = arith.constant 1920 : i32
        %add3A_1541 = arith.addi %mul3A_1539, %add3A_1540 : i32
        %add3A_1542 = arith.constant 96 : i32
        %add3A_1543 = arith.addi %add3A_1541, %add3A_1542 : i32
        %get3A_1544 = arith.index_cast %add3A_1543 : i32 to index
        %get3A_1545 = tpu.vector_load %arg4[%get3A_1544] {strides = array<i32>} : memref<40960xf32, #tpu.memory_space<vmem>>, vector<16xf32>,
        %get3A_1546 = vector.shape_cast %get3A_1545 : vector<16xf32> to vector<16xf32>
        %add3A_1547 = arith.addf %add3A_1451, %get3A_1546 : vector<16xf32>
        %mul3A_1548 = arith.constant 32 : i32
        %mul3A_1549 = arith.muli %scan3A_48, %mul3A_1548 : i32
        %mul3A_1550 = arith.constant 128 : i32
        %mul3A_1551 = arith.muli %mul3A_1549, %mul3A_1550 : i32
        %add3A_1552 = arith.constant 1920 : i32
        %add3A_1553 = arith.addi %mul3A_1551, %add3A_1552 : i32
        %add3A_1554 = arith.constant 112 : i32
        %add3A_1555 = arith.addi %add3A_1553, %add3A_1554 : i32
        %get3A_1556 = arith.index_cast %add3A_1555 : i32 to index
        %get3A_1557 = tpu.vector_load %arg4[%get3A_1556] {strides = array<i32>} : memref<40960xf32, #tpu.memory_space<vmem>>, vector<16xf32>,
        %get3A_1558 = vector.shape_cast %get3A_1557 : vector<16xf32> to vector<16xf32>
        %add3A_1559 = arith.addf %add3A_1463, %get3A_1558 : vector<16xf32>
        %mul3A_1560 = arith.constant 32 : i32
        %mul3A_1561 = arith.muli %scan3A_48, %mul3A_1560 : i32
        %mul3A_1562 = arith.constant 128 : i32
        %mul3A_1563 = arith.muli %mul3A_1561, %mul3A_1562 : i32
        %add3A_1564 = arith.constant 2048 : i32
        %add3A_1565 = arith.addi %mul3A_1563, %add3A_1564 : i32
        %add3A_1566 = arith.constant 0 : i32
        %add3A_1567 = arith.addi %add3A_1565, %add3A_1566 : i32
        %get3A_1568 = arith.index_cast %add3A_1567 : i32 to index
        %get3A_1569 = tpu.vector_load %arg4[%get3A_1568] {strides = array<i32>} : memref<40960xf32, #tpu.memory_space<vmem>>, vector<16xf32>,
        %get3A_1570 = vector.shape_cast %get3A_1569 : vector<16xf32> to vector<16xf32>
        %add3A_1571 = arith.addf %add3A_1475, %get3A_1570 : vector<16xf32>
        %mul3A_1572 = arith.constant 32 : i32
        %mul3A_1573 = arith.muli %scan3A_48, %mul3A_1572 : i32
        %mul3A_1574 = arith.constant 128 : i32
        %mul3A_1575 = arith.muli %mul3A_1573, %mul3A_1574 : i32
        %add3A_1576 = arith.constant 2048 : i32
        %add3A_1577 = arith.addi %mul3A_1575, %add3A_1576 : i32
        %add3A_1578 = arith.constant 16 : i32
        %add3A_1579 = arith.addi %add3A_1577, %add3A_1578 : i32
        %get3A_1580 = arith.index_cast %add3A_1579 : i32 to index
        %get3A_1581 = tpu.vector_load %arg4[%get3A_1580] {strides = array<i32>} : memref<40960xf32, #tpu.memory_space<vmem>>, vector<16xf32>,
        %get3A_1582 = vector.shape_cast %get3A_1581 : vector<16xf32> to vector<16xf32>
        %add3A_1583 = arith.addf %add3A_1487, %get3A_1582 : vector<16xf32>
        %mul3A_1584 = arith.constant 32 : i32
        %mul3A_1585 = arith.muli %scan3A_48, %mul3A_1584 : i32
        %mul3A_1586 = arith.constant 128 : i32
        %mul3A_1587 = arith.muli %mul3A_1585, %mul3A_1586 : i32
        %add3A_1588 = arith.constant 2048 : i32
        %add3A_1589 = arith.addi %mul3A_1587, %add3A_1588 : i32
        %add3A_1590 = arith.constant 32 : i32
        %add3A_1591 = arith.addi %add3A_1589, %add3A_1590 : i32
        %get3A_1592 = arith.index_cast %add3A_1591 : i32 to index
        %get3A_1593 = tpu.vector_load %arg4[%get3A_1592] {strides = array<i32>} : memref<40960xf32, #tpu.memory_space<vmem>>, vector<16xf32>,
        %get3A_1594 = vector.shape_cast %get3A_1593 : vector<16xf32> to vector<16xf32>
        %add3A_1595 = arith.addf %add3A_1499, %get3A_1594 : vector<16xf32>
        %mul3A_1596 = arith.constant 32 : i32
        %mul3A_1597 = arith.muli %scan3A_48, %mul3A_1596 : i32
        %mul3A_1598 = arith.constant 128 : i32
        %mul3A_1599 = arith.muli %mul3A_1597, %mul3A_1598 : i32
        %add3A_1600 = arith.constant 2048 : i32
        %add3A_1601 = arith.addi %mul3A_1599, %add3A_1600 : i32
        %add3A_1602 = arith.constant 48 : i32
        %add3A_1603 = arith.addi %add3A_1601, %add3A_1602 : i32
        %get3A_1604 = arith.index_cast %add3A_1603 : i32 to index
        %get3A_1605 = tpu.vector_load %arg4[%get3A_1604] {strides = array<i32>} : memref<40960xf32, #tpu.memory_space<vmem>>, vector<16xf32>,
        %get3A_1606 = vector.shape_cast %get3A_1605 : vector<16xf32> to vector<16xf32>
        %add3A_1607 = arith.addf %add3A_1511, %get3A_1606 : vector<16xf32>
        %mul3A_1608 = arith.constant 32 : i32
        %mul3A_1609 = arith.muli %scan3A_48, %mul3A_1608 : i32
        %mul3A_1610 = arith.constant 128 : i32
        %mul3A_1611 = arith.muli %mul3A_1609, %mul3A_1610 : i32
        %add3A_1612 = arith.constant 2048 : i32
        %add3A_1613 = arith.addi %mul3A_1611, %add3A_1612 : i32
        %add3A_1614 = arith.constant 64 : i32
        %add3A_1615 = arith.addi %add3A_1613, %add3A_1614 : i32
        %get3A_1616 = arith.index_cast %add3A_1615 : i32 to index
        %get3A_1617 = tpu.vector_load %arg4[%get3A_1616] {strides = array<i32>} : memref<40960xf32, #tpu.memory_space<vmem>>, vector<16xf32>,
        %get3A_1618 = vector.shape_cast %get3A_1617 : vector<16xf32> to vector<16xf32>
        %add3A_1619 = arith.addf %add3A_1523, %get3A_1618 : vector<16xf32>
        %mul3A_1620 = arith.constant 32 : i32
        %mul3A_1621 = arith.muli %scan3A_48, %mul3A_1620 : i32
        %mul3A_1622 = arith.constant 128 : i32
        %mul3A_1623 = arith.muli %mul3A_1621, %mul3A_1622 : i32
        %add3A_1624 = arith.constant 2048 : i32
        %add3A_1625 = arith.addi %mul3A_1623, %add3A_1624 : i32
        %add3A_1626 = arith.constant 80 : i32
        %add3A_1627 = arith.addi %add3A_1625, %add3A_1626 : i32
        %get3A_1628 = arith.index_cast %add3A_1627 : i32 to index
        %get3A_1629 = tpu.vector_load %arg4[%get3A_1628] {strides = array<i32>} : memref<40960xf32, #tpu.memory_space<vmem>>, vector<16xf32>,
        %get3A_1630 = vector.shape_cast %get3A_1629 : vector<16xf32> to vector<16xf32>
        %add3A_1631 = arith.addf %add3A_1535, %get3A_1630 : vector<16xf32>
        %mul3A_1632 = arith.constant 32 : i32
        %mul3A_1633 = arith.muli %scan3A_48, %mul3A_1632 : i32
        %mul3A_1634 = arith.constant 128 : i32
        %mul3A_1635 = arith.muli %mul3A_1633, %mul3A_1634 : i32
        %add3A_1636 = arith.constant 2048 : i32
        %add3A_1637 = arith.addi %mul3A_1635, %add3A_1636 : i32
        %add3A_1638 = arith.constant 96 : i32
        %add3A_1639 = arith.addi %add3A_1637, %add3A_1638 : i32
        %get3A_1640 = arith.index_cast %add3A_1639 : i32 to index
        %get3A_1641 = tpu.vector_load %arg4[%get3A_1640] {strides = array<i32>} : memref<40960xf32, #tpu.memory_space<vmem>>, vector<16xf32>,
        %get3A_1642 = vector.shape_cast %get3A_1641 : vector<16xf32> to vector<16xf32>
        %add3A_1643 = arith.addf %add3A_1547, %get3A_1642 : vector<16xf32>
        %mul3A_1644 = arith.constant 32 : i32
        %mul3A_1645 = arith.muli %scan3A_48, %mul3A_1644 : i32
        %mul3A_1646 = arith.constant 128 : i32
        %mul3A_1647 = arith.muli %mul3A_1645, %mul3A_1646 : i32
        %add3A_1648 = arith.constant 2048 : i32
        %add3A_1649 = arith.addi %mul3A_1647, %add3A_1648 : i32
        %add3A_1650 = arith.constant 112 : i32
        %add3A_1651 = arith.addi %add3A_1649, %add3A_1650 : i32
        %get3A_1652 = arith.index_cast %add3A_1651 : i32 to index
        %get3A_1653 = tpu.vector_load %arg4[%get3A_1652] {strides = array<i32>} : memref<40960xf32, #tpu.memory_space<vmem>>, vector<16xf32>,
        %get3A_1654 = vector.shape_cast %get3A_1653 : vector<16xf32> to vector<16xf32>
        %add3A_1655 = arith.addf %add3A_1559, %get3A_1654 : vector<16xf32>
        %mul3A_1656 = arith.constant 32 : i32
        %mul3A_1657 = arith.muli %scan3A_48, %mul3A_1656 : i32
        %mul3A_1658 = arith.constant 128 : i32
        %mul3A_1659 = arith.muli %mul3A_1657, %mul3A_1658 : i32
        %add3A_1660 = arith.constant 2176 : i32
        %add3A_1661 = arith.addi %mul3A_1659, %add3A_1660 : i32
        %add3A_1662 = arith.constant 0 : i32
        %add3A_1663 = arith.addi %add3A_1661, %add3A_1662 : i32
        %get3A_1664 = arith.index_cast %add3A_1663 : i32 to index
        %get3A_1665 = tpu.vector_load %arg4[%get3A_1664] {strides = array<i32>} : memref<40960xf32, #tpu.memory_space<vmem>>, vector<16xf32>,
        %get3A_1666 = vector.shape_cast %get3A_1665 : vector<16xf32> to vector<16xf32>
        %add3A_1667 = arith.addf %add3A_1571, %get3A_1666 : vector<16xf32>
        %mul3A_1668 = arith.constant 32 : i32
        %mul3A_1669 = arith.muli %scan3A_48, %mul3A_1668 : i32
        %mul3A_1670 = arith.constant 128 : i32
        %mul3A_1671 = arith.muli %mul3A_1669, %mul3A_1670 : i32
        %add3A_1672 = arith.constant 2176 : i32
        %add3A_1673 = arith.addi %mul3A_1671, %add3A_1672 : i32
        %add3A_1674 = arith.constant 16 : i32
        %add3A_1675 = arith.addi %add3A_1673, %add3A_1674 : i32
        %get3A_1676 = arith.index_cast %add3A_1675 : i32 to index
        %get3A_1677 = tpu.vector_load %arg4[%get3A_1676] {strides = array<i32>} : memref<40960xf32, #tpu.memory_space<vmem>>, vector<16xf32>,
        %get3A_1678 = vector.shape_cast %get3A_1677 : vector<16xf32> to vector<16xf32>
        %add3A_1679 = arith.addf %add3A_1583, %get3A_1678 : vector<16xf32>
        %mul3A_1680 = arith.constant 32 : i32
        %mul3A_1681 = arith.muli %scan3A_48, %mul3A_1680 : i32
        %mul3A_1682 = arith.constant 128 : i32
        %mul3A_1683 = arith.muli %mul3A_1681, %mul3A_1682 : i32
        %add3A_1684 = arith.constant 2176 : i32
        %add3A_1685 = arith.addi %mul3A_1683, %add3A_1684 : i32
        %add3A_1686 = arith.constant 32 : i32
        %add3A_1687 = arith.addi %add3A_1685, %add3A_1686 : i32
        %get3A_1688 = arith.index_cast %add3A_1687 : i32 to index
        %get3A_1689 = tpu.vector_load %arg4[%get3A_1688] {strides = array<i32>} : memref<40960xf32, #tpu.memory_space<vmem>>, vector<16xf32>,
        %get3A_1690 = vector.shape_cast %get3A_1689 : vector<16xf32> to vector<16xf32>
        %add3A_1691 = arith.addf %add3A_1595, %get3A_1690 : vector<16xf32>
        %mul3A_1692 = arith.constant 32 : i32
        %mul3A_1693 = arith.muli %scan3A_48, %mul3A_1692 : i32
        %mul3A_1694 = arith.constant 128 : i32
        %mul3A_1695 = arith.muli %mul3A_1693, %mul3A_1694 : i32
        %add3A_1696 = arith.constant 2176 : i32
        %add3A_1697 = arith.addi %mul3A_1695, %add3A_1696 : i32
        %add3A_1698 = arith.constant 48 : i32
        %add3A_1699 = arith.addi %add3A_1697, %add3A_1698 : i32
        %get3A_1700 = arith.index_cast %add3A_1699 : i32 to index
        %get3A_1701 = tpu.vector_load %arg4[%get3A_1700] {strides = array<i32>} : memref<40960xf32, #tpu.memory_space<vmem>>, vector<16xf32>,
        %get3A_1702 = vector.shape_cast %get3A_1701 : vector<16xf32> to vector<16xf32>
        %add3A_1703 = arith.addf %add3A_1607, %get3A_1702 : vector<16xf32>
        %mul3A_1704 = arith.constant 32 : i32
        %mul3A_1705 = arith.muli %scan3A_48, %mul3A_1704 : i32
        %mul3A_1706 = arith.constant 128 : i32
        %mul3A_1707 = arith.muli %mul3A_1705, %mul3A_1706 : i32
        %add3A_1708 = arith.constant 2176 : i32
        %add3A_1709 = arith.addi %mul3A_1707, %add3A_1708 : i32
        %add3A_1710 = arith.constant 64 : i32
        %add3A_1711 = arith.addi %add3A_1709, %add3A_1710 : i32
        %get3A_1712 = arith.index_cast %add3A_1711 : i32 to index
        %get3A_1713 = tpu.vector_load %arg4[%get3A_1712] {strides = array<i32>} : memref<40960xf32, #tpu.memory_space<vmem>>, vector<16xf32>,
        %get3A_1714 = vector.shape_cast %get3A_1713 : vector<16xf32> to vector<16xf32>
        %add3A_1715 = arith.addf %add3A_1619, %get3A_1714 : vector<16xf32>
        %mul3A_1716 = arith.constant 32 : i32
        %mul3A_1717 = arith.muli %scan3A_48, %mul3A_1716 : i32
        %mul3A_1718 = arith.constant 128 : i32
        %mul3A_1719 = arith.muli %mul3A_1717, %mul3A_1718 : i32
        %add3A_1720 = arith.constant 2176 : i32
        %add3A_1721 = arith.addi %mul3A_1719, %add3A_1720 : i32
        %add3A_1722 = arith.constant 80 : i32
        %add3A_1723 = arith.addi %add3A_1721, %add3A_1722 : i32
        %get3A_1724 = arith.index_cast %add3A_1723 : i32 to index
        %get3A_1725 = tpu.vector_load %arg4[%get3A_1724] {strides = array<i32>} : memref<40960xf32, #tpu.memory_space<vmem>>, vector<16xf32>,
        %get3A_1726 = vector.shape_cast %get3A_1725 : vector<16xf32> to vector<16xf32>
        %add3A_1727 = arith.addf %add3A_1631, %get3A_1726 : vector<16xf32>
        %mul3A_1728 = arith.constant 32 : i32
        %mul3A_1729 = arith.muli %scan3A_48, %mul3A_1728 : i32
        %mul3A_1730 = arith.constant 128 : i32
        %mul3A_1731 = arith.muli %mul3A_1729, %mul3A_1730 : i32
        %add3A_1732 = arith.constant 2176 : i32
        %add3A_1733 = arith.addi %mul3A_1731, %add3A_1732 : i32
        %add3A_1734 = arith.constant 96 : i32
        %add3A_1735 = arith.addi %add3A_1733, %add3A_1734 : i32
        %get3A_1736 = arith.index_cast %add3A_1735 : i32 to index
        %get3A_1737 = tpu.vector_load %arg4[%get3A_1736] {strides = array<i32>} : memref<40960xf32, #tpu.memory_space<vmem>>, vector<16xf32>,
        %get3A_1738 = vector.shape_cast %get3A_1737 : vector<16xf32> to vector<16xf32>
        %add3A_1739 = arith.addf %add3A_1643, %get3A_1738 : vector<16xf32>
        %mul3A_1740 = arith.constant 32 : i32
        %mul3A_1741 = arith.muli %scan3A_48, %mul3A_1740 : i32
        %mul3A_1742 = arith.constant 128 : i32
        %mul3A_1743 = arith.muli %mul3A_1741, %mul3A_1742 : i32
        %add3A_1744 = arith.constant 2176 : i32
        %add3A_1745 = arith.addi %mul3A_1743, %add3A_1744 : i32
        %add3A_1746 = arith.constant 112 : i32
        %add3A_1747 = arith.addi %add3A_1745, %add3A_1746 : i32
        %get3A_1748 = arith.index_cast %add3A_1747 : i32 to index
        %get3A_1749 = tpu.vector_load %arg4[%get3A_1748] {strides = array<i32>} : memref<40960xf32, #tpu.memory_space<vmem>>, vector<16xf32>,
        %get3A_1750 = vector.shape_cast %get3A_1749 : vector<16xf32> to vector<16xf32>
        %add3A_1751 = arith.addf %add3A_1655, %get3A_1750 : vector<16xf32>
        %mul3A_1752 = arith.constant 32 : i32
        %mul3A_1753 = arith.muli %scan3A_48, %mul3A_1752 : i32
        %mul3A_1754 = arith.constant 128 : i32
        %mul3A_1755 = arith.muli %mul3A_1753, %mul3A_1754 : i32
        %add3A_1756 = arith.constant 2304 : i32
        %add3A_1757 = arith.addi %mul3A_1755, %add3A_1756 : i32
        %add3A_1758 = arith.constant 0 : i32
        %add3A_1759 = arith.addi %add3A_1757, %add3A_1758 : i32
        %get3A_1760 = arith.index_cast %add3A_1759 : i32 to index
        %get3A_1761 = tpu.vector_load %arg4[%get3A_1760] {strides = array<i32>} : memref<40960xf32, #tpu.memory_space<vmem>>, vector<16xf32>,
        %get3A_1762 = vector.shape_cast %get3A_1761 : vector<16xf32> to vector<16xf32>
        %add3A_1763 = arith.addf %add3A_1667, %get3A_1762 : vector<16xf32>
        %mul3A_1764 = arith.constant 32 : i32
        %mul3A_1765 = arith.muli %scan3A_48, %mul3A_1764 : i32
        %mul3A_1766 = arith.constant 128 : i32
        %mul3A_1767 = arith.muli %mul3A_1765, %mul3A_1766 : i32
        %add3A_1768 = arith.constant 2304 : i32
        %add3A_1769 = arith.addi %mul3A_1767, %add3A_1768 : i32
        %add3A_1770 = arith.constant 16 : i32
        %add3A_1771 = arith.addi %add3A_1769, %add3A_1770 : i32
        %get3A_1772 = arith.index_cast %add3A_1771 : i32 to index
        %get3A_1773 = tpu.vector_load %arg4[%get3A_1772] {strides = array<i32>} : memref<40960xf32, #tpu.memory_space<vmem>>, vector<16xf32>,
        %get3A_1774 = vector.shape_cast %get3A_1773 : vector<16xf32> to vector<16xf32>
        %add3A_1775 = arith.addf %add3A_1679, %get3A_1774 : vector<16xf32>
        %mul3A_1776 = arith.constant 32 : i32
        %mul3A_1777 = arith.muli %scan3A_48, %mul3A_1776 : i32
        %mul3A_1778 = arith.constant 128 : i32
        %mul3A_1779 = arith.muli %mul3A_1777, %mul3A_1778 : i32
        %add3A_1780 = arith.constant 2304 : i32
        %add3A_1781 = arith.addi %mul3A_1779, %add3A_1780 : i32
        %add3A_1782 = arith.constant 32 : i32
        %add3A_1783 = arith.addi %add3A_1781, %add3A_1782 : i32
        %get3A_1784 = arith.index_cast %add3A_1783 : i32 to index
        %get3A_1785 = tpu.vector_load %arg4[%get3A_1784] {strides = array<i32>} : memref<40960xf32, #tpu.memory_space<vmem>>, vector<16xf32>,
        %get3A_1786 = vector.shape_cast %get3A_1785 : vector<16xf32> to vector<16xf32>
        %add3A_1787 = arith.addf %add3A_1691, %get3A_1786 : vector<16xf32>
        %mul3A_1788 = arith.constant 32 : i32
        %mul3A_1789 = arith.muli %scan3A_48, %mul3A_1788 : i32
        %mul3A_1790 = arith.constant 128 : i32
        %mul3A_1791 = arith.muli %mul3A_1789, %mul3A_1790 : i32
        %add3A_1792 = arith.constant 2304 : i32
        %add3A_1793 = arith.addi %mul3A_1791, %add3A_1792 : i32
        %add3A_1794 = arith.constant 48 : i32
        %add3A_1795 = arith.addi %add3A_1793, %add3A_1794 : i32
        %get3A_1796 = arith.index_cast %add3A_1795 : i32 to index
        %get3A_1797 = tpu.vector_load %arg4[%get3A_1796] {strides = array<i32>} : memref<40960xf32, #tpu.memory_space<vmem>>, vector<16xf32>,
        %get3A_1798 = vector.shape_cast %get3A_1797 : vector<16xf32> to vector<16xf32>
        %add3A_1799 = arith.addf %add3A_1703, %get3A_1798 : vector<16xf32>
        %mul3A_1800 = arith.constant 32 : i32
        %mul3A_1801 = arith.muli %scan3A_48, %mul3A_1800 : i32
        %mul3A_1802 = arith.constant 128 : i32
        %mul3A_1803 = arith.muli %mul3A_1801, %mul3A_1802 : i32
        %add3A_1804 = arith.constant 2304 : i32
        %add3A_1805 = arith.addi %mul3A_1803, %add3A_1804 : i32
        %add3A_1806 = arith.constant 64 : i32
        %add3A_1807 = arith.addi %add3A_1805, %add3A_1806 : i32
        %get3A_1808 = arith.index_cast %add3A_1807 : i32 to index
        %get3A_1809 = tpu.vector_load %arg4[%get3A_1808] {strides = array<i32>} : memref<40960xf32, #tpu.memory_space<vmem>>, vector<16xf32>,
        %get3A_1810 = vector.shape_cast %get3A_1809 : vector<16xf32> to vector<16xf32>
        %add3A_1811 = arith.addf %add3A_1715, %get3A_1810 : vector<16xf32>
        %mul3A_1812 = arith.constant 32 : i32
        %mul3A_1813 = arith.muli %scan3A_48, %mul3A_1812 : i32
        %mul3A_1814 = arith.constant 128 : i32
        %mul3A_1815 = arith.muli %mul3A_1813, %mul3A_1814 : i32
        %add3A_1816 = arith.constant 2304 : i32
        %add3A_1817 = arith.addi %mul3A_1815, %add3A_1816 : i32
        %add3A_1818 = arith.constant 80 : i32
        %add3A_1819 = arith.addi %add3A_1817, %add3A_1818 : i32
        %get3A_1820 = arith.index_cast %add3A_1819 : i32 to index
        %get3A_1821 = tpu.vector_load %arg4[%get3A_1820] {strides = array<i32>} : memref<40960xf32, #tpu.memory_space<vmem>>, vector<16xf32>,
        %get3A_1822 = vector.shape_cast %get3A_1821 : vector<16xf32> to vector<16xf32>
        %add3A_1823 = arith.addf %add3A_1727, %get3A_1822 : vector<16xf32>
        %mul3A_1824 = arith.constant 32 : i32
        %mul3A_1825 = arith.muli %scan3A_48, %mul3A_1824 : i32
        %mul3A_1826 = arith.constant 128 : i32
        %mul3A_1827 = arith.muli %mul3A_1825, %mul3A_1826 : i32
        %add3A_1828 = arith.constant 2304 : i32
        %add3A_1829 = arith.addi %mul3A_1827, %add3A_1828 : i32
        %add3A_1830 = arith.constant 96 : i32
        %add3A_1831 = arith.addi %add3A_1829, %add3A_1830 : i32
        %get3A_1832 = arith.index_cast %add3A_1831 : i32 to index
        %get3A_1833 = tpu.vector_load %arg4[%get3A_1832] {strides = array<i32>} : memref<40960xf32, #tpu.memory_space<vmem>>, vector<16xf32>,
        %get3A_1834 = vector.shape_cast %get3A_1833 : vector<16xf32> to vector<16xf32>
        %add3A_1835 = arith.addf %add3A_1739, %get3A_1834 : vector<16xf32>
        %mul3A_1836 = arith.constant 32 : i32
        %mul3A_1837 = arith.muli %scan3A_48, %mul3A_1836 : i32
        %mul3A_1838 = arith.constant 128 : i32
        %mul3A_1839 = arith.muli %mul3A_1837, %mul3A_1838 : i32
        %add3A_1840 = arith.constant 2304 : i32
        %add3A_1841 = arith.addi %mul3A_1839, %add3A_1840 : i32
        %add3A_1842 = arith.constant 112 : i32
        %add3A_1843 = arith.addi %add3A_1841, %add3A_1842 : i32
        %get3A_1844 = arith.index_cast %add3A_1843 : i32 to index
        %get3A_1845 = tpu.vector_load %arg4[%get3A_1844] {strides = array<i32>} : memref<40960xf32, #tpu.memory_space<vmem>>, vector<16xf32>,
        %get3A_1846 = vector.shape_cast %get3A_1845 : vector<16xf32> to vector<16xf32>
        %add3A_1847 = arith.addf %add3A_1751, %get3A_1846 : vector<16xf32>
        %mul3A_1848 = arith.constant 32 : i32
        %mul3A_1849 = arith.muli %scan3A_48, %mul3A_1848 : i32
        %mul3A_1850 = arith.constant 128 : i32
        %mul3A_1851 = arith.muli %mul3A_1849, %mul3A_1850 : i32
        %add3A_1852 = arith.constant 2432 : i32
        %add3A_1853 = arith.addi %mul3A_1851, %add3A_1852 : i32
        %add3A_1854 = arith.constant 0 : i32
        %add3A_1855 = arith.addi %add3A_1853, %add3A_1854 : i32
        %get3A_1856 = arith.index_cast %add3A_1855 : i32 to index
        %get3A_1857 = tpu.vector_load %arg4[%get3A_1856] {strides = array<i32>} : memref<40960xf32, #tpu.memory_space<vmem>>, vector<16xf32>,
        %get3A_1858 = vector.shape_cast %get3A_1857 : vector<16xf32> to vector<16xf32>
        %add3A_1859 = arith.addf %add3A_1763, %get3A_1858 : vector<16xf32>
        %mul3A_1860 = arith.constant 32 : i32
        %mul3A_1861 = arith.muli %scan3A_48, %mul3A_1860 : i32
        %mul3A_1862 = arith.constant 128 : i32
        %mul3A_1863 = arith.muli %mul3A_1861, %mul3A_1862 : i32
        %add3A_1864 = arith.constant 2432 : i32
        %add3A_1865 = arith.addi %mul3A_1863, %add3A_1864 : i32
        %add3A_1866 = arith.constant 16 : i32
        %add3A_1867 = arith.addi %add3A_1865, %add3A_1866 : i32
        %get3A_1868 = arith.index_cast %add3A_1867 : i32 to index
        %get3A_1869 = tpu.vector_load %arg4[%get3A_1868] {strides = array<i32>} : memref<40960xf32, #tpu.memory_space<vmem>>, vector<16xf32>,
        %get3A_1870 = vector.shape_cast %get3A_1869 : vector<16xf32> to vector<16xf32>
        %add3A_1871 = arith.addf %add3A_1775, %get3A_1870 : vector<16xf32>
        %mul3A_1872 = arith.constant 32 : i32
        %mul3A_1873 = arith.muli %scan3A_48, %mul3A_1872 : i32
        %mul3A_1874 = arith.constant 128 : i32
        %mul3A_1875 = arith.muli %mul3A_1873, %mul3A_1874 : i32
        %add3A_1876 = arith.constant 2432 : i32
        %add3A_1877 = arith.addi %mul3A_1875, %add3A_1876 : i32
        %add3A_1878 = arith.constant 32 : i32
        %add3A_1879 = arith.addi %add3A_1877, %add3A_1878 : i32
        %get3A_1880 = arith.index_cast %add3A_1879 : i32 to index
        %get3A_1881 = tpu.vector_load %arg4[%get3A_1880] {strides = array<i32>} : memref<40960xf32, #tpu.memory_space<vmem>>, vector<16xf32>,
        %get3A_1882 = vector.shape_cast %get3A_1881 : vector<16xf32> to vector<16xf32>
        %add3A_1883 = arith.addf %add3A_1787, %get3A_1882 : vector<16xf32>
        %mul3A_1884 = arith.constant 32 : i32
        %mul3A_1885 = arith.muli %scan3A_48, %mul3A_1884 : i32
        %mul3A_1886 = arith.constant 128 : i32
        %mul3A_1887 = arith.muli %mul3A_1885, %mul3A_1886 : i32
        %add3A_1888 = arith.constant 2432 : i32
        %add3A_1889 = arith.addi %mul3A_1887, %add3A_1888 : i32
        %add3A_1890 = arith.constant 48 : i32
        %add3A_1891 = arith.addi %add3A_1889, %add3A_1890 : i32
        %get3A_1892 = arith.index_cast %add3A_1891 : i32 to index
        %get3A_1893 = tpu.vector_load %arg4[%get3A_1892] {strides = array<i32>} : memref<40960xf32, #tpu.memory_space<vmem>>, vector<16xf32>,
        %get3A_1894 = vector.shape_cast %get3A_1893 : vector<16xf32> to vector<16xf32>
        %add3A_1895 = arith.addf %add3A_1799, %get3A_1894 : vector<16xf32>
        %mul3A_1896 = arith.constant 32 : i32
        %mul3A_1897 = arith.muli %scan3A_48, %mul3A_1896 : i32
        %mul3A_1898 = arith.constant 128 : i32
        %mul3A_1899 = arith.muli %mul3A_1897, %mul3A_1898 : i32
        %add3A_1900 = arith.constant 2432 : i32
        %add3A_1901 = arith.addi %mul3A_1899, %add3A_1900 : i32
        %add3A_1902 = arith.constant 64 : i32
        %add3A_1903 = arith.addi %add3A_1901, %add3A_1902 : i32
        %get3A_1904 = arith.index_cast %add3A_1903 : i32 to index
        %get3A_1905 = tpu.vector_load %arg4[%get3A_1904] {strides = array<i32>} : memref<40960xf32, #tpu.memory_space<vmem>>, vector<16xf32>,
        %get3A_1906 = vector.shape_cast %get3A_1905 : vector<16xf32> to vector<16xf32>
        %add3A_1907 = arith.addf %add3A_1811, %get3A_1906 : vector<16xf32>
        %mul3A_1908 = arith.constant 32 : i32
        %mul3A_1909 = arith.muli %scan3A_48, %mul3A_1908 : i32
        %mul3A_1910 = arith.constant 128 : i32
        %mul3A_1911 = arith.muli %mul3A_1909, %mul3A_1910 : i32
        %add3A_1912 = arith.constant 2432 : i32
        %add3A_1913 = arith.addi %mul3A_1911, %add3A_1912 : i32
        %add3A_1914 = arith.constant 80 : i32
        %add3A_1915 = arith.addi %add3A_1913, %add3A_1914 : i32
        %get3A_1916 = arith.index_cast %add3A_1915 : i32 to index
        %get3A_1917 = tpu.vector_load %arg4[%get3A_1916] {strides = array<i32>} : memref<40960xf32, #tpu.memory_space<vmem>>, vector<16xf32>,
        %get3A_1918 = vector.shape_cast %get3A_1917 : vector<16xf32> to vector<16xf32>
        %add3A_1919 = arith.addf %add3A_1823, %get3A_1918 : vector<16xf32>
        %mul3A_1920 = arith.constant 32 : i32
        %mul3A_1921 = arith.muli %scan3A_48, %mul3A_1920 : i32
        %mul3A_1922 = arith.constant 128 : i32
        %mul3A_1923 = arith.muli %mul3A_1921, %mul3A_1922 : i32
        %add3A_1924 = arith.constant 2432 : i32
        %add3A_1925 = arith.addi %mul3A_1923, %add3A_1924 : i32
        %add3A_1926 = arith.constant 96 : i32
        %add3A_1927 = arith.addi %add3A_1925, %add3A_1926 : i32
        %get3A_1928 = arith.index_cast %add3A_1927 : i32 to index
        %get3A_1929 = tpu.vector_load %arg4[%get3A_1928] {strides = array<i32>} : memref<40960xf32, #tpu.memory_space<vmem>>, vector<16xf32>,
        %get3A_1930 = vector.shape_cast %get3A_1929 : vector<16xf32> to vector<16xf32>
        %add3A_1931 = arith.addf %add3A_1835, %get3A_1930 : vector<16xf32>
        %mul3A_1932 = arith.constant 32 : i32
        %mul3A_1933 = arith.muli %scan3A_48, %mul3A_1932 : i32
        %mul3A_1934 = arith.constant 128 : i32
        %mul3A_1935 = arith.muli %mul3A_1933, %mul3A_1934 : i32
        %add3A_1936 = arith.constant 2432 : i32
        %add3A_1937 = arith.addi %mul3A_1935, %add3A_1936 : i32
        %add3A_1938 = arith.constant 112 : i32
        %add3A_1939 = arith.addi %add3A_1937, %add3A_1938 : i32
        %get3A_1940 = arith.index_cast %add3A_1939 : i32 to index
        %get3A_1941 = tpu.vector_load %arg4[%get3A_1940] {strides = array<i32>} : memref<40960xf32, #tpu.memory_space<vmem>>, vector<16xf32>,
        %get3A_1942 = vector.shape_cast %get3A_1941 : vector<16xf32> to vector<16xf32>
        %add3A_1943 = arith.addf %add3A_1847, %get3A_1942 : vector<16xf32>
        %mul3A_1944 = arith.constant 32 : i32
        %mul3A_1945 = arith.muli %scan3A_48, %mul3A_1944 : i32
        %mul3A_1946 = arith.constant 128 : i32
        %mul3A_1947 = arith.muli %mul3A_1945, %mul3A_1946 : i32
        %add3A_1948 = arith.constant 2560 : i32
        %add3A_1949 = arith.addi %mul3A_1947, %add3A_1948 : i32
        %add3A_1950 = arith.constant 0 : i32
        %add3A_1951 = arith.addi %add3A_1949, %add3A_1950 : i32
        %get3A_1952 = arith.index_cast %add3A_1951 : i32 to index
        %get3A_1953 = tpu.vector_load %arg4[%get3A_1952] {strides = array<i32>} : memref<40960xf32, #tpu.memory_space<vmem>>, vector<16xf32>,
        %get3A_1954 = vector.shape_cast %get3A_1953 : vector<16xf32> to vector<16xf32>
        %add3A_1955 = arith.addf %add3A_1859, %get3A_1954 : vector<16xf32>
        %mul3A_1956 = arith.constant 32 : i32
        %mul3A_1957 = arith.muli %scan3A_48, %mul3A_1956 : i32
        %mul3A_1958 = arith.constant 128 : i32
        %mul3A_1959 = arith.muli %mul3A_1957, %mul3A_1958 : i32
        %add3A_1960 = arith.constant 2560 : i32
        %add3A_1961 = arith.addi %mul3A_1959, %add3A_1960 : i32
        %add3A_1962 = arith.constant 16 : i32
        %add3A_1963 = arith.addi %add3A_1961, %add3A_1962 : i32
        %get3A_1964 = arith.index_cast %add3A_1963 : i32 to index
        %get3A_1965 = tpu.vector_load %arg4[%get3A_1964] {strides = array<i32>} : memref<40960xf32, #tpu.memory_space<vmem>>, vector<16xf32>,
        %get3A_1966 = vector.shape_cast %get3A_1965 : vector<16xf32> to vector<16xf32>
        %add3A_1967 = arith.addf %add3A_1871, %get3A_1966 : vector<16xf32>
        %mul3A_1968 = arith.constant 32 : i32
        %mul3A_1969 = arith.muli %scan3A_48, %mul3A_1968 : i32
        %mul3A_1970 = arith.constant 128 : i32
        %mul3A_1971 = arith.muli %mul3A_1969, %mul3A_1970 : i32
        %add3A_1972 = arith.constant 2560 : i32
        %add3A_1973 = arith.addi %mul3A_1971, %add3A_1972 : i32
        %add3A_1974 = arith.constant 32 : i32
        %add3A_1975 = arith.addi %add3A_1973, %add3A_1974 : i32
        %get3A_1976 = arith.index_cast %add3A_1975 : i32 to index
        %get3A_1977 = tpu.vector_load %arg4[%get3A_1976] {strides = array<i32>} : memref<40960xf32, #tpu.memory_space<vmem>>, vector<16xf32>,
        %get3A_1978 = vector.shape_cast %get3A_1977 : vector<16xf32> to vector<16xf32>
        %add3A_1979 = arith.addf %add3A_1883, %get3A_1978 : vector<16xf32>
        %mul3A_1980 = arith.constant 32 : i32
        %mul3A_1981 = arith.muli %scan3A_48, %mul3A_1980 : i32
        %mul3A_1982 = arith.constant 128 : i32
        %mul3A_1983 = arith.muli %mul3A_1981, %mul3A_1982 : i32
        %add3A_1984 = arith.constant 2560 : i32
        %add3A_1985 = arith.addi %mul3A_1983, %add3A_1984 : i32
        %add3A_1986 = arith.constant 48 : i32
        %add3A_1987 = arith.addi %add3A_1985, %add3A_1986 : i32
        %get3A_1988 = arith.index_cast %add3A_1987 : i32 to index
        %get3A_1989 = tpu.vector_load %arg4[%get3A_1988] {strides = array<i32>} : memref<40960xf32, #tpu.memory_space<vmem>>, vector<16xf32>,
        %get3A_1990 = vector.shape_cast %get3A_1989 : vector<16xf32> to vector<16xf32>
        %add3A_1991 = arith.addf %add3A_1895, %get3A_1990 : vector<16xf32>
        %mul3A_1992 = arith.constant 32 : i32
        %mul3A_1993 = arith.muli %scan3A_48, %mul3A_1992 : i32
        %mul3A_1994 = arith.constant 128 : i32
        %mul3A_1995 = arith.muli %mul3A_1993, %mul3A_1994 : i32
        %add3A_1996 = arith.constant 2560 : i32
        %add3A_1997 = arith.addi %mul3A_1995, %add3A_1996 : i32
        %add3A_1998 = arith.constant 64 : i32
        %add3A_1999 = arith.addi %add3A_1997, %add3A_1998 : i32
        %get3A_2000 = arith.index_cast %add3A_1999 : i32 to index
        %get3A_2001 = tpu.vector_load %arg4[%get3A_2000] {strides = array<i32>} : memref<40960xf32, #tpu.memory_space<vmem>>, vector<16xf32>,
        %get3A_2002 = vector.shape_cast %get3A_2001 : vector<16xf32> to vector<16xf32>
        %add3A_2003 = arith.addf %add3A_1907, %get3A_2002 : vector<16xf32>
        %mul3A_2004 = arith.constant 32 : i32
        %mul3A_2005 = arith.muli %scan3A_48, %mul3A_2004 : i32
        %mul3A_2006 = arith.constant 128 : i32
        %mul3A_2007 = arith.muli %mul3A_2005, %mul3A_2006 : i32
        %add3A_2008 = arith.constant 2560 : i32
        %add3A_2009 = arith.addi %mul3A_2007, %add3A_2008 : i32
        %add3A_2010 = arith.constant 80 : i32
        %add3A_2011 = arith.addi %add3A_2009, %add3A_2010 : i32
        %get3A_2012 = arith.index_cast %add3A_2011 : i32 to index
        %get3A_2013 = tpu.vector_load %arg4[%get3A_2012] {strides = array<i32>} : memref<40960xf32, #tpu.memory_space<vmem>>, vector<16xf32>,
        %get3A_2014 = vector.shape_cast %get3A_2013 : vector<16xf32> to vector<16xf32>
        %add3A_2015 = arith.addf %add3A_1919, %get3A_2014 : vector<16xf32>
        %mul3A_2016 = arith.constant 32 : i32
        %mul3A_2017 = arith.muli %scan3A_48, %mul3A_2016 : i32
        %mul3A_2018 = arith.constant 128 : i32
        %mul3A_2019 = arith.muli %mul3A_2017, %mul3A_2018 : i32
        %add3A_2020 = arith.constant 2560 : i32
        %add3A_2021 = arith.addi %mul3A_2019, %add3A_2020 : i32
        %add3A_2022 = arith.constant 96 : i32
        %add3A_2023 = arith.addi %add3A_2021, %add3A_2022 : i32
        %get3A_2024 = arith.index_cast %add3A_2023 : i32 to index
        %get3A_2025 = tpu.vector_load %arg4[%get3A_2024] {strides = array<i32>} : memref<40960xf32, #tpu.memory_space<vmem>>, vector<16xf32>,
        %get3A_2026 = vector.shape_cast %get3A_2025 : vector<16xf32> to vector<16xf32>
        %add3A_2027 = arith.addf %add3A_1931, %get3A_2026 : vector<16xf32>
        %mul3A_2028 = arith.constant 32 : i32
        %mul3A_2029 = arith.muli %scan3A_48, %mul3A_2028 : i32
        %mul3A_2030 = arith.constant 128 : i32
        %mul3A_2031 = arith.muli %mul3A_2029, %mul3A_2030 : i32
        %add3A_2032 = arith.constant 2560 : i32
        %add3A_2033 = arith.addi %mul3A_2031, %add3A_2032 : i32
        %add3A_2034 = arith.constant 112 : i32
        %add3A_2035 = arith.addi %add3A_2033, %add3A_2034 : i32
        %get3A_2036 = arith.index_cast %add3A_2035 : i32 to index
        %get3A_2037 = tpu.vector_load %arg4[%get3A_2036] {strides = array<i32>} : memref<40960xf32, #tpu.memory_space<vmem>>, vector<16xf32>,
        %get3A_2038 = vector.shape_cast %get3A_2037 : vector<16xf32> to vector<16xf32>
        %add3A_2039 = arith.addf %add3A_1943, %get3A_2038 : vector<16xf32>
        %mul3A_2040 = arith.constant 32 : i32
        %mul3A_2041 = arith.muli %scan3A_48, %mul3A_2040 : i32
        %mul3A_2042 = arith.constant 128 : i32
        %mul3A_2043 = arith.muli %mul3A_2041, %mul3A_2042 : i32
        %add3A_2044 = arith.constant 2688 : i32
        %add3A_2045 = arith.addi %mul3A_2043, %add3A_2044 : i32
        %add3A_2046 = arith.constant 0 : i32
        %add3A_2047 = arith.addi %add3A_2045, %add3A_2046 : i32
        %get3A_2048 = arith.index_cast %add3A_2047 : i32 to index
        %get3A_2049 = tpu.vector_load %arg4[%get3A_2048] {strides = array<i32>} : memref<40960xf32, #tpu.memory_space<vmem>>, vector<16xf32>,
        %get3A_2050 = vector.shape_cast %get3A_2049 : vector<16xf32> to vector<16xf32>
        %add3A_2051 = arith.addf %add3A_1955, %get3A_2050 : vector<16xf32>
        %mul3A_2052 = arith.constant 32 : i32
        %mul3A_2053 = arith.muli %scan3A_48, %mul3A_2052 : i32
        %mul3A_2054 = arith.constant 128 : i32
        %mul3A_2055 = arith.muli %mul3A_2053, %mul3A_2054 : i32
        %add3A_2056 = arith.constant 2688 : i32
        %add3A_2057 = arith.addi %mul3A_2055, %add3A_2056 : i32
        %add3A_2058 = arith.constant 16 : i32
        %add3A_2059 = arith.addi %add3A_2057, %add3A_2058 : i32
        %get3A_2060 = arith.index_cast %add3A_2059 : i32 to index
        %get3A_2061 = tpu.vector_load %arg4[%get3A_2060] {strides = array<i32>} : memref<40960xf32, #tpu.memory_space<vmem>>, vector<16xf32>,
        %get3A_2062 = vector.shape_cast %get3A_2061 : vector<16xf32> to vector<16xf32>
        %add3A_2063 = arith.addf %add3A_1967, %get3A_2062 : vector<16xf32>
        %mul3A_2064 = arith.constant 32 : i32
        %mul3A_2065 = arith.muli %scan3A_48, %mul3A_2064 : i32
        %mul3A_2066 = arith.constant 128 : i32
        %mul3A_2067 = arith.muli %mul3A_2065, %mul3A_2066 : i32
        %add3A_2068 = arith.constant 2688 : i32
        %add3A_2069 = arith.addi %mul3A_2067, %add3A_2068 : i32
        %add3A_2070 = arith.constant 32 : i32
        %add3A_2071 = arith.addi %add3A_2069, %add3A_2070 : i32
        %get3A_2072 = arith.index_cast %add3A_2071 : i32 to index
        %get3A_2073 = tpu.vector_load %arg4[%get3A_2072] {strides = array<i32>} : memref<40960xf32, #tpu.memory_space<vmem>>, vector<16xf32>,
        %get3A_2074 = vector.shape_cast %get3A_2073 : vector<16xf32> to vector<16xf32>
        %add3A_2075 = arith.addf %add3A_1979, %get3A_2074 : vector<16xf32>
        %mul3A_2076 = arith.constant 32 : i32
        %mul3A_2077 = arith.muli %scan3A_48, %mul3A_2076 : i32
        %mul3A_2078 = arith.constant 128 : i32
        %mul3A_2079 = arith.muli %mul3A_2077, %mul3A_2078 : i32
        %add3A_2080 = arith.constant 2688 : i32
        %add3A_2081 = arith.addi %mul3A_2079, %add3A_2080 : i32
        %add3A_2082 = arith.constant 48 : i32
        %add3A_2083 = arith.addi %add3A_2081, %add3A_2082 : i32
        %get3A_2084 = arith.index_cast %add3A_2083 : i32 to index
        %get3A_2085 = tpu.vector_load %arg4[%get3A_2084] {strides = array<i32>} : memref<40960xf32, #tpu.memory_space<vmem>>, vector<16xf32>,
        %get3A_2086 = vector.shape_cast %get3A_2085 : vector<16xf32> to vector<16xf32>
        %add3A_2087 = arith.addf %add3A_1991, %get3A_2086 : vector<16xf32>
        %mul3A_2088 = arith.constant 32 : i32
        %mul3A_2089 = arith.muli %scan3A_48, %mul3A_2088 : i32
        %mul3A_2090 = arith.constant 128 : i32
        %mul3A_2091 = arith.muli %mul3A_2089, %mul3A_2090 : i32
        %add3A_2092 = arith.constant 2688 : i32
        %add3A_2093 = arith.addi %mul3A_2091, %add3A_2092 : i32
        %add3A_2094 = arith.constant 64 : i32
        %add3A_2095 = arith.addi %add3A_2093, %add3A_2094 : i32
        %get3A_2096 = arith.index_cast %add3A_2095 : i32 to index
        %get3A_2097 = tpu.vector_load %arg4[%get3A_2096] {strides = array<i32>} : memref<40960xf32, #tpu.memory_space<vmem>>, vector<16xf32>,
        %get3A_2098 = vector.shape_cast %get3A_2097 : vector<16xf32> to vector<16xf32>
        %add3A_2099 = arith.addf %add3A_2003, %get3A_2098 : vector<16xf32>
        %mul3A_2100 = arith.constant 32 : i32
        %mul3A_2101 = arith.muli %scan3A_48, %mul3A_2100 : i32
        %mul3A_2102 = arith.constant 128 : i32
        %mul3A_2103 = arith.muli %mul3A_2101, %mul3A_2102 : i32
        %add3A_2104 = arith.constant 2688 : i32
        %add3A_2105 = arith.addi %mul3A_2103, %add3A_2104 : i32
        %add3A_2106 = arith.constant 80 : i32
        %add3A_2107 = arith.addi %add3A_2105, %add3A_2106 : i32
        %get3A_2108 = arith.index_cast %add3A_2107 : i32 to index
        %get3A_2109 = tpu.vector_load %arg4[%get3A_2108] {strides = array<i32>} : memref<40960xf32, #tpu.memory_space<vmem>>, vector<16xf32>,
        %get3A_2110 = vector.shape_cast %get3A_2109 : vector<16xf32> to vector<16xf32>
        %add3A_2111 = arith.addf %add3A_2015, %get3A_2110 : vector<16xf32>
        %mul3A_2112 = arith.constant 32 : i32
        %mul3A_2113 = arith.muli %scan3A_48, %mul3A_2112 : i32
        %mul3A_2114 = arith.constant 128 : i32
        %mul3A_2115 = arith.muli %mul3A_2113, %mul3A_2114 : i32
        %add3A_2116 = arith.constant 2688 : i32
        %add3A_2117 = arith.addi %mul3A_2115, %add3A_2116 : i32
        %add3A_2118 = arith.constant 96 : i32
        %add3A_2119 = arith.addi %add3A_2117, %add3A_2118 : i32
        %get3A_2120 = arith.index_cast %add3A_2119 : i32 to index
        %get3A_2121 = tpu.vector_load %arg4[%get3A_2120] {strides = array<i32>} : memref<40960xf32, #tpu.memory_space<vmem>>, vector<16xf32>,
        %get3A_2122 = vector.shape_cast %get3A_2121 : vector<16xf32> to vector<16xf32>
        %add3A_2123 = arith.addf %add3A_2027, %get3A_2122 : vector<16xf32>
        %mul3A_2124 = arith.constant 32 : i32
        %mul3A_2125 = arith.muli %scan3A_48, %mul3A_2124 : i32
        %mul3A_2126 = arith.constant 128 : i32
        %mul3A_2127 = arith.muli %mul3A_2125, %mul3A_2126 : i32
        %add3A_2128 = arith.constant 2688 : i32
        %add3A_2129 = arith.addi %mul3A_2127, %add3A_2128 : i32
        %add3A_2130 = arith.constant 112 : i32
        %add3A_2131 = arith.addi %add3A_2129, %add3A_2130 : i32
        %get3A_2132 = arith.index_cast %add3A_2131 : i32 to index
        %get3A_2133 = tpu.vector_load %arg4[%get3A_2132] {strides = array<i32>} : memref<40960xf32, #tpu.memory_space<vmem>>, vector<16xf32>,
        %get3A_2134 = vector.shape_cast %get3A_2133 : vector<16xf32> to vector<16xf32>
        %add3A_2135 = arith.addf %add3A_2039, %get3A_2134 : vector<16xf32>
        %mul3A_2136 = arith.constant 32 : i32
        %mul3A_2137 = arith.muli %scan3A_48, %mul3A_2136 : i32
        %mul3A_2138 = arith.constant 128 : i32
        %mul3A_2139 = arith.muli %mul3A_2137, %mul3A_2138 : i32
        %add3A_2140 = arith.constant 2816 : i32
        %add3A_2141 = arith.addi %mul3A_2139, %add3A_2140 : i32
        %add3A_2142 = arith.constant 0 : i32
        %add3A_2143 = arith.addi %add3A_2141, %add3A_2142 : i32
        %get3A_2144 = arith.index_cast %add3A_2143 : i32 to index
        %get3A_2145 = tpu.vector_load %arg4[%get3A_2144] {strides = array<i32>} : memref<40960xf32, #tpu.memory_space<vmem>>, vector<16xf32>,
        %get3A_2146 = vector.shape_cast %get3A_2145 : vector<16xf32> to vector<16xf32>
        %add3A_2147 = arith.addf %add3A_2051, %get3A_2146 : vector<16xf32>
        %mul3A_2148 = arith.constant 32 : i32
        %mul3A_2149 = arith.muli %scan3A_48, %mul3A_2148 : i32
        %mul3A_2150 = arith.constant 128 : i32
        %mul3A_2151 = arith.muli %mul3A_2149, %mul3A_2150 : i32
        %add3A_2152 = arith.constant 2816 : i32
        %add3A_2153 = arith.addi %mul3A_2151, %add3A_2152 : i32
        %add3A_2154 = arith.constant 16 : i32
        %add3A_2155 = arith.addi %add3A_2153, %add3A_2154 : i32
        %get3A_2156 = arith.index_cast %add3A_2155 : i32 to index
        %get3A_2157 = tpu.vector_load %arg4[%get3A_2156] {strides = array<i32>} : memref<40960xf32, #tpu.memory_space<vmem>>, vector<16xf32>,
        %get3A_2158 = vector.shape_cast %get3A_2157 : vector<16xf32> to vector<16xf32>
        %add3A_2159 = arith.addf %add3A_2063, %get3A_2158 : vector<16xf32>
        %mul3A_2160 = arith.constant 32 : i32
        %mul3A_2161 = arith.muli %scan3A_48, %mul3A_2160 : i32
        %mul3A_2162 = arith.constant 128 : i32
        %mul3A_2163 = arith.muli %mul3A_2161, %mul3A_2162 : i32
        %add3A_2164 = arith.constant 2816 : i32
        %add3A_2165 = arith.addi %mul3A_2163, %add3A_2164 : i32
        %add3A_2166 = arith.constant 32 : i32
        %add3A_2167 = arith.addi %add3A_2165, %add3A_2166 : i32
        %get3A_2168 = arith.index_cast %add3A_2167 : i32 to index
        %get3A_2169 = tpu.vector_load %arg4[%get3A_2168] {strides = array<i32>} : memref<40960xf32, #tpu.memory_space<vmem>>, vector<16xf32>,
        %get3A_2170 = vector.shape_cast %get3A_2169 : vector<16xf32> to vector<16xf32>
        %add3A_2171 = arith.addf %add3A_2075, %get3A_2170 : vector<16xf32>
        %mul3A_2172 = arith.constant 32 : i32
        %mul3A_2173 = arith.muli %scan3A_48, %mul3A_2172 : i32
        %mul3A_2174 = arith.constant 128 : i32
        %mul3A_2175 = arith.muli %mul3A_2173, %mul3A_2174 : i32
        %add3A_2176 = arith.constant 2816 : i32
        %add3A_2177 = arith.addi %mul3A_2175, %add3A_2176 : i32
        %add3A_2178 = arith.constant 48 : i32
        %add3A_2179 = arith.addi %add3A_2177, %add3A_2178 : i32
        %get3A_2180 = arith.index_cast %add3A_2179 : i32 to index
        %get3A_2181 = tpu.vector_load %arg4[%get3A_2180] {strides = array<i32>} : memref<40960xf32, #tpu.memory_space<vmem>>, vector<16xf32>,
        %get3A_2182 = vector.shape_cast %get3A_2181 : vector<16xf32> to vector<16xf32>
        %add3A_2183 = arith.addf %add3A_2087, %get3A_2182 : vector<16xf32>
        %mul3A_2184 = arith.constant 32 : i32
        %mul3A_2185 = arith.muli %scan3A_48, %mul3A_2184 : i32
        %mul3A_2186 = arith.constant 128 : i32
        %mul3A_2187 = arith.muli %mul3A_2185, %mul3A_2186 : i32
        %add3A_2188 = arith.constant 2816 : i32
        %add3A_2189 = arith.addi %mul3A_2187, %add3A_2188 : i32
        %add3A_2190 = arith.constant 64 : i32
        %add3A_2191 = arith.addi %add3A_2189, %add3A_2190 : i32
        %get3A_2192 = arith.index_cast %add3A_2191 : i32 to index
        %get3A_2193 = tpu.vector_load %arg4[%get3A_2192] {strides = array<i32>} : memref<40960xf32, #tpu.memory_space<vmem>>, vector<16xf32>,
        %get3A_2194 = vector.shape_cast %get3A_2193 : vector<16xf32> to vector<16xf32>
        %add3A_2195 = arith.addf %add3A_2099, %get3A_2194 : vector<16xf32>
        %mul3A_2196 = arith.constant 32 : i32
        %mul3A_2197 = arith.muli %scan3A_48, %mul3A_2196 : i32
        %mul3A_2198 = arith.constant 128 : i32
        %mul3A_2199 = arith.muli %mul3A_2197, %mul3A_2198 : i32
        %add3A_2200 = arith.constant 2816 : i32
        %add3A_2201 = arith.addi %mul3A_2199, %add3A_2200 : i32
        %add3A_2202 = arith.constant 80 : i32
        %add3A_2203 = arith.addi %add3A_2201, %add3A_2202 : i32
        %get3A_2204 = arith.index_cast %add3A_2203 : i32 to index
        %get3A_2205 = tpu.vector_load %arg4[%get3A_2204] {strides = array<i32>} : memref<40960xf32, #tpu.memory_space<vmem>>, vector<16xf32>,
        %get3A_2206 = vector.shape_cast %get3A_2205 : vector<16xf32> to vector<16xf32>
        %add3A_2207 = arith.addf %add3A_2111, %get3A_2206 : vector<16xf32>
        %mul3A_2208 = arith.constant 32 : i32
        %mul3A_2209 = arith.muli %scan3A_48, %mul3A_2208 : i32
        %mul3A_2210 = arith.constant 128 : i32
        %mul3A_2211 = arith.muli %mul3A_2209, %mul3A_2210 : i32
        %add3A_2212 = arith.constant 2816 : i32
        %add3A_2213 = arith.addi %mul3A_2211, %add3A_2212 : i32
        %add3A_2214 = arith.constant 96 : i32
        %add3A_2215 = arith.addi %add3A_2213, %add3A_2214 : i32
        %get3A_2216 = arith.index_cast %add3A_2215 : i32 to index
        %get3A_2217 = tpu.vector_load %arg4[%get3A_2216] {strides = array<i32>} : memref<40960xf32, #tpu.memory_space<vmem>>, vector<16xf32>,
        %get3A_2218 = vector.shape_cast %get3A_2217 : vector<16xf32> to vector<16xf32>
        %add3A_2219 = arith.addf %add3A_2123, %get3A_2218 : vector<16xf32>
        %mul3A_2220 = arith.constant 32 : i32
        %mul3A_2221 = arith.muli %scan3A_48, %mul3A_2220 : i32
        %mul3A_2222 = arith.constant 128 : i32
        %mul3A_2223 = arith.muli %mul3A_2221, %mul3A_2222 : i32
        %add3A_2224 = arith.constant 2816 : i32
        %add3A_2225 = arith.addi %mul3A_2223, %add3A_2224 : i32
        %add3A_2226 = arith.constant 112 : i32
        %add3A_2227 = arith.addi %add3A_2225, %add3A_2226 : i32
        %get3A_2228 = arith.index_cast %add3A_2227 : i32 to index
        %get3A_2229 = tpu.vector_load %arg4[%get3A_2228] {strides = array<i32>} : memref<40960xf32, #tpu.memory_space<vmem>>, vector<16xf32>,
        %get3A_2230 = vector.shape_cast %get3A_2229 : vector<16xf32> to vector<16xf32>
        %add3A_2231 = arith.addf %add3A_2135, %get3A_2230 : vector<16xf32>
        %mul3A_2232 = arith.constant 32 : i32
        %mul3A_2233 = arith.muli %scan3A_48, %mul3A_2232 : i32
        %mul3A_2234 = arith.constant 128 : i32
        %mul3A_2235 = arith.muli %mul3A_2233, %mul3A_2234 : i32
        %add3A_2236 = arith.constant 2944 : i32
        %add3A_2237 = arith.addi %mul3A_2235, %add3A_2236 : i32
        %add3A_2238 = arith.constant 0 : i32
        %add3A_2239 = arith.addi %add3A_2237, %add3A_2238 : i32
        %get3A_2240 = arith.index_cast %add3A_2239 : i32 to index
        %get3A_2241 = tpu.vector_load %arg4[%get3A_2240] {strides = array<i32>} : memref<40960xf32, #tpu.memory_space<vmem>>, vector<16xf32>,
        %get3A_2242 = vector.shape_cast %get3A_2241 : vector<16xf32> to vector<16xf32>
        %add3A_2243 = arith.addf %add3A_2147, %get3A_2242 : vector<16xf32>
        %mul3A_2244 = arith.constant 32 : i32
        %mul3A_2245 = arith.muli %scan3A_48, %mul3A_2244 : i32
        %mul3A_2246 = arith.constant 128 : i32
        %mul3A_2247 = arith.muli %mul3A_2245, %mul3A_2246 : i32
        %add3A_2248 = arith.constant 2944 : i32
        %add3A_2249 = arith.addi %mul3A_2247, %add3A_2248 : i32
        %add3A_2250 = arith.constant 16 : i32
        %add3A_2251 = arith.addi %add3A_2249, %add3A_2250 : i32
        %get3A_2252 = arith.index_cast %add3A_2251 : i32 to index
        %get3A_2253 = tpu.vector_load %arg4[%get3A_2252] {strides = array<i32>} : memref<40960xf32, #tpu.memory_space<vmem>>, vector<16xf32>,
        %get3A_2254 = vector.shape_cast %get3A_2253 : vector<16xf32> to vector<16xf32>
        %add3A_2255 = arith.addf %add3A_2159, %get3A_2254 : vector<16xf32>
        %mul3A_2256 = arith.constant 32 : i32
        %mul3A_2257 = arith.muli %scan3A_48, %mul3A_2256 : i32
        %mul3A_2258 = arith.constant 128 : i32
        %mul3A_2259 = arith.muli %mul3A_2257, %mul3A_2258 : i32
        %add3A_2260 = arith.constant 2944 : i32
        %add3A_2261 = arith.addi %mul3A_2259, %add3A_2260 : i32
        %add3A_2262 = arith.constant 32 : i32
        %add3A_2263 = arith.addi %add3A_2261, %add3A_2262 : i32
        %get3A_2264 = arith.index_cast %add3A_2263 : i32 to index
        %get3A_2265 = tpu.vector_load %arg4[%get3A_2264] {strides = array<i32>} : memref<40960xf32, #tpu.memory_space<vmem>>, vector<16xf32>,
        %get3A_2266 = vector.shape_cast %get3A_2265 : vector<16xf32> to vector<16xf32>
        %add3A_2267 = arith.addf %add3A_2171, %get3A_2266 : vector<16xf32>
        %mul3A_2268 = arith.constant 32 : i32
        %mul3A_2269 = arith.muli %scan3A_48, %mul3A_2268 : i32
        %mul3A_2270 = arith.constant 128 : i32
        %mul3A_2271 = arith.muli %mul3A_2269, %mul3A_2270 : i32
        %add3A_2272 = arith.constant 2944 : i32
        %add3A_2273 = arith.addi %mul3A_2271, %add3A_2272 : i32
        %add3A_2274 = arith.constant 48 : i32
        %add3A_2275 = arith.addi %add3A_2273, %add3A_2274 : i32
        %get3A_2276 = arith.index_cast %add3A_2275 : i32 to index
        %get3A_2277 = tpu.vector_load %arg4[%get3A_2276] {strides = array<i32>} : memref<40960xf32, #tpu.memory_space<vmem>>, vector<16xf32>,
        %get3A_2278 = vector.shape_cast %get3A_2277 : vector<16xf32> to vector<16xf32>
        %add3A_2279 = arith.addf %add3A_2183, %get3A_2278 : vector<16xf32>
        %mul3A_2280 = arith.constant 32 : i32
        %mul3A_2281 = arith.muli %scan3A_48, %mul3A_2280 : i32
        %mul3A_2282 = arith.constant 128 : i32
        %mul3A_2283 = arith.muli %mul3A_2281, %mul3A_2282 : i32
        %add3A_2284 = arith.constant 2944 : i32
        %add3A_2285 = arith.addi %mul3A_2283, %add3A_2284 : i32
        %add3A_2286 = arith.constant 64 : i32
        %add3A_2287 = arith.addi %add3A_2285, %add3A_2286 : i32
        %get3A_2288 = arith.index_cast %add3A_2287 : i32 to index
        %get3A_2289 = tpu.vector_load %arg4[%get3A_2288] {strides = array<i32>} : memref<40960xf32, #tpu.memory_space<vmem>>, vector<16xf32>,
        %get3A_2290 = vector.shape_cast %get3A_2289 : vector<16xf32> to vector<16xf32>
        %add3A_2291 = arith.addf %add3A_2195, %get3A_2290 : vector<16xf32>
        %mul3A_2292 = arith.constant 32 : i32
        %mul3A_2293 = arith.muli %scan3A_48, %mul3A_2292 : i32
        %mul3A_2294 = arith.constant 128 : i32
        %mul3A_2295 = arith.muli %mul3A_2293, %mul3A_2294 : i32
        %add3A_2296 = arith.constant 2944 : i32
        %add3A_2297 = arith.addi %mul3A_2295, %add3A_2296 : i32
        %add3A_2298 = arith.constant 80 : i32
        %add3A_2299 = arith.addi %add3A_2297, %add3A_2298 : i32
        %get3A_2300 = arith.index_cast %add3A_2299 : i32 to index
        %get3A_2301 = tpu.vector_load %arg4[%get3A_2300] {strides = array<i32>} : memref<40960xf32, #tpu.memory_space<vmem>>, vector<16xf32>,
        %get3A_2302 = vector.shape_cast %get3A_2301 : vector<16xf32> to vector<16xf32>
        %add3A_2303 = arith.addf %add3A_2207, %get3A_2302 : vector<16xf32>
        %mul3A_2304 = arith.constant 32 : i32
        %mul3A_2305 = arith.muli %scan3A_48, %mul3A_2304 : i32
        %mul3A_2306 = arith.constant 128 : i32
        %mul3A_2307 = arith.muli %mul3A_2305, %mul3A_2306 : i32
        %add3A_2308 = arith.constant 2944 : i32
        %add3A_2309 = arith.addi %mul3A_2307, %add3A_2308 : i32
        %add3A_2310 = arith.constant 96 : i32
        %add3A_2311 = arith.addi %add3A_2309, %add3A_2310 : i32
        %get3A_2312 = arith.index_cast %add3A_2311 : i32 to index
        %get3A_2313 = tpu.vector_load %arg4[%get3A_2312] {strides = array<i32>} : memref<40960xf32, #tpu.memory_space<vmem>>, vector<16xf32>,
        %get3A_2314 = vector.shape_cast %get3A_2313 : vector<16xf32> to vector<16xf32>
        %add3A_2315 = arith.addf %add3A_2219, %get3A_2314 : vector<16xf32>
        %mul3A_2316 = arith.constant 32 : i32
        %mul3A_2317 = arith.muli %scan3A_48, %mul3A_2316 : i32
        %mul3A_2318 = arith.constant 128 : i32
        %mul3A_2319 = arith.muli %mul3A_2317, %mul3A_2318 : i32
        %add3A_2320 = arith.constant 2944 : i32
        %add3A_2321 = arith.addi %mul3A_2319, %add3A_2320 : i32
        %add3A_2322 = arith.constant 112 : i32
        %add3A_2323 = arith.addi %add3A_2321, %add3A_2322 : i32
        %get3A_2324 = arith.index_cast %add3A_2323 : i32 to index
        %get3A_2325 = tpu.vector_load %arg4[%get3A_2324] {strides = array<i32>} : memref<40960xf32, #tpu.memory_space<vmem>>, vector<16xf32>,
        %get3A_2326 = vector.shape_cast %get3A_2325 : vector<16xf32> to vector<16xf32>
        %add3A_2327 = arith.addf %add3A_2231, %get3A_2326 : vector<16xf32>
        %mul3A_2328 = arith.constant 32 : i32
        %mul3A_2329 = arith.muli %scan3A_48, %mul3A_2328 : i32
        %mul3A_2330 = arith.constant 128 : i32
        %mul3A_2331 = arith.muli %mul3A_2329, %mul3A_2330 : i32
        %add3A_2332 = arith.constant 3072 : i32
        %add3A_2333 = arith.addi %mul3A_2331, %add3A_2332 : i32
        %add3A_2334 = arith.constant 0 : i32
        %add3A_2335 = arith.addi %add3A_2333, %add3A_2334 : i32
        %get3A_2336 = arith.index_cast %add3A_2335 : i32 to index
        %get3A_2337 = tpu.vector_load %arg4[%get3A_2336] {strides = array<i32>} : memref<40960xf32, #tpu.memory_space<vmem>>, vector<16xf32>,
        %get3A_2338 = vector.shape_cast %get3A_2337 : vector<16xf32> to vector<16xf32>
        %add3A_2339 = arith.addf %add3A_2243, %get3A_2338 : vector<16xf32>
        %mul3A_2340 = arith.constant 32 : i32
        %mul3A_2341 = arith.muli %scan3A_48, %mul3A_2340 : i32
        %mul3A_2342 = arith.constant 128 : i32
        %mul3A_2343 = arith.muli %mul3A_2341, %mul3A_2342 : i32
        %add3A_2344 = arith.constant 3072 : i32
        %add3A_2345 = arith.addi %mul3A_2343, %add3A_2344 : i32
        %add3A_2346 = arith.constant 16 : i32
        %add3A_2347 = arith.addi %add3A_2345, %add3A_2346 : i32
        %get3A_2348 = arith.index_cast %add3A_2347 : i32 to index
        %get3A_2349 = tpu.vector_load %arg4[%get3A_2348] {strides = array<i32>} : memref<40960xf32, #tpu.memory_space<vmem>>, vector<16xf32>,
        %get3A_2350 = vector.shape_cast %get3A_2349 : vector<16xf32> to vector<16xf32>
        %add3A_2351 = arith.addf %add3A_2255, %get3A_2350 : vector<16xf32>
        %mul3A_2352 = arith.constant 32 : i32
        %mul3A_2353 = arith.muli %scan3A_48, %mul3A_2352 : i32
        %mul3A_2354 = arith.constant 128 : i32
        %mul3A_2355 = arith.muli %mul3A_2353, %mul3A_2354 : i32
        %add3A_2356 = arith.constant 3072 : i32
        %add3A_2357 = arith.addi %mul3A_2355, %add3A_2356 : i32
        %add3A_2358 = arith.constant 32 : i32
        %add3A_2359 = arith.addi %add3A_2357, %add3A_2358 : i32
        %get3A_2360 = arith.index_cast %add3A_2359 : i32 to index
        %get3A_2361 = tpu.vector_load %arg4[%get3A_2360] {strides = array<i32>} : memref<40960xf32, #tpu.memory_space<vmem>>, vector<16xf32>,
        %get3A_2362 = vector.shape_cast %get3A_2361 : vector<16xf32> to vector<16xf32>
        %add3A_2363 = arith.addf %add3A_2267, %get3A_2362 : vector<16xf32>
        %mul3A_2364 = arith.constant 32 : i32
        %mul3A_2365 = arith.muli %scan3A_48, %mul3A_2364 : i32
        %mul3A_2366 = arith.constant 128 : i32
        %mul3A_2367 = arith.muli %mul3A_2365, %mul3A_2366 : i32
        %add3A_2368 = arith.constant 3072 : i32
        %add3A_2369 = arith.addi %mul3A_2367, %add3A_2368 : i32
        %add3A_2370 = arith.constant 48 : i32
        %add3A_2371 = arith.addi %add3A_2369, %add3A_2370 : i32
        %get3A_2372 = arith.index_cast %add3A_2371 : i32 to index
        %get3A_2373 = tpu.vector_load %arg4[%get3A_2372] {strides = array<i32>} : memref<40960xf32, #tpu.memory_space<vmem>>, vector<16xf32>,
        %get3A_2374 = vector.shape_cast %get3A_2373 : vector<16xf32> to vector<16xf32>
        %add3A_2375 = arith.addf %add3A_2279, %get3A_2374 : vector<16xf32>
        %mul3A_2376 = arith.constant 32 : i32
        %mul3A_2377 = arith.muli %scan3A_48, %mul3A_2376 : i32
        %mul3A_2378 = arith.constant 128 : i32
        %mul3A_2379 = arith.muli %mul3A_2377, %mul3A_2378 : i32
        %add3A_2380 = arith.constant 3072 : i32
        %add3A_2381 = arith.addi %mul3A_2379, %add3A_2380 : i32
        %add3A_2382 = arith.constant 64 : i32
        %add3A_2383 = arith.addi %add3A_2381, %add3A_2382 : i32
        %get3A_2384 = arith.index_cast %add3A_2383 : i32 to index
        %get3A_2385 = tpu.vector_load %arg4[%get3A_2384] {strides = array<i32>} : memref<40960xf32, #tpu.memory_space<vmem>>, vector<16xf32>,
        %get3A_2386 = vector.shape_cast %get3A_2385 : vector<16xf32> to vector<16xf32>
        %add3A_2387 = arith.addf %add3A_2291, %get3A_2386 : vector<16xf32>
        %mul3A_2388 = arith.constant 32 : i32
        %mul3A_2389 = arith.muli %scan3A_48, %mul3A_2388 : i32
        %mul3A_2390 = arith.constant 128 : i32
        %mul3A_2391 = arith.muli %mul3A_2389, %mul3A_2390 : i32
        %add3A_2392 = arith.constant 3072 : i32
        %add3A_2393 = arith.addi %mul3A_2391, %add3A_2392 : i32
        %add3A_2394 = arith.constant 80 : i32
        %add3A_2395 = arith.addi %add3A_2393, %add3A_2394 : i32
        %get3A_2396 = arith.index_cast %add3A_2395 : i32 to index
        %get3A_2397 = tpu.vector_load %arg4[%get3A_2396] {strides = array<i32>} : memref<40960xf32, #tpu.memory_space<vmem>>, vector<16xf32>,
        %get3A_2398 = vector.shape_cast %get3A_2397 : vector<16xf32> to vector<16xf32>
        %add3A_2399 = arith.addf %add3A_2303, %get3A_2398 : vector<16xf32>
        %mul3A_2400 = arith.constant 32 : i32
        %mul3A_2401 = arith.muli %scan3A_48, %mul3A_2400 : i32
        %mul3A_2402 = arith.constant 128 : i32
        %mul3A_2403 = arith.muli %mul3A_2401, %mul3A_2402 : i32
        %add3A_2404 = arith.constant 3072 : i32
        %add3A_2405 = arith.addi %mul3A_2403, %add3A_2404 : i32
        %add3A_2406 = arith.constant 96 : i32
        %add3A_2407 = arith.addi %add3A_2405, %add3A_2406 : i32
        %get3A_2408 = arith.index_cast %add3A_2407 : i32 to index
        %get3A_2409 = tpu.vector_load %arg4[%get3A_2408] {strides = array<i32>} : memref<40960xf32, #tpu.memory_space<vmem>>, vector<16xf32>,
        %get3A_2410 = vector.shape_cast %get3A_2409 : vector<16xf32> to vector<16xf32>
        %add3A_2411 = arith.addf %add3A_2315, %get3A_2410 : vector<16xf32>
        %mul3A_2412 = arith.constant 32 : i32
        %mul3A_2413 = arith.muli %scan3A_48, %mul3A_2412 : i32
        %mul3A_2414 = arith.constant 128 : i32
        %mul3A_2415 = arith.muli %mul3A_2413, %mul3A_2414 : i32
        %add3A_2416 = arith.constant 3072 : i32
        %add3A_2417 = arith.addi %mul3A_2415, %add3A_2416 : i32
        %add3A_2418 = arith.constant 112 : i32
        %add3A_2419 = arith.addi %add3A_2417, %add3A_2418 : i32
        %get3A_2420 = arith.index_cast %add3A_2419 : i32 to index
        %get3A_2421 = tpu.vector_load %arg4[%get3A_2420] {strides = array<i32>} : memref<40960xf32, #tpu.memory_space<vmem>>, vector<16xf32>,
        %get3A_2422 = vector.shape_cast %get3A_2421 : vector<16xf32> to vector<16xf32>
        %add3A_2423 = arith.addf %add3A_2327, %get3A_2422 : vector<16xf32>
        %mul3A_2424 = arith.constant 32 : i32
        %mul3A_2425 = arith.muli %scan3A_48, %mul3A_2424 : i32
        %mul3A_2426 = arith.constant 128 : i32
        %mul3A_2427 = arith.muli %mul3A_2425, %mul3A_2426 : i32
        %add3A_2428 = arith.constant 3200 : i32
        %add3A_2429 = arith.addi %mul3A_2427, %add3A_2428 : i32
        %add3A_2430 = arith.constant 0 : i32
        %add3A_2431 = arith.addi %add3A_2429, %add3A_2430 : i32
        %get3A_2432 = arith.index_cast %add3A_2431 : i32 to index
        %get3A_2433 = tpu.vector_load %arg4[%get3A_2432] {strides = array<i32>} : memref<40960xf32, #tpu.memory_space<vmem>>, vector<16xf32>,
        %get3A_2434 = vector.shape_cast %get3A_2433 : vector<16xf32> to vector<16xf32>
        %add3A_2435 = arith.addf %add3A_2339, %get3A_2434 : vector<16xf32>
        %mul3A_2436 = arith.constant 32 : i32
        %mul3A_2437 = arith.muli %scan3A_48, %mul3A_2436 : i32
        %mul3A_2438 = arith.constant 128 : i32
        %mul3A_2439 = arith.muli %mul3A_2437, %mul3A_2438 : i32
        %add3A_2440 = arith.constant 3200 : i32
        %add3A_2441 = arith.addi %mul3A_2439, %add3A_2440 : i32
        %add3A_2442 = arith.constant 16 : i32
        %add3A_2443 = arith.addi %add3A_2441, %add3A_2442 : i32
        %get3A_2444 = arith.index_cast %add3A_2443 : i32 to index
        %get3A_2445 = tpu.vector_load %arg4[%get3A_2444] {strides = array<i32>} : memref<40960xf32, #tpu.memory_space<vmem>>, vector<16xf32>,
        %get3A_2446 = vector.shape_cast %get3A_2445 : vector<16xf32> to vector<16xf32>
        %add3A_2447 = arith.addf %add3A_2351, %get3A_2446 : vector<16xf32>
        %mul3A_2448 = arith.constant 32 : i32
        %mul3A_2449 = arith.muli %scan3A_48, %mul3A_2448 : i32
        %mul3A_2450 = arith.constant 128 : i32
        %mul3A_2451 = arith.muli %mul3A_2449, %mul3A_2450 : i32
        %add3A_2452 = arith.constant 3200 : i32
        %add3A_2453 = arith.addi %mul3A_2451, %add3A_2452 : i32
        %add3A_2454 = arith.constant 32 : i32
        %add3A_2455 = arith.addi %add3A_2453, %add3A_2454 : i32
        %get3A_2456 = arith.index_cast %add3A_2455 : i32 to index
        %get3A_2457 = tpu.vector_load %arg4[%get3A_2456] {strides = array<i32>} : memref<40960xf32, #tpu.memory_space<vmem>>, vector<16xf32>,
        %get3A_2458 = vector.shape_cast %get3A_2457 : vector<16xf32> to vector<16xf32>
        %add3A_2459 = arith.addf %add3A_2363, %get3A_2458 : vector<16xf32>
        %mul3A_2460 = arith.constant 32 : i32
        %mul3A_2461 = arith.muli %scan3A_48, %mul3A_2460 : i32
        %mul3A_2462 = arith.constant 128 : i32
        %mul3A_2463 = arith.muli %mul3A_2461, %mul3A_2462 : i32
        %add3A_2464 = arith.constant 3200 : i32
        %add3A_2465 = arith.addi %mul3A_2463, %add3A_2464 : i32
        %add3A_2466 = arith.constant 48 : i32
        %add3A_2467 = arith.addi %add3A_2465, %add3A_2466 : i32
        %get3A_2468 = arith.index_cast %add3A_2467 : i32 to index
        %get3A_2469 = tpu.vector_load %arg4[%get3A_2468] {strides = array<i32>} : memref<40960xf32, #tpu.memory_space<vmem>>, vector<16xf32>,
        %get3A_2470 = vector.shape_cast %get3A_2469 : vector<16xf32> to vector<16xf32>
        %add3A_2471 = arith.addf %add3A_2375, %get3A_2470 : vector<16xf32>
        %mul3A_2472 = arith.constant 32 : i32
        %mul3A_2473 = arith.muli %scan3A_48, %mul3A_2472 : i32
        %mul3A_2474 = arith.constant 128 : i32
        %mul3A_2475 = arith.muli %mul3A_2473, %mul3A_2474 : i32
        %add3A_2476 = arith.constant 3200 : i32
        %add3A_2477 = arith.addi %mul3A_2475, %add3A_2476 : i32
        %add3A_2478 = arith.constant 64 : i32
        %add3A_2479 = arith.addi %add3A_2477, %add3A_2478 : i32
        %get3A_2480 = arith.index_cast %add3A_2479 : i32 to index
        %get3A_2481 = tpu.vector_load %arg4[%get3A_2480] {strides = array<i32>} : memref<40960xf32, #tpu.memory_space<vmem>>, vector<16xf32>,
        %get3A_2482 = vector.shape_cast %get3A_2481 : vector<16xf32> to vector<16xf32>
        %add3A_2483 = arith.addf %add3A_2387, %get3A_2482 : vector<16xf32>
        %mul3A_2484 = arith.constant 32 : i32
        %mul3A_2485 = arith.muli %scan3A_48, %mul3A_2484 : i32
        %mul3A_2486 = arith.constant 128 : i32
        %mul3A_2487 = arith.muli %mul3A_2485, %mul3A_2486 : i32
        %add3A_2488 = arith.constant 3200 : i32
        %add3A_2489 = arith.addi %mul3A_2487, %add3A_2488 : i32
        %add3A_2490 = arith.constant 80 : i32
        %add3A_2491 = arith.addi %add3A_2489, %add3A_2490 : i32
        %get3A_2492 = arith.index_cast %add3A_2491 : i32 to index
        %get3A_2493 = tpu.vector_load %arg4[%get3A_2492] {strides = array<i32>} : memref<40960xf32, #tpu.memory_space<vmem>>, vector<16xf32>,
        %get3A_2494 = vector.shape_cast %get3A_2493 : vector<16xf32> to vector<16xf32>
        %add3A_2495 = arith.addf %add3A_2399, %get3A_2494 : vector<16xf32>
        %mul3A_2496 = arith.constant 32 : i32
        %mul3A_2497 = arith.muli %scan3A_48, %mul3A_2496 : i32
        %mul3A_2498 = arith.constant 128 : i32
        %mul3A_2499 = arith.muli %mul3A_2497, %mul3A_2498 : i32
        %add3A_2500 = arith.constant 3200 : i32
        %add3A_2501 = arith.addi %mul3A_2499, %add3A_2500 : i32
        %add3A_2502 = arith.constant 96 : i32
        %add3A_2503 = arith.addi %add3A_2501, %add3A_2502 : i32
        %get3A_2504 = arith.index_cast %add3A_2503 : i32 to index
        %get3A_2505 = tpu.vector_load %arg4[%get3A_2504] {strides = array<i32>} : memref<40960xf32, #tpu.memory_space<vmem>>, vector<16xf32>,
        %get3A_2506 = vector.shape_cast %get3A_2505 : vector<16xf32> to vector<16xf32>
        %add3A_2507 = arith.addf %add3A_2411, %get3A_2506 : vector<16xf32>
        %mul3A_2508 = arith.constant 32 : i32
        %mul3A_2509 = arith.muli %scan3A_48, %mul3A_2508 : i32
        %mul3A_2510 = arith.constant 128 : i32
        %mul3A_2511 = arith.muli %mul3A_2509, %mul3A_2510 : i32
        %add3A_2512 = arith.constant 3200 : i32
        %add3A_2513 = arith.addi %mul3A_2511, %add3A_2512 : i32
        %add3A_2514 = arith.constant 112 : i32
        %add3A_2515 = arith.addi %add3A_2513, %add3A_2514 : i32
        %get3A_2516 = arith.index_cast %add3A_2515 : i32 to index
        %get3A_2517 = tpu.vector_load %arg4[%get3A_2516] {strides = array<i32>} : memref<40960xf32, #tpu.memory_space<vmem>>, vector<16xf32>,
        %get3A_2518 = vector.shape_cast %get3A_2517 : vector<16xf32> to vector<16xf32>
        %add3A_2519 = arith.addf %add3A_2423, %get3A_2518 : vector<16xf32>
        %mul3A_2520 = arith.constant 32 : i32
        %mul3A_2521 = arith.muli %scan3A_48, %mul3A_2520 : i32
        %mul3A_2522 = arith.constant 128 : i32
        %mul3A_2523 = arith.muli %mul3A_2521, %mul3A_2522 : i32
        %add3A_2524 = arith.constant 3328 : i32
        %add3A_2525 = arith.addi %mul3A_2523, %add3A_2524 : i32
        %add3A_2526 = arith.constant 0 : i32
        %add3A_2527 = arith.addi %add3A_2525, %add3A_2526 : i32
        %get3A_2528 = arith.index_cast %add3A_2527 : i32 to index
        %get3A_2529 = tpu.vector_load %arg4[%get3A_2528] {strides = array<i32>} : memref<40960xf32, #tpu.memory_space<vmem>>, vector<16xf32>,
        %get3A_2530 = vector.shape_cast %get3A_2529 : vector<16xf32> to vector<16xf32>
        %add3A_2531 = arith.addf %add3A_2435, %get3A_2530 : vector<16xf32>
        %mul3A_2532 = arith.constant 32 : i32
        %mul3A_2533 = arith.muli %scan3A_48, %mul3A_2532 : i32
        %mul3A_2534 = arith.constant 128 : i32
        %mul3A_2535 = arith.muli %mul3A_2533, %mul3A_2534 : i32
        %add3A_2536 = arith.constant 3328 : i32
        %add3A_2537 = arith.addi %mul3A_2535, %add3A_2536 : i32
        %add3A_2538 = arith.constant 16 : i32
        %add3A_2539 = arith.addi %add3A_2537, %add3A_2538 : i32
        %get3A_2540 = arith.index_cast %add3A_2539 : i32 to index
        %get3A_2541 = tpu.vector_load %arg4[%get3A_2540] {strides = array<i32>} : memref<40960xf32, #tpu.memory_space<vmem>>, vector<16xf32>,
        %get3A_2542 = vector.shape_cast %get3A_2541 : vector<16xf32> to vector<16xf32>
        %add3A_2543 = arith.addf %add3A_2447, %get3A_2542 : vector<16xf32>
        %mul3A_2544 = arith.constant 32 : i32
        %mul3A_2545 = arith.muli %scan3A_48, %mul3A_2544 : i32
        %mul3A_2546 = arith.constant 128 : i32
        %mul3A_2547 = arith.muli %mul3A_2545, %mul3A_2546 : i32
        %add3A_2548 = arith.constant 3328 : i32
        %add3A_2549 = arith.addi %mul3A_2547, %add3A_2548 : i32
        %add3A_2550 = arith.constant 32 : i32
        %add3A_2551 = arith.addi %add3A_2549, %add3A_2550 : i32
        %get3A_2552 = arith.index_cast %add3A_2551 : i32 to index
        %get3A_2553 = tpu.vector_load %arg4[%get3A_2552] {strides = array<i32>} : memref<40960xf32, #tpu.memory_space<vmem>>, vector<16xf32>,
        %get3A_2554 = vector.shape_cast %get3A_2553 : vector<16xf32> to vector<16xf32>
        %add3A_2555 = arith.addf %add3A_2459, %get3A_2554 : vector<16xf32>
        %mul3A_2556 = arith.constant 32 : i32
        %mul3A_2557 = arith.muli %scan3A_48, %mul3A_2556 : i32
        %mul3A_2558 = arith.constant 128 : i32
        %mul3A_2559 = arith.muli %mul3A_2557, %mul3A_2558 : i32
        %add3A_2560 = arith.constant 3328 : i32
        %add3A_2561 = arith.addi %mul3A_2559, %add3A_2560 : i32
        %add3A_2562 = arith.constant 48 : i32
        %add3A_2563 = arith.addi %add3A_2561, %add3A_2562 : i32
        %get3A_2564 = arith.index_cast %add3A_2563 : i32 to index
        %get3A_2565 = tpu.vector_load %arg4[%get3A_2564] {strides = array<i32>} : memref<40960xf32, #tpu.memory_space<vmem>>, vector<16xf32>,
        %get3A_2566 = vector.shape_cast %get3A_2565 : vector<16xf32> to vector<16xf32>
        %add3A_2567 = arith.addf %add3A_2471, %get3A_2566 : vector<16xf32>
        %mul3A_2568 = arith.constant 32 : i32
        %mul3A_2569 = arith.muli %scan3A_48, %mul3A_2568 : i32
        %mul3A_2570 = arith.constant 128 : i32
        %mul3A_2571 = arith.muli %mul3A_2569, %mul3A_2570 : i32
        %add3A_2572 = arith.constant 3328 : i32
        %add3A_2573 = arith.addi %mul3A_2571, %add3A_2572 : i32
        %add3A_2574 = arith.constant 64 : i32
        %add3A_2575 = arith.addi %add3A_2573, %add3A_2574 : i32
        %get3A_2576 = arith.index_cast %add3A_2575 : i32 to index
        %get3A_2577 = tpu.vector_load %arg4[%get3A_2576] {strides = array<i32>} : memref<40960xf32, #tpu.memory_space<vmem>>, vector<16xf32>,
        %get3A_2578 = vector.shape_cast %get3A_2577 : vector<16xf32> to vector<16xf32>
        %add3A_2579 = arith.addf %add3A_2483, %get3A_2578 : vector<16xf32>
        %mul3A_2580 = arith.constant 32 : i32
        %mul3A_2581 = arith.muli %scan3A_48, %mul3A_2580 : i32
        %mul3A_2582 = arith.constant 128 : i32
        %mul3A_2583 = arith.muli %mul3A_2581, %mul3A_2582 : i32
        %add3A_2584 = arith.constant 3328 : i32
        %add3A_2585 = arith.addi %mul3A_2583, %add3A_2584 : i32
        %add3A_2586 = arith.constant 80 : i32
        %add3A_2587 = arith.addi %add3A_2585, %add3A_2586 : i32
        %get3A_2588 = arith.index_cast %add3A_2587 : i32 to index
        %get3A_2589 = tpu.vector_load %arg4[%get3A_2588] {strides = array<i32>} : memref<40960xf32, #tpu.memory_space<vmem>>, vector<16xf32>,
        %get3A_2590 = vector.shape_cast %get3A_2589 : vector<16xf32> to vector<16xf32>
        %add3A_2591 = arith.addf %add3A_2495, %get3A_2590 : vector<16xf32>
        %mul3A_2592 = arith.constant 32 : i32
        %mul3A_2593 = arith.muli %scan3A_48, %mul3A_2592 : i32
        %mul3A_2594 = arith.constant 128 : i32
        %mul3A_2595 = arith.muli %mul3A_2593, %mul3A_2594 : i32
        %add3A_2596 = arith.constant 3328 : i32
        %add3A_2597 = arith.addi %mul3A_2595, %add3A_2596 : i32
        %add3A_2598 = arith.constant 96 : i32
        %add3A_2599 = arith.addi %add3A_2597, %add3A_2598 : i32
        %get3A_2600 = arith.index_cast %add3A_2599 : i32 to index
        %get3A_2601 = tpu.vector_load %arg4[%get3A_2600] {strides = array<i32>} : memref<40960xf32, #tpu.memory_space<vmem>>, vector<16xf32>,
        %get3A_2602 = vector.shape_cast %get3A_2601 : vector<16xf32> to vector<16xf32>
        %add3A_2603 = arith.addf %add3A_2507, %get3A_2602 : vector<16xf32>
        %mul3A_2604 = arith.constant 32 : i32
        %mul3A_2605 = arith.muli %scan3A_48, %mul3A_2604 : i32
        %mul3A_2606 = arith.constant 128 : i32
        %mul3A_2607 = arith.muli %mul3A_2605, %mul3A_2606 : i32
        %add3A_2608 = arith.constant 3328 : i32
        %add3A_2609 = arith.addi %mul3A_2607, %add3A_2608 : i32
        %add3A_2610 = arith.constant 112 : i32
        %add3A_2611 = arith.addi %add3A_2609, %add3A_2610 : i32
        %get3A_2612 = arith.index_cast %add3A_2611 : i32 to index
        %get3A_2613 = tpu.vector_load %arg4[%get3A_2612] {strides = array<i32>} : memref<40960xf32, #tpu.memory_space<vmem>>, vector<16xf32>,
        %get3A_2614 = vector.shape_cast %get3A_2613 : vector<16xf32> to vector<16xf32>
        %add3A_2615 = arith.addf %add3A_2519, %get3A_2614 : vector<16xf32>
        %mul3A_2616 = arith.constant 32 : i32
        %mul3A_2617 = arith.muli %scan3A_48, %mul3A_2616 : i32
        %mul3A_2618 = arith.constant 128 : i32
        %mul3A_2619 = arith.muli %mul3A_2617, %mul3A_2618 : i32
        %add3A_2620 = arith.constant 3456 : i32
        %add3A_2621 = arith.addi %mul3A_2619, %add3A_2620 : i32
        %add3A_2622 = arith.constant 0 : i32
        %add3A_2623 = arith.addi %add3A_2621, %add3A_2622 : i32
        %get3A_2624 = arith.index_cast %add3A_2623 : i32 to index
        %get3A_2625 = tpu.vector_load %arg4[%get3A_2624] {strides = array<i32>} : memref<40960xf32, #tpu.memory_space<vmem>>, vector<16xf32>,
        %get3A_2626 = vector.shape_cast %get3A_2625 : vector<16xf32> to vector<16xf32>
        %add3A_2627 = arith.addf %add3A_2531, %get3A_2626 : vector<16xf32>
        %mul3A_2628 = arith.constant 32 : i32
        %mul3A_2629 = arith.muli %scan3A_48, %mul3A_2628 : i32
        %mul3A_2630 = arith.constant 128 : i32
        %mul3A_2631 = arith.muli %mul3A_2629, %mul3A_2630 : i32
        %add3A_2632 = arith.constant 3456 : i32
        %add3A_2633 = arith.addi %mul3A_2631, %add3A_2632 : i32
        %add3A_2634 = arith.constant 16 : i32
        %add3A_2635 = arith.addi %add3A_2633, %add3A_2634 : i32
        %get3A_2636 = arith.index_cast %add3A_2635 : i32 to index
        %get3A_2637 = tpu.vector_load %arg4[%get3A_2636] {strides = array<i32>} : memref<40960xf32, #tpu.memory_space<vmem>>, vector<16xf32>,
        %get3A_2638 = vector.shape_cast %get3A_2637 : vector<16xf32> to vector<16xf32>
        %add3A_2639 = arith.addf %add3A_2543, %get3A_2638 : vector<16xf32>
        %mul3A_2640 = arith.constant 32 : i32
        %mul3A_2641 = arith.muli %scan3A_48, %mul3A_2640 : i32
        %mul3A_2642 = arith.constant 128 : i32
        %mul3A_2643 = arith.muli %mul3A_2641, %mul3A_2642 : i32
        %add3A_2644 = arith.constant 3456 : i32
        %add3A_2645 = arith.addi %mul3A_2643, %add3A_2644 : i32
        %add3A_2646 = arith.constant 32 : i32
        %add3A_2647 = arith.addi %add3A_2645, %add3A_2646 : i32
        %get3A_2648 = arith.index_cast %add3A_2647 : i32 to index
        %get3A_2649 = tpu.vector_load %arg4[%get3A_2648] {strides = array<i32>} : memref<40960xf32, #tpu.memory_space<vmem>>, vector<16xf32>,
        %get3A_2650 = vector.shape_cast %get3A_2649 : vector<16xf32> to vector<16xf32>
        %add3A_2651 = arith.addf %add3A_2555, %get3A_2650 : vector<16xf32>
        %mul3A_2652 = arith.constant 32 : i32
        %mul3A_2653 = arith.muli %scan3A_48, %mul3A_2652 : i32
        %mul3A_2654 = arith.constant 128 : i32
        %mul3A_2655 = arith.muli %mul3A_2653, %mul3A_2654 : i32
        %add3A_2656 = arith.constant 3456 : i32
        %add3A_2657 = arith.addi %mul3A_2655, %add3A_2656 : i32
        %add3A_2658 = arith.constant 48 : i32
        %add3A_2659 = arith.addi %add3A_2657, %add3A_2658 : i32
        %get3A_2660 = arith.index_cast %add3A_2659 : i32 to index
        %get3A_2661 = tpu.vector_load %arg4[%get3A_2660] {strides = array<i32>} : memref<40960xf32, #tpu.memory_space<vmem>>, vector<16xf32>,
        %get3A_2662 = vector.shape_cast %get3A_2661 : vector<16xf32> to vector<16xf32>
        %add3A_2663 = arith.addf %add3A_2567, %get3A_2662 : vector<16xf32>
        %mul3A_2664 = arith.constant 32 : i32
        %mul3A_2665 = arith.muli %scan3A_48, %mul3A_2664 : i32
        %mul3A_2666 = arith.constant 128 : i32
        %mul3A_2667 = arith.muli %mul3A_2665, %mul3A_2666 : i32
        %add3A_2668 = arith.constant 3456 : i32
        %add3A_2669 = arith.addi %mul3A_2667, %add3A_2668 : i32
        %add3A_2670 = arith.constant 64 : i32
        %add3A_2671 = arith.addi %add3A_2669, %add3A_2670 : i32
        %get3A_2672 = arith.index_cast %add3A_2671 : i32 to index
        %get3A_2673 = tpu.vector_load %arg4[%get3A_2672] {strides = array<i32>} : memref<40960xf32, #tpu.memory_space<vmem>>, vector<16xf32>,
        %get3A_2674 = vector.shape_cast %get3A_2673 : vector<16xf32> to vector<16xf32>
        %add3A_2675 = arith.addf %add3A_2579, %get3A_2674 : vector<16xf32>
        %mul3A_2676 = arith.constant 32 : i32
        %mul3A_2677 = arith.muli %scan3A_48, %mul3A_2676 : i32
        %mul3A_2678 = arith.constant 128 : i32
        %mul3A_2679 = arith.muli %mul3A_2677, %mul3A_2678 : i32
        %add3A_2680 = arith.constant 3456 : i32
        %add3A_2681 = arith.addi %mul3A_2679, %add3A_2680 : i32
        %add3A_2682 = arith.constant 80 : i32
        %add3A_2683 = arith.addi %add3A_2681, %add3A_2682 : i32
        %get3A_2684 = arith.index_cast %add3A_2683 : i32 to index
        %get3A_2685 = tpu.vector_load %arg4[%get3A_2684] {strides = array<i32>} : memref<40960xf32, #tpu.memory_space<vmem>>, vector<16xf32>,
        %get3A_2686 = vector.shape_cast %get3A_2685 : vector<16xf32> to vector<16xf32>
        %add3A_2687 = arith.addf %add3A_2591, %get3A_2686 : vector<16xf32>
        %mul3A_2688 = arith.constant 32 : i32
        %mul3A_2689 = arith.muli %scan3A_48, %mul3A_2688 : i32
        %mul3A_2690 = arith.constant 128 : i32
        %mul3A_2691 = arith.muli %mul3A_2689, %mul3A_2690 : i32
        %add3A_2692 = arith.constant 3456 : i32
        %add3A_2693 = arith.addi %mul3A_2691, %add3A_2692 : i32
        %add3A_2694 = arith.constant 96 : i32
        %add3A_2695 = arith.addi %add3A_2693, %add3A_2694 : i32
        %get3A_2696 = arith.index_cast %add3A_2695 : i32 to index
        %get3A_2697 = tpu.vector_load %arg4[%get3A_2696] {strides = array<i32>} : memref<40960xf32, #tpu.memory_space<vmem>>, vector<16xf32>,
        %get3A_2698 = vector.shape_cast %get3A_2697 : vector<16xf32> to vector<16xf32>
        %add3A_2699 = arith.addf %add3A_2603, %get3A_2698 : vector<16xf32>
        %mul3A_2700 = arith.constant 32 : i32
        %mul3A_2701 = arith.muli %scan3A_48, %mul3A_2700 : i32
        %mul3A_2702 = arith.constant 128 : i32
        %mul3A_2703 = arith.muli %mul3A_2701, %mul3A_2702 : i32
        %add3A_2704 = arith.constant 3456 : i32
        %add3A_2705 = arith.addi %mul3A_2703, %add3A_2704 : i32
        %add3A_2706 = arith.constant 112 : i32
        %add3A_2707 = arith.addi %add3A_2705, %add3A_2706 : i32
        %get3A_2708 = arith.index_cast %add3A_2707 : i32 to index
        %get3A_2709 = tpu.vector_load %arg4[%get3A_2708] {strides = array<i32>} : memref<40960xf32, #tpu.memory_space<vmem>>, vector<16xf32>,
        %get3A_2710 = vector.shape_cast %get3A_2709 : vector<16xf32> to vector<16xf32>
        %add3A_2711 = arith.addf %add3A_2615, %get3A_2710 : vector<16xf32>
        %mul3A_2712 = arith.constant 32 : i32
        %mul3A_2713 = arith.muli %scan3A_48, %mul3A_2712 : i32
        %mul3A_2714 = arith.constant 128 : i32
        %mul3A_2715 = arith.muli %mul3A_2713, %mul3A_2714 : i32
        %add3A_2716 = arith.constant 3584 : i32
        %add3A_2717 = arith.addi %mul3A_2715, %add3A_2716 : i32
        %add3A_2718 = arith.constant 0 : i32
        %add3A_2719 = arith.addi %add3A_2717, %add3A_2718 : i32
        %get3A_2720 = arith.index_cast %add3A_2719 : i32 to index
        %get3A_2721 = tpu.vector_load %arg4[%get3A_2720] {strides = array<i32>} : memref<40960xf32, #tpu.memory_space<vmem>>, vector<16xf32>,
        %get3A_2722 = vector.shape_cast %get3A_2721 : vector<16xf32> to vector<16xf32>
        %add3A_2723 = arith.addf %add3A_2627, %get3A_2722 : vector<16xf32>
        %mul3A_2724 = arith.constant 32 : i32
        %mul3A_2725 = arith.muli %scan3A_48, %mul3A_2724 : i32
        %mul3A_2726 = arith.constant 128 : i32
        %mul3A_2727 = arith.muli %mul3A_2725, %mul3A_2726 : i32
        %add3A_2728 = arith.constant 3584 : i32
        %add3A_2729 = arith.addi %mul3A_2727, %add3A_2728 : i32
        %add3A_2730 = arith.constant 16 : i32
        %add3A_2731 = arith.addi %add3A_2729, %add3A_2730 : i32
        %get3A_2732 = arith.index_cast %add3A_2731 : i32 to index
        %get3A_2733 = tpu.vector_load %arg4[%get3A_2732] {strides = array<i32>} : memref<40960xf32, #tpu.memory_space<vmem>>, vector<16xf32>,
        %get3A_2734 = vector.shape_cast %get3A_2733 : vector<16xf32> to vector<16xf32>
        %add3A_2735 = arith.addf %add3A_2639, %get3A_2734 : vector<16xf32>
        %mul3A_2736 = arith.constant 32 : i32
        %mul3A_2737 = arith.muli %scan3A_48, %mul3A_2736 : i32
        %mul3A_2738 = arith.constant 128 : i32
        %mul3A_2739 = arith.muli %mul3A_2737, %mul3A_2738 : i32
        %add3A_2740 = arith.constant 3584 : i32
        %add3A_2741 = arith.addi %mul3A_2739, %add3A_2740 : i32
        %add3A_2742 = arith.constant 32 : i32
        %add3A_2743 = arith.addi %add3A_2741, %add3A_2742 : i32
        %get3A_2744 = arith.index_cast %add3A_2743 : i32 to index
        %get3A_2745 = tpu.vector_load %arg4[%get3A_2744] {strides = array<i32>} : memref<40960xf32, #tpu.memory_space<vmem>>, vector<16xf32>,
        %get3A_2746 = vector.shape_cast %get3A_2745 : vector<16xf32> to vector<16xf32>
        %add3A_2747 = arith.addf %add3A_2651, %get3A_2746 : vector<16xf32>
        %mul3A_2748 = arith.constant 32 : i32
        %mul3A_2749 = arith.muli %scan3A_48, %mul3A_2748 : i32
        %mul3A_2750 = arith.constant 128 : i32
        %mul3A_2751 = arith.muli %mul3A_2749, %mul3A_2750 : i32
        %add3A_2752 = arith.constant 3584 : i32
        %add3A_2753 = arith.addi %mul3A_2751, %add3A_2752 : i32
        %add3A_2754 = arith.constant 48 : i32
        %add3A_2755 = arith.addi %add3A_2753, %add3A_2754 : i32
        %get3A_2756 = arith.index_cast %add3A_2755 : i32 to index
        %get3A_2757 = tpu.vector_load %arg4[%get3A_2756] {strides = array<i32>} : memref<40960xf32, #tpu.memory_space<vmem>>, vector<16xf32>,
        %get3A_2758 = vector.shape_cast %get3A_2757 : vector<16xf32> to vector<16xf32>
        %add3A_2759 = arith.addf %add3A_2663, %get3A_2758 : vector<16xf32>
        %mul3A_2760 = arith.constant 32 : i32
        %mul3A_2761 = arith.muli %scan3A_48, %mul3A_2760 : i32
        %mul3A_2762 = arith.constant 128 : i32
        %mul3A_2763 = arith.muli %mul3A_2761, %mul3A_2762 : i32
        %add3A_2764 = arith.constant 3584 : i32
        %add3A_2765 = arith.addi %mul3A_2763, %add3A_2764 : i32
        %add3A_2766 = arith.constant 64 : i32
        %add3A_2767 = arith.addi %add3A_2765, %add3A_2766 : i32
        %get3A_2768 = arith.index_cast %add3A_2767 : i32 to index
        %get3A_2769 = tpu.vector_load %arg4[%get3A_2768] {strides = array<i32>} : memref<40960xf32, #tpu.memory_space<vmem>>, vector<16xf32>,
        %get3A_2770 = vector.shape_cast %get3A_2769 : vector<16xf32> to vector<16xf32>
        %add3A_2771 = arith.addf %add3A_2675, %get3A_2770 : vector<16xf32>
        %mul3A_2772 = arith.constant 32 : i32
        %mul3A_2773 = arith.muli %scan3A_48, %mul3A_2772 : i32
        %mul3A_2774 = arith.constant 128 : i32
        %mul3A_2775 = arith.muli %mul3A_2773, %mul3A_2774 : i32
        %add3A_2776 = arith.constant 3584 : i32
        %add3A_2777 = arith.addi %mul3A_2775, %add3A_2776 : i32
        %add3A_2778 = arith.constant 80 : i32
        %add3A_2779 = arith.addi %add3A_2777, %add3A_2778 : i32
        %get3A_2780 = arith.index_cast %add3A_2779 : i32 to index
        %get3A_2781 = tpu.vector_load %arg4[%get3A_2780] {strides = array<i32>} : memref<40960xf32, #tpu.memory_space<vmem>>, vector<16xf32>,
        %get3A_2782 = vector.shape_cast %get3A_2781 : vector<16xf32> to vector<16xf32>
        %add3A_2783 = arith.addf %add3A_2687, %get3A_2782 : vector<16xf32>
        %mul3A_2784 = arith.constant 32 : i32
        %mul3A_2785 = arith.muli %scan3A_48, %mul3A_2784 : i32
        %mul3A_2786 = arith.constant 128 : i32
        %mul3A_2787 = arith.muli %mul3A_2785, %mul3A_2786 : i32
        %add3A_2788 = arith.constant 3584 : i32
        %add3A_2789 = arith.addi %mul3A_2787, %add3A_2788 : i32
        %add3A_2790 = arith.constant 96 : i32
        %add3A_2791 = arith.addi %add3A_2789, %add3A_2790 : i32
        %get3A_2792 = arith.index_cast %add3A_2791 : i32 to index
        %get3A_2793 = tpu.vector_load %arg4[%get3A_2792] {strides = array<i32>} : memref<40960xf32, #tpu.memory_space<vmem>>, vector<16xf32>,
        %get3A_2794 = vector.shape_cast %get3A_2793 : vector<16xf32> to vector<16xf32>
        %add3A_2795 = arith.addf %add3A_2699, %get3A_2794 : vector<16xf32>
        %mul3A_2796 = arith.constant 32 : i32
        %mul3A_2797 = arith.muli %scan3A_48, %mul3A_2796 : i32
        %mul3A_2798 = arith.constant 128 : i32
        %mul3A_2799 = arith.muli %mul3A_2797, %mul3A_2798 : i32
        %add3A_2800 = arith.constant 3584 : i32
        %add3A_2801 = arith.addi %mul3A_2799, %add3A_2800 : i32
        %add3A_2802 = arith.constant 112 : i32
        %add3A_2803 = arith.addi %add3A_2801, %add3A_2802 : i32
        %get3A_2804 = arith.index_cast %add3A_2803 : i32 to index
        %get3A_2805 = tpu.vector_load %arg4[%get3A_2804] {strides = array<i32>} : memref<40960xf32, #tpu.memory_space<vmem>>, vector<16xf32>,
        %get3A_2806 = vector.shape_cast %get3A_2805 : vector<16xf32> to vector<16xf32>
        %add3A_2807 = arith.addf %add3A_2711, %get3A_2806 : vector<16xf32>
        %mul3A_2808 = arith.constant 32 : i32
        %mul3A_2809 = arith.muli %scan3A_48, %mul3A_2808 : i32
        %mul3A_2810 = arith.constant 128 : i32
        %mul3A_2811 = arith.muli %mul3A_2809, %mul3A_2810 : i32
        %add3A_2812 = arith.constant 3712 : i32
        %add3A_2813 = arith.addi %mul3A_2811, %add3A_2812 : i32
        %add3A_2814 = arith.constant 0 : i32
        %add3A_2815 = arith.addi %add3A_2813, %add3A_2814 : i32
        %get3A_2816 = arith.index_cast %add3A_2815 : i32 to index
        %get3A_2817 = tpu.vector_load %arg4[%get3A_2816] {strides = array<i32>} : memref<40960xf32, #tpu.memory_space<vmem>>, vector<16xf32>,
        %get3A_2818 = vector.shape_cast %get3A_2817 : vector<16xf32> to vector<16xf32>
        %add3A_2819 = arith.addf %add3A_2723, %get3A_2818 : vector<16xf32>
        %mul3A_2820 = arith.constant 32 : i32
        %mul3A_2821 = arith.muli %scan3A_48, %mul3A_2820 : i32
        %mul3A_2822 = arith.constant 128 : i32
        %mul3A_2823 = arith.muli %mul3A_2821, %mul3A_2822 : i32
        %add3A_2824 = arith.constant 3712 : i32
        %add3A_2825 = arith.addi %mul3A_2823, %add3A_2824 : i32
        %add3A_2826 = arith.constant 16 : i32
        %add3A_2827 = arith.addi %add3A_2825, %add3A_2826 : i32
        %get3A_2828 = arith.index_cast %add3A_2827 : i32 to index
        %get3A_2829 = tpu.vector_load %arg4[%get3A_2828] {strides = array<i32>} : memref<40960xf32, #tpu.memory_space<vmem>>, vector<16xf32>,
        %get3A_2830 = vector.shape_cast %get3A_2829 : vector<16xf32> to vector<16xf32>
        %add3A_2831 = arith.addf %add3A_2735, %get3A_2830 : vector<16xf32>
        %mul3A_2832 = arith.constant 32 : i32
        %mul3A_2833 = arith.muli %scan3A_48, %mul3A_2832 : i32
        %mul3A_2834 = arith.constant 128 : i32
        %mul3A_2835 = arith.muli %mul3A_2833, %mul3A_2834 : i32
        %add3A_2836 = arith.constant 3712 : i32
        %add3A_2837 = arith.addi %mul3A_2835, %add3A_2836 : i32
        %add3A_2838 = arith.constant 32 : i32
        %add3A_2839 = arith.addi %add3A_2837, %add3A_2838 : i32
        %get3A_2840 = arith.index_cast %add3A_2839 : i32 to index
        %get3A_2841 = tpu.vector_load %arg4[%get3A_2840] {strides = array<i32>} : memref<40960xf32, #tpu.memory_space<vmem>>, vector<16xf32>,
        %get3A_2842 = vector.shape_cast %get3A_2841 : vector<16xf32> to vector<16xf32>
        %add3A_2843 = arith.addf %add3A_2747, %get3A_2842 : vector<16xf32>
        %mul3A_2844 = arith.constant 32 : i32
        %mul3A_2845 = arith.muli %scan3A_48, %mul3A_2844 : i32
        %mul3A_2846 = arith.constant 128 : i32
        %mul3A_2847 = arith.muli %mul3A_2845, %mul3A_2846 : i32
        %add3A_2848 = arith.constant 3712 : i32
        %add3A_2849 = arith.addi %mul3A_2847, %add3A_2848 : i32
        %add3A_2850 = arith.constant 48 : i32
        %add3A_2851 = arith.addi %add3A_2849, %add3A_2850 : i32
        %get3A_2852 = arith.index_cast %add3A_2851 : i32 to index
        %get3A_2853 = tpu.vector_load %arg4[%get3A_2852] {strides = array<i32>} : memref<40960xf32, #tpu.memory_space<vmem>>, vector<16xf32>,
        %get3A_2854 = vector.shape_cast %get3A_2853 : vector<16xf32> to vector<16xf32>
        %add3A_2855 = arith.addf %add3A_2759, %get3A_2854 : vector<16xf32>
        %mul3A_2856 = arith.constant 32 : i32
        %mul3A_2857 = arith.muli %scan3A_48, %mul3A_2856 : i32
        %mul3A_2858 = arith.constant 128 : i32
        %mul3A_2859 = arith.muli %mul3A_2857, %mul3A_2858 : i32
        %add3A_2860 = arith.constant 3712 : i32
        %add3A_2861 = arith.addi %mul3A_2859, %add3A_2860 : i32
        %add3A_2862 = arith.constant 64 : i32
        %add3A_2863 = arith.addi %add3A_2861, %add3A_2862 : i32
        %get3A_2864 = arith.index_cast %add3A_2863 : i32 to index
        %get3A_2865 = tpu.vector_load %arg4[%get3A_2864] {strides = array<i32>} : memref<40960xf32, #tpu.memory_space<vmem>>, vector<16xf32>,
        %get3A_2866 = vector.shape_cast %get3A_2865 : vector<16xf32> to vector<16xf32>
        %add3A_2867 = arith.addf %add3A_2771, %get3A_2866 : vector<16xf32>
        %mul3A_2868 = arith.constant 32 : i32
        %mul3A_2869 = arith.muli %scan3A_48, %mul3A_2868 : i32
        %mul3A_2870 = arith.constant 128 : i32
        %mul3A_2871 = arith.muli %mul3A_2869, %mul3A_2870 : i32
        %add3A_2872 = arith.constant 3712 : i32
        %add3A_2873 = arith.addi %mul3A_2871, %add3A_2872 : i32
        %add3A_2874 = arith.constant 80 : i32
        %add3A_2875 = arith.addi %add3A_2873, %add3A_2874 : i32
        %get3A_2876 = arith.index_cast %add3A_2875 : i32 to index
        %get3A_2877 = tpu.vector_load %arg4[%get3A_2876] {strides = array<i32>} : memref<40960xf32, #tpu.memory_space<vmem>>, vector<16xf32>,
        %get3A_2878 = vector.shape_cast %get3A_2877 : vector<16xf32> to vector<16xf32>
        %add3A_2879 = arith.addf %add3A_2783, %get3A_2878 : vector<16xf32>
        %mul3A_2880 = arith.constant 32 : i32
        %mul3A_2881 = arith.muli %scan3A_48, %mul3A_2880 : i32
        %mul3A_2882 = arith.constant 128 : i32
        %mul3A_2883 = arith.muli %mul3A_2881, %mul3A_2882 : i32
        %add3A_2884 = arith.constant 3712 : i32
        %add3A_2885 = arith.addi %mul3A_2883, %add3A_2884 : i32
        %add3A_2886 = arith.constant 96 : i32
        %add3A_2887 = arith.addi %add3A_2885, %add3A_2886 : i32
        %get3A_2888 = arith.index_cast %add3A_2887 : i32 to index
        %get3A_2889 = tpu.vector_load %arg4[%get3A_2888] {strides = array<i32>} : memref<40960xf32, #tpu.memory_space<vmem>>, vector<16xf32>,
        %get3A_2890 = vector.shape_cast %get3A_2889 : vector<16xf32> to vector<16xf32>
        %add3A_2891 = arith.addf %add3A_2795, %get3A_2890 : vector<16xf32>
        %mul3A_2892 = arith.constant 32 : i32
        %mul3A_2893 = arith.muli %scan3A_48, %mul3A_2892 : i32
        %mul3A_2894 = arith.constant 128 : i32
        %mul3A_2895 = arith.muli %mul3A_2893, %mul3A_2894 : i32
        %add3A_2896 = arith.constant 3712 : i32
        %add3A_2897 = arith.addi %mul3A_2895, %add3A_2896 : i32
        %add3A_2898 = arith.constant 112 : i32
        %add3A_2899 = arith.addi %add3A_2897, %add3A_2898 : i32
        %get3A_2900 = arith.index_cast %add3A_2899 : i32 to index
        %get3A_2901 = tpu.vector_load %arg4[%get3A_2900] {strides = array<i32>} : memref<40960xf32, #tpu.memory_space<vmem>>, vector<16xf32>,
        %get3A_2902 = vector.shape_cast %get3A_2901 : vector<16xf32> to vector<16xf32>
        %add3A_2903 = arith.addf %add3A_2807, %get3A_2902 : vector<16xf32>
        %mul3A_2904 = arith.constant 32 : i32
        %mul3A_2905 = arith.muli %scan3A_48, %mul3A_2904 : i32
        %mul3A_2906 = arith.constant 128 : i32
        %mul3A_2907 = arith.muli %mul3A_2905, %mul3A_2906 : i32
        %add3A_2908 = arith.constant 3840 : i32
        %add3A_2909 = arith.addi %mul3A_2907, %add3A_2908 : i32
        %add3A_2910 = arith.constant 0 : i32
        %add3A_2911 = arith.addi %add3A_2909, %add3A_2910 : i32
        %get3A_2912 = arith.index_cast %add3A_2911 : i32 to index
        %get3A_2913 = tpu.vector_load %arg4[%get3A_2912] {strides = array<i32>} : memref<40960xf32, #tpu.memory_space<vmem>>, vector<16xf32>,
        %get3A_2914 = vector.shape_cast %get3A_2913 : vector<16xf32> to vector<16xf32>
        %add3A_2915 = arith.addf %add3A_2819, %get3A_2914 : vector<16xf32>
        %mul3A_2916 = arith.constant 32 : i32
        %mul3A_2917 = arith.muli %scan3A_48, %mul3A_2916 : i32
        %mul3A_2918 = arith.constant 128 : i32
        %mul3A_2919 = arith.muli %mul3A_2917, %mul3A_2918 : i32
        %add3A_2920 = arith.constant 3840 : i32
        %add3A_2921 = arith.addi %mul3A_2919, %add3A_2920 : i32
        %add3A_2922 = arith.constant 16 : i32
        %add3A_2923 = arith.addi %add3A_2921, %add3A_2922 : i32
        %get3A_2924 = arith.index_cast %add3A_2923 : i32 to index
        %get3A_2925 = tpu.vector_load %arg4[%get3A_2924] {strides = array<i32>} : memref<40960xf32, #tpu.memory_space<vmem>>, vector<16xf32>,
        %get3A_2926 = vector.shape_cast %get3A_2925 : vector<16xf32> to vector<16xf32>
        %add3A_2927 = arith.addf %add3A_2831, %get3A_2926 : vector<16xf32>
        %mul3A_2928 = arith.constant 32 : i32
        %mul3A_2929 = arith.muli %scan3A_48, %mul3A_2928 : i32
        %mul3A_2930 = arith.constant 128 : i32
        %mul3A_2931 = arith.muli %mul3A_2929, %mul3A_2930 : i32
        %add3A_2932 = arith.constant 3840 : i32
        %add3A_2933 = arith.addi %mul3A_2931, %add3A_2932 : i32
        %add3A_2934 = arith.constant 32 : i32
        %add3A_2935 = arith.addi %add3A_2933, %add3A_2934 : i32
        %get3A_2936 = arith.index_cast %add3A_2935 : i32 to index
        %get3A_2937 = tpu.vector_load %arg4[%get3A_2936] {strides = array<i32>} : memref<40960xf32, #tpu.memory_space<vmem>>, vector<16xf32>,
        %get3A_2938 = vector.shape_cast %get3A_2937 : vector<16xf32> to vector<16xf32>
        %add3A_2939 = arith.addf %add3A_2843, %get3A_2938 : vector<16xf32>
        %mul3A_2940 = arith.constant 32 : i32
        %mul3A_2941 = arith.muli %scan3A_48, %mul3A_2940 : i32
        %mul3A_2942 = arith.constant 128 : i32
        %mul3A_2943 = arith.muli %mul3A_2941, %mul3A_2942 : i32
        %add3A_2944 = arith.constant 3840 : i32
        %add3A_2945 = arith.addi %mul3A_2943, %add3A_2944 : i32
        %add3A_2946 = arith.constant 48 : i32
        %add3A_2947 = arith.addi %add3A_2945, %add3A_2946 : i32
        %get3A_2948 = arith.index_cast %add3A_2947 : i32 to index
        %get3A_2949 = tpu.vector_load %arg4[%get3A_2948] {strides = array<i32>} : memref<40960xf32, #tpu.memory_space<vmem>>, vector<16xf32>,
        %get3A_2950 = vector.shape_cast %get3A_2949 : vector<16xf32> to vector<16xf32>
        %add3A_2951 = arith.addf %add3A_2855, %get3A_2950 : vector<16xf32>
        %mul3A_2952 = arith.constant 32 : i32
        %mul3A_2953 = arith.muli %scan3A_48, %mul3A_2952 : i32
        %mul3A_2954 = arith.constant 128 : i32
        %mul3A_2955 = arith.muli %mul3A_2953, %mul3A_2954 : i32
        %add3A_2956 = arith.constant 3840 : i32
        %add3A_2957 = arith.addi %mul3A_2955, %add3A_2956 : i32
        %add3A_2958 = arith.constant 64 : i32
        %add3A_2959 = arith.addi %add3A_2957, %add3A_2958 : i32
        %get3A_2960 = arith.index_cast %add3A_2959 : i32 to index
        %get3A_2961 = tpu.vector_load %arg4[%get3A_2960] {strides = array<i32>} : memref<40960xf32, #tpu.memory_space<vmem>>, vector<16xf32>,
        %get3A_2962 = vector.shape_cast %get3A_2961 : vector<16xf32> to vector<16xf32>
        %add3A_2963 = arith.addf %add3A_2867, %get3A_2962 : vector<16xf32>
        %mul3A_2964 = arith.constant 32 : i32
        %mul3A_2965 = arith.muli %scan3A_48, %mul3A_2964 : i32
        %mul3A_2966 = arith.constant 128 : i32
        %mul3A_2967 = arith.muli %mul3A_2965, %mul3A_2966 : i32
        %add3A_2968 = arith.constant 3840 : i32
        %add3A_2969 = arith.addi %mul3A_2967, %add3A_2968 : i32
        %add3A_2970 = arith.constant 80 : i32
        %add3A_2971 = arith.addi %add3A_2969, %add3A_2970 : i32
        %get3A_2972 = arith.index_cast %add3A_2971 : i32 to index
        %get3A_2973 = tpu.vector_load %arg4[%get3A_2972] {strides = array<i32>} : memref<40960xf32, #tpu.memory_space<vmem>>, vector<16xf32>,
        %get3A_2974 = vector.shape_cast %get3A_2973 : vector<16xf32> to vector<16xf32>
        %add3A_2975 = arith.addf %add3A_2879, %get3A_2974 : vector<16xf32>
        %mul3A_2976 = arith.constant 32 : i32
        %mul3A_2977 = arith.muli %scan3A_48, %mul3A_2976 : i32
        %mul3A_2978 = arith.constant 128 : i32
        %mul3A_2979 = arith.muli %mul3A_2977, %mul3A_2978 : i32
        %add3A_2980 = arith.constant 3840 : i32
        %add3A_2981 = arith.addi %mul3A_2979, %add3A_2980 : i32
        %add3A_2982 = arith.constant 96 : i32
        %add3A_2983 = arith.addi %add3A_2981, %add3A_2982 : i32
        %get3A_2984 = arith.index_cast %add3A_2983 : i32 to index
        %get3A_2985 = tpu.vector_load %arg4[%get3A_2984] {strides = array<i32>} : memref<40960xf32, #tpu.memory_space<vmem>>, vector<16xf32>,
        %get3A_2986 = vector.shape_cast %get3A_2985 : vector<16xf32> to vector<16xf32>
        %add3A_2987 = arith.addf %add3A_2891, %get3A_2986 : vector<16xf32>
        %mul3A_2988 = arith.constant 32 : i32
        %mul3A_2989 = arith.muli %scan3A_48, %mul3A_2988 : i32
        %mul3A_2990 = arith.constant 128 : i32
        %mul3A_2991 = arith.muli %mul3A_2989, %mul3A_2990 : i32
        %add3A_2992 = arith.constant 3840 : i32
        %add3A_2993 = arith.addi %mul3A_2991, %add3A_2992 : i32
        %add3A_2994 = arith.constant 112 : i32
        %add3A_2995 = arith.addi %add3A_2993, %add3A_2994 : i32
        %get3A_2996 = arith.index_cast %add3A_2995 : i32 to index
        %get3A_2997 = tpu.vector_load %arg4[%get3A_2996] {strides = array<i32>} : memref<40960xf32, #tpu.memory_space<vmem>>, vector<16xf32>,
        %get3A_2998 = vector.shape_cast %get3A_2997 : vector<16xf32> to vector<16xf32>
        %add3A_2999 = arith.addf %add3A_2903, %get3A_2998 : vector<16xf32>
        %mul3A_3000 = arith.constant 32 : i32
        %mul3A_3001 = arith.muli %scan3A_48, %mul3A_3000 : i32
        %mul3A_3002 = arith.constant 128 : i32
        %mul3A_3003 = arith.muli %mul3A_3001, %mul3A_3002 : i32
        %add3A_3004 = arith.constant 3968 : i32
        %add3A_3005 = arith.addi %mul3A_3003, %add3A_3004 : i32
        %add3A_3006 = arith.constant 0 : i32
        %add3A_3007 = arith.addi %add3A_3005, %add3A_3006 : i32
        %get3A_3008 = arith.index_cast %add3A_3007 : i32 to index
        %get3A_3009 = tpu.vector_load %arg4[%get3A_3008] {strides = array<i32>} : memref<40960xf32, #tpu.memory_space<vmem>>, vector<16xf32>,
        %get3A_3010 = vector.shape_cast %get3A_3009 : vector<16xf32> to vector<16xf32>
        %add3A_3011 = arith.addf %add3A_2915, %get3A_3010 : vector<16xf32>
        %mul3A_3012 = arith.constant 32 : i32
        %mul3A_3013 = arith.muli %scan3A_48, %mul3A_3012 : i32
        %mul3A_3014 = arith.constant 128 : i32
        %mul3A_3015 = arith.muli %mul3A_3013, %mul3A_3014 : i32
        %add3A_3016 = arith.constant 3968 : i32
        %add3A_3017 = arith.addi %mul3A_3015, %add3A_3016 : i32
        %add3A_3018 = arith.constant 16 : i32
        %add3A_3019 = arith.addi %add3A_3017, %add3A_3018 : i32
        %get3A_3020 = arith.index_cast %add3A_3019 : i32 to index
        %get3A_3021 = tpu.vector_load %arg4[%get3A_3020] {strides = array<i32>} : memref<40960xf32, #tpu.memory_space<vmem>>, vector<16xf32>,
        %get3A_3022 = vector.shape_cast %get3A_3021 : vector<16xf32> to vector<16xf32>
        %add3A_3023 = arith.addf %add3A_2927, %get3A_3022 : vector<16xf32>
        %mul3A_3024 = arith.constant 32 : i32
        %mul3A_3025 = arith.muli %scan3A_48, %mul3A_3024 : i32
        %mul3A_3026 = arith.constant 128 : i32
        %mul3A_3027 = arith.muli %mul3A_3025, %mul3A_3026 : i32
        %add3A_3028 = arith.constant 3968 : i32
        %add3A_3029 = arith.addi %mul3A_3027, %add3A_3028 : i32
        %add3A_3030 = arith.constant 32 : i32
        %add3A_3031 = arith.addi %add3A_3029, %add3A_3030 : i32
        %get3A_3032 = arith.index_cast %add3A_3031 : i32 to index
        %get3A_3033 = tpu.vector_load %arg4[%get3A_3032] {strides = array<i32>} : memref<40960xf32, #tpu.memory_space<vmem>>, vector<16xf32>,
        %get3A_3034 = vector.shape_cast %get3A_3033 : vector<16xf32> to vector<16xf32>
        %add3A_3035 = arith.addf %add3A_2939, %get3A_3034 : vector<16xf32>
        %mul3A_3036 = arith.constant 32 : i32
        %mul3A_3037 = arith.muli %scan3A_48, %mul3A_3036 : i32
        %mul3A_3038 = arith.constant 128 : i32
        %mul3A_3039 = arith.muli %mul3A_3037, %mul3A_3038 : i32
        %add3A_3040 = arith.constant 3968 : i32
        %add3A_3041 = arith.addi %mul3A_3039, %add3A_3040 : i32
        %add3A_3042 = arith.constant 48 : i32
        %add3A_3043 = arith.addi %add3A_3041, %add3A_3042 : i32
        %get3A_3044 = arith.index_cast %add3A_3043 : i32 to index
        %get3A_3045 = tpu.vector_load %arg4[%get3A_3044] {strides = array<i32>} : memref<40960xf32, #tpu.memory_space<vmem>>, vector<16xf32>,
        %get3A_3046 = vector.shape_cast %get3A_3045 : vector<16xf32> to vector<16xf32>
        %add3A_3047 = arith.addf %add3A_2951, %get3A_3046 : vector<16xf32>
        %mul3A_3048 = arith.constant 32 : i32
        %mul3A_3049 = arith.muli %scan3A_48, %mul3A_3048 : i32
        %mul3A_3050 = arith.constant 128 : i32
        %mul3A_3051 = arith.muli %mul3A_3049, %mul3A_3050 : i32
        %add3A_3052 = arith.constant 3968 : i32
        %add3A_3053 = arith.addi %mul3A_3051, %add3A_3052 : i32
        %add3A_3054 = arith.constant 64 : i32
        %add3A_3055 = arith.addi %add3A_3053, %add3A_3054 : i32
        %get3A_3056 = arith.index_cast %add3A_3055 : i32 to index
        %get3A_3057 = tpu.vector_load %arg4[%get3A_3056] {strides = array<i32>} : memref<40960xf32, #tpu.memory_space<vmem>>, vector<16xf32>,
        %get3A_3058 = vector.shape_cast %get3A_3057 : vector<16xf32> to vector<16xf32>
        %add3A_3059 = arith.addf %add3A_2963, %get3A_3058 : vector<16xf32>
        %mul3A_3060 = arith.constant 32 : i32
        %mul3A_3061 = arith.muli %scan3A_48, %mul3A_3060 : i32
        %mul3A_3062 = arith.constant 128 : i32
        %mul3A_3063 = arith.muli %mul3A_3061, %mul3A_3062 : i32
        %add3A_3064 = arith.constant 3968 : i32
        %add3A_3065 = arith.addi %mul3A_3063, %add3A_3064 : i32
        %add3A_3066 = arith.constant 80 : i32
        %add3A_3067 = arith.addi %add3A_3065, %add3A_3066 : i32
        %get3A_3068 = arith.index_cast %add3A_3067 : i32 to index
        %get3A_3069 = tpu.vector_load %arg4[%get3A_3068] {strides = array<i32>} : memref<40960xf32, #tpu.memory_space<vmem>>, vector<16xf32>,
        %get3A_3070 = vector.shape_cast %get3A_3069 : vector<16xf32> to vector<16xf32>
        %add3A_3071 = arith.addf %add3A_2975, %get3A_3070 : vector<16xf32>
        %mul3A_3072 = arith.constant 32 : i32
        %mul3A_3073 = arith.muli %scan3A_48, %mul3A_3072 : i32
        %mul3A_3074 = arith.constant 128 : i32
        %mul3A_3075 = arith.muli %mul3A_3073, %mul3A_3074 : i32
        %add3A_3076 = arith.constant 3968 : i32
        %add3A_3077 = arith.addi %mul3A_3075, %add3A_3076 : i32
        %add3A_3078 = arith.constant 96 : i32
        %add3A_3079 = arith.addi %add3A_3077, %add3A_3078 : i32
        %get3A_3080 = arith.index_cast %add3A_3079 : i32 to index
        %get3A_3081 = tpu.vector_load %arg4[%get3A_3080] {strides = array<i32>} : memref<40960xf32, #tpu.memory_space<vmem>>, vector<16xf32>,
        %get3A_3082 = vector.shape_cast %get3A_3081 : vector<16xf32> to vector<16xf32>
        %add3A_3083 = arith.addf %add3A_2987, %get3A_3082 : vector<16xf32>
        %mul3A_3084 = arith.constant 32 : i32
        %mul3A_3085 = arith.muli %scan3A_48, %mul3A_3084 : i32
        %mul3A_3086 = arith.constant 128 : i32
        %mul3A_3087 = arith.muli %mul3A_3085, %mul3A_3086 : i32
        %add3A_3088 = arith.constant 3968 : i32
        %add3A_3089 = arith.addi %mul3A_3087, %add3A_3088 : i32
        %add3A_3090 = arith.constant 112 : i32
        %add3A_3091 = arith.addi %add3A_3089, %add3A_3090 : i32
        %get3A_3092 = arith.index_cast %add3A_3091 : i32 to index
        %get3A_3093 = tpu.vector_load %arg4[%get3A_3092] {strides = array<i32>} : memref<40960xf32, #tpu.memory_space<vmem>>, vector<16xf32>,
        %get3A_3094 = vector.shape_cast %get3A_3093 : vector<16xf32> to vector<16xf32>
        %add3A_3095 = arith.addf %add3A_2999, %get3A_3094 : vector<16xf32>
        %mul3A_3096 = arith.constant 10 : i32
        %mul3A_3097 = arith.muli %mul3A_21, %mul3A_3096 : i32
        %add3A_3098 = arith.addi %mul3A_3097, %scan3A_48 : i32
        %mul3A_3099 = arith.constant 128 : i32
        %mul3A_3100 = arith.muli %add3A_3098, %mul3A_3099 : i32
        %add3A_3101 = arith.constant 0 : i32
        %add3A_3102 = arith.addi %mul3A_3100, %add3A_3101 : i32
        %swap3A = arith.index_cast %add3A_3102 : i32 to index
        %swap3A_3103 = tpu.vector_load %arg6[%swap3A] {strides = array<i32>} : memref<19200xf32, #tpu.memory_space<vmem>>, vector<16xf32>,
        %swap3A_3104 = vector.shape_cast %swap3A_3103 : vector<16xf32> to vector<16xf32>
        %swap3A_3105 = vector.shape_cast %add3A_3011 : vector<16xf32> to vector<16xf32>
        tpu.vector_store %arg6[%swap3A], %swap3A_3105 {strides = array<i32>} : memref<19200xf32, #tpu.memory_space<vmem>>, vector<16xf32>,
        %mul3A_3106 = arith.constant 10 : i32
        %mul3A_3107 = arith.muli %mul3A_21, %mul3A_3106 : i32
        %add3A_3108 = arith.addi %mul3A_3107, %scan3A_48 : i32
        %mul3A_3109 = arith.constant 128 : i32
        %mul3A_3110 = arith.muli %add3A_3108, %mul3A_3109 : i32
        %add3A_3111 = arith.constant 16 : i32
        %add3A_3112 = arith.addi %mul3A_3110, %add3A_3111 : i32
        %swap3A_3113 = arith.index_cast %add3A_3112 : i32 to index
        %swap3A_3114 = tpu.vector_load %arg6[%swap3A_3113] {strides = array<i32>} : memref<19200xf32, #tpu.memory_space<vmem>>, vector<16xf32>,
        %swap3A_3115 = vector.shape_cast %swap3A_3114 : vector<16xf32> to vector<16xf32>
        %swap3A_3116 = vector.shape_cast %add3A_3023 : vector<16xf32> to vector<16xf32>
        tpu.vector_store %arg6[%swap3A_3113], %swap3A_3116 {strides = array<i32>} : memref<19200xf32, #tpu.memory_space<vmem>>, vector<16xf32>,
        %mul3A_3117 = arith.constant 10 : i32
        %mul3A_3118 = arith.muli %mul3A_21, %mul3A_3117 : i32
        %add3A_3119 = arith.addi %mul3A_3118, %scan3A_48 : i32
        %mul3A_3120 = arith.constant 128 : i32
        %mul3A_3121 = arith.muli %add3A_3119, %mul3A_3120 : i32
        %add3A_3122 = arith.constant 32 : i32
        %add3A_3123 = arith.addi %mul3A_3121, %add3A_3122 : i32
        %swap3A_3124 = arith.index_cast %add3A_3123 : i32 to index
        %swap3A_3125 = tpu.vector_load %arg6[%swap3A_3124] {strides = array<i32>} : memref<19200xf32, #tpu.memory_space<vmem>>, vector<16xf32>,
        %swap3A_3126 = vector.shape_cast %swap3A_3125 : vector<16xf32> to vector<16xf32>
        %swap3A_3127 = vector.shape_cast %add3A_3035 : vector<16xf32> to vector<16xf32>
        tpu.vector_store %arg6[%swap3A_3124], %swap3A_3127 {strides = array<i32>} : memref<19200xf32, #tpu.memory_space<vmem>>, vector<16xf32>,
        %mul3A_3128 = arith.constant 10 : i32
        %mul3A_3129 = arith.muli %mul3A_21, %mul3A_3128 : i32
        %add3A_3130 = arith.addi %mul3A_3129, %scan3A_48 : i32
        %mul3A_3131 = arith.constant 128 : i32
        %mul3A_3132 = arith.muli %add3A_3130, %mul3A_3131 : i32
        %add3A_3133 = arith.constant 48 : i32
        %add3A_3134 = arith.addi %mul3A_3132, %add3A_3133 : i32
        %swap3A_3135 = arith.index_cast %add3A_3134 : i32 to index
        %swap3A_3136 = tpu.vector_load %arg6[%swap3A_3135] {strides = array<i32>} : memref<19200xf32, #tpu.memory_space<vmem>>, vector<16xf32>,
        %swap3A_3137 = vector.shape_cast %swap3A_3136 : vector<16xf32> to vector<16xf32>
        %swap3A_3138 = vector.shape_cast %add3A_3047 : vector<16xf32> to vector<16xf32>
        tpu.vector_store %arg6[%swap3A_3135], %swap3A_3138 {strides = array<i32>} : memref<19200xf32, #tpu.memory_space<vmem>>, vector<16xf32>,
        %mul3A_3139 = arith.constant 10 : i32
        %mul3A_3140 = arith.muli %mul3A_21, %mul3A_3139 : i32
        %add3A_3141 = arith.addi %mul3A_3140, %scan3A_48 : i32
        %mul3A_3142 = arith.constant 128 : i32
        %mul3A_3143 = arith.muli %add3A_3141, %mul3A_3142 : i32
        %add3A_3144 = arith.constant 64 : i32
        %add3A_3145 = arith.addi %mul3A_3143, %add3A_3144 : i32
        %swap3A_3146 = arith.index_cast %add3A_3145 : i32 to index
        %swap3A_3147 = tpu.vector_load %arg6[%swap3A_3146] {strides = array<i32>} : memref<19200xf32, #tpu.memory_space<vmem>>, vector<16xf32>,
        %swap3A_3148 = vector.shape_cast %swap3A_3147 : vector<16xf32> to vector<16xf32>
        %swap3A_3149 = vector.shape_cast %add3A_3059 : vector<16xf32> to vector<16xf32>
        tpu.vector_store %arg6[%swap3A_3146], %swap3A_3149 {strides = array<i32>} : memref<19200xf32, #tpu.memory_space<vmem>>, vector<16xf32>,
        %mul3A_3150 = arith.constant 10 : i32
        %mul3A_3151 = arith.muli %mul3A_21, %mul3A_3150 : i32
        %add3A_3152 = arith.addi %mul3A_3151, %scan3A_48 : i32
        %mul3A_3153 = arith.constant 128 : i32
        %mul3A_3154 = arith.muli %add3A_3152, %mul3A_3153 : i32
        %add3A_3155 = arith.constant 80 : i32
        %add3A_3156 = arith.addi %mul3A_3154, %add3A_3155 : i32
        %swap3A_3157 = arith.index_cast %add3A_3156 : i32 to index
        %swap3A_3158 = tpu.vector_load %arg6[%swap3A_3157] {strides = array<i32>} : memref<19200xf32, #tpu.memory_space<vmem>>, vector<16xf32>,
        %swap3A_3159 = vector.shape_cast %swap3A_3158 : vector<16xf32> to vector<16xf32>
        %swap3A_3160 = vector.shape_cast %add3A_3071 : vector<16xf32> to vector<16xf32>
        tpu.vector_store %arg6[%swap3A_3157], %swap3A_3160 {strides = array<i32>} : memref<19200xf32, #tpu.memory_space<vmem>>, vector<16xf32>,
        %mul3A_3161 = arith.constant 10 : i32
        %mul3A_3162 = arith.muli %mul3A_21, %mul3A_3161 : i32
        %add3A_3163 = arith.addi %mul3A_3162, %scan3A_48 : i32
        %mul3A_3164 = arith.constant 128 : i32
        %mul3A_3165 = arith.muli %add3A_3163, %mul3A_3164 : i32
        %add3A_3166 = arith.constant 96 : i32
        %add3A_3167 = arith.addi %mul3A_3165, %add3A_3166 : i32
        %swap3A_3168 = arith.index_cast %add3A_3167 : i32 to index
        %swap3A_3169 = tpu.vector_load %arg6[%swap3A_3168] {strides = array<i32>} : memref<19200xf32, #tpu.memory_space<vmem>>, vector<16xf32>,
        %swap3A_3170 = vector.shape_cast %swap3A_3169 : vector<16xf32> to vector<16xf32>
        %swap3A_3171 = vector.shape_cast %add3A_3083 : vector<16xf32> to vector<16xf32>
        tpu.vector_store %arg6[%swap3A_3168], %swap3A_3171 {strides = array<i32>} : memref<19200xf32, #tpu.memory_space<vmem>>, vector<16xf32>,
        %mul3A_3172 = arith.constant 10 : i32
        %mul3A_3173 = arith.muli %mul3A_21, %mul3A_3172 : i32
        %add3A_3174 = arith.addi %mul3A_3173, %scan3A_48 : i32
        %mul3A_3175 = arith.constant 128 : i32
        %mul3A_3176 = arith.muli %add3A_3174, %mul3A_3175 : i32
        %add3A_3177 = arith.constant 112 : i32
        %add3A_3178 = arith.addi %mul3A_3176, %add3A_3177 : i32
        %swap3A_3179 = arith.index_cast %add3A_3178 : i32 to index
        %swap3A_3180 = tpu.vector_load %arg6[%swap3A_3179] {strides = array<i32>} : memref<19200xf32, #tpu.memory_space<vmem>>, vector<16xf32>,
        %swap3A_3181 = vector.shape_cast %swap3A_3180 : vector<16xf32> to vector<16xf32>
        %swap3A_3182 = vector.shape_cast %add3A_3095 : vector<16xf32> to vector<16xf32>
        tpu.vector_store %arg6[%swap3A_3179], %swap3A_3182 {strides = array<i32>} : memref<19200xf32, #tpu.memory_space<vmem>>, vector<16xf32>,
      }
      %scan3A_40 = arith.constant 10 : i32
      %add3A_41 = arith.constant 1 : i32
      %add3A_42 = arith.addi %mul3A_21, %add3A_41 : i32
      %lt3A_43 = arith.constant 15 : i32
      %lt3A_44 = arith.cmpi slt, %add3A_42, %lt3A_43 : i32
      %convert_element_type3A_45 = arith.extui %lt3A_44 : i1 to i32
      %cond3A_46 = arith.constant 0 : i32
      %cond3A_47 = arith.cmpi ne, %convert_element_type3A_45, %cond3A_46 : i32
      scf.if %cond3A_47 {
        %add3A_48 = arith.constant 0 : i32
        %add3A_49 = arith.addi %mul3A_2, %add3A_48 : i32
        %mul3A_50 = arith.constant 32 : i32
        %mul3A_51 = arith.muli %add3A_49, %mul3A_50 : i32
        %add3A_52 = arith.constant 166400 : i32
        %add3A_53 = arith.addi %add3A_52, %mul3A_51 : i32
        %mul3A_54 = arith.constant 128 : i32
        %mul3A_55 = arith.muli %add3A_53, %mul3A_54 : i32
        %dma_wait3A_56 = tpu.memref_slice %arg2[%mul3A_55] : memref<40960000xf32, #tpu.memory_space<hbm>> -> memref<40960xf32, #tpu.memory_space<hbm>>
        %dma_wait3A_57 = tpu.memref_slice %arg2[%mul3A_55] : memref<40960000xf32, #tpu.memory_space<hbm>> -> memref<40960xf32, #tpu.memory_space<hbm>>
        tpu.wait_dma2 semaphore(%arg8 : memref<!tpu.dma_semaphore, #tpu.memory_space<semaphore_mem>>) src(%dma_wait3A_57 : memref<40960xf32, #tpu.memory_space<hbm>>) dst(%arg5 : memref<40960xf32, #tpu.memory_space<vmem>>)
        %add3A_58 = arith.constant 2 : i32
        %add3A_59 = arith.addi %mul3A_21, %add3A_58 : i32
        %lt3A_60 = arith.constant 15 : i32
        %lt3A_61 = arith.cmpi slt, %add3A_59, %lt3A_60 : i32
        %convert_element_type3A_62 = arith.extui %lt3A_61 : i1 to i32
        %cond3A_63 = arith.constant 0 : i32
        %cond3A_64 = arith.cmpi ne, %convert_element_type3A_62, %cond3A_63 : i32
        scf.if %cond3A_64 {
          %add3A_73 = arith.constant 2 : i32
          %add3A_74 = arith.addi %mul3A_21, %add3A_73 : i32
          %mul3A_75 = arith.constant 10 : i32
          %mul3A_76 = arith.muli %add3A_74, %mul3A_75 : i32
          %add3A_77 = arith.addi %mul3A_2, %mul3A_76 : i32
          %mul3A_78 = arith.constant 32 : i32
          %mul3A_79 = arith.muli %add3A_77, %mul3A_78 : i32
          %add3A_80 = arith.constant 166400 : i32
          %add3A_81 = arith.addi %add3A_80, %mul3A_79 : i32
          %mul3A_82 = arith.constant 128 : i32
          %mul3A_83 = arith.muli %add3A_81, %mul3A_82 : i32
          %dma_start3A_84 = tpu.memref_slice %arg2[%mul3A_83] : memref<40960000xf32, #tpu.memory_space<hbm>> -> memref<40960xf32, #tpu.memory_space<hbm>>
          %dma_start3A_85 = tpu.memref_slice %arg2[%mul3A_83] : memref<40960000xf32, #tpu.memory_space<hbm>> -> memref<40960xf32, #tpu.memory_space<hbm>>
          tpu.enqueue_dma source(%dma_start3A_85 : memref<40960xf32, #tpu.memory_space<hbm>>) target(%arg4 : memref<40960xf32, #tpu.memory_space<vmem>>) target_semaphore(%arg7 : memref<!tpu.dma_semaphore, #tpu.memory_space<semaphore_mem>>)
        } else {
        }
        %add3A_65 = arith.constant 1 : i32
        %add3A_66 = arith.addi %mul3A_21, %add3A_65 : i32
        %scan3A_67 = arith.constant 0 : i32
        %scan3A_68 = arith.constant 0 : i32
        %scan3A_69 = arith.constant 10 : i32
        %scan3A_70 = arith.addi %scan3A_68, %scan3A_69 : i32
        %scan3A_71 = arith.constant 1 : i32
        scf.for %scan3A_73 = %scan3A_68 to %scan3A_70 step %scan3A_71  : i32 {
          %mul3A_74 = arith.constant 32 : i32
          %mul3A_75 = arith.muli %scan3A_73, %mul3A_74 : i32
          %mul3A_76 = arith.constant 128 : i32
          %mul3A_77 = arith.muli %mul3A_75, %mul3A_76 : i32
          %add3A_78 = arith.constant 0 : i32
          %add3A_79 = arith.addi %mul3A_77, %add3A_78 : i32
          %get3A = arith.index_cast %add3A_79 : i32 to index
          %get3A_80 = tpu.vector_load %arg5[%get3A] {strides = array<i32>} : memref<40960xf32, #tpu.memory_space<vmem>>, vector<16xf32>,
          %get3A_81 = vector.shape_cast %get3A_80 : vector<16xf32> to vector<16xf32>
          %mul3A_82 = arith.constant 32 : i32
          %mul3A_83 = arith.muli %scan3A_73, %mul3A_82 : i32
          %mul3A_84 = arith.constant 128 : i32
          %mul3A_85 = arith.muli %mul3A_83, %mul3A_84 : i32
          %add3A_86 = arith.constant 16 : i32
          %add3A_87 = arith.addi %mul3A_85, %add3A_86 : i32
          %get3A_88 = arith.index_cast %add3A_87 : i32 to index
          %get3A_89 = tpu.vector_load %arg5[%get3A_88] {strides = array<i32>} : memref<40960xf32, #tpu.memory_space<vmem>>, vector<16xf32>,
          %get3A_90 = vector.shape_cast %get3A_89 : vector<16xf32> to vector<16xf32>
          %mul3A_91 = arith.constant 32 : i32
          %mul3A_92 = arith.muli %scan3A_73, %mul3A_91 : i32
          %mul3A_93 = arith.constant 128 : i32
          %mul3A_94 = arith.muli %mul3A_92, %mul3A_93 : i32
          %add3A_95 = arith.constant 32 : i32
          %add3A_96 = arith.addi %mul3A_94, %add3A_95 : i32
          %get3A_97 = arith.index_cast %add3A_96 : i32 to index
          %get3A_98 = tpu.vector_load %arg5[%get3A_97] {strides = array<i32>} : memref<40960xf32, #tpu.memory_space<vmem>>, vector<16xf32>,
          %get3A_99 = vector.shape_cast %get3A_98 : vector<16xf32> to vector<16xf32>
          %mul3A_100 = arith.constant 32 : i32
          %mul3A_101 = arith.muli %scan3A_73, %mul3A_100 : i32
          %mul3A_102 = arith.constant 128 : i32
          %mul3A_103 = arith.muli %mul3A_101, %mul3A_102 : i32
          %add3A_104 = arith.constant 48 : i32
          %add3A_105 = arith.addi %mul3A_103, %add3A_104 : i32
          %get3A_106 = arith.index_cast %add3A_105 : i32 to index
          %get3A_107 = tpu.vector_load %arg5[%get3A_106] {strides = array<i32>} : memref<40960xf32, #tpu.memory_space<vmem>>, vector<16xf32>,
          %get3A_108 = vector.shape_cast %get3A_107 : vector<16xf32> to vector<16xf32>
          %mul3A_109 = arith.constant 32 : i32
          %mul3A_110 = arith.muli %scan3A_73, %mul3A_109 : i32
          %mul3A_111 = arith.constant 128 : i32
          %mul3A_112 = arith.muli %mul3A_110, %mul3A_111 : i32
          %add3A_113 = arith.constant 64 : i32
          %add3A_114 = arith.addi %mul3A_112, %add3A_113 : i32
          %get3A_115 = arith.index_cast %add3A_114 : i32 to index
          %get3A_116 = tpu.vector_load %arg5[%get3A_115] {strides = array<i32>} : memref<40960xf32, #tpu.memory_space<vmem>>, vector<16xf32>,
          %get3A_117 = vector.shape_cast %get3A_116 : vector<16xf32> to vector<16xf32>
          %mul3A_118 = arith.constant 32 : i32
          %mul3A_119 = arith.muli %scan3A_73, %mul3A_118 : i32
          %mul3A_120 = arith.constant 128 : i32
          %mul3A_121 = arith.muli %mul3A_119, %mul3A_120 : i32
          %add3A_122 = arith.constant 80 : i32
          %add3A_123 = arith.addi %mul3A_121, %add3A_122 : i32
          %get3A_124 = arith.index_cast %add3A_123 : i32 to index
          %get3A_125 = tpu.vector_load %arg5[%get3A_124] {strides = array<i32>} : memref<40960xf32, #tpu.memory_space<vmem>>, vector<16xf32>,
          %get3A_126 = vector.shape_cast %get3A_125 : vector<16xf32> to vector<16xf32>
          %mul3A_127 = arith.constant 32 : i32
          %mul3A_128 = arith.muli %scan3A_73, %mul3A_127 : i32
          %mul3A_129 = arith.constant 128 : i32
          %mul3A_130 = arith.muli %mul3A_128, %mul3A_129 : i32
          %add3A_131 = arith.constant 96 : i32
          %add3A_132 = arith.addi %mul3A_130, %add3A_131 : i32
          %get3A_133 = arith.index_cast %add3A_132 : i32 to index
          %get3A_134 = tpu.vector_load %arg5[%get3A_133] {strides = array<i32>} : memref<40960xf32, #tpu.memory_space<vmem>>, vector<16xf32>,
          %get3A_135 = vector.shape_cast %get3A_134 : vector<16xf32> to vector<16xf32>
          %mul3A_136 = arith.constant 32 : i32
          %mul3A_137 = arith.muli %scan3A_73, %mul3A_136 : i32
          %mul3A_138 = arith.constant 128 : i32
          %mul3A_139 = arith.muli %mul3A_137, %mul3A_138 : i32
          %add3A_140 = arith.constant 112 : i32
          %add3A_141 = arith.addi %mul3A_139, %add3A_140 : i32
          %get3A_142 = arith.index_cast %add3A_141 : i32 to index
          %get3A_143 = tpu.vector_load %arg5[%get3A_142] {strides = array<i32>} : memref<40960xf32, #tpu.memory_space<vmem>>, vector<16xf32>,
          %get3A_144 = vector.shape_cast %get3A_143 : vector<16xf32> to vector<16xf32>
          %mul3A_145 = arith.constant 32 : i32
          %mul3A_146 = arith.muli %scan3A_73, %mul3A_145 : i32
          %mul3A_147 = arith.constant 128 : i32
          %mul3A_148 = arith.muli %mul3A_146, %mul3A_147 : i32
          %add3A_149 = arith.constant 128 : i32
          %add3A_150 = arith.addi %mul3A_148, %add3A_149 : i32
          %add3A_151 = arith.constant 0 : i32
          %add3A_152 = arith.addi %add3A_150, %add3A_151 : i32
          %get3A_153 = arith.index_cast %add3A_152 : i32 to index
          %get3A_154 = tpu.vector_load %arg5[%get3A_153] {strides = array<i32>} : memref<40960xf32, #tpu.memory_space<vmem>>, vector<16xf32>,
          %get3A_155 = vector.shape_cast %get3A_154 : vector<16xf32> to vector<16xf32>
          %add3A_156 = arith.addf %get3A_81, %get3A_155 : vector<16xf32>
          %mul3A_157 = arith.constant 32 : i32
          %mul3A_158 = arith.muli %scan3A_73, %mul3A_157 : i32
          %mul3A_159 = arith.constant 128 : i32
          %mul3A_160 = arith.muli %mul3A_158, %mul3A_159 : i32
          %add3A_161 = arith.constant 128 : i32
          %add3A_162 = arith.addi %mul3A_160, %add3A_161 : i32
          %add3A_163 = arith.constant 16 : i32
          %add3A_164 = arith.addi %add3A_162, %add3A_163 : i32
          %get3A_165 = arith.index_cast %add3A_164 : i32 to index
          %get3A_166 = tpu.vector_load %arg5[%get3A_165] {strides = array<i32>} : memref<40960xf32, #tpu.memory_space<vmem>>, vector<16xf32>,
          %get3A_167 = vector.shape_cast %get3A_166 : vector<16xf32> to vector<16xf32>
          %add3A_168 = arith.addf %get3A_90, %get3A_167 : vector<16xf32>
          %mul3A_169 = arith.constant 32 : i32
          %mul3A_170 = arith.muli %scan3A_73, %mul3A_169 : i32
          %mul3A_171 = arith.constant 128 : i32
          %mul3A_172 = arith.muli %mul3A_170, %mul3A_171 : i32
          %add3A_173 = arith.constant 128 : i32
          %add3A_174 = arith.addi %mul3A_172, %add3A_173 : i32
          %add3A_175 = arith.constant 32 : i32
          %add3A_176 = arith.addi %add3A_174, %add3A_175 : i32
          %get3A_177 = arith.index_cast %add3A_176 : i32 to index
          %get3A_178 = tpu.vector_load %arg5[%get3A_177] {strides = array<i32>} : memref<40960xf32, #tpu.memory_space<vmem>>, vector<16xf32>,
          %get3A_179 = vector.shape_cast %get3A_178 : vector<16xf32> to vector<16xf32>
          %add3A_180 = arith.addf %get3A_99, %get3A_179 : vector<16xf32>
          %mul3A_181 = arith.constant 32 : i32
          %mul3A_182 = arith.muli %scan3A_73, %mul3A_181 : i32
          %mul3A_183 = arith.constant 128 : i32
          %mul3A_184 = arith.muli %mul3A_182, %mul3A_183 : i32
          %add3A_185 = arith.constant 128 : i32
          %add3A_186 = arith.addi %mul3A_184, %add3A_185 : i32
          %add3A_187 = arith.constant 48 : i32
          %add3A_188 = arith.addi %add3A_186, %add3A_187 : i32
          %get3A_189 = arith.index_cast %add3A_188 : i32 to index
          %get3A_190 = tpu.vector_load %arg5[%get3A_189] {strides = array<i32>} : memref<40960xf32, #tpu.memory_space<vmem>>, vector<16xf32>,
          %get3A_191 = vector.shape_cast %get3A_190 : vector<16xf32> to vector<16xf32>
          %add3A_192 = arith.addf %get3A_108, %get3A_191 : vector<16xf32>
          %mul3A_193 = arith.constant 32 : i32
          %mul3A_194 = arith.muli %scan3A_73, %mul3A_193 : i32
          %mul3A_195 = arith.constant 128 : i32
          %mul3A_196 = arith.muli %mul3A_194, %mul3A_195 : i32
          %add3A_197 = arith.constant 128 : i32
          %add3A_198 = arith.addi %mul3A_196, %add3A_197 : i32
          %add3A_199 = arith.constant 64 : i32
          %add3A_200 = arith.addi %add3A_198, %add3A_199 : i32
          %get3A_201 = arith.index_cast %add3A_200 : i32 to index
          %get3A_202 = tpu.vector_load %arg5[%get3A_201] {strides = array<i32>} : memref<40960xf32, #tpu.memory_space<vmem>>, vector<16xf32>,
          %get3A_203 = vector.shape_cast %get3A_202 : vector<16xf32> to vector<16xf32>
          %add3A_204 = arith.addf %get3A_117, %get3A_203 : vector<16xf32>
          %mul3A_205 = arith.constant 32 : i32
          %mul3A_206 = arith.muli %scan3A_73, %mul3A_205 : i32
          %mul3A_207 = arith.constant 128 : i32
          %mul3A_208 = arith.muli %mul3A_206, %mul3A_207 : i32
          %add3A_209 = arith.constant 128 : i32
          %add3A_210 = arith.addi %mul3A_208, %add3A_209 : i32
          %add3A_211 = arith.constant 80 : i32
          %add3A_212 = arith.addi %add3A_210, %add3A_211 : i32
          %get3A_213 = arith.index_cast %add3A_212 : i32 to index
          %get3A_214 = tpu.vector_load %arg5[%get3A_213] {strides = array<i32>} : memref<40960xf32, #tpu.memory_space<vmem>>, vector<16xf32>,
          %get3A_215 = vector.shape_cast %get3A_214 : vector<16xf32> to vector<16xf32>
          %add3A_216 = arith.addf %get3A_126, %get3A_215 : vector<16xf32>
          %mul3A_217 = arith.constant 32 : i32
          %mul3A_218 = arith.muli %scan3A_73, %mul3A_217 : i32
          %mul3A_219 = arith.constant 128 : i32
          %mul3A_220 = arith.muli %mul3A_218, %mul3A_219 : i32
          %add3A_221 = arith.constant 128 : i32
          %add3A_222 = arith.addi %mul3A_220, %add3A_221 : i32
          %add3A_223 = arith.constant 96 : i32
          %add3A_224 = arith.addi %add3A_222, %add3A_223 : i32
          %get3A_225 = arith.index_cast %add3A_224 : i32 to index
          %get3A_226 = tpu.vector_load %arg5[%get3A_225] {strides = array<i32>} : memref<40960xf32, #tpu.memory_space<vmem>>, vector<16xf32>,
          %get3A_227 = vector.shape_cast %get3A_226 : vector<16xf32> to vector<16xf32>
          %add3A_228 = arith.addf %get3A_135, %get3A_227 : vector<16xf32>
          %mul3A_229 = arith.constant 32 : i32
          %mul3A_230 = arith.muli %scan3A_73, %mul3A_229 : i32
          %mul3A_231 = arith.constant 128 : i32
          %mul3A_232 = arith.muli %mul3A_230, %mul3A_231 : i32
          %add3A_233 = arith.constant 128 : i32
          %add3A_234 = arith.addi %mul3A_232, %add3A_233 : i32
          %add3A_235 = arith.constant 112 : i32
          %add3A_236 = arith.addi %add3A_234, %add3A_235 : i32
          %get3A_237 = arith.index_cast %add3A_236 : i32 to index
          %get3A_238 = tpu.vector_load %arg5[%get3A_237] {strides = array<i32>} : memref<40960xf32, #tpu.memory_space<vmem>>, vector<16xf32>,
          %get3A_239 = vector.shape_cast %get3A_238 : vector<16xf32> to vector<16xf32>
          %add3A_240 = arith.addf %get3A_144, %get3A_239 : vector<16xf32>
          %mul3A_241 = arith.constant 32 : i32
          %mul3A_242 = arith.muli %scan3A_73, %mul3A_241 : i32
          %mul3A_243 = arith.constant 128 : i32
          %mul3A_244 = arith.muli %mul3A_242, %mul3A_243 : i32
          %add3A_245 = arith.constant 256 : i32
          %add3A_246 = arith.addi %mul3A_244, %add3A_245 : i32
          %add3A_247 = arith.constant 0 : i32
          %add3A_248 = arith.addi %add3A_246, %add3A_247 : i32
          %get3A_249 = arith.index_cast %add3A_248 : i32 to index
          %get3A_250 = tpu.vector_load %arg5[%get3A_249] {strides = array<i32>} : memref<40960xf32, #tpu.memory_space<vmem>>, vector<16xf32>,
          %get3A_251 = vector.shape_cast %get3A_250 : vector<16xf32> to vector<16xf32>
          %add3A_252 = arith.addf %add3A_156, %get3A_251 : vector<16xf32>
          %mul3A_253 = arith.constant 32 : i32
          %mul3A_254 = arith.muli %scan3A_73, %mul3A_253 : i32
          %mul3A_255 = arith.constant 128 : i32
          %mul3A_256 = arith.muli %mul3A_254, %mul3A_255 : i32
          %add3A_257 = arith.constant 256 : i32
          %add3A_258 = arith.addi %mul3A_256, %add3A_257 : i32
          %add3A_259 = arith.constant 16 : i32
          %add3A_260 = arith.addi %add3A_258, %add3A_259 : i32
          %get3A_261 = arith.index_cast %add3A_260 : i32 to index
          %get3A_262 = tpu.vector_load %arg5[%get3A_261] {strides = array<i32>} : memref<40960xf32, #tpu.memory_space<vmem>>, vector<16xf32>,
          %get3A_263 = vector.shape_cast %get3A_262 : vector<16xf32> to vector<16xf32>
          %add3A_264 = arith.addf %add3A_168, %get3A_263 : vector<16xf32>
          %mul3A_265 = arith.constant 32 : i32
          %mul3A_266 = arith.muli %scan3A_73, %mul3A_265 : i32
          %mul3A_267 = arith.constant 128 : i32
          %mul3A_268 = arith.muli %mul3A_266, %mul3A_267 : i32
          %add3A_269 = arith.constant 256 : i32
          %add3A_270 = arith.addi %mul3A_268, %add3A_269 : i32
          %add3A_271 = arith.constant 32 : i32
          %add3A_272 = arith.addi %add3A_270, %add3A_271 : i32
          %get3A_273 = arith.index_cast %add3A_272 : i32 to index
          %get3A_274 = tpu.vector_load %arg5[%get3A_273] {strides = array<i32>} : memref<40960xf32, #tpu.memory_space<vmem>>, vector<16xf32>,
          %get3A_275 = vector.shape_cast %get3A_274 : vector<16xf32> to vector<16xf32>
          %add3A_276 = arith.addf %add3A_180, %get3A_275 : vector<16xf32>
          %mul3A_277 = arith.constant 32 : i32
          %mul3A_278 = arith.muli %scan3A_73, %mul3A_277 : i32
          %mul3A_279 = arith.constant 128 : i32
          %mul3A_280 = arith.muli %mul3A_278, %mul3A_279 : i32
          %add3A_281 = arith.constant 256 : i32
          %add3A_282 = arith.addi %mul3A_280, %add3A_281 : i32
          %add3A_283 = arith.constant 48 : i32
          %add3A_284 = arith.addi %add3A_282, %add3A_283 : i32
          %get3A_285 = arith.index_cast %add3A_284 : i32 to index
          %get3A_286 = tpu.vector_load %arg5[%get3A_285] {strides = array<i32>} : memref<40960xf32, #tpu.memory_space<vmem>>, vector<16xf32>,
          %get3A_287 = vector.shape_cast %get3A_286 : vector<16xf32> to vector<16xf32>
          %add3A_288 = arith.addf %add3A_192, %get3A_287 : vector<16xf32>
          %mul3A_289 = arith.constant 32 : i32
          %mul3A_290 = arith.muli %scan3A_73, %mul3A_289 : i32
          %mul3A_291 = arith.constant 128 : i32
          %mul3A_292 = arith.muli %mul3A_290, %mul3A_291 : i32
          %add3A_293 = arith.constant 256 : i32
          %add3A_294 = arith.addi %mul3A_292, %add3A_293 : i32
          %add3A_295 = arith.constant 64 : i32
          %add3A_296 = arith.addi %add3A_294, %add3A_295 : i32
          %get3A_297 = arith.index_cast %add3A_296 : i32 to index
          %get3A_298 = tpu.vector_load %arg5[%get3A_297] {strides = array<i32>} : memref<40960xf32, #tpu.memory_space<vmem>>, vector<16xf32>,
          %get3A_299 = vector.shape_cast %get3A_298 : vector<16xf32> to vector<16xf32>
          %add3A_300 = arith.addf %add3A_204, %get3A_299 : vector<16xf32>
          %mul3A_301 = arith.constant 32 : i32
          %mul3A_302 = arith.muli %scan3A_73, %mul3A_301 : i32
          %mul3A_303 = arith.constant 128 : i32
          %mul3A_304 = arith.muli %mul3A_302, %mul3A_303 : i32
          %add3A_305 = arith.constant 256 : i32
          %add3A_306 = arith.addi %mul3A_304, %add3A_305 : i32
          %add3A_307 = arith.constant 80 : i32
          %add3A_308 = arith.addi %add3A_306, %add3A_307 : i32
          %get3A_309 = arith.index_cast %add3A_308 : i32 to index
          %get3A_310 = tpu.vector_load %arg5[%get3A_309] {strides = array<i32>} : memref<40960xf32, #tpu.memory_space<vmem>>, vector<16xf32>,
          %get3A_311 = vector.shape_cast %get3A_310 : vector<16xf32> to vector<16xf32>
          %add3A_312 = arith.addf %add3A_216, %get3A_311 : vector<16xf32>
          %mul3A_313 = arith.constant 32 : i32
          %mul3A_314 = arith.muli %scan3A_73, %mul3A_313 : i32
          %mul3A_315 = arith.constant 128 : i32
          %mul3A_316 = arith.muli %mul3A_314, %mul3A_315 : i32
          %add3A_317 = arith.constant 256 : i32
          %add3A_318 = arith.addi %mul3A_316, %add3A_317 : i32
          %add3A_319 = arith.constant 96 : i32
          %add3A_320 = arith.addi %add3A_318, %add3A_319 : i32
          %get3A_321 = arith.index_cast %add3A_320 : i32 to index
          %get3A_322 = tpu.vector_load %arg5[%get3A_321] {strides = array<i32>} : memref<40960xf32, #tpu.memory_space<vmem>>, vector<16xf32>,
          %get3A_323 = vector.shape_cast %get3A_322 : vector<16xf32> to vector<16xf32>
          %add3A_324 = arith.addf %add3A_228, %get3A_323 : vector<16xf32>
          %mul3A_325 = arith.constant 32 : i32
          %mul3A_326 = arith.muli %scan3A_73, %mul3A_325 : i32
          %mul3A_327 = arith.constant 128 : i32
          %mul3A_328 = arith.muli %mul3A_326, %mul3A_327 : i32
          %add3A_329 = arith.constant 256 : i32
          %add3A_330 = arith.addi %mul3A_328, %add3A_329 : i32
          %add3A_331 = arith.constant 112 : i32
          %add3A_332 = arith.addi %add3A_330, %add3A_331 : i32
          %get3A_333 = arith.index_cast %add3A_332 : i32 to index
          %get3A_334 = tpu.vector_load %arg5[%get3A_333] {strides = array<i32>} : memref<40960xf32, #tpu.memory_space<vmem>>, vector<16xf32>,
          %get3A_335 = vector.shape_cast %get3A_334 : vector<16xf32> to vector<16xf32>
          %add3A_336 = arith.addf %add3A_240, %get3A_335 : vector<16xf32>
          %mul3A_337 = arith.constant 32 : i32
          %mul3A_338 = arith.muli %scan3A_73, %mul3A_337 : i32
          %mul3A_339 = arith.constant 128 : i32
          %mul3A_340 = arith.muli %mul3A_338, %mul3A_339 : i32
          %add3A_341 = arith.constant 384 : i32
          %add3A_342 = arith.addi %mul3A_340, %add3A_341 : i32
          %add3A_343 = arith.constant 0 : i32
          %add3A_344 = arith.addi %add3A_342, %add3A_343 : i32
          %get3A_345 = arith.index_cast %add3A_344 : i32 to index
          %get3A_346 = tpu.vector_load %arg5[%get3A_345] {strides = array<i32>} : memref<40960xf32, #tpu.memory_space<vmem>>, vector<16xf32>,
          %get3A_347 = vector.shape_cast %get3A_346 : vector<16xf32> to vector<16xf32>
          %add3A_348 = arith.addf %add3A_252, %get3A_347 : vector<16xf32>
          %mul3A_349 = arith.constant 32 : i32
          %mul3A_350 = arith.muli %scan3A_73, %mul3A_349 : i32
          %mul3A_351 = arith.constant 128 : i32
          %mul3A_352 = arith.muli %mul3A_350, %mul3A_351 : i32
          %add3A_353 = arith.constant 384 : i32
          %add3A_354 = arith.addi %mul3A_352, %add3A_353 : i32
          %add3A_355 = arith.constant 16 : i32
          %add3A_356 = arith.addi %add3A_354, %add3A_355 : i32
          %get3A_357 = arith.index_cast %add3A_356 : i32 to index
          %get3A_358 = tpu.vector_load %arg5[%get3A_357] {strides = array<i32>} : memref<40960xf32, #tpu.memory_space<vmem>>, vector<16xf32>,
          %get3A_359 = vector.shape_cast %get3A_358 : vector<16xf32> to vector<16xf32>
          %add3A_360 = arith.addf %add3A_264, %get3A_359 : vector<16xf32>
          %mul3A_361 = arith.constant 32 : i32
          %mul3A_362 = arith.muli %scan3A_73, %mul3A_361 : i32
          %mul3A_363 = arith.constant 128 : i32
          %mul3A_364 = arith.muli %mul3A_362, %mul3A_363 : i32
          %add3A_365 = arith.constant 384 : i32
          %add3A_366 = arith.addi %mul3A_364, %add3A_365 : i32
          %add3A_367 = arith.constant 32 : i32
          %add3A_368 = arith.addi %add3A_366, %add3A_367 : i32
          %get3A_369 = arith.index_cast %add3A_368 : i32 to index
          %get3A_370 = tpu.vector_load %arg5[%get3A_369] {strides = array<i32>} : memref<40960xf32, #tpu.memory_space<vmem>>, vector<16xf32>,
          %get3A_371 = vector.shape_cast %get3A_370 : vector<16xf32> to vector<16xf32>
          %add3A_372 = arith.addf %add3A_276, %get3A_371 : vector<16xf32>
          %mul3A_373 = arith.constant 32 : i32
          %mul3A_374 = arith.muli %scan3A_73, %mul3A_373 : i32
          %mul3A_375 = arith.constant 128 : i32
          %mul3A_376 = arith.muli %mul3A_374, %mul3A_375 : i32
          %add3A_377 = arith.constant 384 : i32
          %add3A_378 = arith.addi %mul3A_376, %add3A_377 : i32
          %add3A_379 = arith.constant 48 : i32
          %add3A_380 = arith.addi %add3A_378, %add3A_379 : i32
          %get3A_381 = arith.index_cast %add3A_380 : i32 to index
          %get3A_382 = tpu.vector_load %arg5[%get3A_381] {strides = array<i32>} : memref<40960xf32, #tpu.memory_space<vmem>>, vector<16xf32>,
          %get3A_383 = vector.shape_cast %get3A_382 : vector<16xf32> to vector<16xf32>
          %add3A_384 = arith.addf %add3A_288, %get3A_383 : vector<16xf32>
          %mul3A_385 = arith.constant 32 : i32
          %mul3A_386 = arith.muli %scan3A_73, %mul3A_385 : i32
          %mul3A_387 = arith.constant 128 : i32
          %mul3A_388 = arith.muli %mul3A_386, %mul3A_387 : i32
          %add3A_389 = arith.constant 384 : i32
          %add3A_390 = arith.addi %mul3A_388, %add3A_389 : i32
          %add3A_391 = arith.constant 64 : i32
          %add3A_392 = arith.addi %add3A_390, %add3A_391 : i32
          %get3A_393 = arith.index_cast %add3A_392 : i32 to index
          %get3A_394 = tpu.vector_load %arg5[%get3A_393] {strides = array<i32>} : memref<40960xf32, #tpu.memory_space<vmem>>, vector<16xf32>,
          %get3A_395 = vector.shape_cast %get3A_394 : vector<16xf32> to vector<16xf32>
          %add3A_396 = arith.addf %add3A_300, %get3A_395 : vector<16xf32>
          %mul3A_397 = arith.constant 32 : i32
          %mul3A_398 = arith.muli %scan3A_73, %mul3A_397 : i32
          %mul3A_399 = arith.constant 128 : i32
          %mul3A_400 = arith.muli %mul3A_398, %mul3A_399 : i32
          %add3A_401 = arith.constant 384 : i32
          %add3A_402 = arith.addi %mul3A_400, %add3A_401 : i32
          %add3A_403 = arith.constant 80 : i32
          %add3A_404 = arith.addi %add3A_402, %add3A_403 : i32
          %get3A_405 = arith.index_cast %add3A_404 : i32 to index
          %get3A_406 = tpu.vector_load %arg5[%get3A_405] {strides = array<i32>} : memref<40960xf32, #tpu.memory_space<vmem>>, vector<16xf32>,
          %get3A_407 = vector.shape_cast %get3A_406 : vector<16xf32> to vector<16xf32>
          %add3A_408 = arith.addf %add3A_312, %get3A_407 : vector<16xf32>
          %mul3A_409 = arith.constant 32 : i32
          %mul3A_410 = arith.muli %scan3A_73, %mul3A_409 : i32
          %mul3A_411 = arith.constant 128 : i32
          %mul3A_412 = arith.muli %mul3A_410, %mul3A_411 : i32
          %add3A_413 = arith.constant 384 : i32
          %add3A_414 = arith.addi %mul3A_412, %add3A_413 : i32
          %add3A_415 = arith.constant 96 : i32
          %add3A_416 = arith.addi %add3A_414, %add3A_415 : i32
          %get3A_417 = arith.index_cast %add3A_416 : i32 to index
          %get3A_418 = tpu.vector_load %arg5[%get3A_417] {strides = array<i32>} : memref<40960xf32, #tpu.memory_space<vmem>>, vector<16xf32>,
          %get3A_419 = vector.shape_cast %get3A_418 : vector<16xf32> to vector<16xf32>
          %add3A_420 = arith.addf %add3A_324, %get3A_419 : vector<16xf32>
          %mul3A_421 = arith.constant 32 : i32
          %mul3A_422 = arith.muli %scan3A_73, %mul3A_421 : i32
          %mul3A_423 = arith.constant 128 : i32
          %mul3A_424 = arith.muli %mul3A_422, %mul3A_423 : i32
          %add3A_425 = arith.constant 384 : i32
          %add3A_426 = arith.addi %mul3A_424, %add3A_425 : i32
          %add3A_427 = arith.constant 112 : i32
          %add3A_428 = arith.addi %add3A_426, %add3A_427 : i32
          %get3A_429 = arith.index_cast %add3A_428 : i32 to index
          %get3A_430 = tpu.vector_load %arg5[%get3A_429] {strides = array<i32>} : memref<40960xf32, #tpu.memory_space<vmem>>, vector<16xf32>,
          %get3A_431 = vector.shape_cast %get3A_430 : vector<16xf32> to vector<16xf32>
          %add3A_432 = arith.addf %add3A_336, %get3A_431 : vector<16xf32>
          %mul3A_433 = arith.constant 32 : i32
          %mul3A_434 = arith.muli %scan3A_73, %mul3A_433 : i32
          %mul3A_435 = arith.constant 128 : i32
          %mul3A_436 = arith.muli %mul3A_434, %mul3A_435 : i32
          %add3A_437 = arith.constant 512 : i32
          %add3A_438 = arith.addi %mul3A_436, %add3A_437 : i32
          %add3A_439 = arith.constant 0 : i32
          %add3A_440 = arith.addi %add3A_438, %add3A_439 : i32
          %get3A_441 = arith.index_cast %add3A_440 : i32 to index
          %get3A_442 = tpu.vector_load %arg5[%get3A_441] {strides = array<i32>} : memref<40960xf32, #tpu.memory_space<vmem>>, vector<16xf32>,
          %get3A_443 = vector.shape_cast %get3A_442 : vector<16xf32> to vector<16xf32>
          %add3A_444 = arith.addf %add3A_348, %get3A_443 : vector<16xf32>
          %mul3A_445 = arith.constant 32 : i32
          %mul3A_446 = arith.muli %scan3A_73, %mul3A_445 : i32
          %mul3A_447 = arith.constant 128 : i32
          %mul3A_448 = arith.muli %mul3A_446, %mul3A_447 : i32
          %add3A_449 = arith.constant 512 : i32
          %add3A_450 = arith.addi %mul3A_448, %add3A_449 : i32
          %add3A_451 = arith.constant 16 : i32
          %add3A_452 = arith.addi %add3A_450, %add3A_451 : i32
          %get3A_453 = arith.index_cast %add3A_452 : i32 to index
          %get3A_454 = tpu.vector_load %arg5[%get3A_453] {strides = array<i32>} : memref<40960xf32, #tpu.memory_space<vmem>>, vector<16xf32>,
          %get3A_455 = vector.shape_cast %get3A_454 : vector<16xf32> to vector<16xf32>
          %add3A_456 = arith.addf %add3A_360, %get3A_455 : vector<16xf32>
          %mul3A_457 = arith.constant 32 : i32
          %mul3A_458 = arith.muli %scan3A_73, %mul3A_457 : i32
          %mul3A_459 = arith.constant 128 : i32
          %mul3A_460 = arith.muli %mul3A_458, %mul3A_459 : i32
          %add3A_461 = arith.constant 512 : i32
          %add3A_462 = arith.addi %mul3A_460, %add3A_461 : i32
          %add3A_463 = arith.constant 32 : i32
          %add3A_464 = arith.addi %add3A_462, %add3A_463 : i32
          %get3A_465 = arith.index_cast %add3A_464 : i32 to index
          %get3A_466 = tpu.vector_load %arg5[%get3A_465] {strides = array<i32>} : memref<40960xf32, #tpu.memory_space<vmem>>, vector<16xf32>,
          %get3A_467 = vector.shape_cast %get3A_466 : vector<16xf32> to vector<16xf32>
          %add3A_468 = arith.addf %add3A_372, %get3A_467 : vector<16xf32>
          %mul3A_469 = arith.constant 32 : i32
          %mul3A_470 = arith.muli %scan3A_73, %mul3A_469 : i32
          %mul3A_471 = arith.constant 128 : i32
          %mul3A_472 = arith.muli %mul3A_470, %mul3A_471 : i32
          %add3A_473 = arith.constant 512 : i32
          %add3A_474 = arith.addi %mul3A_472, %add3A_473 : i32
          %add3A_475 = arith.constant 48 : i32
          %add3A_476 = arith.addi %add3A_474, %add3A_475 : i32
          %get3A_477 = arith.index_cast %add3A_476 : i32 to index
          %get3A_478 = tpu.vector_load %arg5[%get3A_477] {strides = array<i32>} : memref<40960xf32, #tpu.memory_space<vmem>>, vector<16xf32>,
          %get3A_479 = vector.shape_cast %get3A_478 : vector<16xf32> to vector<16xf32>
          %add3A_480 = arith.addf %add3A_384, %get3A_479 : vector<16xf32>
          %mul3A_481 = arith.constant 32 : i32
          %mul3A_482 = arith.muli %scan3A_73, %mul3A_481 : i32
          %mul3A_483 = arith.constant 128 : i32
          %mul3A_484 = arith.muli %mul3A_482, %mul3A_483 : i32
          %add3A_485 = arith.constant 512 : i32
          %add3A_486 = arith.addi %mul3A_484, %add3A_485 : i32
          %add3A_487 = arith.constant 64 : i32
          %add3A_488 = arith.addi %add3A_486, %add3A_487 : i32
          %get3A_489 = arith.index_cast %add3A_488 : i32 to index
          %get3A_490 = tpu.vector_load %arg5[%get3A_489] {strides = array<i32>} : memref<40960xf32, #tpu.memory_space<vmem>>, vector<16xf32>,
          %get3A_491 = vector.shape_cast %get3A_490 : vector<16xf32> to vector<16xf32>
          %add3A_492 = arith.addf %add3A_396, %get3A_491 : vector<16xf32>
          %mul3A_493 = arith.constant 32 : i32
          %mul3A_494 = arith.muli %scan3A_73, %mul3A_493 : i32
          %mul3A_495 = arith.constant 128 : i32
          %mul3A_496 = arith.muli %mul3A_494, %mul3A_495 : i32
          %add3A_497 = arith.constant 512 : i32
          %add3A_498 = arith.addi %mul3A_496, %add3A_497 : i32
          %add3A_499 = arith.constant 80 : i32
          %add3A_500 = arith.addi %add3A_498, %add3A_499 : i32
          %get3A_501 = arith.index_cast %add3A_500 : i32 to index
          %get3A_502 = tpu.vector_load %arg5[%get3A_501] {strides = array<i32>} : memref<40960xf32, #tpu.memory_space<vmem>>, vector<16xf32>,
          %get3A_503 = vector.shape_cast %get3A_502 : vector<16xf32> to vector<16xf32>
          %add3A_504 = arith.addf %add3A_408, %get3A_503 : vector<16xf32>
          %mul3A_505 = arith.constant 32 : i32
          %mul3A_506 = arith.muli %scan3A_73, %mul3A_505 : i32
          %mul3A_507 = arith.constant 128 : i32
          %mul3A_508 = arith.muli %mul3A_506, %mul3A_507 : i32
          %add3A_509 = arith.constant 512 : i32
          %add3A_510 = arith.addi %mul3A_508, %add3A_509 : i32
          %add3A_511 = arith.constant 96 : i32
          %add3A_512 = arith.addi %add3A_510, %add3A_511 : i32
          %get3A_513 = arith.index_cast %add3A_512 : i32 to index
          %get3A_514 = tpu.vector_load %arg5[%get3A_513] {strides = array<i32>} : memref<40960xf32, #tpu.memory_space<vmem>>, vector<16xf32>,
          %get3A_515 = vector.shape_cast %get3A_514 : vector<16xf32> to vector<16xf32>
          %add3A_516 = arith.addf %add3A_420, %get3A_515 : vector<16xf32>
          %mul3A_517 = arith.constant 32 : i32
          %mul3A_518 = arith.muli %scan3A_73, %mul3A_517 : i32
          %mul3A_519 = arith.constant 128 : i32
          %mul3A_520 = arith.muli %mul3A_518, %mul3A_519 : i32
          %add3A_521 = arith.constant 512 : i32
          %add3A_522 = arith.addi %mul3A_520, %add3A_521 : i32
          %add3A_523 = arith.constant 112 : i32
          %add3A_524 = arith.addi %add3A_522, %add3A_523 : i32
          %get3A_525 = arith.index_cast %add3A_524 : i32 to index
          %get3A_526 = tpu.vector_load %arg5[%get3A_525] {strides = array<i32>} : memref<40960xf32, #tpu.memory_space<vmem>>, vector<16xf32>,
          %get3A_527 = vector.shape_cast %get3A_526 : vector<16xf32> to vector<16xf32>
          %add3A_528 = arith.addf %add3A_432, %get3A_527 : vector<16xf32>
          %mul3A_529 = arith.constant 32 : i32
          %mul3A_530 = arith.muli %scan3A_73, %mul3A_529 : i32
          %mul3A_531 = arith.constant 128 : i32
          %mul3A_532 = arith.muli %mul3A_530, %mul3A_531 : i32
          %add3A_533 = arith.constant 640 : i32
          %add3A_534 = arith.addi %mul3A_532, %add3A_533 : i32
          %add3A_535 = arith.constant 0 : i32
          %add3A_536 = arith.addi %add3A_534, %add3A_535 : i32
          %get3A_537 = arith.index_cast %add3A_536 : i32 to index
          %get3A_538 = tpu.vector_load %arg5[%get3A_537] {strides = array<i32>} : memref<40960xf32, #tpu.memory_space<vmem>>, vector<16xf32>,
          %get3A_539 = vector.shape_cast %get3A_538 : vector<16xf32> to vector<16xf32>
          %add3A_540 = arith.addf %add3A_444, %get3A_539 : vector<16xf32>
          %mul3A_541 = arith.constant 32 : i32
          %mul3A_542 = arith.muli %scan3A_73, %mul3A_541 : i32
          %mul3A_543 = arith.constant 128 : i32
          %mul3A_544 = arith.muli %mul3A_542, %mul3A_543 : i32
          %add3A_545 = arith.constant 640 : i32
          %add3A_546 = arith.addi %mul3A_544, %add3A_545 : i32
          %add3A_547 = arith.constant 16 : i32
          %add3A_548 = arith.addi %add3A_546, %add3A_547 : i32
          %get3A_549 = arith.index_cast %add3A_548 : i32 to index
          %get3A_550 = tpu.vector_load %arg5[%get3A_549] {strides = array<i32>} : memref<40960xf32, #tpu.memory_space<vmem>>, vector<16xf32>,
          %get3A_551 = vector.shape_cast %get3A_550 : vector<16xf32> to vector<16xf32>
          %add3A_552 = arith.addf %add3A_456, %get3A_551 : vector<16xf32>
          %mul3A_553 = arith.constant 32 : i32
          %mul3A_554 = arith.muli %scan3A_73, %mul3A_553 : i32
          %mul3A_555 = arith.constant 128 : i32
          %mul3A_556 = arith.muli %mul3A_554, %mul3A_555 : i32
          %add3A_557 = arith.constant 640 : i32
          %add3A_558 = arith.addi %mul3A_556, %add3A_557 : i32
          %add3A_559 = arith.constant 32 : i32
          %add3A_560 = arith.addi %add3A_558, %add3A_559 : i32
          %get3A_561 = arith.index_cast %add3A_560 : i32 to index
          %get3A_562 = tpu.vector_load %arg5[%get3A_561] {strides = array<i32>} : memref<40960xf32, #tpu.memory_space<vmem>>, vector<16xf32>,
          %get3A_563 = vector.shape_cast %get3A_562 : vector<16xf32> to vector<16xf32>
          %add3A_564 = arith.addf %add3A_468, %get3A_563 : vector<16xf32>
          %mul3A_565 = arith.constant 32 : i32
          %mul3A_566 = arith.muli %scan3A_73, %mul3A_565 : i32
          %mul3A_567 = arith.constant 128 : i32
          %mul3A_568 = arith.muli %mul3A_566, %mul3A_567 : i32
          %add3A_569 = arith.constant 640 : i32
          %add3A_570 = arith.addi %mul3A_568, %add3A_569 : i32
          %add3A_571 = arith.constant 48 : i32
          %add3A_572 = arith.addi %add3A_570, %add3A_571 : i32
          %get3A_573 = arith.index_cast %add3A_572 : i32 to index
          %get3A_574 = tpu.vector_load %arg5[%get3A_573] {strides = array<i32>} : memref<40960xf32, #tpu.memory_space<vmem>>, vector<16xf32>,
          %get3A_575 = vector.shape_cast %get3A_574 : vector<16xf32> to vector<16xf32>
          %add3A_576 = arith.addf %add3A_480, %get3A_575 : vector<16xf32>
          %mul3A_577 = arith.constant 32 : i32
          %mul3A_578 = arith.muli %scan3A_73, %mul3A_577 : i32
          %mul3A_579 = arith.constant 128 : i32
          %mul3A_580 = arith.muli %mul3A_578, %mul3A_579 : i32
          %add3A_581 = arith.constant 640 : i32
          %add3A_582 = arith.addi %mul3A_580, %add3A_581 : i32
          %add3A_583 = arith.constant 64 : i32
          %add3A_584 = arith.addi %add3A_582, %add3A_583 : i32
          %get3A_585 = arith.index_cast %add3A_584 : i32 to index
          %get3A_586 = tpu.vector_load %arg5[%get3A_585] {strides = array<i32>} : memref<40960xf32, #tpu.memory_space<vmem>>, vector<16xf32>,
          %get3A_587 = vector.shape_cast %get3A_586 : vector<16xf32> to vector<16xf32>
          %add3A_588 = arith.addf %add3A_492, %get3A_587 : vector<16xf32>
          %mul3A_589 = arith.constant 32 : i32
          %mul3A_590 = arith.muli %scan3A_73, %mul3A_589 : i32
          %mul3A_591 = arith.constant 128 : i32
          %mul3A_592 = arith.muli %mul3A_590, %mul3A_591 : i32
          %add3A_593 = arith.constant 640 : i32
          %add3A_594 = arith.addi %mul3A_592, %add3A_593 : i32
          %add3A_595 = arith.constant 80 : i32
          %add3A_596 = arith.addi %add3A_594, %add3A_595 : i32
          %get3A_597 = arith.index_cast %add3A_596 : i32 to index
          %get3A_598 = tpu.vector_load %arg5[%get3A_597] {strides = array<i32>} : memref<40960xf32, #tpu.memory_space<vmem>>, vector<16xf32>,
          %get3A_599 = vector.shape_cast %get3A_598 : vector<16xf32> to vector<16xf32>
          %add3A_600 = arith.addf %add3A_504, %get3A_599 : vector<16xf32>
          %mul3A_601 = arith.constant 32 : i32
          %mul3A_602 = arith.muli %scan3A_73, %mul3A_601 : i32
          %mul3A_603 = arith.constant 128 : i32
          %mul3A_604 = arith.muli %mul3A_602, %mul3A_603 : i32
          %add3A_605 = arith.constant 640 : i32
          %add3A_606 = arith.addi %mul3A_604, %add3A_605 : i32
          %add3A_607 = arith.constant 96 : i32
          %add3A_608 = arith.addi %add3A_606, %add3A_607 : i32
          %get3A_609 = arith.index_cast %add3A_608 : i32 to index
          %get3A_610 = tpu.vector_load %arg5[%get3A_609] {strides = array<i32>} : memref<40960xf32, #tpu.memory_space<vmem>>, vector<16xf32>,
          %get3A_611 = vector.shape_cast %get3A_610 : vector<16xf32> to vector<16xf32>
          %add3A_612 = arith.addf %add3A_516, %get3A_611 : vector<16xf32>
          %mul3A_613 = arith.constant 32 : i32
          %mul3A_614 = arith.muli %scan3A_73, %mul3A_613 : i32
          %mul3A_615 = arith.constant 128 : i32
          %mul3A_616 = arith.muli %mul3A_614, %mul3A_615 : i32
          %add3A_617 = arith.constant 640 : i32
          %add3A_618 = arith.addi %mul3A_616, %add3A_617 : i32
          %add3A_619 = arith.constant 112 : i32
          %add3A_620 = arith.addi %add3A_618, %add3A_619 : i32
          %get3A_621 = arith.index_cast %add3A_620 : i32 to index
          %get3A_622 = tpu.vector_load %arg5[%get3A_621] {strides = array<i32>} : memref<40960xf32, #tpu.memory_space<vmem>>, vector<16xf32>,
          %get3A_623 = vector.shape_cast %get3A_622 : vector<16xf32> to vector<16xf32>
          %add3A_624 = arith.addf %add3A_528, %get3A_623 : vector<16xf32>
          %mul3A_625 = arith.constant 32 : i32
          %mul3A_626 = arith.muli %scan3A_73, %mul3A_625 : i32
          %mul3A_627 = arith.constant 128 : i32
          %mul3A_628 = arith.muli %mul3A_626, %mul3A_627 : i32
          %add3A_629 = arith.constant 768 : i32
          %add3A_630 = arith.addi %mul3A_628, %add3A_629 : i32
          %add3A_631 = arith.constant 0 : i32
          %add3A_632 = arith.addi %add3A_630, %add3A_631 : i32
          %get3A_633 = arith.index_cast %add3A_632 : i32 to index
          %get3A_634 = tpu.vector_load %arg5[%get3A_633] {strides = array<i32>} : memref<40960xf32, #tpu.memory_space<vmem>>, vector<16xf32>,
          %get3A_635 = vector.shape_cast %get3A_634 : vector<16xf32> to vector<16xf32>
          %add3A_636 = arith.addf %add3A_540, %get3A_635 : vector<16xf32>
          %mul3A_637 = arith.constant 32 : i32
          %mul3A_638 = arith.muli %scan3A_73, %mul3A_637 : i32
          %mul3A_639 = arith.constant 128 : i32
          %mul3A_640 = arith.muli %mul3A_638, %mul3A_639 : i32
          %add3A_641 = arith.constant 768 : i32
          %add3A_642 = arith.addi %mul3A_640, %add3A_641 : i32
          %add3A_643 = arith.constant 16 : i32
          %add3A_644 = arith.addi %add3A_642, %add3A_643 : i32
          %get3A_645 = arith.index_cast %add3A_644 : i32 to index
          %get3A_646 = tpu.vector_load %arg5[%get3A_645] {strides = array<i32>} : memref<40960xf32, #tpu.memory_space<vmem>>, vector<16xf32>,
          %get3A_647 = vector.shape_cast %get3A_646 : vector<16xf32> to vector<16xf32>
          %add3A_648 = arith.addf %add3A_552, %get3A_647 : vector<16xf32>
          %mul3A_649 = arith.constant 32 : i32
          %mul3A_650 = arith.muli %scan3A_73, %mul3A_649 : i32
          %mul3A_651 = arith.constant 128 : i32
          %mul3A_652 = arith.muli %mul3A_650, %mul3A_651 : i32
          %add3A_653 = arith.constant 768 : i32
          %add3A_654 = arith.addi %mul3A_652, %add3A_653 : i32
          %add3A_655 = arith.constant 32 : i32
          %add3A_656 = arith.addi %add3A_654, %add3A_655 : i32
          %get3A_657 = arith.index_cast %add3A_656 : i32 to index
          %get3A_658 = tpu.vector_load %arg5[%get3A_657] {strides = array<i32>} : memref<40960xf32, #tpu.memory_space<vmem>>, vector<16xf32>,
          %get3A_659 = vector.shape_cast %get3A_658 : vector<16xf32> to vector<16xf32>
          %add3A_660 = arith.addf %add3A_564, %get3A_659 : vector<16xf32>
          %mul3A_661 = arith.constant 32 : i32
          %mul3A_662 = arith.muli %scan3A_73, %mul3A_661 : i32
          %mul3A_663 = arith.constant 128 : i32
          %mul3A_664 = arith.muli %mul3A_662, %mul3A_663 : i32
          %add3A_665 = arith.constant 768 : i32
          %add3A_666 = arith.addi %mul3A_664, %add3A_665 : i32
          %add3A_667 = arith.constant 48 : i32
          %add3A_668 = arith.addi %add3A_666, %add3A_667 : i32
          %get3A_669 = arith.index_cast %add3A_668 : i32 to index
          %get3A_670 = tpu.vector_load %arg5[%get3A_669] {strides = array<i32>} : memref<40960xf32, #tpu.memory_space<vmem>>, vector<16xf32>,
          %get3A_671 = vector.shape_cast %get3A_670 : vector<16xf32> to vector<16xf32>
          %add3A_672 = arith.addf %add3A_576, %get3A_671 : vector<16xf32>
          %mul3A_673 = arith.constant 32 : i32
          %mul3A_674 = arith.muli %scan3A_73, %mul3A_673 : i32
          %mul3A_675 = arith.constant 128 : i32
          %mul3A_676 = arith.muli %mul3A_674, %mul3A_675 : i32
          %add3A_677 = arith.constant 768 : i32
          %add3A_678 = arith.addi %mul3A_676, %add3A_677 : i32
          %add3A_679 = arith.constant 64 : i32
          %add3A_680 = arith.addi %add3A_678, %add3A_679 : i32
          %get3A_681 = arith.index_cast %add3A_680 : i32 to index
          %get3A_682 = tpu.vector_load %arg5[%get3A_681] {strides = array<i32>} : memref<40960xf32, #tpu.memory_space<vmem>>, vector<16xf32>,
          %get3A_683 = vector.shape_cast %get3A_682 : vector<16xf32> to vector<16xf32>
          %add3A_684 = arith.addf %add3A_588, %get3A_683 : vector<16xf32>
          %mul3A_685 = arith.constant 32 : i32
          %mul3A_686 = arith.muli %scan3A_73, %mul3A_685 : i32
          %mul3A_687 = arith.constant 128 : i32
          %mul3A_688 = arith.muli %mul3A_686, %mul3A_687 : i32
          %add3A_689 = arith.constant 768 : i32
          %add3A_690 = arith.addi %mul3A_688, %add3A_689 : i32
          %add3A_691 = arith.constant 80 : i32
          %add3A_692 = arith.addi %add3A_690, %add3A_691 : i32
          %get3A_693 = arith.index_cast %add3A_692 : i32 to index
          %get3A_694 = tpu.vector_load %arg5[%get3A_693] {strides = array<i32>} : memref<40960xf32, #tpu.memory_space<vmem>>, vector<16xf32>,
          %get3A_695 = vector.shape_cast %get3A_694 : vector<16xf32> to vector<16xf32>
          %add3A_696 = arith.addf %add3A_600, %get3A_695 : vector<16xf32>
          %mul3A_697 = arith.constant 32 : i32
          %mul3A_698 = arith.muli %scan3A_73, %mul3A_697 : i32
          %mul3A_699 = arith.constant 128 : i32
          %mul3A_700 = arith.muli %mul3A_698, %mul3A_699 : i32
          %add3A_701 = arith.constant 768 : i32
          %add3A_702 = arith.addi %mul3A_700, %add3A_701 : i32
          %add3A_703 = arith.constant 96 : i32
          %add3A_704 = arith.addi %add3A_702, %add3A_703 : i32
          %get3A_705 = arith.index_cast %add3A_704 : i32 to index
          %get3A_706 = tpu.vector_load %arg5[%get3A_705] {strides = array<i32>} : memref<40960xf32, #tpu.memory_space<vmem>>, vector<16xf32>,
          %get3A_707 = vector.shape_cast %get3A_706 : vector<16xf32> to vector<16xf32>
          %add3A_708 = arith.addf %add3A_612, %get3A_707 : vector<16xf32>
          %mul3A_709 = arith.constant 32 : i32
          %mul3A_710 = arith.muli %scan3A_73, %mul3A_709 : i32
          %mul3A_711 = arith.constant 128 : i32
          %mul3A_712 = arith.muli %mul3A_710, %mul3A_711 : i32
          %add3A_713 = arith.constant 768 : i32
          %add3A_714 = arith.addi %mul3A_712, %add3A_713 : i32
          %add3A_715 = arith.constant 112 : i32
          %add3A_716 = arith.addi %add3A_714, %add3A_715 : i32
          %get3A_717 = arith.index_cast %add3A_716 : i32 to index
          %get3A_718 = tpu.vector_load %arg5[%get3A_717] {strides = array<i32>} : memref<40960xf32, #tpu.memory_space<vmem>>, vector<16xf32>,
          %get3A_719 = vector.shape_cast %get3A_718 : vector<16xf32> to vector<16xf32>
          %add3A_720 = arith.addf %add3A_624, %get3A_719 : vector<16xf32>
          %mul3A_721 = arith.constant 32 : i32
          %mul3A_722 = arith.muli %scan3A_73, %mul3A_721 : i32
          %mul3A_723 = arith.constant 128 : i32
          %mul3A_724 = arith.muli %mul3A_722, %mul3A_723 : i32
          %add3A_725 = arith.constant 896 : i32
          %add3A_726 = arith.addi %mul3A_724, %add3A_725 : i32
          %add3A_727 = arith.constant 0 : i32
          %add3A_728 = arith.addi %add3A_726, %add3A_727 : i32
          %get3A_729 = arith.index_cast %add3A_728 : i32 to index
          %get3A_730 = tpu.vector_load %arg5[%get3A_729] {strides = array<i32>} : memref<40960xf32, #tpu.memory_space<vmem>>, vector<16xf32>,
          %get3A_731 = vector.shape_cast %get3A_730 : vector<16xf32> to vector<16xf32>
          %add3A_732 = arith.addf %add3A_636, %get3A_731 : vector<16xf32>
          %mul3A_733 = arith.constant 32 : i32
          %mul3A_734 = arith.muli %scan3A_73, %mul3A_733 : i32
          %mul3A_735 = arith.constant 128 : i32
          %mul3A_736 = arith.muli %mul3A_734, %mul3A_735 : i32
          %add3A_737 = arith.constant 896 : i32
          %add3A_738 = arith.addi %mul3A_736, %add3A_737 : i32
          %add3A_739 = arith.constant 16 : i32
          %add3A_740 = arith.addi %add3A_738, %add3A_739 : i32
          %get3A_741 = arith.index_cast %add3A_740 : i32 to index
          %get3A_742 = tpu.vector_load %arg5[%get3A_741] {strides = array<i32>} : memref<40960xf32, #tpu.memory_space<vmem>>, vector<16xf32>,
          %get3A_743 = vector.shape_cast %get3A_742 : vector<16xf32> to vector<16xf32>
          %add3A_744 = arith.addf %add3A_648, %get3A_743 : vector<16xf32>
          %mul3A_745 = arith.constant 32 : i32
          %mul3A_746 = arith.muli %scan3A_73, %mul3A_745 : i32
          %mul3A_747 = arith.constant 128 : i32
          %mul3A_748 = arith.muli %mul3A_746, %mul3A_747 : i32
          %add3A_749 = arith.constant 896 : i32
          %add3A_750 = arith.addi %mul3A_748, %add3A_749 : i32
          %add3A_751 = arith.constant 32 : i32
          %add3A_752 = arith.addi %add3A_750, %add3A_751 : i32
          %get3A_753 = arith.index_cast %add3A_752 : i32 to index
          %get3A_754 = tpu.vector_load %arg5[%get3A_753] {strides = array<i32>} : memref<40960xf32, #tpu.memory_space<vmem>>, vector<16xf32>,
          %get3A_755 = vector.shape_cast %get3A_754 : vector<16xf32> to vector<16xf32>
          %add3A_756 = arith.addf %add3A_660, %get3A_755 : vector<16xf32>
          %mul3A_757 = arith.constant 32 : i32
          %mul3A_758 = arith.muli %scan3A_73, %mul3A_757 : i32
          %mul3A_759 = arith.constant 128 : i32
          %mul3A_760 = arith.muli %mul3A_758, %mul3A_759 : i32
          %add3A_761 = arith.constant 896 : i32
          %add3A_762 = arith.addi %mul3A_760, %add3A_761 : i32
          %add3A_763 = arith.constant 48 : i32
          %add3A_764 = arith.addi %add3A_762, %add3A_763 : i32
          %get3A_765 = arith.index_cast %add3A_764 : i32 to index
          %get3A_766 = tpu.vector_load %arg5[%get3A_765] {strides = array<i32>} : memref<40960xf32, #tpu.memory_space<vmem>>, vector<16xf32>,
          %get3A_767 = vector.shape_cast %get3A_766 : vector<16xf32> to vector<16xf32>
          %add3A_768 = arith.addf %add3A_672, %get3A_767 : vector<16xf32>
          %mul3A_769 = arith.constant 32 : i32
          %mul3A_770 = arith.muli %scan3A_73, %mul3A_769 : i32
          %mul3A_771 = arith.constant 128 : i32
          %mul3A_772 = arith.muli %mul3A_770, %mul3A_771 : i32
          %add3A_773 = arith.constant 896 : i32
          %add3A_774 = arith.addi %mul3A_772, %add3A_773 : i32
          %add3A_775 = arith.constant 64 : i32
          %add3A_776 = arith.addi %add3A_774, %add3A_775 : i32
          %get3A_777 = arith.index_cast %add3A_776 : i32 to index
          %get3A_778 = tpu.vector_load %arg5[%get3A_777] {strides = array<i32>} : memref<40960xf32, #tpu.memory_space<vmem>>, vector<16xf32>,
          %get3A_779 = vector.shape_cast %get3A_778 : vector<16xf32> to vector<16xf32>
          %add3A_780 = arith.addf %add3A_684, %get3A_779 : vector<16xf32>
          %mul3A_781 = arith.constant 32 : i32
          %mul3A_782 = arith.muli %scan3A_73, %mul3A_781 : i32
          %mul3A_783 = arith.constant 128 : i32
          %mul3A_784 = arith.muli %mul3A_782, %mul3A_783 : i32
          %add3A_785 = arith.constant 896 : i32
          %add3A_786 = arith.addi %mul3A_784, %add3A_785 : i32
          %add3A_787 = arith.constant 80 : i32
          %add3A_788 = arith.addi %add3A_786, %add3A_787 : i32
          %get3A_789 = arith.index_cast %add3A_788 : i32 to index
          %get3A_790 = tpu.vector_load %arg5[%get3A_789] {strides = array<i32>} : memref<40960xf32, #tpu.memory_space<vmem>>, vector<16xf32>,
          %get3A_791 = vector.shape_cast %get3A_790 : vector<16xf32> to vector<16xf32>
          %add3A_792 = arith.addf %add3A_696, %get3A_791 : vector<16xf32>
          %mul3A_793 = arith.constant 32 : i32
          %mul3A_794 = arith.muli %scan3A_73, %mul3A_793 : i32
          %mul3A_795 = arith.constant 128 : i32
          %mul3A_796 = arith.muli %mul3A_794, %mul3A_795 : i32
          %add3A_797 = arith.constant 896 : i32
          %add3A_798 = arith.addi %mul3A_796, %add3A_797 : i32
          %add3A_799 = arith.constant 96 : i32
          %add3A_800 = arith.addi %add3A_798, %add3A_799 : i32
          %get3A_801 = arith.index_cast %add3A_800 : i32 to index
          %get3A_802 = tpu.vector_load %arg5[%get3A_801] {strides = array<i32>} : memref<40960xf32, #tpu.memory_space<vmem>>, vector<16xf32>,
          %get3A_803 = vector.shape_cast %get3A_802 : vector<16xf32> to vector<16xf32>
          %add3A_804 = arith.addf %add3A_708, %get3A_803 : vector<16xf32>
          %mul3A_805 = arith.constant 32 : i32
          %mul3A_806 = arith.muli %scan3A_73, %mul3A_805 : i32
          %mul3A_807 = arith.constant 128 : i32
          %mul3A_808 = arith.muli %mul3A_806, %mul3A_807 : i32
          %add3A_809 = arith.constant 896 : i32
          %add3A_810 = arith.addi %mul3A_808, %add3A_809 : i32
          %add3A_811 = arith.constant 112 : i32
          %add3A_812 = arith.addi %add3A_810, %add3A_811 : i32
          %get3A_813 = arith.index_cast %add3A_812 : i32 to index
          %get3A_814 = tpu.vector_load %arg5[%get3A_813] {strides = array<i32>} : memref<40960xf32, #tpu.memory_space<vmem>>, vector<16xf32>,
          %get3A_815 = vector.shape_cast %get3A_814 : vector<16xf32> to vector<16xf32>
          %add3A_816 = arith.addf %add3A_720, %get3A_815 : vector<16xf32>
          %mul3A_817 = arith.constant 32 : i32
          %mul3A_818 = arith.muli %scan3A_73, %mul3A_817 : i32
          %mul3A_819 = arith.constant 128 : i32
          %mul3A_820 = arith.muli %mul3A_818, %mul3A_819 : i32
          %add3A_821 = arith.constant 1024 : i32
          %add3A_822 = arith.addi %mul3A_820, %add3A_821 : i32
          %add3A_823 = arith.constant 0 : i32
          %add3A_824 = arith.addi %add3A_822, %add3A_823 : i32
          %get3A_825 = arith.index_cast %add3A_824 : i32 to index
          %get3A_826 = tpu.vector_load %arg5[%get3A_825] {strides = array<i32>} : memref<40960xf32, #tpu.memory_space<vmem>>, vector<16xf32>,
          %get3A_827 = vector.shape_cast %get3A_826 : vector<16xf32> to vector<16xf32>
          %add3A_828 = arith.addf %add3A_732, %get3A_827 : vector<16xf32>
          %mul3A_829 = arith.constant 32 : i32
          %mul3A_830 = arith.muli %scan3A_73, %mul3A_829 : i32
          %mul3A_831 = arith.constant 128 : i32
          %mul3A_832 = arith.muli %mul3A_830, %mul3A_831 : i32
          %add3A_833 = arith.constant 1024 : i32
          %add3A_834 = arith.addi %mul3A_832, %add3A_833 : i32
          %add3A_835 = arith.constant 16 : i32
          %add3A_836 = arith.addi %add3A_834, %add3A_835 : i32
          %get3A_837 = arith.index_cast %add3A_836 : i32 to index
          %get3A_838 = tpu.vector_load %arg5[%get3A_837] {strides = array<i32>} : memref<40960xf32, #tpu.memory_space<vmem>>, vector<16xf32>,
          %get3A_839 = vector.shape_cast %get3A_838 : vector<16xf32> to vector<16xf32>
          %add3A_840 = arith.addf %add3A_744, %get3A_839 : vector<16xf32>
          %mul3A_841 = arith.constant 32 : i32
          %mul3A_842 = arith.muli %scan3A_73, %mul3A_841 : i32
          %mul3A_843 = arith.constant 128 : i32
          %mul3A_844 = arith.muli %mul3A_842, %mul3A_843 : i32
          %add3A_845 = arith.constant 1024 : i32
          %add3A_846 = arith.addi %mul3A_844, %add3A_845 : i32
          %add3A_847 = arith.constant 32 : i32
          %add3A_848 = arith.addi %add3A_846, %add3A_847 : i32
          %get3A_849 = arith.index_cast %add3A_848 : i32 to index
          %get3A_850 = tpu.vector_load %arg5[%get3A_849] {strides = array<i32>} : memref<40960xf32, #tpu.memory_space<vmem>>, vector<16xf32>,
          %get3A_851 = vector.shape_cast %get3A_850 : vector<16xf32> to vector<16xf32>
          %add3A_852 = arith.addf %add3A_756, %get3A_851 : vector<16xf32>
          %mul3A_853 = arith.constant 32 : i32
          %mul3A_854 = arith.muli %scan3A_73, %mul3A_853 : i32
          %mul3A_855 = arith.constant 128 : i32
          %mul3A_856 = arith.muli %mul3A_854, %mul3A_855 : i32
          %add3A_857 = arith.constant 1024 : i32
          %add3A_858 = arith.addi %mul3A_856, %add3A_857 : i32
          %add3A_859 = arith.constant 48 : i32
          %add3A_860 = arith.addi %add3A_858, %add3A_859 : i32
          %get3A_861 = arith.index_cast %add3A_860 : i32 to index
          %get3A_862 = tpu.vector_load %arg5[%get3A_861] {strides = array<i32>} : memref<40960xf32, #tpu.memory_space<vmem>>, vector<16xf32>,
          %get3A_863 = vector.shape_cast %get3A_862 : vector<16xf32> to vector<16xf32>
          %add3A_864 = arith.addf %add3A_768, %get3A_863 : vector<16xf32>
          %mul3A_865 = arith.constant 32 : i32
          %mul3A_866 = arith.muli %scan3A_73, %mul3A_865 : i32
          %mul3A_867 = arith.constant 128 : i32
          %mul3A_868 = arith.muli %mul3A_866, %mul3A_867 : i32
          %add3A_869 = arith.constant 1024 : i32
          %add3A_870 = arith.addi %mul3A_868, %add3A_869 : i32
          %add3A_871 = arith.constant 64 : i32
          %add3A_872 = arith.addi %add3A_870, %add3A_871 : i32
          %get3A_873 = arith.index_cast %add3A_872 : i32 to index
          %get3A_874 = tpu.vector_load %arg5[%get3A_873] {strides = array<i32>} : memref<40960xf32, #tpu.memory_space<vmem>>, vector<16xf32>,
          %get3A_875 = vector.shape_cast %get3A_874 : vector<16xf32> to vector<16xf32>
          %add3A_876 = arith.addf %add3A_780, %get3A_875 : vector<16xf32>
          %mul3A_877 = arith.constant 32 : i32
          %mul3A_878 = arith.muli %scan3A_73, %mul3A_877 : i32
          %mul3A_879 = arith.constant 128 : i32
          %mul3A_880 = arith.muli %mul3A_878, %mul3A_879 : i32
          %add3A_881 = arith.constant 1024 : i32
          %add3A_882 = arith.addi %mul3A_880, %add3A_881 : i32
          %add3A_883 = arith.constant 80 : i32
          %add3A_884 = arith.addi %add3A_882, %add3A_883 : i32
          %get3A_885 = arith.index_cast %add3A_884 : i32 to index
          %get3A_886 = tpu.vector_load %arg5[%get3A_885] {strides = array<i32>} : memref<40960xf32, #tpu.memory_space<vmem>>, vector<16xf32>,
          %get3A_887 = vector.shape_cast %get3A_886 : vector<16xf32> to vector<16xf32>
          %add3A_888 = arith.addf %add3A_792, %get3A_887 : vector<16xf32>
          %mul3A_889 = arith.constant 32 : i32
          %mul3A_890 = arith.muli %scan3A_73, %mul3A_889 : i32
          %mul3A_891 = arith.constant 128 : i32
          %mul3A_892 = arith.muli %mul3A_890, %mul3A_891 : i32
          %add3A_893 = arith.constant 1024 : i32
          %add3A_894 = arith.addi %mul3A_892, %add3A_893 : i32
          %add3A_895 = arith.constant 96 : i32
          %add3A_896 = arith.addi %add3A_894, %add3A_895 : i32
          %get3A_897 = arith.index_cast %add3A_896 : i32 to index
          %get3A_898 = tpu.vector_load %arg5[%get3A_897] {strides = array<i32>} : memref<40960xf32, #tpu.memory_space<vmem>>, vector<16xf32>,
          %get3A_899 = vector.shape_cast %get3A_898 : vector<16xf32> to vector<16xf32>
          %add3A_900 = arith.addf %add3A_804, %get3A_899 : vector<16xf32>
          %mul3A_901 = arith.constant 32 : i32
          %mul3A_902 = arith.muli %scan3A_73, %mul3A_901 : i32
          %mul3A_903 = arith.constant 128 : i32
          %mul3A_904 = arith.muli %mul3A_902, %mul3A_903 : i32
          %add3A_905 = arith.constant 1024 : i32
          %add3A_906 = arith.addi %mul3A_904, %add3A_905 : i32
          %add3A_907 = arith.constant 112 : i32
          %add3A_908 = arith.addi %add3A_906, %add3A_907 : i32
          %get3A_909 = arith.index_cast %add3A_908 : i32 to index
          %get3A_910 = tpu.vector_load %arg5[%get3A_909] {strides = array<i32>} : memref<40960xf32, #tpu.memory_space<vmem>>, vector<16xf32>,
          %get3A_911 = vector.shape_cast %get3A_910 : vector<16xf32> to vector<16xf32>
          %add3A_912 = arith.addf %add3A_816, %get3A_911 : vector<16xf32>
          %mul3A_913 = arith.constant 32 : i32
          %mul3A_914 = arith.muli %scan3A_73, %mul3A_913 : i32
          %mul3A_915 = arith.constant 128 : i32
          %mul3A_916 = arith.muli %mul3A_914, %mul3A_915 : i32
          %add3A_917 = arith.constant 1152 : i32
          %add3A_918 = arith.addi %mul3A_916, %add3A_917 : i32
          %add3A_919 = arith.constant 0 : i32
          %add3A_920 = arith.addi %add3A_918, %add3A_919 : i32
          %get3A_921 = arith.index_cast %add3A_920 : i32 to index
          %get3A_922 = tpu.vector_load %arg5[%get3A_921] {strides = array<i32>} : memref<40960xf32, #tpu.memory_space<vmem>>, vector<16xf32>,
          %get3A_923 = vector.shape_cast %get3A_922 : vector<16xf32> to vector<16xf32>
          %add3A_924 = arith.addf %add3A_828, %get3A_923 : vector<16xf32>
          %mul3A_925 = arith.constant 32 : i32
          %mul3A_926 = arith.muli %scan3A_73, %mul3A_925 : i32
          %mul3A_927 = arith.constant 128 : i32
          %mul3A_928 = arith.muli %mul3A_926, %mul3A_927 : i32
          %add3A_929 = arith.constant 1152 : i32
          %add3A_930 = arith.addi %mul3A_928, %add3A_929 : i32
          %add3A_931 = arith.constant 16 : i32
          %add3A_932 = arith.addi %add3A_930, %add3A_931 : i32
          %get3A_933 = arith.index_cast %add3A_932 : i32 to index
          %get3A_934 = tpu.vector_load %arg5[%get3A_933] {strides = array<i32>} : memref<40960xf32, #tpu.memory_space<vmem>>, vector<16xf32>,
          %get3A_935 = vector.shape_cast %get3A_934 : vector<16xf32> to vector<16xf32>
          %add3A_936 = arith.addf %add3A_840, %get3A_935 : vector<16xf32>
          %mul3A_937 = arith.constant 32 : i32
          %mul3A_938 = arith.muli %scan3A_73, %mul3A_937 : i32
          %mul3A_939 = arith.constant 128 : i32
          %mul3A_940 = arith.muli %mul3A_938, %mul3A_939 : i32
          %add3A_941 = arith.constant 1152 : i32
          %add3A_942 = arith.addi %mul3A_940, %add3A_941 : i32
          %add3A_943 = arith.constant 32 : i32
          %add3A_944 = arith.addi %add3A_942, %add3A_943 : i32
          %get3A_945 = arith.index_cast %add3A_944 : i32 to index
          %get3A_946 = tpu.vector_load %arg5[%get3A_945] {strides = array<i32>} : memref<40960xf32, #tpu.memory_space<vmem>>, vector<16xf32>,
          %get3A_947 = vector.shape_cast %get3A_946 : vector<16xf32> to vector<16xf32>
          %add3A_948 = arith.addf %add3A_852, %get3A_947 : vector<16xf32>
          %mul3A_949 = arith.constant 32 : i32
          %mul3A_950 = arith.muli %scan3A_73, %mul3A_949 : i32
          %mul3A_951 = arith.constant 128 : i32
          %mul3A_952 = arith.muli %mul3A_950, %mul3A_951 : i32
          %add3A_953 = arith.constant 1152 : i32
          %add3A_954 = arith.addi %mul3A_952, %add3A_953 : i32
          %add3A_955 = arith.constant 48 : i32
          %add3A_956 = arith.addi %add3A_954, %add3A_955 : i32
          %get3A_957 = arith.index_cast %add3A_956 : i32 to index
          %get3A_958 = tpu.vector_load %arg5[%get3A_957] {strides = array<i32>} : memref<40960xf32, #tpu.memory_space<vmem>>, vector<16xf32>,
          %get3A_959 = vector.shape_cast %get3A_958 : vector<16xf32> to vector<16xf32>
          %add3A_960 = arith.addf %add3A_864, %get3A_959 : vector<16xf32>
          %mul3A_961 = arith.constant 32 : i32
          %mul3A_962 = arith.muli %scan3A_73, %mul3A_961 : i32
          %mul3A_963 = arith.constant 128 : i32
          %mul3A_964 = arith.muli %mul3A_962, %mul3A_963 : i32
          %add3A_965 = arith.constant 1152 : i32
          %add3A_966 = arith.addi %mul3A_964, %add3A_965 : i32
          %add3A_967 = arith.constant 64 : i32
          %add3A_968 = arith.addi %add3A_966, %add3A_967 : i32
          %get3A_969 = arith.index_cast %add3A_968 : i32 to index
          %get3A_970 = tpu.vector_load %arg5[%get3A_969] {strides = array<i32>} : memref<40960xf32, #tpu.memory_space<vmem>>, vector<16xf32>,
          %get3A_971 = vector.shape_cast %get3A_970 : vector<16xf32> to vector<16xf32>
          %add3A_972 = arith.addf %add3A_876, %get3A_971 : vector<16xf32>
          %mul3A_973 = arith.constant 32 : i32
          %mul3A_974 = arith.muli %scan3A_73, %mul3A_973 : i32
          %mul3A_975 = arith.constant 128 : i32
          %mul3A_976 = arith.muli %mul3A_974, %mul3A_975 : i32
          %add3A_977 = arith.constant 1152 : i32
          %add3A_978 = arith.addi %mul3A_976, %add3A_977 : i32
          %add3A_979 = arith.constant 80 : i32
          %add3A_980 = arith.addi %add3A_978, %add3A_979 : i32
          %get3A_981 = arith.index_cast %add3A_980 : i32 to index
          %get3A_982 = tpu.vector_load %arg5[%get3A_981] {strides = array<i32>} : memref<40960xf32, #tpu.memory_space<vmem>>, vector<16xf32>,
          %get3A_983 = vector.shape_cast %get3A_982 : vector<16xf32> to vector<16xf32>
          %add3A_984 = arith.addf %add3A_888, %get3A_983 : vector<16xf32>
          %mul3A_985 = arith.constant 32 : i32
          %mul3A_986 = arith.muli %scan3A_73, %mul3A_985 : i32
          %mul3A_987 = arith.constant 128 : i32
          %mul3A_988 = arith.muli %mul3A_986, %mul3A_987 : i32
          %add3A_989 = arith.constant 1152 : i32
          %add3A_990 = arith.addi %mul3A_988, %add3A_989 : i32
          %add3A_991 = arith.constant 96 : i32
          %add3A_992 = arith.addi %add3A_990, %add3A_991 : i32
          %get3A_993 = arith.index_cast %add3A_992 : i32 to index
          %get3A_994 = tpu.vector_load %arg5[%get3A_993] {strides = array<i32>} : memref<40960xf32, #tpu.memory_space<vmem>>, vector<16xf32>,
          %get3A_995 = vector.shape_cast %get3A_994 : vector<16xf32> to vector<16xf32>
          %add3A_996 = arith.addf %add3A_900, %get3A_995 : vector<16xf32>
          %mul3A_997 = arith.constant 32 : i32
          %mul3A_998 = arith.muli %scan3A_73, %mul3A_997 : i32
          %mul3A_999 = arith.constant 128 : i32
          %mul3A_1000 = arith.muli %mul3A_998, %mul3A_999 : i32
          %add3A_1001 = arith.constant 1152 : i32
          %add3A_1002 = arith.addi %mul3A_1000, %add3A_1001 : i32
          %add3A_1003 = arith.constant 112 : i32
          %add3A_1004 = arith.addi %add3A_1002, %add3A_1003 : i32
          %get3A_1005 = arith.index_cast %add3A_1004 : i32 to index
          %get3A_1006 = tpu.vector_load %arg5[%get3A_1005] {strides = array<i32>} : memref<40960xf32, #tpu.memory_space<vmem>>, vector<16xf32>,
          %get3A_1007 = vector.shape_cast %get3A_1006 : vector<16xf32> to vector<16xf32>
          %add3A_1008 = arith.addf %add3A_912, %get3A_1007 : vector<16xf32>
          %mul3A_1009 = arith.constant 32 : i32
          %mul3A_1010 = arith.muli %scan3A_73, %mul3A_1009 : i32
          %mul3A_1011 = arith.constant 128 : i32
          %mul3A_1012 = arith.muli %mul3A_1010, %mul3A_1011 : i32
          %add3A_1013 = arith.constant 1280 : i32
          %add3A_1014 = arith.addi %mul3A_1012, %add3A_1013 : i32
          %add3A_1015 = arith.constant 0 : i32
          %add3A_1016 = arith.addi %add3A_1014, %add3A_1015 : i32
          %get3A_1017 = arith.index_cast %add3A_1016 : i32 to index
          %get3A_1018 = tpu.vector_load %arg5[%get3A_1017] {strides = array<i32>} : memref<40960xf32, #tpu.memory_space<vmem>>, vector<16xf32>,
          %get3A_1019 = vector.shape_cast %get3A_1018 : vector<16xf32> to vector<16xf32>
          %add3A_1020 = arith.addf %add3A_924, %get3A_1019 : vector<16xf32>
          %mul3A_1021 = arith.constant 32 : i32
          %mul3A_1022 = arith.muli %scan3A_73, %mul3A_1021 : i32
          %mul3A_1023 = arith.constant 128 : i32
          %mul3A_1024 = arith.muli %mul3A_1022, %mul3A_1023 : i32
          %add3A_1025 = arith.constant 1280 : i32
          %add3A_1026 = arith.addi %mul3A_1024, %add3A_1025 : i32
          %add3A_1027 = arith.constant 16 : i32
          %add3A_1028 = arith.addi %add3A_1026, %add3A_1027 : i32
          %get3A_1029 = arith.index_cast %add3A_1028 : i32 to index
          %get3A_1030 = tpu.vector_load %arg5[%get3A_1029] {strides = array<i32>} : memref<40960xf32, #tpu.memory_space<vmem>>, vector<16xf32>,
          %get3A_1031 = vector.shape_cast %get3A_1030 : vector<16xf32> to vector<16xf32>
          %add3A_1032 = arith.addf %add3A_936, %get3A_1031 : vector<16xf32>
          %mul3A_1033 = arith.constant 32 : i32
          %mul3A_1034 = arith.muli %scan3A_73, %mul3A_1033 : i32
          %mul3A_1035 = arith.constant 128 : i32
          %mul3A_1036 = arith.muli %mul3A_1034, %mul3A_1035 : i32
          %add3A_1037 = arith.constant 1280 : i32
          %add3A_1038 = arith.addi %mul3A_1036, %add3A_1037 : i32
          %add3A_1039 = arith.constant 32 : i32
          %add3A_1040 = arith.addi %add3A_1038, %add3A_1039 : i32
          %get3A_1041 = arith.index_cast %add3A_1040 : i32 to index
          %get3A_1042 = tpu.vector_load %arg5[%get3A_1041] {strides = array<i32>} : memref<40960xf32, #tpu.memory_space<vmem>>, vector<16xf32>,
          %get3A_1043 = vector.shape_cast %get3A_1042 : vector<16xf32> to vector<16xf32>
          %add3A_1044 = arith.addf %add3A_948, %get3A_1043 : vector<16xf32>
          %mul3A_1045 = arith.constant 32 : i32
          %mul3A_1046 = arith.muli %scan3A_73, %mul3A_1045 : i32
          %mul3A_1047 = arith.constant 128 : i32
          %mul3A_1048 = arith.muli %mul3A_1046, %mul3A_1047 : i32
          %add3A_1049 = arith.constant 1280 : i32
          %add3A_1050 = arith.addi %mul3A_1048, %add3A_1049 : i32
          %add3A_1051 = arith.constant 48 : i32
          %add3A_1052 = arith.addi %add3A_1050, %add3A_1051 : i32
          %get3A_1053 = arith.index_cast %add3A_1052 : i32 to index
          %get3A_1054 = tpu.vector_load %arg5[%get3A_1053] {strides = array<i32>} : memref<40960xf32, #tpu.memory_space<vmem>>, vector<16xf32>,
          %get3A_1055 = vector.shape_cast %get3A_1054 : vector<16xf32> to vector<16xf32>
          %add3A_1056 = arith.addf %add3A_960, %get3A_1055 : vector<16xf32>
          %mul3A_1057 = arith.constant 32 : i32
          %mul3A_1058 = arith.muli %scan3A_73, %mul3A_1057 : i32
          %mul3A_1059 = arith.constant 128 : i32
          %mul3A_1060 = arith.muli %mul3A_1058, %mul3A_1059 : i32
          %add3A_1061 = arith.constant 1280 : i32
          %add3A_1062 = arith.addi %mul3A_1060, %add3A_1061 : i32
          %add3A_1063 = arith.constant 64 : i32
          %add3A_1064 = arith.addi %add3A_1062, %add3A_1063 : i32
          %get3A_1065 = arith.index_cast %add3A_1064 : i32 to index
          %get3A_1066 = tpu.vector_load %arg5[%get3A_1065] {strides = array<i32>} : memref<40960xf32, #tpu.memory_space<vmem>>, vector<16xf32>,
          %get3A_1067 = vector.shape_cast %get3A_1066 : vector<16xf32> to vector<16xf32>
          %add3A_1068 = arith.addf %add3A_972, %get3A_1067 : vector<16xf32>
          %mul3A_1069 = arith.constant 32 : i32
          %mul3A_1070 = arith.muli %scan3A_73, %mul3A_1069 : i32
          %mul3A_1071 = arith.constant 128 : i32
          %mul3A_1072 = arith.muli %mul3A_1070, %mul3A_1071 : i32
          %add3A_1073 = arith.constant 1280 : i32
          %add3A_1074 = arith.addi %mul3A_1072, %add3A_1073 : i32
          %add3A_1075 = arith.constant 80 : i32
          %add3A_1076 = arith.addi %add3A_1074, %add3A_1075 : i32
          %get3A_1077 = arith.index_cast %add3A_1076 : i32 to index
          %get3A_1078 = tpu.vector_load %arg5[%get3A_1077] {strides = array<i32>} : memref<40960xf32, #tpu.memory_space<vmem>>, vector<16xf32>,
          %get3A_1079 = vector.shape_cast %get3A_1078 : vector<16xf32> to vector<16xf32>
          %add3A_1080 = arith.addf %add3A_984, %get3A_1079 : vector<16xf32>
          %mul3A_1081 = arith.constant 32 : i32
          %mul3A_1082 = arith.muli %scan3A_73, %mul3A_1081 : i32
          %mul3A_1083 = arith.constant 128 : i32
          %mul3A_1084 = arith.muli %mul3A_1082, %mul3A_1083 : i32
          %add3A_1085 = arith.constant 1280 : i32
          %add3A_1086 = arith.addi %mul3A_1084, %add3A_1085 : i32
          %add3A_1087 = arith.constant 96 : i32
          %add3A_1088 = arith.addi %add3A_1086, %add3A_1087 : i32
          %get3A_1089 = arith.index_cast %add3A_1088 : i32 to index
          %get3A_1090 = tpu.vector_load %arg5[%get3A_1089] {strides = array<i32>} : memref<40960xf32, #tpu.memory_space<vmem>>, vector<16xf32>,
          %get3A_1091 = vector.shape_cast %get3A_1090 : vector<16xf32> to vector<16xf32>
          %add3A_1092 = arith.addf %add3A_996, %get3A_1091 : vector<16xf32>
          %mul3A_1093 = arith.constant 32 : i32
          %mul3A_1094 = arith.muli %scan3A_73, %mul3A_1093 : i32
          %mul3A_1095 = arith.constant 128 : i32
          %mul3A_1096 = arith.muli %mul3A_1094, %mul3A_1095 : i32
          %add3A_1097 = arith.constant 1280 : i32
          %add3A_1098 = arith.addi %mul3A_1096, %add3A_1097 : i32
          %add3A_1099 = arith.constant 112 : i32
          %add3A_1100 = arith.addi %add3A_1098, %add3A_1099 : i32
          %get3A_1101 = arith.index_cast %add3A_1100 : i32 to index
          %get3A_1102 = tpu.vector_load %arg5[%get3A_1101] {strides = array<i32>} : memref<40960xf32, #tpu.memory_space<vmem>>, vector<16xf32>,
          %get3A_1103 = vector.shape_cast %get3A_1102 : vector<16xf32> to vector<16xf32>
          %add3A_1104 = arith.addf %add3A_1008, %get3A_1103 : vector<16xf32>
          %mul3A_1105 = arith.constant 32 : i32
          %mul3A_1106 = arith.muli %scan3A_73, %mul3A_1105 : i32
          %mul3A_1107 = arith.constant 128 : i32
          %mul3A_1108 = arith.muli %mul3A_1106, %mul3A_1107 : i32
          %add3A_1109 = arith.constant 1408 : i32
          %add3A_1110 = arith.addi %mul3A_1108, %add3A_1109 : i32
          %add3A_1111 = arith.constant 0 : i32
          %add3A_1112 = arith.addi %add3A_1110, %add3A_1111 : i32
          %get3A_1113 = arith.index_cast %add3A_1112 : i32 to index
          %get3A_1114 = tpu.vector_load %arg5[%get3A_1113] {strides = array<i32>} : memref<40960xf32, #tpu.memory_space<vmem>>, vector<16xf32>,
          %get3A_1115 = vector.shape_cast %get3A_1114 : vector<16xf32> to vector<16xf32>
          %add3A_1116 = arith.addf %add3A_1020, %get3A_1115 : vector<16xf32>
          %mul3A_1117 = arith.constant 32 : i32
          %mul3A_1118 = arith.muli %scan3A_73, %mul3A_1117 : i32
          %mul3A_1119 = arith.constant 128 : i32
          %mul3A_1120 = arith.muli %mul3A_1118, %mul3A_1119 : i32
          %add3A_1121 = arith.constant 1408 : i32
          %add3A_1122 = arith.addi %mul3A_1120, %add3A_1121 : i32
          %add3A_1123 = arith.constant 16 : i32
          %add3A_1124 = arith.addi %add3A_1122, %add3A_1123 : i32
          %get3A_1125 = arith.index_cast %add3A_1124 : i32 to index
          %get3A_1126 = tpu.vector_load %arg5[%get3A_1125] {strides = array<i32>} : memref<40960xf32, #tpu.memory_space<vmem>>, vector<16xf32>,
          %get3A_1127 = vector.shape_cast %get3A_1126 : vector<16xf32> to vector<16xf32>
          %add3A_1128 = arith.addf %add3A_1032, %get3A_1127 : vector<16xf32>
          %mul3A_1129 = arith.constant 32 : i32
          %mul3A_1130 = arith.muli %scan3A_73, %mul3A_1129 : i32
          %mul3A_1131 = arith.constant 128 : i32
          %mul3A_1132 = arith.muli %mul3A_1130, %mul3A_1131 : i32
          %add3A_1133 = arith.constant 1408 : i32
          %add3A_1134 = arith.addi %mul3A_1132, %add3A_1133 : i32
          %add3A_1135 = arith.constant 32 : i32
          %add3A_1136 = arith.addi %add3A_1134, %add3A_1135 : i32
          %get3A_1137 = arith.index_cast %add3A_1136 : i32 to index
          %get3A_1138 = tpu.vector_load %arg5[%get3A_1137] {strides = array<i32>} : memref<40960xf32, #tpu.memory_space<vmem>>, vector<16xf32>,
          %get3A_1139 = vector.shape_cast %get3A_1138 : vector<16xf32> to vector<16xf32>
          %add3A_1140 = arith.addf %add3A_1044, %get3A_1139 : vector<16xf32>
          %mul3A_1141 = arith.constant 32 : i32
          %mul3A_1142 = arith.muli %scan3A_73, %mul3A_1141 : i32
          %mul3A_1143 = arith.constant 128 : i32
          %mul3A_1144 = arith.muli %mul3A_1142, %mul3A_1143 : i32
          %add3A_1145 = arith.constant 1408 : i32
          %add3A_1146 = arith.addi %mul3A_1144, %add3A_1145 : i32
          %add3A_1147 = arith.constant 48 : i32
          %add3A_1148 = arith.addi %add3A_1146, %add3A_1147 : i32
          %get3A_1149 = arith.index_cast %add3A_1148 : i32 to index
          %get3A_1150 = tpu.vector_load %arg5[%get3A_1149] {strides = array<i32>} : memref<40960xf32, #tpu.memory_space<vmem>>, vector<16xf32>,
          %get3A_1151 = vector.shape_cast %get3A_1150 : vector<16xf32> to vector<16xf32>
          %add3A_1152 = arith.addf %add3A_1056, %get3A_1151 : vector<16xf32>
          %mul3A_1153 = arith.constant 32 : i32
          %mul3A_1154 = arith.muli %scan3A_73, %mul3A_1153 : i32
          %mul3A_1155 = arith.constant 128 : i32
          %mul3A_1156 = arith.muli %mul3A_1154, %mul3A_1155 : i32
          %add3A_1157 = arith.constant 1408 : i32
          %add3A_1158 = arith.addi %mul3A_1156, %add3A_1157 : i32
          %add3A_1159 = arith.constant 64 : i32
          %add3A_1160 = arith.addi %add3A_1158, %add3A_1159 : i32
          %get3A_1161 = arith.index_cast %add3A_1160 : i32 to index
          %get3A_1162 = tpu.vector_load %arg5[%get3A_1161] {strides = array<i32>} : memref<40960xf32, #tpu.memory_space<vmem>>, vector<16xf32>,
          %get3A_1163 = vector.shape_cast %get3A_1162 : vector<16xf32> to vector<16xf32>
          %add3A_1164 = arith.addf %add3A_1068, %get3A_1163 : vector<16xf32>
          %mul3A_1165 = arith.constant 32 : i32
          %mul3A_1166 = arith.muli %scan3A_73, %mul3A_1165 : i32
          %mul3A_1167 = arith.constant 128 : i32
          %mul3A_1168 = arith.muli %mul3A_1166, %mul3A_1167 : i32
          %add3A_1169 = arith.constant 1408 : i32
          %add3A_1170 = arith.addi %mul3A_1168, %add3A_1169 : i32
          %add3A_1171 = arith.constant 80 : i32
          %add3A_1172 = arith.addi %add3A_1170, %add3A_1171 : i32
          %get3A_1173 = arith.index_cast %add3A_1172 : i32 to index
          %get3A_1174 = tpu.vector_load %arg5[%get3A_1173] {strides = array<i32>} : memref<40960xf32, #tpu.memory_space<vmem>>, vector<16xf32>,
          %get3A_1175 = vector.shape_cast %get3A_1174 : vector<16xf32> to vector<16xf32>
          %add3A_1176 = arith.addf %add3A_1080, %get3A_1175 : vector<16xf32>
          %mul3A_1177 = arith.constant 32 : i32
          %mul3A_1178 = arith.muli %scan3A_73, %mul3A_1177 : i32
          %mul3A_1179 = arith.constant 128 : i32
          %mul3A_1180 = arith.muli %mul3A_1178, %mul3A_1179 : i32
          %add3A_1181 = arith.constant 1408 : i32
          %add3A_1182 = arith.addi %mul3A_1180, %add3A_1181 : i32
          %add3A_1183 = arith.constant 96 : i32
          %add3A_1184 = arith.addi %add3A_1182, %add3A_1183 : i32
          %get3A_1185 = arith.index_cast %add3A_1184 : i32 to index
          %get3A_1186 = tpu.vector_load %arg5[%get3A_1185] {strides = array<i32>} : memref<40960xf32, #tpu.memory_space<vmem>>, vector<16xf32>,
          %get3A_1187 = vector.shape_cast %get3A_1186 : vector<16xf32> to vector<16xf32>
          %add3A_1188 = arith.addf %add3A_1092, %get3A_1187 : vector<16xf32>
          %mul3A_1189 = arith.constant 32 : i32
          %mul3A_1190 = arith.muli %scan3A_73, %mul3A_1189 : i32
          %mul3A_1191 = arith.constant 128 : i32
          %mul3A_1192 = arith.muli %mul3A_1190, %mul3A_1191 : i32
          %add3A_1193 = arith.constant 1408 : i32
          %add3A_1194 = arith.addi %mul3A_1192, %add3A_1193 : i32
          %add3A_1195 = arith.constant 112 : i32
          %add3A_1196 = arith.addi %add3A_1194, %add3A_1195 : i32
          %get3A_1197 = arith.index_cast %add3A_1196 : i32 to index
          %get3A_1198 = tpu.vector_load %arg5[%get3A_1197] {strides = array<i32>} : memref<40960xf32, #tpu.memory_space<vmem>>, vector<16xf32>,
          %get3A_1199 = vector.shape_cast %get3A_1198 : vector<16xf32> to vector<16xf32>
          %add3A_1200 = arith.addf %add3A_1104, %get3A_1199 : vector<16xf32>
          %mul3A_1201 = arith.constant 32 : i32
          %mul3A_1202 = arith.muli %scan3A_73, %mul3A_1201 : i32
          %mul3A_1203 = arith.constant 128 : i32
          %mul3A_1204 = arith.muli %mul3A_1202, %mul3A_1203 : i32
          %add3A_1205 = arith.constant 1536 : i32
          %add3A_1206 = arith.addi %mul3A_1204, %add3A_1205 : i32
          %add3A_1207 = arith.constant 0 : i32
          %add3A_1208 = arith.addi %add3A_1206, %add3A_1207 : i32
          %get3A_1209 = arith.index_cast %add3A_1208 : i32 to index
          %get3A_1210 = tpu.vector_load %arg5[%get3A_1209] {strides = array<i32>} : memref<40960xf32, #tpu.memory_space<vmem>>, vector<16xf32>,
          %get3A_1211 = vector.shape_cast %get3A_1210 : vector<16xf32> to vector<16xf32>
          %add3A_1212 = arith.addf %add3A_1116, %get3A_1211 : vector<16xf32>
          %mul3A_1213 = arith.constant 32 : i32
          %mul3A_1214 = arith.muli %scan3A_73, %mul3A_1213 : i32
          %mul3A_1215 = arith.constant 128 : i32
          %mul3A_1216 = arith.muli %mul3A_1214, %mul3A_1215 : i32
          %add3A_1217 = arith.constant 1536 : i32
          %add3A_1218 = arith.addi %mul3A_1216, %add3A_1217 : i32
          %add3A_1219 = arith.constant 16 : i32
          %add3A_1220 = arith.addi %add3A_1218, %add3A_1219 : i32
          %get3A_1221 = arith.index_cast %add3A_1220 : i32 to index
          %get3A_1222 = tpu.vector_load %arg5[%get3A_1221] {strides = array<i32>} : memref<40960xf32, #tpu.memory_space<vmem>>, vector<16xf32>,
          %get3A_1223 = vector.shape_cast %get3A_1222 : vector<16xf32> to vector<16xf32>
          %add3A_1224 = arith.addf %add3A_1128, %get3A_1223 : vector<16xf32>
          %mul3A_1225 = arith.constant 32 : i32
          %mul3A_1226 = arith.muli %scan3A_73, %mul3A_1225 : i32
          %mul3A_1227 = arith.constant 128 : i32
          %mul3A_1228 = arith.muli %mul3A_1226, %mul3A_1227 : i32
          %add3A_1229 = arith.constant 1536 : i32
          %add3A_1230 = arith.addi %mul3A_1228, %add3A_1229 : i32
          %add3A_1231 = arith.constant 32 : i32
          %add3A_1232 = arith.addi %add3A_1230, %add3A_1231 : i32
          %get3A_1233 = arith.index_cast %add3A_1232 : i32 to index
          %get3A_1234 = tpu.vector_load %arg5[%get3A_1233] {strides = array<i32>} : memref<40960xf32, #tpu.memory_space<vmem>>, vector<16xf32>,
          %get3A_1235 = vector.shape_cast %get3A_1234 : vector<16xf32> to vector<16xf32>
          %add3A_1236 = arith.addf %add3A_1140, %get3A_1235 : vector<16xf32>
          %mul3A_1237 = arith.constant 32 : i32
          %mul3A_1238 = arith.muli %scan3A_73, %mul3A_1237 : i32
          %mul3A_1239 = arith.constant 128 : i32
          %mul3A_1240 = arith.muli %mul3A_1238, %mul3A_1239 : i32
          %add3A_1241 = arith.constant 1536 : i32
          %add3A_1242 = arith.addi %mul3A_1240, %add3A_1241 : i32
          %add3A_1243 = arith.constant 48 : i32
          %add3A_1244 = arith.addi %add3A_1242, %add3A_1243 : i32
          %get3A_1245 = arith.index_cast %add3A_1244 : i32 to index
          %get3A_1246 = tpu.vector_load %arg5[%get3A_1245] {strides = array<i32>} : memref<40960xf32, #tpu.memory_space<vmem>>, vector<16xf32>,
          %get3A_1247 = vector.shape_cast %get3A_1246 : vector<16xf32> to vector<16xf32>
          %add3A_1248 = arith.addf %add3A_1152, %get3A_1247 : vector<16xf32>
          %mul3A_1249 = arith.constant 32 : i32
          %mul3A_1250 = arith.muli %scan3A_73, %mul3A_1249 : i32
          %mul3A_1251 = arith.constant 128 : i32
          %mul3A_1252 = arith.muli %mul3A_1250, %mul3A_1251 : i32
          %add3A_1253 = arith.constant 1536 : i32
          %add3A_1254 = arith.addi %mul3A_1252, %add3A_1253 : i32
          %add3A_1255 = arith.constant 64 : i32
          %add3A_1256 = arith.addi %add3A_1254, %add3A_1255 : i32
          %get3A_1257 = arith.index_cast %add3A_1256 : i32 to index
          %get3A_1258 = tpu.vector_load %arg5[%get3A_1257] {strides = array<i32>} : memref<40960xf32, #tpu.memory_space<vmem>>, vector<16xf32>,
          %get3A_1259 = vector.shape_cast %get3A_1258 : vector<16xf32> to vector<16xf32>
          %add3A_1260 = arith.addf %add3A_1164, %get3A_1259 : vector<16xf32>
          %mul3A_1261 = arith.constant 32 : i32
          %mul3A_1262 = arith.muli %scan3A_73, %mul3A_1261 : i32
          %mul3A_1263 = arith.constant 128 : i32
          %mul3A_1264 = arith.muli %mul3A_1262, %mul3A_1263 : i32
          %add3A_1265 = arith.constant 1536 : i32
          %add3A_1266 = arith.addi %mul3A_1264, %add3A_1265 : i32
          %add3A_1267 = arith.constant 80 : i32
          %add3A_1268 = arith.addi %add3A_1266, %add3A_1267 : i32
          %get3A_1269 = arith.index_cast %add3A_1268 : i32 to index
          %get3A_1270 = tpu.vector_load %arg5[%get3A_1269] {strides = array<i32>} : memref<40960xf32, #tpu.memory_space<vmem>>, vector<16xf32>,
          %get3A_1271 = vector.shape_cast %get3A_1270 : vector<16xf32> to vector<16xf32>
          %add3A_1272 = arith.addf %add3A_1176, %get3A_1271 : vector<16xf32>
          %mul3A_1273 = arith.constant 32 : i32
          %mul3A_1274 = arith.muli %scan3A_73, %mul3A_1273 : i32
          %mul3A_1275 = arith.constant 128 : i32
          %mul3A_1276 = arith.muli %mul3A_1274, %mul3A_1275 : i32
          %add3A_1277 = arith.constant 1536 : i32
          %add3A_1278 = arith.addi %mul3A_1276, %add3A_1277 : i32
          %add3A_1279 = arith.constant 96 : i32
          %add3A_1280 = arith.addi %add3A_1278, %add3A_1279 : i32
          %get3A_1281 = arith.index_cast %add3A_1280 : i32 to index
          %get3A_1282 = tpu.vector_load %arg5[%get3A_1281] {strides = array<i32>} : memref<40960xf32, #tpu.memory_space<vmem>>, vector<16xf32>,
          %get3A_1283 = vector.shape_cast %get3A_1282 : vector<16xf32> to vector<16xf32>
          %add3A_1284 = arith.addf %add3A_1188, %get3A_1283 : vector<16xf32>
          %mul3A_1285 = arith.constant 32 : i32
          %mul3A_1286 = arith.muli %scan3A_73, %mul3A_1285 : i32
          %mul3A_1287 = arith.constant 128 : i32
          %mul3A_1288 = arith.muli %mul3A_1286, %mul3A_1287 : i32
          %add3A_1289 = arith.constant 1536 : i32
          %add3A_1290 = arith.addi %mul3A_1288, %add3A_1289 : i32
          %add3A_1291 = arith.constant 112 : i32
          %add3A_1292 = arith.addi %add3A_1290, %add3A_1291 : i32
          %get3A_1293 = arith.index_cast %add3A_1292 : i32 to index
          %get3A_1294 = tpu.vector_load %arg5[%get3A_1293] {strides = array<i32>} : memref<40960xf32, #tpu.memory_space<vmem>>, vector<16xf32>,
          %get3A_1295 = vector.shape_cast %get3A_1294 : vector<16xf32> to vector<16xf32>
          %add3A_1296 = arith.addf %add3A_1200, %get3A_1295 : vector<16xf32>
          %mul3A_1297 = arith.constant 32 : i32
          %mul3A_1298 = arith.muli %scan3A_73, %mul3A_1297 : i32
          %mul3A_1299 = arith.constant 128 : i32
          %mul3A_1300 = arith.muli %mul3A_1298, %mul3A_1299 : i32
          %add3A_1301 = arith.constant 1664 : i32
          %add3A_1302 = arith.addi %mul3A_1300, %add3A_1301 : i32
          %add3A_1303 = arith.constant 0 : i32
          %add3A_1304 = arith.addi %add3A_1302, %add3A_1303 : i32
          %get3A_1305 = arith.index_cast %add3A_1304 : i32 to index
          %get3A_1306 = tpu.vector_load %arg5[%get3A_1305] {strides = array<i32>} : memref<40960xf32, #tpu.memory_space<vmem>>, vector<16xf32>,
          %get3A_1307 = vector.shape_cast %get3A_1306 : vector<16xf32> to vector<16xf32>
          %add3A_1308 = arith.addf %add3A_1212, %get3A_1307 : vector<16xf32>
          %mul3A_1309 = arith.constant 32 : i32
          %mul3A_1310 = arith.muli %scan3A_73, %mul3A_1309 : i32
          %mul3A_1311 = arith.constant 128 : i32
          %mul3A_1312 = arith.muli %mul3A_1310, %mul3A_1311 : i32
          %add3A_1313 = arith.constant 1664 : i32
          %add3A_1314 = arith.addi %mul3A_1312, %add3A_1313 : i32
          %add3A_1315 = arith.constant 16 : i32
          %add3A_1316 = arith.addi %add3A_1314, %add3A_1315 : i32
          %get3A_1317 = arith.index_cast %add3A_1316 : i32 to index
          %get3A_1318 = tpu.vector_load %arg5[%get3A_1317] {strides = array<i32>} : memref<40960xf32, #tpu.memory_space<vmem>>, vector<16xf32>,
          %get3A_1319 = vector.shape_cast %get3A_1318 : vector<16xf32> to vector<16xf32>
          %add3A_1320 = arith.addf %add3A_1224, %get3A_1319 : vector<16xf32>
          %mul3A_1321 = arith.constant 32 : i32
          %mul3A_1322 = arith.muli %scan3A_73, %mul3A_1321 : i32
          %mul3A_1323 = arith.constant 128 : i32
          %mul3A_1324 = arith.muli %mul3A_1322, %mul3A_1323 : i32
          %add3A_1325 = arith.constant 1664 : i32
          %add3A_1326 = arith.addi %mul3A_1324, %add3A_1325 : i32
          %add3A_1327 = arith.constant 32 : i32
          %add3A_1328 = arith.addi %add3A_1326, %add3A_1327 : i32
          %get3A_1329 = arith.index_cast %add3A_1328 : i32 to index
          %get3A_1330 = tpu.vector_load %arg5[%get3A_1329] {strides = array<i32>} : memref<40960xf32, #tpu.memory_space<vmem>>, vector<16xf32>,
          %get3A_1331 = vector.shape_cast %get3A_1330 : vector<16xf32> to vector<16xf32>
          %add3A_1332 = arith.addf %add3A_1236, %get3A_1331 : vector<16xf32>
          %mul3A_1333 = arith.constant 32 : i32
          %mul3A_1334 = arith.muli %scan3A_73, %mul3A_1333 : i32
          %mul3A_1335 = arith.constant 128 : i32
          %mul3A_1336 = arith.muli %mul3A_1334, %mul3A_1335 : i32
          %add3A_1337 = arith.constant 1664 : i32
          %add3A_1338 = arith.addi %mul3A_1336, %add3A_1337 : i32
          %add3A_1339 = arith.constant 48 : i32
          %add3A_1340 = arith.addi %add3A_1338, %add3A_1339 : i32
          %get3A_1341 = arith.index_cast %add3A_1340 : i32 to index
          %get3A_1342 = tpu.vector_load %arg5[%get3A_1341] {strides = array<i32>} : memref<40960xf32, #tpu.memory_space<vmem>>, vector<16xf32>,
          %get3A_1343 = vector.shape_cast %get3A_1342 : vector<16xf32> to vector<16xf32>
          %add3A_1344 = arith.addf %add3A_1248, %get3A_1343 : vector<16xf32>
          %mul3A_1345 = arith.constant 32 : i32
          %mul3A_1346 = arith.muli %scan3A_73, %mul3A_1345 : i32
          %mul3A_1347 = arith.constant 128 : i32
          %mul3A_1348 = arith.muli %mul3A_1346, %mul3A_1347 : i32
          %add3A_1349 = arith.constant 1664 : i32
          %add3A_1350 = arith.addi %mul3A_1348, %add3A_1349 : i32
          %add3A_1351 = arith.constant 64 : i32
          %add3A_1352 = arith.addi %add3A_1350, %add3A_1351 : i32
          %get3A_1353 = arith.index_cast %add3A_1352 : i32 to index
          %get3A_1354 = tpu.vector_load %arg5[%get3A_1353] {strides = array<i32>} : memref<40960xf32, #tpu.memory_space<vmem>>, vector<16xf32>,
          %get3A_1355 = vector.shape_cast %get3A_1354 : vector<16xf32> to vector<16xf32>
          %add3A_1356 = arith.addf %add3A_1260, %get3A_1355 : vector<16xf32>
          %mul3A_1357 = arith.constant 32 : i32
          %mul3A_1358 = arith.muli %scan3A_73, %mul3A_1357 : i32
          %mul3A_1359 = arith.constant 128 : i32
          %mul3A_1360 = arith.muli %mul3A_1358, %mul3A_1359 : i32
          %add3A_1361 = arith.constant 1664 : i32
          %add3A_1362 = arith.addi %mul3A_1360, %add3A_1361 : i32
          %add3A_1363 = arith.constant 80 : i32
          %add3A_1364 = arith.addi %add3A_1362, %add3A_1363 : i32
          %get3A_1365 = arith.index_cast %add3A_1364 : i32 to index
          %get3A_1366 = tpu.vector_load %arg5[%get3A_1365] {strides = array<i32>} : memref<40960xf32, #tpu.memory_space<vmem>>, vector<16xf32>,
          %get3A_1367 = vector.shape_cast %get3A_1366 : vector<16xf32> to vector<16xf32>
          %add3A_1368 = arith.addf %add3A_1272, %get3A_1367 : vector<16xf32>
          %mul3A_1369 = arith.constant 32 : i32
          %mul3A_1370 = arith.muli %scan3A_73, %mul3A_1369 : i32
          %mul3A_1371 = arith.constant 128 : i32
          %mul3A_1372 = arith.muli %mul3A_1370, %mul3A_1371 : i32
          %add3A_1373 = arith.constant 1664 : i32
          %add3A_1374 = arith.addi %mul3A_1372, %add3A_1373 : i32
          %add3A_1375 = arith.constant 96 : i32
          %add3A_1376 = arith.addi %add3A_1374, %add3A_1375 : i32
          %get3A_1377 = arith.index_cast %add3A_1376 : i32 to index
          %get3A_1378 = tpu.vector_load %arg5[%get3A_1377] {strides = array<i32>} : memref<40960xf32, #tpu.memory_space<vmem>>, vector<16xf32>,
          %get3A_1379 = vector.shape_cast %get3A_1378 : vector<16xf32> to vector<16xf32>
          %add3A_1380 = arith.addf %add3A_1284, %get3A_1379 : vector<16xf32>
          %mul3A_1381 = arith.constant 32 : i32
          %mul3A_1382 = arith.muli %scan3A_73, %mul3A_1381 : i32
          %mul3A_1383 = arith.constant 128 : i32
          %mul3A_1384 = arith.muli %mul3A_1382, %mul3A_1383 : i32
          %add3A_1385 = arith.constant 1664 : i32
          %add3A_1386 = arith.addi %mul3A_1384, %add3A_1385 : i32
          %add3A_1387 = arith.constant 112 : i32
          %add3A_1388 = arith.addi %add3A_1386, %add3A_1387 : i32
          %get3A_1389 = arith.index_cast %add3A_1388 : i32 to index
          %get3A_1390 = tpu.vector_load %arg5[%get3A_1389] {strides = array<i32>} : memref<40960xf32, #tpu.memory_space<vmem>>, vector<16xf32>,
          %get3A_1391 = vector.shape_cast %get3A_1390 : vector<16xf32> to vector<16xf32>
          %add3A_1392 = arith.addf %add3A_1296, %get3A_1391 : vector<16xf32>
          %mul3A_1393 = arith.constant 32 : i32
          %mul3A_1394 = arith.muli %scan3A_73, %mul3A_1393 : i32
          %mul3A_1395 = arith.constant 128 : i32
          %mul3A_1396 = arith.muli %mul3A_1394, %mul3A_1395 : i32
          %add3A_1397 = arith.constant 1792 : i32
          %add3A_1398 = arith.addi %mul3A_1396, %add3A_1397 : i32
          %add3A_1399 = arith.constant 0 : i32
          %add3A_1400 = arith.addi %add3A_1398, %add3A_1399 : i32
          %get3A_1401 = arith.index_cast %add3A_1400 : i32 to index
          %get3A_1402 = tpu.vector_load %arg5[%get3A_1401] {strides = array<i32>} : memref<40960xf32, #tpu.memory_space<vmem>>, vector<16xf32>,
          %get3A_1403 = vector.shape_cast %get3A_1402 : vector<16xf32> to vector<16xf32>
          %add3A_1404 = arith.addf %add3A_1308, %get3A_1403 : vector<16xf32>
          %mul3A_1405 = arith.constant 32 : i32
          %mul3A_1406 = arith.muli %scan3A_73, %mul3A_1405 : i32
          %mul3A_1407 = arith.constant 128 : i32
          %mul3A_1408 = arith.muli %mul3A_1406, %mul3A_1407 : i32
          %add3A_1409 = arith.constant 1792 : i32
          %add3A_1410 = arith.addi %mul3A_1408, %add3A_1409 : i32
          %add3A_1411 = arith.constant 16 : i32
          %add3A_1412 = arith.addi %add3A_1410, %add3A_1411 : i32
          %get3A_1413 = arith.index_cast %add3A_1412 : i32 to index
          %get3A_1414 = tpu.vector_load %arg5[%get3A_1413] {strides = array<i32>} : memref<40960xf32, #tpu.memory_space<vmem>>, vector<16xf32>,
          %get3A_1415 = vector.shape_cast %get3A_1414 : vector<16xf32> to vector<16xf32>
          %add3A_1416 = arith.addf %add3A_1320, %get3A_1415 : vector<16xf32>
          %mul3A_1417 = arith.constant 32 : i32
          %mul3A_1418 = arith.muli %scan3A_73, %mul3A_1417 : i32
          %mul3A_1419 = arith.constant 128 : i32
          %mul3A_1420 = arith.muli %mul3A_1418, %mul3A_1419 : i32
          %add3A_1421 = arith.constant 1792 : i32
          %add3A_1422 = arith.addi %mul3A_1420, %add3A_1421 : i32
          %add3A_1423 = arith.constant 32 : i32
          %add3A_1424 = arith.addi %add3A_1422, %add3A_1423 : i32
          %get3A_1425 = arith.index_cast %add3A_1424 : i32 to index
          %get3A_1426 = tpu.vector_load %arg5[%get3A_1425] {strides = array<i32>} : memref<40960xf32, #tpu.memory_space<vmem>>, vector<16xf32>,
          %get3A_1427 = vector.shape_cast %get3A_1426 : vector<16xf32> to vector<16xf32>
          %add3A_1428 = arith.addf %add3A_1332, %get3A_1427 : vector<16xf32>
          %mul3A_1429 = arith.constant 32 : i32
          %mul3A_1430 = arith.muli %scan3A_73, %mul3A_1429 : i32
          %mul3A_1431 = arith.constant 128 : i32
          %mul3A_1432 = arith.muli %mul3A_1430, %mul3A_1431 : i32
          %add3A_1433 = arith.constant 1792 : i32
          %add3A_1434 = arith.addi %mul3A_1432, %add3A_1433 : i32
          %add3A_1435 = arith.constant 48 : i32
          %add3A_1436 = arith.addi %add3A_1434, %add3A_1435 : i32
          %get3A_1437 = arith.index_cast %add3A_1436 : i32 to index
          %get3A_1438 = tpu.vector_load %arg5[%get3A_1437] {strides = array<i32>} : memref<40960xf32, #tpu.memory_space<vmem>>, vector<16xf32>,
          %get3A_1439 = vector.shape_cast %get3A_1438 : vector<16xf32> to vector<16xf32>
          %add3A_1440 = arith.addf %add3A_1344, %get3A_1439 : vector<16xf32>
          %mul3A_1441 = arith.constant 32 : i32
          %mul3A_1442 = arith.muli %scan3A_73, %mul3A_1441 : i32
          %mul3A_1443 = arith.constant 128 : i32
          %mul3A_1444 = arith.muli %mul3A_1442, %mul3A_1443 : i32
          %add3A_1445 = arith.constant 1792 : i32
          %add3A_1446 = arith.addi %mul3A_1444, %add3A_1445 : i32
          %add3A_1447 = arith.constant 64 : i32
          %add3A_1448 = arith.addi %add3A_1446, %add3A_1447 : i32
          %get3A_1449 = arith.index_cast %add3A_1448 : i32 to index
          %get3A_1450 = tpu.vector_load %arg5[%get3A_1449] {strides = array<i32>} : memref<40960xf32, #tpu.memory_space<vmem>>, vector<16xf32>,
          %get3A_1451 = vector.shape_cast %get3A_1450 : vector<16xf32> to vector<16xf32>
          %add3A_1452 = arith.addf %add3A_1356, %get3A_1451 : vector<16xf32>
          %mul3A_1453 = arith.constant 32 : i32
          %mul3A_1454 = arith.muli %scan3A_73, %mul3A_1453 : i32
          %mul3A_1455 = arith.constant 128 : i32
          %mul3A_1456 = arith.muli %mul3A_1454, %mul3A_1455 : i32
          %add3A_1457 = arith.constant 1792 : i32
          %add3A_1458 = arith.addi %mul3A_1456, %add3A_1457 : i32
          %add3A_1459 = arith.constant 80 : i32
          %add3A_1460 = arith.addi %add3A_1458, %add3A_1459 : i32
          %get3A_1461 = arith.index_cast %add3A_1460 : i32 to index
          %get3A_1462 = tpu.vector_load %arg5[%get3A_1461] {strides = array<i32>} : memref<40960xf32, #tpu.memory_space<vmem>>, vector<16xf32>,
          %get3A_1463 = vector.shape_cast %get3A_1462 : vector<16xf32> to vector<16xf32>
          %add3A_1464 = arith.addf %add3A_1368, %get3A_1463 : vector<16xf32>
          %mul3A_1465 = arith.constant 32 : i32
          %mul3A_1466 = arith.muli %scan3A_73, %mul3A_1465 : i32
          %mul3A_1467 = arith.constant 128 : i32
          %mul3A_1468 = arith.muli %mul3A_1466, %mul3A_1467 : i32
          %add3A_1469 = arith.constant 1792 : i32
          %add3A_1470 = arith.addi %mul3A_1468, %add3A_1469 : i32
          %add3A_1471 = arith.constant 96 : i32
          %add3A_1472 = arith.addi %add3A_1470, %add3A_1471 : i32
          %get3A_1473 = arith.index_cast %add3A_1472 : i32 to index
          %get3A_1474 = tpu.vector_load %arg5[%get3A_1473] {strides = array<i32>} : memref<40960xf32, #tpu.memory_space<vmem>>, vector<16xf32>,
          %get3A_1475 = vector.shape_cast %get3A_1474 : vector<16xf32> to vector<16xf32>
          %add3A_1476 = arith.addf %add3A_1380, %get3A_1475 : vector<16xf32>
          %mul3A_1477 = arith.constant 32 : i32
          %mul3A_1478 = arith.muli %scan3A_73, %mul3A_1477 : i32
          %mul3A_1479 = arith.constant 128 : i32
          %mul3A_1480 = arith.muli %mul3A_1478, %mul3A_1479 : i32
          %add3A_1481 = arith.constant 1792 : i32
          %add3A_1482 = arith.addi %mul3A_1480, %add3A_1481 : i32
          %add3A_1483 = arith.constant 112 : i32
          %add3A_1484 = arith.addi %add3A_1482, %add3A_1483 : i32
          %get3A_1485 = arith.index_cast %add3A_1484 : i32 to index
          %get3A_1486 = tpu.vector_load %arg5[%get3A_1485] {strides = array<i32>} : memref<40960xf32, #tpu.memory_space<vmem>>, vector<16xf32>,
          %get3A_1487 = vector.shape_cast %get3A_1486 : vector<16xf32> to vector<16xf32>
          %add3A_1488 = arith.addf %add3A_1392, %get3A_1487 : vector<16xf32>
          %mul3A_1489 = arith.constant 32 : i32
          %mul3A_1490 = arith.muli %scan3A_73, %mul3A_1489 : i32
          %mul3A_1491 = arith.constant 128 : i32
          %mul3A_1492 = arith.muli %mul3A_1490, %mul3A_1491 : i32
          %add3A_1493 = arith.constant 1920 : i32
          %add3A_1494 = arith.addi %mul3A_1492, %add3A_1493 : i32
          %add3A_1495 = arith.constant 0 : i32
          %add3A_1496 = arith.addi %add3A_1494, %add3A_1495 : i32
          %get3A_1497 = arith.index_cast %add3A_1496 : i32 to index
          %get3A_1498 = tpu.vector_load %arg5[%get3A_1497] {strides = array<i32>} : memref<40960xf32, #tpu.memory_space<vmem>>, vector<16xf32>,
          %get3A_1499 = vector.shape_cast %get3A_1498 : vector<16xf32> to vector<16xf32>
          %add3A_1500 = arith.addf %add3A_1404, %get3A_1499 : vector<16xf32>
          %mul3A_1501 = arith.constant 32 : i32
          %mul3A_1502 = arith.muli %scan3A_73, %mul3A_1501 : i32
          %mul3A_1503 = arith.constant 128 : i32
          %mul3A_1504 = arith.muli %mul3A_1502, %mul3A_1503 : i32
          %add3A_1505 = arith.constant 1920 : i32
          %add3A_1506 = arith.addi %mul3A_1504, %add3A_1505 : i32
          %add3A_1507 = arith.constant 16 : i32
          %add3A_1508 = arith.addi %add3A_1506, %add3A_1507 : i32
          %get3A_1509 = arith.index_cast %add3A_1508 : i32 to index
          %get3A_1510 = tpu.vector_load %arg5[%get3A_1509] {strides = array<i32>} : memref<40960xf32, #tpu.memory_space<vmem>>, vector<16xf32>,
          %get3A_1511 = vector.shape_cast %get3A_1510 : vector<16xf32> to vector<16xf32>
          %add3A_1512 = arith.addf %add3A_1416, %get3A_1511 : vector<16xf32>
          %mul3A_1513 = arith.constant 32 : i32
          %mul3A_1514 = arith.muli %scan3A_73, %mul3A_1513 : i32
          %mul3A_1515 = arith.constant 128 : i32
          %mul3A_1516 = arith.muli %mul3A_1514, %mul3A_1515 : i32
          %add3A_1517 = arith.constant 1920 : i32
          %add3A_1518 = arith.addi %mul3A_1516, %add3A_1517 : i32
          %add3A_1519 = arith.constant 32 : i32
          %add3A_1520 = arith.addi %add3A_1518, %add3A_1519 : i32
          %get3A_1521 = arith.index_cast %add3A_1520 : i32 to index
          %get3A_1522 = tpu.vector_load %arg5[%get3A_1521] {strides = array<i32>} : memref<40960xf32, #tpu.memory_space<vmem>>, vector<16xf32>,
          %get3A_1523 = vector.shape_cast %get3A_1522 : vector<16xf32> to vector<16xf32>
          %add3A_1524 = arith.addf %add3A_1428, %get3A_1523 : vector<16xf32>
          %mul3A_1525 = arith.constant 32 : i32
          %mul3A_1526 = arith.muli %scan3A_73, %mul3A_1525 : i32
          %mul3A_1527 = arith.constant 128 : i32
          %mul3A_1528 = arith.muli %mul3A_1526, %mul3A_1527 : i32
          %add3A_1529 = arith.constant 1920 : i32
          %add3A_1530 = arith.addi %mul3A_1528, %add3A_1529 : i32
          %add3A_1531 = arith.constant 48 : i32
          %add3A_1532 = arith.addi %add3A_1530, %add3A_1531 : i32
          %get3A_1533 = arith.index_cast %add3A_1532 : i32 to index
          %get3A_1534 = tpu.vector_load %arg5[%get3A_1533] {strides = array<i32>} : memref<40960xf32, #tpu.memory_space<vmem>>, vector<16xf32>,
          %get3A_1535 = vector.shape_cast %get3A_1534 : vector<16xf32> to vector<16xf32>
          %add3A_1536 = arith.addf %add3A_1440, %get3A_1535 : vector<16xf32>
          %mul3A_1537 = arith.constant 32 : i32
          %mul3A_1538 = arith.muli %scan3A_73, %mul3A_1537 : i32
          %mul3A_1539 = arith.constant 128 : i32
          %mul3A_1540 = arith.muli %mul3A_1538, %mul3A_1539 : i32
          %add3A_1541 = arith.constant 1920 : i32
          %add3A_1542 = arith.addi %mul3A_1540, %add3A_1541 : i32
          %add3A_1543 = arith.constant 64 : i32
          %add3A_1544 = arith.addi %add3A_1542, %add3A_1543 : i32
          %get3A_1545 = arith.index_cast %add3A_1544 : i32 to index
          %get3A_1546 = tpu.vector_load %arg5[%get3A_1545] {strides = array<i32>} : memref<40960xf32, #tpu.memory_space<vmem>>, vector<16xf32>,
          %get3A_1547 = vector.shape_cast %get3A_1546 : vector<16xf32> to vector<16xf32>
          %add3A_1548 = arith.addf %add3A_1452, %get3A_1547 : vector<16xf32>
          %mul3A_1549 = arith.constant 32 : i32
          %mul3A_1550 = arith.muli %scan3A_73, %mul3A_1549 : i32
          %mul3A_1551 = arith.constant 128 : i32
          %mul3A_1552 = arith.muli %mul3A_1550, %mul3A_1551 : i32
          %add3A_1553 = arith.constant 1920 : i32
          %add3A_1554 = arith.addi %mul3A_1552, %add3A_1553 : i32
          %add3A_1555 = arith.constant 80 : i32
          %add3A_1556 = arith.addi %add3A_1554, %add3A_1555 : i32
          %get3A_1557 = arith.index_cast %add3A_1556 : i32 to index
          %get3A_1558 = tpu.vector_load %arg5[%get3A_1557] {strides = array<i32>} : memref<40960xf32, #tpu.memory_space<vmem>>, vector<16xf32>,
          %get3A_1559 = vector.shape_cast %get3A_1558 : vector<16xf32> to vector<16xf32>
          %add3A_1560 = arith.addf %add3A_1464, %get3A_1559 : vector<16xf32>
          %mul3A_1561 = arith.constant 32 : i32
          %mul3A_1562 = arith.muli %scan3A_73, %mul3A_1561 : i32
          %mul3A_1563 = arith.constant 128 : i32
          %mul3A_1564 = arith.muli %mul3A_1562, %mul3A_1563 : i32
          %add3A_1565 = arith.constant 1920 : i32
          %add3A_1566 = arith.addi %mul3A_1564, %add3A_1565 : i32
          %add3A_1567 = arith.constant 96 : i32
          %add3A_1568 = arith.addi %add3A_1566, %add3A_1567 : i32
          %get3A_1569 = arith.index_cast %add3A_1568 : i32 to index
          %get3A_1570 = tpu.vector_load %arg5[%get3A_1569] {strides = array<i32>} : memref<40960xf32, #tpu.memory_space<vmem>>, vector<16xf32>,
          %get3A_1571 = vector.shape_cast %get3A_1570 : vector<16xf32> to vector<16xf32>
          %add3A_1572 = arith.addf %add3A_1476, %get3A_1571 : vector<16xf32>
          %mul3A_1573 = arith.constant 32 : i32
          %mul3A_1574 = arith.muli %scan3A_73, %mul3A_1573 : i32
          %mul3A_1575 = arith.constant 128 : i32
          %mul3A_1576 = arith.muli %mul3A_1574, %mul3A_1575 : i32
          %add3A_1577 = arith.constant 1920 : i32
          %add3A_1578 = arith.addi %mul3A_1576, %add3A_1577 : i32
          %add3A_1579 = arith.constant 112 : i32
          %add3A_1580 = arith.addi %add3A_1578, %add3A_1579 : i32
          %get3A_1581 = arith.index_cast %add3A_1580 : i32 to index
          %get3A_1582 = tpu.vector_load %arg5[%get3A_1581] {strides = array<i32>} : memref<40960xf32, #tpu.memory_space<vmem>>, vector<16xf32>,
          %get3A_1583 = vector.shape_cast %get3A_1582 : vector<16xf32> to vector<16xf32>
          %add3A_1584 = arith.addf %add3A_1488, %get3A_1583 : vector<16xf32>
          %mul3A_1585 = arith.constant 32 : i32
          %mul3A_1586 = arith.muli %scan3A_73, %mul3A_1585 : i32
          %mul3A_1587 = arith.constant 128 : i32
          %mul3A_1588 = arith.muli %mul3A_1586, %mul3A_1587 : i32
          %add3A_1589 = arith.constant 2048 : i32
          %add3A_1590 = arith.addi %mul3A_1588, %add3A_1589 : i32
          %add3A_1591 = arith.constant 0 : i32
          %add3A_1592 = arith.addi %add3A_1590, %add3A_1591 : i32
          %get3A_1593 = arith.index_cast %add3A_1592 : i32 to index
          %get3A_1594 = tpu.vector_load %arg5[%get3A_1593] {strides = array<i32>} : memref<40960xf32, #tpu.memory_space<vmem>>, vector<16xf32>,
          %get3A_1595 = vector.shape_cast %get3A_1594 : vector<16xf32> to vector<16xf32>
          %add3A_1596 = arith.addf %add3A_1500, %get3A_1595 : vector<16xf32>
          %mul3A_1597 = arith.constant 32 : i32
          %mul3A_1598 = arith.muli %scan3A_73, %mul3A_1597 : i32
          %mul3A_1599 = arith.constant 128 : i32
          %mul3A_1600 = arith.muli %mul3A_1598, %mul3A_1599 : i32
          %add3A_1601 = arith.constant 2048 : i32
          %add3A_1602 = arith.addi %mul3A_1600, %add3A_1601 : i32
          %add3A_1603 = arith.constant 16 : i32
          %add3A_1604 = arith.addi %add3A_1602, %add3A_1603 : i32
          %get3A_1605 = arith.index_cast %add3A_1604 : i32 to index
          %get3A_1606 = tpu.vector_load %arg5[%get3A_1605] {strides = array<i32>} : memref<40960xf32, #tpu.memory_space<vmem>>, vector<16xf32>,
          %get3A_1607 = vector.shape_cast %get3A_1606 : vector<16xf32> to vector<16xf32>
          %add3A_1608 = arith.addf %add3A_1512, %get3A_1607 : vector<16xf32>
          %mul3A_1609 = arith.constant 32 : i32
          %mul3A_1610 = arith.muli %scan3A_73, %mul3A_1609 : i32
          %mul3A_1611 = arith.constant 128 : i32
          %mul3A_1612 = arith.muli %mul3A_1610, %mul3A_1611 : i32
          %add3A_1613 = arith.constant 2048 : i32
          %add3A_1614 = arith.addi %mul3A_1612, %add3A_1613 : i32
          %add3A_1615 = arith.constant 32 : i32
          %add3A_1616 = arith.addi %add3A_1614, %add3A_1615 : i32
          %get3A_1617 = arith.index_cast %add3A_1616 : i32 to index
          %get3A_1618 = tpu.vector_load %arg5[%get3A_1617] {strides = array<i32>} : memref<40960xf32, #tpu.memory_space<vmem>>, vector<16xf32>,
          %get3A_1619 = vector.shape_cast %get3A_1618 : vector<16xf32> to vector<16xf32>
          %add3A_1620 = arith.addf %add3A_1524, %get3A_1619 : vector<16xf32>
          %mul3A_1621 = arith.constant 32 : i32
          %mul3A_1622 = arith.muli %scan3A_73, %mul3A_1621 : i32
          %mul3A_1623 = arith.constant 128 : i32
          %mul3A_1624 = arith.muli %mul3A_1622, %mul3A_1623 : i32
          %add3A_1625 = arith.constant 2048 : i32
          %add3A_1626 = arith.addi %mul3A_1624, %add3A_1625 : i32
          %add3A_1627 = arith.constant 48 : i32
          %add3A_1628 = arith.addi %add3A_1626, %add3A_1627 : i32
          %get3A_1629 = arith.index_cast %add3A_1628 : i32 to index
          %get3A_1630 = tpu.vector_load %arg5[%get3A_1629] {strides = array<i32>} : memref<40960xf32, #tpu.memory_space<vmem>>, vector<16xf32>,
          %get3A_1631 = vector.shape_cast %get3A_1630 : vector<16xf32> to vector<16xf32>
          %add3A_1632 = arith.addf %add3A_1536, %get3A_1631 : vector<16xf32>
          %mul3A_1633 = arith.constant 32 : i32
          %mul3A_1634 = arith.muli %scan3A_73, %mul3A_1633 : i32
          %mul3A_1635 = arith.constant 128 : i32
          %mul3A_1636 = arith.muli %mul3A_1634, %mul3A_1635 : i32
          %add3A_1637 = arith.constant 2048 : i32
          %add3A_1638 = arith.addi %mul3A_1636, %add3A_1637 : i32
          %add3A_1639 = arith.constant 64 : i32
          %add3A_1640 = arith.addi %add3A_1638, %add3A_1639 : i32
          %get3A_1641 = arith.index_cast %add3A_1640 : i32 to index
          %get3A_1642 = tpu.vector_load %arg5[%get3A_1641] {strides = array<i32>} : memref<40960xf32, #tpu.memory_space<vmem>>, vector<16xf32>,
          %get3A_1643 = vector.shape_cast %get3A_1642 : vector<16xf32> to vector<16xf32>
          %add3A_1644 = arith.addf %add3A_1548, %get3A_1643 : vector<16xf32>
          %mul3A_1645 = arith.constant 32 : i32
          %mul3A_1646 = arith.muli %scan3A_73, %mul3A_1645 : i32
          %mul3A_1647 = arith.constant 128 : i32
          %mul3A_1648 = arith.muli %mul3A_1646, %mul3A_1647 : i32
          %add3A_1649 = arith.constant 2048 : i32
          %add3A_1650 = arith.addi %mul3A_1648, %add3A_1649 : i32
          %add3A_1651 = arith.constant 80 : i32
          %add3A_1652 = arith.addi %add3A_1650, %add3A_1651 : i32
          %get3A_1653 = arith.index_cast %add3A_1652 : i32 to index
          %get3A_1654 = tpu.vector_load %arg5[%get3A_1653] {strides = array<i32>} : memref<40960xf32, #tpu.memory_space<vmem>>, vector<16xf32>,
          %get3A_1655 = vector.shape_cast %get3A_1654 : vector<16xf32> to vector<16xf32>
          %add3A_1656 = arith.addf %add3A_1560, %get3A_1655 : vector<16xf32>
          %mul3A_1657 = arith.constant 32 : i32
          %mul3A_1658 = arith.muli %scan3A_73, %mul3A_1657 : i32
          %mul3A_1659 = arith.constant 128 : i32
          %mul3A_1660 = arith.muli %mul3A_1658, %mul3A_1659 : i32
          %add3A_1661 = arith.constant 2048 : i32
          %add3A_1662 = arith.addi %mul3A_1660, %add3A_1661 : i32
          %add3A_1663 = arith.constant 96 : i32
          %add3A_1664 = arith.addi %add3A_1662, %add3A_1663 : i32
          %get3A_1665 = arith.index_cast %add3A_1664 : i32 to index
          %get3A_1666 = tpu.vector_load %arg5[%get3A_1665] {strides = array<i32>} : memref<40960xf32, #tpu.memory_space<vmem>>, vector<16xf32>,
          %get3A_1667 = vector.shape_cast %get3A_1666 : vector<16xf32> to vector<16xf32>
          %add3A_1668 = arith.addf %add3A_1572, %get3A_1667 : vector<16xf32>
          %mul3A_1669 = arith.constant 32 : i32
          %mul3A_1670 = arith.muli %scan3A_73, %mul3A_1669 : i32
          %mul3A_1671 = arith.constant 128 : i32
          %mul3A_1672 = arith.muli %mul3A_1670, %mul3A_1671 : i32
          %add3A_1673 = arith.constant 2048 : i32
          %add3A_1674 = arith.addi %mul3A_1672, %add3A_1673 : i32
          %add3A_1675 = arith.constant 112 : i32
          %add3A_1676 = arith.addi %add3A_1674, %add3A_1675 : i32
          %get3A_1677 = arith.index_cast %add3A_1676 : i32 to index
          %get3A_1678 = tpu.vector_load %arg5[%get3A_1677] {strides = array<i32>} : memref<40960xf32, #tpu.memory_space<vmem>>, vector<16xf32>,
          %get3A_1679 = vector.shape_cast %get3A_1678 : vector<16xf32> to vector<16xf32>
          %add3A_1680 = arith.addf %add3A_1584, %get3A_1679 : vector<16xf32>
          %mul3A_1681 = arith.constant 32 : i32
          %mul3A_1682 = arith.muli %scan3A_73, %mul3A_1681 : i32
          %mul3A_1683 = arith.constant 128 : i32
          %mul3A_1684 = arith.muli %mul3A_1682, %mul3A_1683 : i32
          %add3A_1685 = arith.constant 2176 : i32
          %add3A_1686 = arith.addi %mul3A_1684, %add3A_1685 : i32
          %add3A_1687 = arith.constant 0 : i32
          %add3A_1688 = arith.addi %add3A_1686, %add3A_1687 : i32
          %get3A_1689 = arith.index_cast %add3A_1688 : i32 to index
          %get3A_1690 = tpu.vector_load %arg5[%get3A_1689] {strides = array<i32>} : memref<40960xf32, #tpu.memory_space<vmem>>, vector<16xf32>,
          %get3A_1691 = vector.shape_cast %get3A_1690 : vector<16xf32> to vector<16xf32>
          %add3A_1692 = arith.addf %add3A_1596, %get3A_1691 : vector<16xf32>
          %mul3A_1693 = arith.constant 32 : i32
          %mul3A_1694 = arith.muli %scan3A_73, %mul3A_1693 : i32
          %mul3A_1695 = arith.constant 128 : i32
          %mul3A_1696 = arith.muli %mul3A_1694, %mul3A_1695 : i32
          %add3A_1697 = arith.constant 2176 : i32
          %add3A_1698 = arith.addi %mul3A_1696, %add3A_1697 : i32
          %add3A_1699 = arith.constant 16 : i32
          %add3A_1700 = arith.addi %add3A_1698, %add3A_1699 : i32
          %get3A_1701 = arith.index_cast %add3A_1700 : i32 to index
          %get3A_1702 = tpu.vector_load %arg5[%get3A_1701] {strides = array<i32>} : memref<40960xf32, #tpu.memory_space<vmem>>, vector<16xf32>,
          %get3A_1703 = vector.shape_cast %get3A_1702 : vector<16xf32> to vector<16xf32>
          %add3A_1704 = arith.addf %add3A_1608, %get3A_1703 : vector<16xf32>
          %mul3A_1705 = arith.constant 32 : i32
          %mul3A_1706 = arith.muli %scan3A_73, %mul3A_1705 : i32
          %mul3A_1707 = arith.constant 128 : i32
          %mul3A_1708 = arith.muli %mul3A_1706, %mul3A_1707 : i32
          %add3A_1709 = arith.constant 2176 : i32
          %add3A_1710 = arith.addi %mul3A_1708, %add3A_1709 : i32
          %add3A_1711 = arith.constant 32 : i32
          %add3A_1712 = arith.addi %add3A_1710, %add3A_1711 : i32
          %get3A_1713 = arith.index_cast %add3A_1712 : i32 to index
          %get3A_1714 = tpu.vector_load %arg5[%get3A_1713] {strides = array<i32>} : memref<40960xf32, #tpu.memory_space<vmem>>, vector<16xf32>,
          %get3A_1715 = vector.shape_cast %get3A_1714 : vector<16xf32> to vector<16xf32>
          %add3A_1716 = arith.addf %add3A_1620, %get3A_1715 : vector<16xf32>
          %mul3A_1717 = arith.constant 32 : i32
          %mul3A_1718 = arith.muli %scan3A_73, %mul3A_1717 : i32
          %mul3A_1719 = arith.constant 128 : i32
          %mul3A_1720 = arith.muli %mul3A_1718, %mul3A_1719 : i32
          %add3A_1721 = arith.constant 2176 : i32
          %add3A_1722 = arith.addi %mul3A_1720, %add3A_1721 : i32
          %add3A_1723 = arith.constant 48 : i32
          %add3A_1724 = arith.addi %add3A_1722, %add3A_1723 : i32
          %get3A_1725 = arith.index_cast %add3A_1724 : i32 to index
          %get3A_1726 = tpu.vector_load %arg5[%get3A_1725] {strides = array<i32>} : memref<40960xf32, #tpu.memory_space<vmem>>, vector<16xf32>,
          %get3A_1727 = vector.shape_cast %get3A_1726 : vector<16xf32> to vector<16xf32>
          %add3A_1728 = arith.addf %add3A_1632, %get3A_1727 : vector<16xf32>
          %mul3A_1729 = arith.constant 32 : i32
          %mul3A_1730 = arith.muli %scan3A_73, %mul3A_1729 : i32
          %mul3A_1731 = arith.constant 128 : i32
          %mul3A_1732 = arith.muli %mul3A_1730, %mul3A_1731 : i32
          %add3A_1733 = arith.constant 2176 : i32
          %add3A_1734 = arith.addi %mul3A_1732, %add3A_1733 : i32
          %add3A_1735 = arith.constant 64 : i32
          %add3A_1736 = arith.addi %add3A_1734, %add3A_1735 : i32
          %get3A_1737 = arith.index_cast %add3A_1736 : i32 to index
          %get3A_1738 = tpu.vector_load %arg5[%get3A_1737] {strides = array<i32>} : memref<40960xf32, #tpu.memory_space<vmem>>, vector<16xf32>,
          %get3A_1739 = vector.shape_cast %get3A_1738 : vector<16xf32> to vector<16xf32>
          %add3A_1740 = arith.addf %add3A_1644, %get3A_1739 : vector<16xf32>
          %mul3A_1741 = arith.constant 32 : i32
          %mul3A_1742 = arith.muli %scan3A_73, %mul3A_1741 : i32
          %mul3A_1743 = arith.constant 128 : i32
          %mul3A_1744 = arith.muli %mul3A_1742, %mul3A_1743 : i32
          %add3A_1745 = arith.constant 2176 : i32
          %add3A_1746 = arith.addi %mul3A_1744, %add3A_1745 : i32
          %add3A_1747 = arith.constant 80 : i32
          %add3A_1748 = arith.addi %add3A_1746, %add3A_1747 : i32
          %get3A_1749 = arith.index_cast %add3A_1748 : i32 to index
          %get3A_1750 = tpu.vector_load %arg5[%get3A_1749] {strides = array<i32>} : memref<40960xf32, #tpu.memory_space<vmem>>, vector<16xf32>,
          %get3A_1751 = vector.shape_cast %get3A_1750 : vector<16xf32> to vector<16xf32>
          %add3A_1752 = arith.addf %add3A_1656, %get3A_1751 : vector<16xf32>
          %mul3A_1753 = arith.constant 32 : i32
          %mul3A_1754 = arith.muli %scan3A_73, %mul3A_1753 : i32
          %mul3A_1755 = arith.constant 128 : i32
          %mul3A_1756 = arith.muli %mul3A_1754, %mul3A_1755 : i32
          %add3A_1757 = arith.constant 2176 : i32
          %add3A_1758 = arith.addi %mul3A_1756, %add3A_1757 : i32
          %add3A_1759 = arith.constant 96 : i32
          %add3A_1760 = arith.addi %add3A_1758, %add3A_1759 : i32
          %get3A_1761 = arith.index_cast %add3A_1760 : i32 to index
          %get3A_1762 = tpu.vector_load %arg5[%get3A_1761] {strides = array<i32>} : memref<40960xf32, #tpu.memory_space<vmem>>, vector<16xf32>,
          %get3A_1763 = vector.shape_cast %get3A_1762 : vector<16xf32> to vector<16xf32>
          %add3A_1764 = arith.addf %add3A_1668, %get3A_1763 : vector<16xf32>
          %mul3A_1765 = arith.constant 32 : i32
          %mul3A_1766 = arith.muli %scan3A_73, %mul3A_1765 : i32
          %mul3A_1767 = arith.constant 128 : i32
          %mul3A_1768 = arith.muli %mul3A_1766, %mul3A_1767 : i32
          %add3A_1769 = arith.constant 2176 : i32
          %add3A_1770 = arith.addi %mul3A_1768, %add3A_1769 : i32
          %add3A_1771 = arith.constant 112 : i32
          %add3A_1772 = arith.addi %add3A_1770, %add3A_1771 : i32
          %get3A_1773 = arith.index_cast %add3A_1772 : i32 to index
          %get3A_1774 = tpu.vector_load %arg5[%get3A_1773] {strides = array<i32>} : memref<40960xf32, #tpu.memory_space<vmem>>, vector<16xf32>,
          %get3A_1775 = vector.shape_cast %get3A_1774 : vector<16xf32> to vector<16xf32>
          %add3A_1776 = arith.addf %add3A_1680, %get3A_1775 : vector<16xf32>
          %mul3A_1777 = arith.constant 32 : i32
          %mul3A_1778 = arith.muli %scan3A_73, %mul3A_1777 : i32
          %mul3A_1779 = arith.constant 128 : i32
          %mul3A_1780 = arith.muli %mul3A_1778, %mul3A_1779 : i32
          %add3A_1781 = arith.constant 2304 : i32
          %add3A_1782 = arith.addi %mul3A_1780, %add3A_1781 : i32
          %add3A_1783 = arith.constant 0 : i32
          %add3A_1784 = arith.addi %add3A_1782, %add3A_1783 : i32
          %get3A_1785 = arith.index_cast %add3A_1784 : i32 to index
          %get3A_1786 = tpu.vector_load %arg5[%get3A_1785] {strides = array<i32>} : memref<40960xf32, #tpu.memory_space<vmem>>, vector<16xf32>,
          %get3A_1787 = vector.shape_cast %get3A_1786 : vector<16xf32> to vector<16xf32>
          %add3A_1788 = arith.addf %add3A_1692, %get3A_1787 : vector<16xf32>
          %mul3A_1789 = arith.constant 32 : i32
          %mul3A_1790 = arith.muli %scan3A_73, %mul3A_1789 : i32
          %mul3A_1791 = arith.constant 128 : i32
          %mul3A_1792 = arith.muli %mul3A_1790, %mul3A_1791 : i32
          %add3A_1793 = arith.constant 2304 : i32
          %add3A_1794 = arith.addi %mul3A_1792, %add3A_1793 : i32
          %add3A_1795 = arith.constant 16 : i32
          %add3A_1796 = arith.addi %add3A_1794, %add3A_1795 : i32
          %get3A_1797 = arith.index_cast %add3A_1796 : i32 to index
          %get3A_1798 = tpu.vector_load %arg5[%get3A_1797] {strides = array<i32>} : memref<40960xf32, #tpu.memory_space<vmem>>, vector<16xf32>,
          %get3A_1799 = vector.shape_cast %get3A_1798 : vector<16xf32> to vector<16xf32>
          %add3A_1800 = arith.addf %add3A_1704, %get3A_1799 : vector<16xf32>
          %mul3A_1801 = arith.constant 32 : i32
          %mul3A_1802 = arith.muli %scan3A_73, %mul3A_1801 : i32
          %mul3A_1803 = arith.constant 128 : i32
          %mul3A_1804 = arith.muli %mul3A_1802, %mul3A_1803 : i32
          %add3A_1805 = arith.constant 2304 : i32
          %add3A_1806 = arith.addi %mul3A_1804, %add3A_1805 : i32
          %add3A_1807 = arith.constant 32 : i32
          %add3A_1808 = arith.addi %add3A_1806, %add3A_1807 : i32
          %get3A_1809 = arith.index_cast %add3A_1808 : i32 to index
          %get3A_1810 = tpu.vector_load %arg5[%get3A_1809] {strides = array<i32>} : memref<40960xf32, #tpu.memory_space<vmem>>, vector<16xf32>,
          %get3A_1811 = vector.shape_cast %get3A_1810 : vector<16xf32> to vector<16xf32>
          %add3A_1812 = arith.addf %add3A_1716, %get3A_1811 : vector<16xf32>
          %mul3A_1813 = arith.constant 32 : i32
          %mul3A_1814 = arith.muli %scan3A_73, %mul3A_1813 : i32
          %mul3A_1815 = arith.constant 128 : i32
          %mul3A_1816 = arith.muli %mul3A_1814, %mul3A_1815 : i32
          %add3A_1817 = arith.constant 2304 : i32
          %add3A_1818 = arith.addi %mul3A_1816, %add3A_1817 : i32
          %add3A_1819 = arith.constant 48 : i32
          %add3A_1820 = arith.addi %add3A_1818, %add3A_1819 : i32
          %get3A_1821 = arith.index_cast %add3A_1820 : i32 to index
          %get3A_1822 = tpu.vector_load %arg5[%get3A_1821] {strides = array<i32>} : memref<40960xf32, #tpu.memory_space<vmem>>, vector<16xf32>,
          %get3A_1823 = vector.shape_cast %get3A_1822 : vector<16xf32> to vector<16xf32>
          %add3A_1824 = arith.addf %add3A_1728, %get3A_1823 : vector<16xf32>
          %mul3A_1825 = arith.constant 32 : i32
          %mul3A_1826 = arith.muli %scan3A_73, %mul3A_1825 : i32
          %mul3A_1827 = arith.constant 128 : i32
          %mul3A_1828 = arith.muli %mul3A_1826, %mul3A_1827 : i32
          %add3A_1829 = arith.constant 2304 : i32
          %add3A_1830 = arith.addi %mul3A_1828, %add3A_1829 : i32
          %add3A_1831 = arith.constant 64 : i32
          %add3A_1832 = arith.addi %add3A_1830, %add3A_1831 : i32
          %get3A_1833 = arith.index_cast %add3A_1832 : i32 to index
          %get3A_1834 = tpu.vector_load %arg5[%get3A_1833] {strides = array<i32>} : memref<40960xf32, #tpu.memory_space<vmem>>, vector<16xf32>,
          %get3A_1835 = vector.shape_cast %get3A_1834 : vector<16xf32> to vector<16xf32>
          %add3A_1836 = arith.addf %add3A_1740, %get3A_1835 : vector<16xf32>
          %mul3A_1837 = arith.constant 32 : i32
          %mul3A_1838 = arith.muli %scan3A_73, %mul3A_1837 : i32
          %mul3A_1839 = arith.constant 128 : i32
          %mul3A_1840 = arith.muli %mul3A_1838, %mul3A_1839 : i32
          %add3A_1841 = arith.constant 2304 : i32
          %add3A_1842 = arith.addi %mul3A_1840, %add3A_1841 : i32
          %add3A_1843 = arith.constant 80 : i32
          %add3A_1844 = arith.addi %add3A_1842, %add3A_1843 : i32
          %get3A_1845 = arith.index_cast %add3A_1844 : i32 to index
          %get3A_1846 = tpu.vector_load %arg5[%get3A_1845] {strides = array<i32>} : memref<40960xf32, #tpu.memory_space<vmem>>, vector<16xf32>,
          %get3A_1847 = vector.shape_cast %get3A_1846 : vector<16xf32> to vector<16xf32>
          %add3A_1848 = arith.addf %add3A_1752, %get3A_1847 : vector<16xf32>
          %mul3A_1849 = arith.constant 32 : i32
          %mul3A_1850 = arith.muli %scan3A_73, %mul3A_1849 : i32
          %mul3A_1851 = arith.constant 128 : i32
          %mul3A_1852 = arith.muli %mul3A_1850, %mul3A_1851 : i32
          %add3A_1853 = arith.constant 2304 : i32
          %add3A_1854 = arith.addi %mul3A_1852, %add3A_1853 : i32
          %add3A_1855 = arith.constant 96 : i32
          %add3A_1856 = arith.addi %add3A_1854, %add3A_1855 : i32
          %get3A_1857 = arith.index_cast %add3A_1856 : i32 to index
          %get3A_1858 = tpu.vector_load %arg5[%get3A_1857] {strides = array<i32>} : memref<40960xf32, #tpu.memory_space<vmem>>, vector<16xf32>,
          %get3A_1859 = vector.shape_cast %get3A_1858 : vector<16xf32> to vector<16xf32>
          %add3A_1860 = arith.addf %add3A_1764, %get3A_1859 : vector<16xf32>
          %mul3A_1861 = arith.constant 32 : i32
          %mul3A_1862 = arith.muli %scan3A_73, %mul3A_1861 : i32
          %mul3A_1863 = arith.constant 128 : i32
          %mul3A_1864 = arith.muli %mul3A_1862, %mul3A_1863 : i32
          %add3A_1865 = arith.constant 2304 : i32
          %add3A_1866 = arith.addi %mul3A_1864, %add3A_1865 : i32
          %add3A_1867 = arith.constant 112 : i32
          %add3A_1868 = arith.addi %add3A_1866, %add3A_1867 : i32
          %get3A_1869 = arith.index_cast %add3A_1868 : i32 to index
          %get3A_1870 = tpu.vector_load %arg5[%get3A_1869] {strides = array<i32>} : memref<40960xf32, #tpu.memory_space<vmem>>, vector<16xf32>,
          %get3A_1871 = vector.shape_cast %get3A_1870 : vector<16xf32> to vector<16xf32>
          %add3A_1872 = arith.addf %add3A_1776, %get3A_1871 : vector<16xf32>
          %mul3A_1873 = arith.constant 32 : i32
          %mul3A_1874 = arith.muli %scan3A_73, %mul3A_1873 : i32
          %mul3A_1875 = arith.constant 128 : i32
          %mul3A_1876 = arith.muli %mul3A_1874, %mul3A_1875 : i32
          %add3A_1877 = arith.constant 2432 : i32
          %add3A_1878 = arith.addi %mul3A_1876, %add3A_1877 : i32
          %add3A_1879 = arith.constant 0 : i32
          %add3A_1880 = arith.addi %add3A_1878, %add3A_1879 : i32
          %get3A_1881 = arith.index_cast %add3A_1880 : i32 to index
          %get3A_1882 = tpu.vector_load %arg5[%get3A_1881] {strides = array<i32>} : memref<40960xf32, #tpu.memory_space<vmem>>, vector<16xf32>,
          %get3A_1883 = vector.shape_cast %get3A_1882 : vector<16xf32> to vector<16xf32>
          %add3A_1884 = arith.addf %add3A_1788, %get3A_1883 : vector<16xf32>
          %mul3A_1885 = arith.constant 32 : i32
          %mul3A_1886 = arith.muli %scan3A_73, %mul3A_1885 : i32
          %mul3A_1887 = arith.constant 128 : i32
          %mul3A_1888 = arith.muli %mul3A_1886, %mul3A_1887 : i32
          %add3A_1889 = arith.constant 2432 : i32
          %add3A_1890 = arith.addi %mul3A_1888, %add3A_1889 : i32
          %add3A_1891 = arith.constant 16 : i32
          %add3A_1892 = arith.addi %add3A_1890, %add3A_1891 : i32
          %get3A_1893 = arith.index_cast %add3A_1892 : i32 to index
          %get3A_1894 = tpu.vector_load %arg5[%get3A_1893] {strides = array<i32>} : memref<40960xf32, #tpu.memory_space<vmem>>, vector<16xf32>,
          %get3A_1895 = vector.shape_cast %get3A_1894 : vector<16xf32> to vector<16xf32>
          %add3A_1896 = arith.addf %add3A_1800, %get3A_1895 : vector<16xf32>
          %mul3A_1897 = arith.constant 32 : i32
          %mul3A_1898 = arith.muli %scan3A_73, %mul3A_1897 : i32
          %mul3A_1899 = arith.constant 128 : i32
          %mul3A_1900 = arith.muli %mul3A_1898, %mul3A_1899 : i32
          %add3A_1901 = arith.constant 2432 : i32
          %add3A_1902 = arith.addi %mul3A_1900, %add3A_1901 : i32
          %add3A_1903 = arith.constant 32 : i32
          %add3A_1904 = arith.addi %add3A_1902, %add3A_1903 : i32
          %get3A_1905 = arith.index_cast %add3A_1904 : i32 to index
          %get3A_1906 = tpu.vector_load %arg5[%get3A_1905] {strides = array<i32>} : memref<40960xf32, #tpu.memory_space<vmem>>, vector<16xf32>,
          %get3A_1907 = vector.shape_cast %get3A_1906 : vector<16xf32> to vector<16xf32>
          %add3A_1908 = arith.addf %add3A_1812, %get3A_1907 : vector<16xf32>
          %mul3A_1909 = arith.constant 32 : i32
          %mul3A_1910 = arith.muli %scan3A_73, %mul3A_1909 : i32
          %mul3A_1911 = arith.constant 128 : i32
          %mul3A_1912 = arith.muli %mul3A_1910, %mul3A_1911 : i32
          %add3A_1913 = arith.constant 2432 : i32
          %add3A_1914 = arith.addi %mul3A_1912, %add3A_1913 : i32
          %add3A_1915 = arith.constant 48 : i32
          %add3A_1916 = arith.addi %add3A_1914, %add3A_1915 : i32
          %get3A_1917 = arith.index_cast %add3A_1916 : i32 to index
          %get3A_1918 = tpu.vector_load %arg5[%get3A_1917] {strides = array<i32>} : memref<40960xf32, #tpu.memory_space<vmem>>, vector<16xf32>,
          %get3A_1919 = vector.shape_cast %get3A_1918 : vector<16xf32> to vector<16xf32>
          %add3A_1920 = arith.addf %add3A_1824, %get3A_1919 : vector<16xf32>
          %mul3A_1921 = arith.constant 32 : i32
          %mul3A_1922 = arith.muli %scan3A_73, %mul3A_1921 : i32
          %mul3A_1923 = arith.constant 128 : i32
          %mul3A_1924 = arith.muli %mul3A_1922, %mul3A_1923 : i32
          %add3A_1925 = arith.constant 2432 : i32
          %add3A_1926 = arith.addi %mul3A_1924, %add3A_1925 : i32
          %add3A_1927 = arith.constant 64 : i32
          %add3A_1928 = arith.addi %add3A_1926, %add3A_1927 : i32
          %get3A_1929 = arith.index_cast %add3A_1928 : i32 to index
          %get3A_1930 = tpu.vector_load %arg5[%get3A_1929] {strides = array<i32>} : memref<40960xf32, #tpu.memory_space<vmem>>, vector<16xf32>,
          %get3A_1931 = vector.shape_cast %get3A_1930 : vector<16xf32> to vector<16xf32>
          %add3A_1932 = arith.addf %add3A_1836, %get3A_1931 : vector<16xf32>
          %mul3A_1933 = arith.constant 32 : i32
          %mul3A_1934 = arith.muli %scan3A_73, %mul3A_1933 : i32
          %mul3A_1935 = arith.constant 128 : i32
          %mul3A_1936 = arith.muli %mul3A_1934, %mul3A_1935 : i32
          %add3A_1937 = arith.constant 2432 : i32
          %add3A_1938 = arith.addi %mul3A_1936, %add3A_1937 : i32
          %add3A_1939 = arith.constant 80 : i32
          %add3A_1940 = arith.addi %add3A_1938, %add3A_1939 : i32
          %get3A_1941 = arith.index_cast %add3A_1940 : i32 to index
          %get3A_1942 = tpu.vector_load %arg5[%get3A_1941] {strides = array<i32>} : memref<40960xf32, #tpu.memory_space<vmem>>, vector<16xf32>,
          %get3A_1943 = vector.shape_cast %get3A_1942 : vector<16xf32> to vector<16xf32>
          %add3A_1944 = arith.addf %add3A_1848, %get3A_1943 : vector<16xf32>
          %mul3A_1945 = arith.constant 32 : i32
          %mul3A_1946 = arith.muli %scan3A_73, %mul3A_1945 : i32
          %mul3A_1947 = arith.constant 128 : i32
          %mul3A_1948 = arith.muli %mul3A_1946, %mul3A_1947 : i32
          %add3A_1949 = arith.constant 2432 : i32
          %add3A_1950 = arith.addi %mul3A_1948, %add3A_1949 : i32
          %add3A_1951 = arith.constant 96 : i32
          %add3A_1952 = arith.addi %add3A_1950, %add3A_1951 : i32
          %get3A_1953 = arith.index_cast %add3A_1952 : i32 to index
          %get3A_1954 = tpu.vector_load %arg5[%get3A_1953] {strides = array<i32>} : memref<40960xf32, #tpu.memory_space<vmem>>, vector<16xf32>,
          %get3A_1955 = vector.shape_cast %get3A_1954 : vector<16xf32> to vector<16xf32>
          %add3A_1956 = arith.addf %add3A_1860, %get3A_1955 : vector<16xf32>
          %mul3A_1957 = arith.constant 32 : i32
          %mul3A_1958 = arith.muli %scan3A_73, %mul3A_1957 : i32
          %mul3A_1959 = arith.constant 128 : i32
          %mul3A_1960 = arith.muli %mul3A_1958, %mul3A_1959 : i32
          %add3A_1961 = arith.constant 2432 : i32
          %add3A_1962 = arith.addi %mul3A_1960, %add3A_1961 : i32
          %add3A_1963 = arith.constant 112 : i32
          %add3A_1964 = arith.addi %add3A_1962, %add3A_1963 : i32
          %get3A_1965 = arith.index_cast %add3A_1964 : i32 to index
          %get3A_1966 = tpu.vector_load %arg5[%get3A_1965] {strides = array<i32>} : memref<40960xf32, #tpu.memory_space<vmem>>, vector<16xf32>,
          %get3A_1967 = vector.shape_cast %get3A_1966 : vector<16xf32> to vector<16xf32>
          %add3A_1968 = arith.addf %add3A_1872, %get3A_1967 : vector<16xf32>
          %mul3A_1969 = arith.constant 32 : i32
          %mul3A_1970 = arith.muli %scan3A_73, %mul3A_1969 : i32
          %mul3A_1971 = arith.constant 128 : i32
          %mul3A_1972 = arith.muli %mul3A_1970, %mul3A_1971 : i32
          %add3A_1973 = arith.constant 2560 : i32
          %add3A_1974 = arith.addi %mul3A_1972, %add3A_1973 : i32
          %add3A_1975 = arith.constant 0 : i32
          %add3A_1976 = arith.addi %add3A_1974, %add3A_1975 : i32
          %get3A_1977 = arith.index_cast %add3A_1976 : i32 to index
          %get3A_1978 = tpu.vector_load %arg5[%get3A_1977] {strides = array<i32>} : memref<40960xf32, #tpu.memory_space<vmem>>, vector<16xf32>,
          %get3A_1979 = vector.shape_cast %get3A_1978 : vector<16xf32> to vector<16xf32>
          %add3A_1980 = arith.addf %add3A_1884, %get3A_1979 : vector<16xf32>
          %mul3A_1981 = arith.constant 32 : i32
          %mul3A_1982 = arith.muli %scan3A_73, %mul3A_1981 : i32
          %mul3A_1983 = arith.constant 128 : i32
          %mul3A_1984 = arith.muli %mul3A_1982, %mul3A_1983 : i32
          %add3A_1985 = arith.constant 2560 : i32
          %add3A_1986 = arith.addi %mul3A_1984, %add3A_1985 : i32
          %add3A_1987 = arith.constant 16 : i32
          %add3A_1988 = arith.addi %add3A_1986, %add3A_1987 : i32
          %get3A_1989 = arith.index_cast %add3A_1988 : i32 to index
          %get3A_1990 = tpu.vector_load %arg5[%get3A_1989] {strides = array<i32>} : memref<40960xf32, #tpu.memory_space<vmem>>, vector<16xf32>,
          %get3A_1991 = vector.shape_cast %get3A_1990 : vector<16xf32> to vector<16xf32>
          %add3A_1992 = arith.addf %add3A_1896, %get3A_1991 : vector<16xf32>
          %mul3A_1993 = arith.constant 32 : i32
          %mul3A_1994 = arith.muli %scan3A_73, %mul3A_1993 : i32
          %mul3A_1995 = arith.constant 128 : i32
          %mul3A_1996 = arith.muli %mul3A_1994, %mul3A_1995 : i32
          %add3A_1997 = arith.constant 2560 : i32
          %add3A_1998 = arith.addi %mul3A_1996, %add3A_1997 : i32
          %add3A_1999 = arith.constant 32 : i32
          %add3A_2000 = arith.addi %add3A_1998, %add3A_1999 : i32
          %get3A_2001 = arith.index_cast %add3A_2000 : i32 to index
          %get3A_2002 = tpu.vector_load %arg5[%get3A_2001] {strides = array<i32>} : memref<40960xf32, #tpu.memory_space<vmem>>, vector<16xf32>,
          %get3A_2003 = vector.shape_cast %get3A_2002 : vector<16xf32> to vector<16xf32>
          %add3A_2004 = arith.addf %add3A_1908, %get3A_2003 : vector<16xf32>
          %mul3A_2005 = arith.constant 32 : i32
          %mul3A_2006 = arith.muli %scan3A_73, %mul3A_2005 : i32
          %mul3A_2007 = arith.constant 128 : i32
          %mul3A_2008 = arith.muli %mul3A_2006, %mul3A_2007 : i32
          %add3A_2009 = arith.constant 2560 : i32
          %add3A_2010 = arith.addi %mul3A_2008, %add3A_2009 : i32
          %add3A_2011 = arith.constant 48 : i32
          %add3A_2012 = arith.addi %add3A_2010, %add3A_2011 : i32
          %get3A_2013 = arith.index_cast %add3A_2012 : i32 to index
          %get3A_2014 = tpu.vector_load %arg5[%get3A_2013] {strides = array<i32>} : memref<40960xf32, #tpu.memory_space<vmem>>, vector<16xf32>,
          %get3A_2015 = vector.shape_cast %get3A_2014 : vector<16xf32> to vector<16xf32>
          %add3A_2016 = arith.addf %add3A_1920, %get3A_2015 : vector<16xf32>
          %mul3A_2017 = arith.constant 32 : i32
          %mul3A_2018 = arith.muli %scan3A_73, %mul3A_2017 : i32
          %mul3A_2019 = arith.constant 128 : i32
          %mul3A_2020 = arith.muli %mul3A_2018, %mul3A_2019 : i32
          %add3A_2021 = arith.constant 2560 : i32
          %add3A_2022 = arith.addi %mul3A_2020, %add3A_2021 : i32
          %add3A_2023 = arith.constant 64 : i32
          %add3A_2024 = arith.addi %add3A_2022, %add3A_2023 : i32
          %get3A_2025 = arith.index_cast %add3A_2024 : i32 to index
          %get3A_2026 = tpu.vector_load %arg5[%get3A_2025] {strides = array<i32>} : memref<40960xf32, #tpu.memory_space<vmem>>, vector<16xf32>,
          %get3A_2027 = vector.shape_cast %get3A_2026 : vector<16xf32> to vector<16xf32>
          %add3A_2028 = arith.addf %add3A_1932, %get3A_2027 : vector<16xf32>
          %mul3A_2029 = arith.constant 32 : i32
          %mul3A_2030 = arith.muli %scan3A_73, %mul3A_2029 : i32
          %mul3A_2031 = arith.constant 128 : i32
          %mul3A_2032 = arith.muli %mul3A_2030, %mul3A_2031 : i32
          %add3A_2033 = arith.constant 2560 : i32
          %add3A_2034 = arith.addi %mul3A_2032, %add3A_2033 : i32
          %add3A_2035 = arith.constant 80 : i32
          %add3A_2036 = arith.addi %add3A_2034, %add3A_2035 : i32
          %get3A_2037 = arith.index_cast %add3A_2036 : i32 to index
          %get3A_2038 = tpu.vector_load %arg5[%get3A_2037] {strides = array<i32>} : memref<40960xf32, #tpu.memory_space<vmem>>, vector<16xf32>,
          %get3A_2039 = vector.shape_cast %get3A_2038 : vector<16xf32> to vector<16xf32>
          %add3A_2040 = arith.addf %add3A_1944, %get3A_2039 : vector<16xf32>
          %mul3A_2041 = arith.constant 32 : i32
          %mul3A_2042 = arith.muli %scan3A_73, %mul3A_2041 : i32
          %mul3A_2043 = arith.constant 128 : i32
          %mul3A_2044 = arith.muli %mul3A_2042, %mul3A_2043 : i32
          %add3A_2045 = arith.constant 2560 : i32
          %add3A_2046 = arith.addi %mul3A_2044, %add3A_2045 : i32
          %add3A_2047 = arith.constant 96 : i32
          %add3A_2048 = arith.addi %add3A_2046, %add3A_2047 : i32
          %get3A_2049 = arith.index_cast %add3A_2048 : i32 to index
          %get3A_2050 = tpu.vector_load %arg5[%get3A_2049] {strides = array<i32>} : memref<40960xf32, #tpu.memory_space<vmem>>, vector<16xf32>,
          %get3A_2051 = vector.shape_cast %get3A_2050 : vector<16xf32> to vector<16xf32>
          %add3A_2052 = arith.addf %add3A_1956, %get3A_2051 : vector<16xf32>
          %mul3A_2053 = arith.constant 32 : i32
          %mul3A_2054 = arith.muli %scan3A_73, %mul3A_2053 : i32
          %mul3A_2055 = arith.constant 128 : i32
          %mul3A_2056 = arith.muli %mul3A_2054, %mul3A_2055 : i32
          %add3A_2057 = arith.constant 2560 : i32
          %add3A_2058 = arith.addi %mul3A_2056, %add3A_2057 : i32
          %add3A_2059 = arith.constant 112 : i32
          %add3A_2060 = arith.addi %add3A_2058, %add3A_2059 : i32
          %get3A_2061 = arith.index_cast %add3A_2060 : i32 to index
          %get3A_2062 = tpu.vector_load %arg5[%get3A_2061] {strides = array<i32>} : memref<40960xf32, #tpu.memory_space<vmem>>, vector<16xf32>,
          %get3A_2063 = vector.shape_cast %get3A_2062 : vector<16xf32> to vector<16xf32>
          %add3A_2064 = arith.addf %add3A_1968, %get3A_2063 : vector<16xf32>
          %mul3A_2065 = arith.constant 32 : i32
          %mul3A_2066 = arith.muli %scan3A_73, %mul3A_2065 : i32
          %mul3A_2067 = arith.constant 128 : i32
          %mul3A_2068 = arith.muli %mul3A_2066, %mul3A_2067 : i32
          %add3A_2069 = arith.constant 2688 : i32
          %add3A_2070 = arith.addi %mul3A_2068, %add3A_2069 : i32
          %add3A_2071 = arith.constant 0 : i32
          %add3A_2072 = arith.addi %add3A_2070, %add3A_2071 : i32
          %get3A_2073 = arith.index_cast %add3A_2072 : i32 to index
          %get3A_2074 = tpu.vector_load %arg5[%get3A_2073] {strides = array<i32>} : memref<40960xf32, #tpu.memory_space<vmem>>, vector<16xf32>,
          %get3A_2075 = vector.shape_cast %get3A_2074 : vector<16xf32> to vector<16xf32>
          %add3A_2076 = arith.addf %add3A_1980, %get3A_2075 : vector<16xf32>
          %mul3A_2077 = arith.constant 32 : i32
          %mul3A_2078 = arith.muli %scan3A_73, %mul3A_2077 : i32
          %mul3A_2079 = arith.constant 128 : i32
          %mul3A_2080 = arith.muli %mul3A_2078, %mul3A_2079 : i32
          %add3A_2081 = arith.constant 2688 : i32
          %add3A_2082 = arith.addi %mul3A_2080, %add3A_2081 : i32
          %add3A_2083 = arith.constant 16 : i32
          %add3A_2084 = arith.addi %add3A_2082, %add3A_2083 : i32
          %get3A_2085 = arith.index_cast %add3A_2084 : i32 to index
          %get3A_2086 = tpu.vector_load %arg5[%get3A_2085] {strides = array<i32>} : memref<40960xf32, #tpu.memory_space<vmem>>, vector<16xf32>,
          %get3A_2087 = vector.shape_cast %get3A_2086 : vector<16xf32> to vector<16xf32>
          %add3A_2088 = arith.addf %add3A_1992, %get3A_2087 : vector<16xf32>
          %mul3A_2089 = arith.constant 32 : i32
          %mul3A_2090 = arith.muli %scan3A_73, %mul3A_2089 : i32
          %mul3A_2091 = arith.constant 128 : i32
          %mul3A_2092 = arith.muli %mul3A_2090, %mul3A_2091 : i32
          %add3A_2093 = arith.constant 2688 : i32
          %add3A_2094 = arith.addi %mul3A_2092, %add3A_2093 : i32
          %add3A_2095 = arith.constant 32 : i32
          %add3A_2096 = arith.addi %add3A_2094, %add3A_2095 : i32
          %get3A_2097 = arith.index_cast %add3A_2096 : i32 to index
          %get3A_2098 = tpu.vector_load %arg5[%get3A_2097] {strides = array<i32>} : memref<40960xf32, #tpu.memory_space<vmem>>, vector<16xf32>,
          %get3A_2099 = vector.shape_cast %get3A_2098 : vector<16xf32> to vector<16xf32>
          %add3A_2100 = arith.addf %add3A_2004, %get3A_2099 : vector<16xf32>
          %mul3A_2101 = arith.constant 32 : i32
          %mul3A_2102 = arith.muli %scan3A_73, %mul3A_2101 : i32
          %mul3A_2103 = arith.constant 128 : i32
          %mul3A_2104 = arith.muli %mul3A_2102, %mul3A_2103 : i32
          %add3A_2105 = arith.constant 2688 : i32
          %add3A_2106 = arith.addi %mul3A_2104, %add3A_2105 : i32
          %add3A_2107 = arith.constant 48 : i32
          %add3A_2108 = arith.addi %add3A_2106, %add3A_2107 : i32
          %get3A_2109 = arith.index_cast %add3A_2108 : i32 to index
          %get3A_2110 = tpu.vector_load %arg5[%get3A_2109] {strides = array<i32>} : memref<40960xf32, #tpu.memory_space<vmem>>, vector<16xf32>,
          %get3A_2111 = vector.shape_cast %get3A_2110 : vector<16xf32> to vector<16xf32>
          %add3A_2112 = arith.addf %add3A_2016, %get3A_2111 : vector<16xf32>
          %mul3A_2113 = arith.constant 32 : i32
          %mul3A_2114 = arith.muli %scan3A_73, %mul3A_2113 : i32
          %mul3A_2115 = arith.constant 128 : i32
          %mul3A_2116 = arith.muli %mul3A_2114, %mul3A_2115 : i32
          %add3A_2117 = arith.constant 2688 : i32
          %add3A_2118 = arith.addi %mul3A_2116, %add3A_2117 : i32
          %add3A_2119 = arith.constant 64 : i32
          %add3A_2120 = arith.addi %add3A_2118, %add3A_2119 : i32
          %get3A_2121 = arith.index_cast %add3A_2120 : i32 to index
          %get3A_2122 = tpu.vector_load %arg5[%get3A_2121] {strides = array<i32>} : memref<40960xf32, #tpu.memory_space<vmem>>, vector<16xf32>,
          %get3A_2123 = vector.shape_cast %get3A_2122 : vector<16xf32> to vector<16xf32>
          %add3A_2124 = arith.addf %add3A_2028, %get3A_2123 : vector<16xf32>
          %mul3A_2125 = arith.constant 32 : i32
          %mul3A_2126 = arith.muli %scan3A_73, %mul3A_2125 : i32
          %mul3A_2127 = arith.constant 128 : i32
          %mul3A_2128 = arith.muli %mul3A_2126, %mul3A_2127 : i32
          %add3A_2129 = arith.constant 2688 : i32
          %add3A_2130 = arith.addi %mul3A_2128, %add3A_2129 : i32
          %add3A_2131 = arith.constant 80 : i32
          %add3A_2132 = arith.addi %add3A_2130, %add3A_2131 : i32
          %get3A_2133 = arith.index_cast %add3A_2132 : i32 to index
          %get3A_2134 = tpu.vector_load %arg5[%get3A_2133] {strides = array<i32>} : memref<40960xf32, #tpu.memory_space<vmem>>, vector<16xf32>,
          %get3A_2135 = vector.shape_cast %get3A_2134 : vector<16xf32> to vector<16xf32>
          %add3A_2136 = arith.addf %add3A_2040, %get3A_2135 : vector<16xf32>
          %mul3A_2137 = arith.constant 32 : i32
          %mul3A_2138 = arith.muli %scan3A_73, %mul3A_2137 : i32
          %mul3A_2139 = arith.constant 128 : i32
          %mul3A_2140 = arith.muli %mul3A_2138, %mul3A_2139 : i32
          %add3A_2141 = arith.constant 2688 : i32
          %add3A_2142 = arith.addi %mul3A_2140, %add3A_2141 : i32
          %add3A_2143 = arith.constant 96 : i32
          %add3A_2144 = arith.addi %add3A_2142, %add3A_2143 : i32
          %get3A_2145 = arith.index_cast %add3A_2144 : i32 to index
          %get3A_2146 = tpu.vector_load %arg5[%get3A_2145] {strides = array<i32>} : memref<40960xf32, #tpu.memory_space<vmem>>, vector<16xf32>,
          %get3A_2147 = vector.shape_cast %get3A_2146 : vector<16xf32> to vector<16xf32>
          %add3A_2148 = arith.addf %add3A_2052, %get3A_2147 : vector<16xf32>
          %mul3A_2149 = arith.constant 32 : i32
          %mul3A_2150 = arith.muli %scan3A_73, %mul3A_2149 : i32
          %mul3A_2151 = arith.constant 128 : i32
          %mul3A_2152 = arith.muli %mul3A_2150, %mul3A_2151 : i32
          %add3A_2153 = arith.constant 2688 : i32
          %add3A_2154 = arith.addi %mul3A_2152, %add3A_2153 : i32
          %add3A_2155 = arith.constant 112 : i32
          %add3A_2156 = arith.addi %add3A_2154, %add3A_2155 : i32
          %get3A_2157 = arith.index_cast %add3A_2156 : i32 to index
          %get3A_2158 = tpu.vector_load %arg5[%get3A_2157] {strides = array<i32>} : memref<40960xf32, #tpu.memory_space<vmem>>, vector<16xf32>,
          %get3A_2159 = vector.shape_cast %get3A_2158 : vector<16xf32> to vector<16xf32>
          %add3A_2160 = arith.addf %add3A_2064, %get3A_2159 : vector<16xf32>
          %mul3A_2161 = arith.constant 32 : i32
          %mul3A_2162 = arith.muli %scan3A_73, %mul3A_2161 : i32
          %mul3A_2163 = arith.constant 128 : i32
          %mul3A_2164 = arith.muli %mul3A_2162, %mul3A_2163 : i32
          %add3A_2165 = arith.constant 2816 : i32
          %add3A_2166 = arith.addi %mul3A_2164, %add3A_2165 : i32
          %add3A_2167 = arith.constant 0 : i32
          %add3A_2168 = arith.addi %add3A_2166, %add3A_2167 : i32
          %get3A_2169 = arith.index_cast %add3A_2168 : i32 to index
          %get3A_2170 = tpu.vector_load %arg5[%get3A_2169] {strides = array<i32>} : memref<40960xf32, #tpu.memory_space<vmem>>, vector<16xf32>,
          %get3A_2171 = vector.shape_cast %get3A_2170 : vector<16xf32> to vector<16xf32>
          %add3A_2172 = arith.addf %add3A_2076, %get3A_2171 : vector<16xf32>
          %mul3A_2173 = arith.constant 32 : i32
          %mul3A_2174 = arith.muli %scan3A_73, %mul3A_2173 : i32
          %mul3A_2175 = arith.constant 128 : i32
          %mul3A_2176 = arith.muli %mul3A_2174, %mul3A_2175 : i32
          %add3A_2177 = arith.constant 2816 : i32
          %add3A_2178 = arith.addi %mul3A_2176, %add3A_2177 : i32
          %add3A_2179 = arith.constant 16 : i32
          %add3A_2180 = arith.addi %add3A_2178, %add3A_2179 : i32
          %get3A_2181 = arith.index_cast %add3A_2180 : i32 to index
          %get3A_2182 = tpu.vector_load %arg5[%get3A_2181] {strides = array<i32>} : memref<40960xf32, #tpu.memory_space<vmem>>, vector<16xf32>,
          %get3A_2183 = vector.shape_cast %get3A_2182 : vector<16xf32> to vector<16xf32>
          %add3A_2184 = arith.addf %add3A_2088, %get3A_2183 : vector<16xf32>
          %mul3A_2185 = arith.constant 32 : i32
          %mul3A_2186 = arith.muli %scan3A_73, %mul3A_2185 : i32
          %mul3A_2187 = arith.constant 128 : i32
          %mul3A_2188 = arith.muli %mul3A_2186, %mul3A_2187 : i32
          %add3A_2189 = arith.constant 2816 : i32
          %add3A_2190 = arith.addi %mul3A_2188, %add3A_2189 : i32
          %add3A_2191 = arith.constant 32 : i32
          %add3A_2192 = arith.addi %add3A_2190, %add3A_2191 : i32
          %get3A_2193 = arith.index_cast %add3A_2192 : i32 to index
          %get3A_2194 = tpu.vector_load %arg5[%get3A_2193] {strides = array<i32>} : memref<40960xf32, #tpu.memory_space<vmem>>, vector<16xf32>,
          %get3A_2195 = vector.shape_cast %get3A_2194 : vector<16xf32> to vector<16xf32>
          %add3A_2196 = arith.addf %add3A_2100, %get3A_2195 : vector<16xf32>
          %mul3A_2197 = arith.constant 32 : i32
          %mul3A_2198 = arith.muli %scan3A_73, %mul3A_2197 : i32
          %mul3A_2199 = arith.constant 128 : i32
          %mul3A_2200 = arith.muli %mul3A_2198, %mul3A_2199 : i32
          %add3A_2201 = arith.constant 2816 : i32
          %add3A_2202 = arith.addi %mul3A_2200, %add3A_2201 : i32
          %add3A_2203 = arith.constant 48 : i32
          %add3A_2204 = arith.addi %add3A_2202, %add3A_2203 : i32
          %get3A_2205 = arith.index_cast %add3A_2204 : i32 to index
          %get3A_2206 = tpu.vector_load %arg5[%get3A_2205] {strides = array<i32>} : memref<40960xf32, #tpu.memory_space<vmem>>, vector<16xf32>,
          %get3A_2207 = vector.shape_cast %get3A_2206 : vector<16xf32> to vector<16xf32>
          %add3A_2208 = arith.addf %add3A_2112, %get3A_2207 : vector<16xf32>
          %mul3A_2209 = arith.constant 32 : i32
          %mul3A_2210 = arith.muli %scan3A_73, %mul3A_2209 : i32
          %mul3A_2211 = arith.constant 128 : i32
          %mul3A_2212 = arith.muli %mul3A_2210, %mul3A_2211 : i32
          %add3A_2213 = arith.constant 2816 : i32
          %add3A_2214 = arith.addi %mul3A_2212, %add3A_2213 : i32
          %add3A_2215 = arith.constant 64 : i32
          %add3A_2216 = arith.addi %add3A_2214, %add3A_2215 : i32
          %get3A_2217 = arith.index_cast %add3A_2216 : i32 to index
          %get3A_2218 = tpu.vector_load %arg5[%get3A_2217] {strides = array<i32>} : memref<40960xf32, #tpu.memory_space<vmem>>, vector<16xf32>,
          %get3A_2219 = vector.shape_cast %get3A_2218 : vector<16xf32> to vector<16xf32>
          %add3A_2220 = arith.addf %add3A_2124, %get3A_2219 : vector<16xf32>
          %mul3A_2221 = arith.constant 32 : i32
          %mul3A_2222 = arith.muli %scan3A_73, %mul3A_2221 : i32
          %mul3A_2223 = arith.constant 128 : i32
          %mul3A_2224 = arith.muli %mul3A_2222, %mul3A_2223 : i32
          %add3A_2225 = arith.constant 2816 : i32
          %add3A_2226 = arith.addi %mul3A_2224, %add3A_2225 : i32
          %add3A_2227 = arith.constant 80 : i32
          %add3A_2228 = arith.addi %add3A_2226, %add3A_2227 : i32
          %get3A_2229 = arith.index_cast %add3A_2228 : i32 to index
          %get3A_2230 = tpu.vector_load %arg5[%get3A_2229] {strides = array<i32>} : memref<40960xf32, #tpu.memory_space<vmem>>, vector<16xf32>,
          %get3A_2231 = vector.shape_cast %get3A_2230 : vector<16xf32> to vector<16xf32>
          %add3A_2232 = arith.addf %add3A_2136, %get3A_2231 : vector<16xf32>
          %mul3A_2233 = arith.constant 32 : i32
          %mul3A_2234 = arith.muli %scan3A_73, %mul3A_2233 : i32
          %mul3A_2235 = arith.constant 128 : i32
          %mul3A_2236 = arith.muli %mul3A_2234, %mul3A_2235 : i32
          %add3A_2237 = arith.constant 2816 : i32
          %add3A_2238 = arith.addi %mul3A_2236, %add3A_2237 : i32
          %add3A_2239 = arith.constant 96 : i32
          %add3A_2240 = arith.addi %add3A_2238, %add3A_2239 : i32
          %get3A_2241 = arith.index_cast %add3A_2240 : i32 to index
          %get3A_2242 = tpu.vector_load %arg5[%get3A_2241] {strides = array<i32>} : memref<40960xf32, #tpu.memory_space<vmem>>, vector<16xf32>,
          %get3A_2243 = vector.shape_cast %get3A_2242 : vector<16xf32> to vector<16xf32>
          %add3A_2244 = arith.addf %add3A_2148, %get3A_2243 : vector<16xf32>
          %mul3A_2245 = arith.constant 32 : i32
          %mul3A_2246 = arith.muli %scan3A_73, %mul3A_2245 : i32
          %mul3A_2247 = arith.constant 128 : i32
          %mul3A_2248 = arith.muli %mul3A_2246, %mul3A_2247 : i32
          %add3A_2249 = arith.constant 2816 : i32
          %add3A_2250 = arith.addi %mul3A_2248, %add3A_2249 : i32
          %add3A_2251 = arith.constant 112 : i32
          %add3A_2252 = arith.addi %add3A_2250, %add3A_2251 : i32
          %get3A_2253 = arith.index_cast %add3A_2252 : i32 to index
          %get3A_2254 = tpu.vector_load %arg5[%get3A_2253] {strides = array<i32>} : memref<40960xf32, #tpu.memory_space<vmem>>, vector<16xf32>,
          %get3A_2255 = vector.shape_cast %get3A_2254 : vector<16xf32> to vector<16xf32>
          %add3A_2256 = arith.addf %add3A_2160, %get3A_2255 : vector<16xf32>
          %mul3A_2257 = arith.constant 32 : i32
          %mul3A_2258 = arith.muli %scan3A_73, %mul3A_2257 : i32
          %mul3A_2259 = arith.constant 128 : i32
          %mul3A_2260 = arith.muli %mul3A_2258, %mul3A_2259 : i32
          %add3A_2261 = arith.constant 2944 : i32
          %add3A_2262 = arith.addi %mul3A_2260, %add3A_2261 : i32
          %add3A_2263 = arith.constant 0 : i32
          %add3A_2264 = arith.addi %add3A_2262, %add3A_2263 : i32
          %get3A_2265 = arith.index_cast %add3A_2264 : i32 to index
          %get3A_2266 = tpu.vector_load %arg5[%get3A_2265] {strides = array<i32>} : memref<40960xf32, #tpu.memory_space<vmem>>, vector<16xf32>,
          %get3A_2267 = vector.shape_cast %get3A_2266 : vector<16xf32> to vector<16xf32>
          %add3A_2268 = arith.addf %add3A_2172, %get3A_2267 : vector<16xf32>
          %mul3A_2269 = arith.constant 32 : i32
          %mul3A_2270 = arith.muli %scan3A_73, %mul3A_2269 : i32
          %mul3A_2271 = arith.constant 128 : i32
          %mul3A_2272 = arith.muli %mul3A_2270, %mul3A_2271 : i32
          %add3A_2273 = arith.constant 2944 : i32
          %add3A_2274 = arith.addi %mul3A_2272, %add3A_2273 : i32
          %add3A_2275 = arith.constant 16 : i32
          %add3A_2276 = arith.addi %add3A_2274, %add3A_2275 : i32
          %get3A_2277 = arith.index_cast %add3A_2276 : i32 to index
          %get3A_2278 = tpu.vector_load %arg5[%get3A_2277] {strides = array<i32>} : memref<40960xf32, #tpu.memory_space<vmem>>, vector<16xf32>,
          %get3A_2279 = vector.shape_cast %get3A_2278 : vector<16xf32> to vector<16xf32>
          %add3A_2280 = arith.addf %add3A_2184, %get3A_2279 : vector<16xf32>
          %mul3A_2281 = arith.constant 32 : i32
          %mul3A_2282 = arith.muli %scan3A_73, %mul3A_2281 : i32
          %mul3A_2283 = arith.constant 128 : i32
          %mul3A_2284 = arith.muli %mul3A_2282, %mul3A_2283 : i32
          %add3A_2285 = arith.constant 2944 : i32
          %add3A_2286 = arith.addi %mul3A_2284, %add3A_2285 : i32
          %add3A_2287 = arith.constant 32 : i32
          %add3A_2288 = arith.addi %add3A_2286, %add3A_2287 : i32
          %get3A_2289 = arith.index_cast %add3A_2288 : i32 to index
          %get3A_2290 = tpu.vector_load %arg5[%get3A_2289] {strides = array<i32>} : memref<40960xf32, #tpu.memory_space<vmem>>, vector<16xf32>,
          %get3A_2291 = vector.shape_cast %get3A_2290 : vector<16xf32> to vector<16xf32>
          %add3A_2292 = arith.addf %add3A_2196, %get3A_2291 : vector<16xf32>
          %mul3A_2293 = arith.constant 32 : i32
          %mul3A_2294 = arith.muli %scan3A_73, %mul3A_2293 : i32
          %mul3A_2295 = arith.constant 128 : i32
          %mul3A_2296 = arith.muli %mul3A_2294, %mul3A_2295 : i32
          %add3A_2297 = arith.constant 2944 : i32
          %add3A_2298 = arith.addi %mul3A_2296, %add3A_2297 : i32
          %add3A_2299 = arith.constant 48 : i32
          %add3A_2300 = arith.addi %add3A_2298, %add3A_2299 : i32
          %get3A_2301 = arith.index_cast %add3A_2300 : i32 to index
          %get3A_2302 = tpu.vector_load %arg5[%get3A_2301] {strides = array<i32>} : memref<40960xf32, #tpu.memory_space<vmem>>, vector<16xf32>,
          %get3A_2303 = vector.shape_cast %get3A_2302 : vector<16xf32> to vector<16xf32>
          %add3A_2304 = arith.addf %add3A_2208, %get3A_2303 : vector<16xf32>
          %mul3A_2305 = arith.constant 32 : i32
          %mul3A_2306 = arith.muli %scan3A_73, %mul3A_2305 : i32
          %mul3A_2307 = arith.constant 128 : i32
          %mul3A_2308 = arith.muli %mul3A_2306, %mul3A_2307 : i32
          %add3A_2309 = arith.constant 2944 : i32
          %add3A_2310 = arith.addi %mul3A_2308, %add3A_2309 : i32
          %add3A_2311 = arith.constant 64 : i32
          %add3A_2312 = arith.addi %add3A_2310, %add3A_2311 : i32
          %get3A_2313 = arith.index_cast %add3A_2312 : i32 to index
          %get3A_2314 = tpu.vector_load %arg5[%get3A_2313] {strides = array<i32>} : memref<40960xf32, #tpu.memory_space<vmem>>, vector<16xf32>,
          %get3A_2315 = vector.shape_cast %get3A_2314 : vector<16xf32> to vector<16xf32>
          %add3A_2316 = arith.addf %add3A_2220, %get3A_2315 : vector<16xf32>
          %mul3A_2317 = arith.constant 32 : i32
          %mul3A_2318 = arith.muli %scan3A_73, %mul3A_2317 : i32
          %mul3A_2319 = arith.constant 128 : i32
          %mul3A_2320 = arith.muli %mul3A_2318, %mul3A_2319 : i32
          %add3A_2321 = arith.constant 2944 : i32
          %add3A_2322 = arith.addi %mul3A_2320, %add3A_2321 : i32
          %add3A_2323 = arith.constant 80 : i32
          %add3A_2324 = arith.addi %add3A_2322, %add3A_2323 : i32
          %get3A_2325 = arith.index_cast %add3A_2324 : i32 to index
          %get3A_2326 = tpu.vector_load %arg5[%get3A_2325] {strides = array<i32>} : memref<40960xf32, #tpu.memory_space<vmem>>, vector<16xf32>,
          %get3A_2327 = vector.shape_cast %get3A_2326 : vector<16xf32> to vector<16xf32>
          %add3A_2328 = arith.addf %add3A_2232, %get3A_2327 : vector<16xf32>
          %mul3A_2329 = arith.constant 32 : i32
          %mul3A_2330 = arith.muli %scan3A_73, %mul3A_2329 : i32
          %mul3A_2331 = arith.constant 128 : i32
          %mul3A_2332 = arith.muli %mul3A_2330, %mul3A_2331 : i32
          %add3A_2333 = arith.constant 2944 : i32
          %add3A_2334 = arith.addi %mul3A_2332, %add3A_2333 : i32
          %add3A_2335 = arith.constant 96 : i32
          %add3A_2336 = arith.addi %add3A_2334, %add3A_2335 : i32
          %get3A_2337 = arith.index_cast %add3A_2336 : i32 to index
          %get3A_2338 = tpu.vector_load %arg5[%get3A_2337] {strides = array<i32>} : memref<40960xf32, #tpu.memory_space<vmem>>, vector<16xf32>,
          %get3A_2339 = vector.shape_cast %get3A_2338 : vector<16xf32> to vector<16xf32>
          %add3A_2340 = arith.addf %add3A_2244, %get3A_2339 : vector<16xf32>
          %mul3A_2341 = arith.constant 32 : i32
          %mul3A_2342 = arith.muli %scan3A_73, %mul3A_2341 : i32
          %mul3A_2343 = arith.constant 128 : i32
          %mul3A_2344 = arith.muli %mul3A_2342, %mul3A_2343 : i32
          %add3A_2345 = arith.constant 2944 : i32
          %add3A_2346 = arith.addi %mul3A_2344, %add3A_2345 : i32
          %add3A_2347 = arith.constant 112 : i32
          %add3A_2348 = arith.addi %add3A_2346, %add3A_2347 : i32
          %get3A_2349 = arith.index_cast %add3A_2348 : i32 to index
          %get3A_2350 = tpu.vector_load %arg5[%get3A_2349] {strides = array<i32>} : memref<40960xf32, #tpu.memory_space<vmem>>, vector<16xf32>,
          %get3A_2351 = vector.shape_cast %get3A_2350 : vector<16xf32> to vector<16xf32>
          %add3A_2352 = arith.addf %add3A_2256, %get3A_2351 : vector<16xf32>
          %mul3A_2353 = arith.constant 32 : i32
          %mul3A_2354 = arith.muli %scan3A_73, %mul3A_2353 : i32
          %mul3A_2355 = arith.constant 128 : i32
          %mul3A_2356 = arith.muli %mul3A_2354, %mul3A_2355 : i32
          %add3A_2357 = arith.constant 3072 : i32
          %add3A_2358 = arith.addi %mul3A_2356, %add3A_2357 : i32
          %add3A_2359 = arith.constant 0 : i32
          %add3A_2360 = arith.addi %add3A_2358, %add3A_2359 : i32
          %get3A_2361 = arith.index_cast %add3A_2360 : i32 to index
          %get3A_2362 = tpu.vector_load %arg5[%get3A_2361] {strides = array<i32>} : memref<40960xf32, #tpu.memory_space<vmem>>, vector<16xf32>,
          %get3A_2363 = vector.shape_cast %get3A_2362 : vector<16xf32> to vector<16xf32>
          %add3A_2364 = arith.addf %add3A_2268, %get3A_2363 : vector<16xf32>
          %mul3A_2365 = arith.constant 32 : i32
          %mul3A_2366 = arith.muli %scan3A_73, %mul3A_2365 : i32
          %mul3A_2367 = arith.constant 128 : i32
          %mul3A_2368 = arith.muli %mul3A_2366, %mul3A_2367 : i32
          %add3A_2369 = arith.constant 3072 : i32
          %add3A_2370 = arith.addi %mul3A_2368, %add3A_2369 : i32
          %add3A_2371 = arith.constant 16 : i32
          %add3A_2372 = arith.addi %add3A_2370, %add3A_2371 : i32
          %get3A_2373 = arith.index_cast %add3A_2372 : i32 to index
          %get3A_2374 = tpu.vector_load %arg5[%get3A_2373] {strides = array<i32>} : memref<40960xf32, #tpu.memory_space<vmem>>, vector<16xf32>,
          %get3A_2375 = vector.shape_cast %get3A_2374 : vector<16xf32> to vector<16xf32>
          %add3A_2376 = arith.addf %add3A_2280, %get3A_2375 : vector<16xf32>
          %mul3A_2377 = arith.constant 32 : i32
          %mul3A_2378 = arith.muli %scan3A_73, %mul3A_2377 : i32
          %mul3A_2379 = arith.constant 128 : i32
          %mul3A_2380 = arith.muli %mul3A_2378, %mul3A_2379 : i32
          %add3A_2381 = arith.constant 3072 : i32
          %add3A_2382 = arith.addi %mul3A_2380, %add3A_2381 : i32
          %add3A_2383 = arith.constant 32 : i32
          %add3A_2384 = arith.addi %add3A_2382, %add3A_2383 : i32
          %get3A_2385 = arith.index_cast %add3A_2384 : i32 to index
          %get3A_2386 = tpu.vector_load %arg5[%get3A_2385] {strides = array<i32>} : memref<40960xf32, #tpu.memory_space<vmem>>, vector<16xf32>,
          %get3A_2387 = vector.shape_cast %get3A_2386 : vector<16xf32> to vector<16xf32>
          %add3A_2388 = arith.addf %add3A_2292, %get3A_2387 : vector<16xf32>
          %mul3A_2389 = arith.constant 32 : i32
          %mul3A_2390 = arith.muli %scan3A_73, %mul3A_2389 : i32
          %mul3A_2391 = arith.constant 128 : i32
          %mul3A_2392 = arith.muli %mul3A_2390, %mul3A_2391 : i32
          %add3A_2393 = arith.constant 3072 : i32
          %add3A_2394 = arith.addi %mul3A_2392, %add3A_2393 : i32
          %add3A_2395 = arith.constant 48 : i32
          %add3A_2396 = arith.addi %add3A_2394, %add3A_2395 : i32
          %get3A_2397 = arith.index_cast %add3A_2396 : i32 to index
          %get3A_2398 = tpu.vector_load %arg5[%get3A_2397] {strides = array<i32>} : memref<40960xf32, #tpu.memory_space<vmem>>, vector<16xf32>,
          %get3A_2399 = vector.shape_cast %get3A_2398 : vector<16xf32> to vector<16xf32>
          %add3A_2400 = arith.addf %add3A_2304, %get3A_2399 : vector<16xf32>
          %mul3A_2401 = arith.constant 32 : i32
          %mul3A_2402 = arith.muli %scan3A_73, %mul3A_2401 : i32
          %mul3A_2403 = arith.constant 128 : i32
          %mul3A_2404 = arith.muli %mul3A_2402, %mul3A_2403 : i32
          %add3A_2405 = arith.constant 3072 : i32
          %add3A_2406 = arith.addi %mul3A_2404, %add3A_2405 : i32
          %add3A_2407 = arith.constant 64 : i32
          %add3A_2408 = arith.addi %add3A_2406, %add3A_2407 : i32
          %get3A_2409 = arith.index_cast %add3A_2408 : i32 to index
          %get3A_2410 = tpu.vector_load %arg5[%get3A_2409] {strides = array<i32>} : memref<40960xf32, #tpu.memory_space<vmem>>, vector<16xf32>,
          %get3A_2411 = vector.shape_cast %get3A_2410 : vector<16xf32> to vector<16xf32>
          %add3A_2412 = arith.addf %add3A_2316, %get3A_2411 : vector<16xf32>
          %mul3A_2413 = arith.constant 32 : i32
          %mul3A_2414 = arith.muli %scan3A_73, %mul3A_2413 : i32
          %mul3A_2415 = arith.constant 128 : i32
          %mul3A_2416 = arith.muli %mul3A_2414, %mul3A_2415 : i32
          %add3A_2417 = arith.constant 3072 : i32
          %add3A_2418 = arith.addi %mul3A_2416, %add3A_2417 : i32
          %add3A_2419 = arith.constant 80 : i32
          %add3A_2420 = arith.addi %add3A_2418, %add3A_2419 : i32
          %get3A_2421 = arith.index_cast %add3A_2420 : i32 to index
          %get3A_2422 = tpu.vector_load %arg5[%get3A_2421] {strides = array<i32>} : memref<40960xf32, #tpu.memory_space<vmem>>, vector<16xf32>,
          %get3A_2423 = vector.shape_cast %get3A_2422 : vector<16xf32> to vector<16xf32>
          %add3A_2424 = arith.addf %add3A_2328, %get3A_2423 : vector<16xf32>
          %mul3A_2425 = arith.constant 32 : i32
          %mul3A_2426 = arith.muli %scan3A_73, %mul3A_2425 : i32
          %mul3A_2427 = arith.constant 128 : i32
          %mul3A_2428 = arith.muli %mul3A_2426, %mul3A_2427 : i32
          %add3A_2429 = arith.constant 3072 : i32
          %add3A_2430 = arith.addi %mul3A_2428, %add3A_2429 : i32
          %add3A_2431 = arith.constant 96 : i32
          %add3A_2432 = arith.addi %add3A_2430, %add3A_2431 : i32
          %get3A_2433 = arith.index_cast %add3A_2432 : i32 to index
          %get3A_2434 = tpu.vector_load %arg5[%get3A_2433] {strides = array<i32>} : memref<40960xf32, #tpu.memory_space<vmem>>, vector<16xf32>,
          %get3A_2435 = vector.shape_cast %get3A_2434 : vector<16xf32> to vector<16xf32>
          %add3A_2436 = arith.addf %add3A_2340, %get3A_2435 : vector<16xf32>
          %mul3A_2437 = arith.constant 32 : i32
          %mul3A_2438 = arith.muli %scan3A_73, %mul3A_2437 : i32
          %mul3A_2439 = arith.constant 128 : i32
          %mul3A_2440 = arith.muli %mul3A_2438, %mul3A_2439 : i32
          %add3A_2441 = arith.constant 3072 : i32
          %add3A_2442 = arith.addi %mul3A_2440, %add3A_2441 : i32
          %add3A_2443 = arith.constant 112 : i32
          %add3A_2444 = arith.addi %add3A_2442, %add3A_2443 : i32
          %get3A_2445 = arith.index_cast %add3A_2444 : i32 to index
          %get3A_2446 = tpu.vector_load %arg5[%get3A_2445] {strides = array<i32>} : memref<40960xf32, #tpu.memory_space<vmem>>, vector<16xf32>,
          %get3A_2447 = vector.shape_cast %get3A_2446 : vector<16xf32> to vector<16xf32>
          %add3A_2448 = arith.addf %add3A_2352, %get3A_2447 : vector<16xf32>
          %mul3A_2449 = arith.constant 32 : i32
          %mul3A_2450 = arith.muli %scan3A_73, %mul3A_2449 : i32
          %mul3A_2451 = arith.constant 128 : i32
          %mul3A_2452 = arith.muli %mul3A_2450, %mul3A_2451 : i32
          %add3A_2453 = arith.constant 3200 : i32
          %add3A_2454 = arith.addi %mul3A_2452, %add3A_2453 : i32
          %add3A_2455 = arith.constant 0 : i32
          %add3A_2456 = arith.addi %add3A_2454, %add3A_2455 : i32
          %get3A_2457 = arith.index_cast %add3A_2456 : i32 to index
          %get3A_2458 = tpu.vector_load %arg5[%get3A_2457] {strides = array<i32>} : memref<40960xf32, #tpu.memory_space<vmem>>, vector<16xf32>,
          %get3A_2459 = vector.shape_cast %get3A_2458 : vector<16xf32> to vector<16xf32>
          %add3A_2460 = arith.addf %add3A_2364, %get3A_2459 : vector<16xf32>
          %mul3A_2461 = arith.constant 32 : i32
          %mul3A_2462 = arith.muli %scan3A_73, %mul3A_2461 : i32
          %mul3A_2463 = arith.constant 128 : i32
          %mul3A_2464 = arith.muli %mul3A_2462, %mul3A_2463 : i32
          %add3A_2465 = arith.constant 3200 : i32
          %add3A_2466 = arith.addi %mul3A_2464, %add3A_2465 : i32
          %add3A_2467 = arith.constant 16 : i32
          %add3A_2468 = arith.addi %add3A_2466, %add3A_2467 : i32
          %get3A_2469 = arith.index_cast %add3A_2468 : i32 to index
          %get3A_2470 = tpu.vector_load %arg5[%get3A_2469] {strides = array<i32>} : memref<40960xf32, #tpu.memory_space<vmem>>, vector<16xf32>,
          %get3A_2471 = vector.shape_cast %get3A_2470 : vector<16xf32> to vector<16xf32>
          %add3A_2472 = arith.addf %add3A_2376, %get3A_2471 : vector<16xf32>
          %mul3A_2473 = arith.constant 32 : i32
          %mul3A_2474 = arith.muli %scan3A_73, %mul3A_2473 : i32
          %mul3A_2475 = arith.constant 128 : i32
          %mul3A_2476 = arith.muli %mul3A_2474, %mul3A_2475 : i32
          %add3A_2477 = arith.constant 3200 : i32
          %add3A_2478 = arith.addi %mul3A_2476, %add3A_2477 : i32
          %add3A_2479 = arith.constant 32 : i32
          %add3A_2480 = arith.addi %add3A_2478, %add3A_2479 : i32
          %get3A_2481 = arith.index_cast %add3A_2480 : i32 to index
          %get3A_2482 = tpu.vector_load %arg5[%get3A_2481] {strides = array<i32>} : memref<40960xf32, #tpu.memory_space<vmem>>, vector<16xf32>,
          %get3A_2483 = vector.shape_cast %get3A_2482 : vector<16xf32> to vector<16xf32>
          %add3A_2484 = arith.addf %add3A_2388, %get3A_2483 : vector<16xf32>
          %mul3A_2485 = arith.constant 32 : i32
          %mul3A_2486 = arith.muli %scan3A_73, %mul3A_2485 : i32
          %mul3A_2487 = arith.constant 128 : i32
          %mul3A_2488 = arith.muli %mul3A_2486, %mul3A_2487 : i32
          %add3A_2489 = arith.constant 3200 : i32
          %add3A_2490 = arith.addi %mul3A_2488, %add3A_2489 : i32
          %add3A_2491 = arith.constant 48 : i32
          %add3A_2492 = arith.addi %add3A_2490, %add3A_2491 : i32
          %get3A_2493 = arith.index_cast %add3A_2492 : i32 to index
          %get3A_2494 = tpu.vector_load %arg5[%get3A_2493] {strides = array<i32>} : memref<40960xf32, #tpu.memory_space<vmem>>, vector<16xf32>,
          %get3A_2495 = vector.shape_cast %get3A_2494 : vector<16xf32> to vector<16xf32>
          %add3A_2496 = arith.addf %add3A_2400, %get3A_2495 : vector<16xf32>
          %mul3A_2497 = arith.constant 32 : i32
          %mul3A_2498 = arith.muli %scan3A_73, %mul3A_2497 : i32
          %mul3A_2499 = arith.constant 128 : i32
          %mul3A_2500 = arith.muli %mul3A_2498, %mul3A_2499 : i32
          %add3A_2501 = arith.constant 3200 : i32
          %add3A_2502 = arith.addi %mul3A_2500, %add3A_2501 : i32
          %add3A_2503 = arith.constant 64 : i32
          %add3A_2504 = arith.addi %add3A_2502, %add3A_2503 : i32
          %get3A_2505 = arith.index_cast %add3A_2504 : i32 to index
          %get3A_2506 = tpu.vector_load %arg5[%get3A_2505] {strides = array<i32>} : memref<40960xf32, #tpu.memory_space<vmem>>, vector<16xf32>,
          %get3A_2507 = vector.shape_cast %get3A_2506 : vector<16xf32> to vector<16xf32>
          %add3A_2508 = arith.addf %add3A_2412, %get3A_2507 : vector<16xf32>
          %mul3A_2509 = arith.constant 32 : i32
          %mul3A_2510 = arith.muli %scan3A_73, %mul3A_2509 : i32
          %mul3A_2511 = arith.constant 128 : i32
          %mul3A_2512 = arith.muli %mul3A_2510, %mul3A_2511 : i32
          %add3A_2513 = arith.constant 3200 : i32
          %add3A_2514 = arith.addi %mul3A_2512, %add3A_2513 : i32
          %add3A_2515 = arith.constant 80 : i32
          %add3A_2516 = arith.addi %add3A_2514, %add3A_2515 : i32
          %get3A_2517 = arith.index_cast %add3A_2516 : i32 to index
          %get3A_2518 = tpu.vector_load %arg5[%get3A_2517] {strides = array<i32>} : memref<40960xf32, #tpu.memory_space<vmem>>, vector<16xf32>,
          %get3A_2519 = vector.shape_cast %get3A_2518 : vector<16xf32> to vector<16xf32>
          %add3A_2520 = arith.addf %add3A_2424, %get3A_2519 : vector<16xf32>
          %mul3A_2521 = arith.constant 32 : i32
          %mul3A_2522 = arith.muli %scan3A_73, %mul3A_2521 : i32
          %mul3A_2523 = arith.constant 128 : i32
          %mul3A_2524 = arith.muli %mul3A_2522, %mul3A_2523 : i32
          %add3A_2525 = arith.constant 3200 : i32
          %add3A_2526 = arith.addi %mul3A_2524, %add3A_2525 : i32
          %add3A_2527 = arith.constant 96 : i32
          %add3A_2528 = arith.addi %add3A_2526, %add3A_2527 : i32
          %get3A_2529 = arith.index_cast %add3A_2528 : i32 to index
          %get3A_2530 = tpu.vector_load %arg5[%get3A_2529] {strides = array<i32>} : memref<40960xf32, #tpu.memory_space<vmem>>, vector<16xf32>,
          %get3A_2531 = vector.shape_cast %get3A_2530 : vector<16xf32> to vector<16xf32>
          %add3A_2532 = arith.addf %add3A_2436, %get3A_2531 : vector<16xf32>
          %mul3A_2533 = arith.constant 32 : i32
          %mul3A_2534 = arith.muli %scan3A_73, %mul3A_2533 : i32
          %mul3A_2535 = arith.constant 128 : i32
          %mul3A_2536 = arith.muli %mul3A_2534, %mul3A_2535 : i32
          %add3A_2537 = arith.constant 3200 : i32
          %add3A_2538 = arith.addi %mul3A_2536, %add3A_2537 : i32
          %add3A_2539 = arith.constant 112 : i32
          %add3A_2540 = arith.addi %add3A_2538, %add3A_2539 : i32
          %get3A_2541 = arith.index_cast %add3A_2540 : i32 to index
          %get3A_2542 = tpu.vector_load %arg5[%get3A_2541] {strides = array<i32>} : memref<40960xf32, #tpu.memory_space<vmem>>, vector<16xf32>,
          %get3A_2543 = vector.shape_cast %get3A_2542 : vector<16xf32> to vector<16xf32>
          %add3A_2544 = arith.addf %add3A_2448, %get3A_2543 : vector<16xf32>
          %mul3A_2545 = arith.constant 32 : i32
          %mul3A_2546 = arith.muli %scan3A_73, %mul3A_2545 : i32
          %mul3A_2547 = arith.constant 128 : i32
          %mul3A_2548 = arith.muli %mul3A_2546, %mul3A_2547 : i32
          %add3A_2549 = arith.constant 3328 : i32
          %add3A_2550 = arith.addi %mul3A_2548, %add3A_2549 : i32
          %add3A_2551 = arith.constant 0 : i32
          %add3A_2552 = arith.addi %add3A_2550, %add3A_2551 : i32
          %get3A_2553 = arith.index_cast %add3A_2552 : i32 to index
          %get3A_2554 = tpu.vector_load %arg5[%get3A_2553] {strides = array<i32>} : memref<40960xf32, #tpu.memory_space<vmem>>, vector<16xf32>,
          %get3A_2555 = vector.shape_cast %get3A_2554 : vector<16xf32> to vector<16xf32>
          %add3A_2556 = arith.addf %add3A_2460, %get3A_2555 : vector<16xf32>
          %mul3A_2557 = arith.constant 32 : i32
          %mul3A_2558 = arith.muli %scan3A_73, %mul3A_2557 : i32
          %mul3A_2559 = arith.constant 128 : i32
          %mul3A_2560 = arith.muli %mul3A_2558, %mul3A_2559 : i32
          %add3A_2561 = arith.constant 3328 : i32
          %add3A_2562 = arith.addi %mul3A_2560, %add3A_2561 : i32
          %add3A_2563 = arith.constant 16 : i32
          %add3A_2564 = arith.addi %add3A_2562, %add3A_2563 : i32
          %get3A_2565 = arith.index_cast %add3A_2564 : i32 to index
          %get3A_2566 = tpu.vector_load %arg5[%get3A_2565] {strides = array<i32>} : memref<40960xf32, #tpu.memory_space<vmem>>, vector<16xf32>,
          %get3A_2567 = vector.shape_cast %get3A_2566 : vector<16xf32> to vector<16xf32>
          %add3A_2568 = arith.addf %add3A_2472, %get3A_2567 : vector<16xf32>
          %mul3A_2569 = arith.constant 32 : i32
          %mul3A_2570 = arith.muli %scan3A_73, %mul3A_2569 : i32
          %mul3A_2571 = arith.constant 128 : i32
          %mul3A_2572 = arith.muli %mul3A_2570, %mul3A_2571 : i32
          %add3A_2573 = arith.constant 3328 : i32
          %add3A_2574 = arith.addi %mul3A_2572, %add3A_2573 : i32
          %add3A_2575 = arith.constant 32 : i32
          %add3A_2576 = arith.addi %add3A_2574, %add3A_2575 : i32
          %get3A_2577 = arith.index_cast %add3A_2576 : i32 to index
          %get3A_2578 = tpu.vector_load %arg5[%get3A_2577] {strides = array<i32>} : memref<40960xf32, #tpu.memory_space<vmem>>, vector<16xf32>,
          %get3A_2579 = vector.shape_cast %get3A_2578 : vector<16xf32> to vector<16xf32>
          %add3A_2580 = arith.addf %add3A_2484, %get3A_2579 : vector<16xf32>
          %mul3A_2581 = arith.constant 32 : i32
          %mul3A_2582 = arith.muli %scan3A_73, %mul3A_2581 : i32
          %mul3A_2583 = arith.constant 128 : i32
          %mul3A_2584 = arith.muli %mul3A_2582, %mul3A_2583 : i32
          %add3A_2585 = arith.constant 3328 : i32
          %add3A_2586 = arith.addi %mul3A_2584, %add3A_2585 : i32
          %add3A_2587 = arith.constant 48 : i32
          %add3A_2588 = arith.addi %add3A_2586, %add3A_2587 : i32
          %get3A_2589 = arith.index_cast %add3A_2588 : i32 to index
          %get3A_2590 = tpu.vector_load %arg5[%get3A_2589] {strides = array<i32>} : memref<40960xf32, #tpu.memory_space<vmem>>, vector<16xf32>,
          %get3A_2591 = vector.shape_cast %get3A_2590 : vector<16xf32> to vector<16xf32>
          %add3A_2592 = arith.addf %add3A_2496, %get3A_2591 : vector<16xf32>
          %mul3A_2593 = arith.constant 32 : i32
          %mul3A_2594 = arith.muli %scan3A_73, %mul3A_2593 : i32
          %mul3A_2595 = arith.constant 128 : i32
          %mul3A_2596 = arith.muli %mul3A_2594, %mul3A_2595 : i32
          %add3A_2597 = arith.constant 3328 : i32
          %add3A_2598 = arith.addi %mul3A_2596, %add3A_2597 : i32
          %add3A_2599 = arith.constant 64 : i32
          %add3A_2600 = arith.addi %add3A_2598, %add3A_2599 : i32
          %get3A_2601 = arith.index_cast %add3A_2600 : i32 to index
          %get3A_2602 = tpu.vector_load %arg5[%get3A_2601] {strides = array<i32>} : memref<40960xf32, #tpu.memory_space<vmem>>, vector<16xf32>,
          %get3A_2603 = vector.shape_cast %get3A_2602 : vector<16xf32> to vector<16xf32>
          %add3A_2604 = arith.addf %add3A_2508, %get3A_2603 : vector<16xf32>
          %mul3A_2605 = arith.constant 32 : i32
          %mul3A_2606 = arith.muli %scan3A_73, %mul3A_2605 : i32
          %mul3A_2607 = arith.constant 128 : i32
          %mul3A_2608 = arith.muli %mul3A_2606, %mul3A_2607 : i32
          %add3A_2609 = arith.constant 3328 : i32
          %add3A_2610 = arith.addi %mul3A_2608, %add3A_2609 : i32
          %add3A_2611 = arith.constant 80 : i32
          %add3A_2612 = arith.addi %add3A_2610, %add3A_2611 : i32
          %get3A_2613 = arith.index_cast %add3A_2612 : i32 to index
          %get3A_2614 = tpu.vector_load %arg5[%get3A_2613] {strides = array<i32>} : memref<40960xf32, #tpu.memory_space<vmem>>, vector<16xf32>,
          %get3A_2615 = vector.shape_cast %get3A_2614 : vector<16xf32> to vector<16xf32>
          %add3A_2616 = arith.addf %add3A_2520, %get3A_2615 : vector<16xf32>
          %mul3A_2617 = arith.constant 32 : i32
          %mul3A_2618 = arith.muli %scan3A_73, %mul3A_2617 : i32
          %mul3A_2619 = arith.constant 128 : i32
          %mul3A_2620 = arith.muli %mul3A_2618, %mul3A_2619 : i32
          %add3A_2621 = arith.constant 3328 : i32
          %add3A_2622 = arith.addi %mul3A_2620, %add3A_2621 : i32
          %add3A_2623 = arith.constant 96 : i32
          %add3A_2624 = arith.addi %add3A_2622, %add3A_2623 : i32
          %get3A_2625 = arith.index_cast %add3A_2624 : i32 to index
          %get3A_2626 = tpu.vector_load %arg5[%get3A_2625] {strides = array<i32>} : memref<40960xf32, #tpu.memory_space<vmem>>, vector<16xf32>,
          %get3A_2627 = vector.shape_cast %get3A_2626 : vector<16xf32> to vector<16xf32>
          %add3A_2628 = arith.addf %add3A_2532, %get3A_2627 : vector<16xf32>
          %mul3A_2629 = arith.constant 32 : i32
          %mul3A_2630 = arith.muli %scan3A_73, %mul3A_2629 : i32
          %mul3A_2631 = arith.constant 128 : i32
          %mul3A_2632 = arith.muli %mul3A_2630, %mul3A_2631 : i32
          %add3A_2633 = arith.constant 3328 : i32
          %add3A_2634 = arith.addi %mul3A_2632, %add3A_2633 : i32
          %add3A_2635 = arith.constant 112 : i32
          %add3A_2636 = arith.addi %add3A_2634, %add3A_2635 : i32
          %get3A_2637 = arith.index_cast %add3A_2636 : i32 to index
          %get3A_2638 = tpu.vector_load %arg5[%get3A_2637] {strides = array<i32>} : memref<40960xf32, #tpu.memory_space<vmem>>, vector<16xf32>,
          %get3A_2639 = vector.shape_cast %get3A_2638 : vector<16xf32> to vector<16xf32>
          %add3A_2640 = arith.addf %add3A_2544, %get3A_2639 : vector<16xf32>
          %mul3A_2641 = arith.constant 32 : i32
          %mul3A_2642 = arith.muli %scan3A_73, %mul3A_2641 : i32
          %mul3A_2643 = arith.constant 128 : i32
          %mul3A_2644 = arith.muli %mul3A_2642, %mul3A_2643 : i32
          %add3A_2645 = arith.constant 3456 : i32
          %add3A_2646 = arith.addi %mul3A_2644, %add3A_2645 : i32
          %add3A_2647 = arith.constant 0 : i32
          %add3A_2648 = arith.addi %add3A_2646, %add3A_2647 : i32
          %get3A_2649 = arith.index_cast %add3A_2648 : i32 to index
          %get3A_2650 = tpu.vector_load %arg5[%get3A_2649] {strides = array<i32>} : memref<40960xf32, #tpu.memory_space<vmem>>, vector<16xf32>,
          %get3A_2651 = vector.shape_cast %get3A_2650 : vector<16xf32> to vector<16xf32>
          %add3A_2652 = arith.addf %add3A_2556, %get3A_2651 : vector<16xf32>
          %mul3A_2653 = arith.constant 32 : i32
          %mul3A_2654 = arith.muli %scan3A_73, %mul3A_2653 : i32
          %mul3A_2655 = arith.constant 128 : i32
          %mul3A_2656 = arith.muli %mul3A_2654, %mul3A_2655 : i32
          %add3A_2657 = arith.constant 3456 : i32
          %add3A_2658 = arith.addi %mul3A_2656, %add3A_2657 : i32
          %add3A_2659 = arith.constant 16 : i32
          %add3A_2660 = arith.addi %add3A_2658, %add3A_2659 : i32
          %get3A_2661 = arith.index_cast %add3A_2660 : i32 to index
          %get3A_2662 = tpu.vector_load %arg5[%get3A_2661] {strides = array<i32>} : memref<40960xf32, #tpu.memory_space<vmem>>, vector<16xf32>,
          %get3A_2663 = vector.shape_cast %get3A_2662 : vector<16xf32> to vector<16xf32>
          %add3A_2664 = arith.addf %add3A_2568, %get3A_2663 : vector<16xf32>
          %mul3A_2665 = arith.constant 32 : i32
          %mul3A_2666 = arith.muli %scan3A_73, %mul3A_2665 : i32
          %mul3A_2667 = arith.constant 128 : i32
          %mul3A_2668 = arith.muli %mul3A_2666, %mul3A_2667 : i32
          %add3A_2669 = arith.constant 3456 : i32
          %add3A_2670 = arith.addi %mul3A_2668, %add3A_2669 : i32
          %add3A_2671 = arith.constant 32 : i32
          %add3A_2672 = arith.addi %add3A_2670, %add3A_2671 : i32
          %get3A_2673 = arith.index_cast %add3A_2672 : i32 to index
          %get3A_2674 = tpu.vector_load %arg5[%get3A_2673] {strides = array<i32>} : memref<40960xf32, #tpu.memory_space<vmem>>, vector<16xf32>,
          %get3A_2675 = vector.shape_cast %get3A_2674 : vector<16xf32> to vector<16xf32>
          %add3A_2676 = arith.addf %add3A_2580, %get3A_2675 : vector<16xf32>
          %mul3A_2677 = arith.constant 32 : i32
          %mul3A_2678 = arith.muli %scan3A_73, %mul3A_2677 : i32
          %mul3A_2679 = arith.constant 128 : i32
          %mul3A_2680 = arith.muli %mul3A_2678, %mul3A_2679 : i32
          %add3A_2681 = arith.constant 3456 : i32
          %add3A_2682 = arith.addi %mul3A_2680, %add3A_2681 : i32
          %add3A_2683 = arith.constant 48 : i32
          %add3A_2684 = arith.addi %add3A_2682, %add3A_2683 : i32
          %get3A_2685 = arith.index_cast %add3A_2684 : i32 to index
          %get3A_2686 = tpu.vector_load %arg5[%get3A_2685] {strides = array<i32>} : memref<40960xf32, #tpu.memory_space<vmem>>, vector<16xf32>,
          %get3A_2687 = vector.shape_cast %get3A_2686 : vector<16xf32> to vector<16xf32>
          %add3A_2688 = arith.addf %add3A_2592, %get3A_2687 : vector<16xf32>
          %mul3A_2689 = arith.constant 32 : i32
          %mul3A_2690 = arith.muli %scan3A_73, %mul3A_2689 : i32
          %mul3A_2691 = arith.constant 128 : i32
          %mul3A_2692 = arith.muli %mul3A_2690, %mul3A_2691 : i32
          %add3A_2693 = arith.constant 3456 : i32
          %add3A_2694 = arith.addi %mul3A_2692, %add3A_2693 : i32
          %add3A_2695 = arith.constant 64 : i32
          %add3A_2696 = arith.addi %add3A_2694, %add3A_2695 : i32
          %get3A_2697 = arith.index_cast %add3A_2696 : i32 to index
          %get3A_2698 = tpu.vector_load %arg5[%get3A_2697] {strides = array<i32>} : memref<40960xf32, #tpu.memory_space<vmem>>, vector<16xf32>,
          %get3A_2699 = vector.shape_cast %get3A_2698 : vector<16xf32> to vector<16xf32>
          %add3A_2700 = arith.addf %add3A_2604, %get3A_2699 : vector<16xf32>
          %mul3A_2701 = arith.constant 32 : i32
          %mul3A_2702 = arith.muli %scan3A_73, %mul3A_2701 : i32
          %mul3A_2703 = arith.constant 128 : i32
          %mul3A_2704 = arith.muli %mul3A_2702, %mul3A_2703 : i32
          %add3A_2705 = arith.constant 3456 : i32
          %add3A_2706 = arith.addi %mul3A_2704, %add3A_2705 : i32
          %add3A_2707 = arith.constant 80 : i32
          %add3A_2708 = arith.addi %add3A_2706, %add3A_2707 : i32
          %get3A_2709 = arith.index_cast %add3A_2708 : i32 to index
          %get3A_2710 = tpu.vector_load %arg5[%get3A_2709] {strides = array<i32>} : memref<40960xf32, #tpu.memory_space<vmem>>, vector<16xf32>,
          %get3A_2711 = vector.shape_cast %get3A_2710 : vector<16xf32> to vector<16xf32>
          %add3A_2712 = arith.addf %add3A_2616, %get3A_2711 : vector<16xf32>
          %mul3A_2713 = arith.constant 32 : i32
          %mul3A_2714 = arith.muli %scan3A_73, %mul3A_2713 : i32
          %mul3A_2715 = arith.constant 128 : i32
          %mul3A_2716 = arith.muli %mul3A_2714, %mul3A_2715 : i32
          %add3A_2717 = arith.constant 3456 : i32
          %add3A_2718 = arith.addi %mul3A_2716, %add3A_2717 : i32
          %add3A_2719 = arith.constant 96 : i32
          %add3A_2720 = arith.addi %add3A_2718, %add3A_2719 : i32
          %get3A_2721 = arith.index_cast %add3A_2720 : i32 to index
          %get3A_2722 = tpu.vector_load %arg5[%get3A_2721] {strides = array<i32>} : memref<40960xf32, #tpu.memory_space<vmem>>, vector<16xf32>,
          %get3A_2723 = vector.shape_cast %get3A_2722 : vector<16xf32> to vector<16xf32>
          %add3A_2724 = arith.addf %add3A_2628, %get3A_2723 : vector<16xf32>
          %mul3A_2725 = arith.constant 32 : i32
          %mul3A_2726 = arith.muli %scan3A_73, %mul3A_2725 : i32
          %mul3A_2727 = arith.constant 128 : i32
          %mul3A_2728 = arith.muli %mul3A_2726, %mul3A_2727 : i32
          %add3A_2729 = arith.constant 3456 : i32
          %add3A_2730 = arith.addi %mul3A_2728, %add3A_2729 : i32
          %add3A_2731 = arith.constant 112 : i32
          %add3A_2732 = arith.addi %add3A_2730, %add3A_2731 : i32
          %get3A_2733 = arith.index_cast %add3A_2732 : i32 to index
          %get3A_2734 = tpu.vector_load %arg5[%get3A_2733] {strides = array<i32>} : memref<40960xf32, #tpu.memory_space<vmem>>, vector<16xf32>,
          %get3A_2735 = vector.shape_cast %get3A_2734 : vector<16xf32> to vector<16xf32>
          %add3A_2736 = arith.addf %add3A_2640, %get3A_2735 : vector<16xf32>
          %mul3A_2737 = arith.constant 32 : i32
          %mul3A_2738 = arith.muli %scan3A_73, %mul3A_2737 : i32
          %mul3A_2739 = arith.constant 128 : i32
          %mul3A_2740 = arith.muli %mul3A_2738, %mul3A_2739 : i32
          %add3A_2741 = arith.constant 3584 : i32
          %add3A_2742 = arith.addi %mul3A_2740, %add3A_2741 : i32
          %add3A_2743 = arith.constant 0 : i32
          %add3A_2744 = arith.addi %add3A_2742, %add3A_2743 : i32
          %get3A_2745 = arith.index_cast %add3A_2744 : i32 to index
          %get3A_2746 = tpu.vector_load %arg5[%get3A_2745] {strides = array<i32>} : memref<40960xf32, #tpu.memory_space<vmem>>, vector<16xf32>,
          %get3A_2747 = vector.shape_cast %get3A_2746 : vector<16xf32> to vector<16xf32>
          %add3A_2748 = arith.addf %add3A_2652, %get3A_2747 : vector<16xf32>
          %mul3A_2749 = arith.constant 32 : i32
          %mul3A_2750 = arith.muli %scan3A_73, %mul3A_2749 : i32
          %mul3A_2751 = arith.constant 128 : i32
          %mul3A_2752 = arith.muli %mul3A_2750, %mul3A_2751 : i32
          %add3A_2753 = arith.constant 3584 : i32
          %add3A_2754 = arith.addi %mul3A_2752, %add3A_2753 : i32
          %add3A_2755 = arith.constant 16 : i32
          %add3A_2756 = arith.addi %add3A_2754, %add3A_2755 : i32
          %get3A_2757 = arith.index_cast %add3A_2756 : i32 to index
          %get3A_2758 = tpu.vector_load %arg5[%get3A_2757] {strides = array<i32>} : memref<40960xf32, #tpu.memory_space<vmem>>, vector<16xf32>,
          %get3A_2759 = vector.shape_cast %get3A_2758 : vector<16xf32> to vector<16xf32>
          %add3A_2760 = arith.addf %add3A_2664, %get3A_2759 : vector<16xf32>
          %mul3A_2761 = arith.constant 32 : i32
          %mul3A_2762 = arith.muli %scan3A_73, %mul3A_2761 : i32
          %mul3A_2763 = arith.constant 128 : i32
          %mul3A_2764 = arith.muli %mul3A_2762, %mul3A_2763 : i32
          %add3A_2765 = arith.constant 3584 : i32
          %add3A_2766 = arith.addi %mul3A_2764, %add3A_2765 : i32
          %add3A_2767 = arith.constant 32 : i32
          %add3A_2768 = arith.addi %add3A_2766, %add3A_2767 : i32
          %get3A_2769 = arith.index_cast %add3A_2768 : i32 to index
          %get3A_2770 = tpu.vector_load %arg5[%get3A_2769] {strides = array<i32>} : memref<40960xf32, #tpu.memory_space<vmem>>, vector<16xf32>,
          %get3A_2771 = vector.shape_cast %get3A_2770 : vector<16xf32> to vector<16xf32>
          %add3A_2772 = arith.addf %add3A_2676, %get3A_2771 : vector<16xf32>
          %mul3A_2773 = arith.constant 32 : i32
          %mul3A_2774 = arith.muli %scan3A_73, %mul3A_2773 : i32
          %mul3A_2775 = arith.constant 128 : i32
          %mul3A_2776 = arith.muli %mul3A_2774, %mul3A_2775 : i32
          %add3A_2777 = arith.constant 3584 : i32
          %add3A_2778 = arith.addi %mul3A_2776, %add3A_2777 : i32
          %add3A_2779 = arith.constant 48 : i32
          %add3A_2780 = arith.addi %add3A_2778, %add3A_2779 : i32
          %get3A_2781 = arith.index_cast %add3A_2780 : i32 to index
          %get3A_2782 = tpu.vector_load %arg5[%get3A_2781] {strides = array<i32>} : memref<40960xf32, #tpu.memory_space<vmem>>, vector<16xf32>,
          %get3A_2783 = vector.shape_cast %get3A_2782 : vector<16xf32> to vector<16xf32>
          %add3A_2784 = arith.addf %add3A_2688, %get3A_2783 : vector<16xf32>
          %mul3A_2785 = arith.constant 32 : i32
          %mul3A_2786 = arith.muli %scan3A_73, %mul3A_2785 : i32
          %mul3A_2787 = arith.constant 128 : i32
          %mul3A_2788 = arith.muli %mul3A_2786, %mul3A_2787 : i32
          %add3A_2789 = arith.constant 3584 : i32
          %add3A_2790 = arith.addi %mul3A_2788, %add3A_2789 : i32
          %add3A_2791 = arith.constant 64 : i32
          %add3A_2792 = arith.addi %add3A_2790, %add3A_2791 : i32
          %get3A_2793 = arith.index_cast %add3A_2792 : i32 to index
          %get3A_2794 = tpu.vector_load %arg5[%get3A_2793] {strides = array<i32>} : memref<40960xf32, #tpu.memory_space<vmem>>, vector<16xf32>,
          %get3A_2795 = vector.shape_cast %get3A_2794 : vector<16xf32> to vector<16xf32>
          %add3A_2796 = arith.addf %add3A_2700, %get3A_2795 : vector<16xf32>
          %mul3A_2797 = arith.constant 32 : i32
          %mul3A_2798 = arith.muli %scan3A_73, %mul3A_2797 : i32
          %mul3A_2799 = arith.constant 128 : i32
          %mul3A_2800 = arith.muli %mul3A_2798, %mul3A_2799 : i32
          %add3A_2801 = arith.constant 3584 : i32
          %add3A_2802 = arith.addi %mul3A_2800, %add3A_2801 : i32
          %add3A_2803 = arith.constant 80 : i32
          %add3A_2804 = arith.addi %add3A_2802, %add3A_2803 : i32
          %get3A_2805 = arith.index_cast %add3A_2804 : i32 to index
          %get3A_2806 = tpu.vector_load %arg5[%get3A_2805] {strides = array<i32>} : memref<40960xf32, #tpu.memory_space<vmem>>, vector<16xf32>,
          %get3A_2807 = vector.shape_cast %get3A_2806 : vector<16xf32> to vector<16xf32>
          %add3A_2808 = arith.addf %add3A_2712, %get3A_2807 : vector<16xf32>
          %mul3A_2809 = arith.constant 32 : i32
          %mul3A_2810 = arith.muli %scan3A_73, %mul3A_2809 : i32
          %mul3A_2811 = arith.constant 128 : i32
          %mul3A_2812 = arith.muli %mul3A_2810, %mul3A_2811 : i32
          %add3A_2813 = arith.constant 3584 : i32
          %add3A_2814 = arith.addi %mul3A_2812, %add3A_2813 : i32
          %add3A_2815 = arith.constant 96 : i32
          %add3A_2816 = arith.addi %add3A_2814, %add3A_2815 : i32
          %get3A_2817 = arith.index_cast %add3A_2816 : i32 to index
          %get3A_2818 = tpu.vector_load %arg5[%get3A_2817] {strides = array<i32>} : memref<40960xf32, #tpu.memory_space<vmem>>, vector<16xf32>,
          %get3A_2819 = vector.shape_cast %get3A_2818 : vector<16xf32> to vector<16xf32>
          %add3A_2820 = arith.addf %add3A_2724, %get3A_2819 : vector<16xf32>
          %mul3A_2821 = arith.constant 32 : i32
          %mul3A_2822 = arith.muli %scan3A_73, %mul3A_2821 : i32
          %mul3A_2823 = arith.constant 128 : i32
          %mul3A_2824 = arith.muli %mul3A_2822, %mul3A_2823 : i32
          %add3A_2825 = arith.constant 3584 : i32
          %add3A_2826 = arith.addi %mul3A_2824, %add3A_2825 : i32
          %add3A_2827 = arith.constant 112 : i32
          %add3A_2828 = arith.addi %add3A_2826, %add3A_2827 : i32
          %get3A_2829 = arith.index_cast %add3A_2828 : i32 to index
          %get3A_2830 = tpu.vector_load %arg5[%get3A_2829] {strides = array<i32>} : memref<40960xf32, #tpu.memory_space<vmem>>, vector<16xf32>,
          %get3A_2831 = vector.shape_cast %get3A_2830 : vector<16xf32> to vector<16xf32>
          %add3A_2832 = arith.addf %add3A_2736, %get3A_2831 : vector<16xf32>
          %mul3A_2833 = arith.constant 32 : i32
          %mul3A_2834 = arith.muli %scan3A_73, %mul3A_2833 : i32
          %mul3A_2835 = arith.constant 128 : i32
          %mul3A_2836 = arith.muli %mul3A_2834, %mul3A_2835 : i32
          %add3A_2837 = arith.constant 3712 : i32
          %add3A_2838 = arith.addi %mul3A_2836, %add3A_2837 : i32
          %add3A_2839 = arith.constant 0 : i32
          %add3A_2840 = arith.addi %add3A_2838, %add3A_2839 : i32
          %get3A_2841 = arith.index_cast %add3A_2840 : i32 to index
          %get3A_2842 = tpu.vector_load %arg5[%get3A_2841] {strides = array<i32>} : memref<40960xf32, #tpu.memory_space<vmem>>, vector<16xf32>,
          %get3A_2843 = vector.shape_cast %get3A_2842 : vector<16xf32> to vector<16xf32>
          %add3A_2844 = arith.addf %add3A_2748, %get3A_2843 : vector<16xf32>
          %mul3A_2845 = arith.constant 32 : i32
          %mul3A_2846 = arith.muli %scan3A_73, %mul3A_2845 : i32
          %mul3A_2847 = arith.constant 128 : i32
          %mul3A_2848 = arith.muli %mul3A_2846, %mul3A_2847 : i32
          %add3A_2849 = arith.constant 3712 : i32
          %add3A_2850 = arith.addi %mul3A_2848, %add3A_2849 : i32
          %add3A_2851 = arith.constant 16 : i32
          %add3A_2852 = arith.addi %add3A_2850, %add3A_2851 : i32
          %get3A_2853 = arith.index_cast %add3A_2852 : i32 to index
          %get3A_2854 = tpu.vector_load %arg5[%get3A_2853] {strides = array<i32>} : memref<40960xf32, #tpu.memory_space<vmem>>, vector<16xf32>,
          %get3A_2855 = vector.shape_cast %get3A_2854 : vector<16xf32> to vector<16xf32>
          %add3A_2856 = arith.addf %add3A_2760, %get3A_2855 : vector<16xf32>
          %mul3A_2857 = arith.constant 32 : i32
          %mul3A_2858 = arith.muli %scan3A_73, %mul3A_2857 : i32
          %mul3A_2859 = arith.constant 128 : i32
          %mul3A_2860 = arith.muli %mul3A_2858, %mul3A_2859 : i32
          %add3A_2861 = arith.constant 3712 : i32
          %add3A_2862 = arith.addi %mul3A_2860, %add3A_2861 : i32
          %add3A_2863 = arith.constant 32 : i32
          %add3A_2864 = arith.addi %add3A_2862, %add3A_2863 : i32
          %get3A_2865 = arith.index_cast %add3A_2864 : i32 to index
          %get3A_2866 = tpu.vector_load %arg5[%get3A_2865] {strides = array<i32>} : memref<40960xf32, #tpu.memory_space<vmem>>, vector<16xf32>,
          %get3A_2867 = vector.shape_cast %get3A_2866 : vector<16xf32> to vector<16xf32>
          %add3A_2868 = arith.addf %add3A_2772, %get3A_2867 : vector<16xf32>
          %mul3A_2869 = arith.constant 32 : i32
          %mul3A_2870 = arith.muli %scan3A_73, %mul3A_2869 : i32
          %mul3A_2871 = arith.constant 128 : i32
          %mul3A_2872 = arith.muli %mul3A_2870, %mul3A_2871 : i32
          %add3A_2873 = arith.constant 3712 : i32
          %add3A_2874 = arith.addi %mul3A_2872, %add3A_2873 : i32
          %add3A_2875 = arith.constant 48 : i32
          %add3A_2876 = arith.addi %add3A_2874, %add3A_2875 : i32
          %get3A_2877 = arith.index_cast %add3A_2876 : i32 to index
          %get3A_2878 = tpu.vector_load %arg5[%get3A_2877] {strides = array<i32>} : memref<40960xf32, #tpu.memory_space<vmem>>, vector<16xf32>,
          %get3A_2879 = vector.shape_cast %get3A_2878 : vector<16xf32> to vector<16xf32>
          %add3A_2880 = arith.addf %add3A_2784, %get3A_2879 : vector<16xf32>
          %mul3A_2881 = arith.constant 32 : i32
          %mul3A_2882 = arith.muli %scan3A_73, %mul3A_2881 : i32
          %mul3A_2883 = arith.constant 128 : i32
          %mul3A_2884 = arith.muli %mul3A_2882, %mul3A_2883 : i32
          %add3A_2885 = arith.constant 3712 : i32
          %add3A_2886 = arith.addi %mul3A_2884, %add3A_2885 : i32
          %add3A_2887 = arith.constant 64 : i32
          %add3A_2888 = arith.addi %add3A_2886, %add3A_2887 : i32
          %get3A_2889 = arith.index_cast %add3A_2888 : i32 to index
          %get3A_2890 = tpu.vector_load %arg5[%get3A_2889] {strides = array<i32>} : memref<40960xf32, #tpu.memory_space<vmem>>, vector<16xf32>,
          %get3A_2891 = vector.shape_cast %get3A_2890 : vector<16xf32> to vector<16xf32>
          %add3A_2892 = arith.addf %add3A_2796, %get3A_2891 : vector<16xf32>
          %mul3A_2893 = arith.constant 32 : i32
          %mul3A_2894 = arith.muli %scan3A_73, %mul3A_2893 : i32
          %mul3A_2895 = arith.constant 128 : i32
          %mul3A_2896 = arith.muli %mul3A_2894, %mul3A_2895 : i32
          %add3A_2897 = arith.constant 3712 : i32
          %add3A_2898 = arith.addi %mul3A_2896, %add3A_2897 : i32
          %add3A_2899 = arith.constant 80 : i32
          %add3A_2900 = arith.addi %add3A_2898, %add3A_2899 : i32
          %get3A_2901 = arith.index_cast %add3A_2900 : i32 to index
          %get3A_2902 = tpu.vector_load %arg5[%get3A_2901] {strides = array<i32>} : memref<40960xf32, #tpu.memory_space<vmem>>, vector<16xf32>,
          %get3A_2903 = vector.shape_cast %get3A_2902 : vector<16xf32> to vector<16xf32>
          %add3A_2904 = arith.addf %add3A_2808, %get3A_2903 : vector<16xf32>
          %mul3A_2905 = arith.constant 32 : i32
          %mul3A_2906 = arith.muli %scan3A_73, %mul3A_2905 : i32
          %mul3A_2907 = arith.constant 128 : i32
          %mul3A_2908 = arith.muli %mul3A_2906, %mul3A_2907 : i32
          %add3A_2909 = arith.constant 3712 : i32
          %add3A_2910 = arith.addi %mul3A_2908, %add3A_2909 : i32
          %add3A_2911 = arith.constant 96 : i32
          %add3A_2912 = arith.addi %add3A_2910, %add3A_2911 : i32
          %get3A_2913 = arith.index_cast %add3A_2912 : i32 to index
          %get3A_2914 = tpu.vector_load %arg5[%get3A_2913] {strides = array<i32>} : memref<40960xf32, #tpu.memory_space<vmem>>, vector<16xf32>,
          %get3A_2915 = vector.shape_cast %get3A_2914 : vector<16xf32> to vector<16xf32>
          %add3A_2916 = arith.addf %add3A_2820, %get3A_2915 : vector<16xf32>
          %mul3A_2917 = arith.constant 32 : i32
          %mul3A_2918 = arith.muli %scan3A_73, %mul3A_2917 : i32
          %mul3A_2919 = arith.constant 128 : i32
          %mul3A_2920 = arith.muli %mul3A_2918, %mul3A_2919 : i32
          %add3A_2921 = arith.constant 3712 : i32
          %add3A_2922 = arith.addi %mul3A_2920, %add3A_2921 : i32
          %add3A_2923 = arith.constant 112 : i32
          %add3A_2924 = arith.addi %add3A_2922, %add3A_2923 : i32
          %get3A_2925 = arith.index_cast %add3A_2924 : i32 to index
          %get3A_2926 = tpu.vector_load %arg5[%get3A_2925] {strides = array<i32>} : memref<40960xf32, #tpu.memory_space<vmem>>, vector<16xf32>,
          %get3A_2927 = vector.shape_cast %get3A_2926 : vector<16xf32> to vector<16xf32>
          %add3A_2928 = arith.addf %add3A_2832, %get3A_2927 : vector<16xf32>
          %mul3A_2929 = arith.constant 32 : i32
          %mul3A_2930 = arith.muli %scan3A_73, %mul3A_2929 : i32
          %mul3A_2931 = arith.constant 128 : i32
          %mul3A_2932 = arith.muli %mul3A_2930, %mul3A_2931 : i32
          %add3A_2933 = arith.constant 3840 : i32
          %add3A_2934 = arith.addi %mul3A_2932, %add3A_2933 : i32
          %add3A_2935 = arith.constant 0 : i32
          %add3A_2936 = arith.addi %add3A_2934, %add3A_2935 : i32
          %get3A_2937 = arith.index_cast %add3A_2936 : i32 to index
          %get3A_2938 = tpu.vector_load %arg5[%get3A_2937] {strides = array<i32>} : memref<40960xf32, #tpu.memory_space<vmem>>, vector<16xf32>,
          %get3A_2939 = vector.shape_cast %get3A_2938 : vector<16xf32> to vector<16xf32>
          %add3A_2940 = arith.addf %add3A_2844, %get3A_2939 : vector<16xf32>
          %mul3A_2941 = arith.constant 32 : i32
          %mul3A_2942 = arith.muli %scan3A_73, %mul3A_2941 : i32
          %mul3A_2943 = arith.constant 128 : i32
          %mul3A_2944 = arith.muli %mul3A_2942, %mul3A_2943 : i32
          %add3A_2945 = arith.constant 3840 : i32
          %add3A_2946 = arith.addi %mul3A_2944, %add3A_2945 : i32
          %add3A_2947 = arith.constant 16 : i32
          %add3A_2948 = arith.addi %add3A_2946, %add3A_2947 : i32
          %get3A_2949 = arith.index_cast %add3A_2948 : i32 to index
          %get3A_2950 = tpu.vector_load %arg5[%get3A_2949] {strides = array<i32>} : memref<40960xf32, #tpu.memory_space<vmem>>, vector<16xf32>,
          %get3A_2951 = vector.shape_cast %get3A_2950 : vector<16xf32> to vector<16xf32>
          %add3A_2952 = arith.addf %add3A_2856, %get3A_2951 : vector<16xf32>
          %mul3A_2953 = arith.constant 32 : i32
          %mul3A_2954 = arith.muli %scan3A_73, %mul3A_2953 : i32
          %mul3A_2955 = arith.constant 128 : i32
          %mul3A_2956 = arith.muli %mul3A_2954, %mul3A_2955 : i32
          %add3A_2957 = arith.constant 3840 : i32
          %add3A_2958 = arith.addi %mul3A_2956, %add3A_2957 : i32
          %add3A_2959 = arith.constant 32 : i32
          %add3A_2960 = arith.addi %add3A_2958, %add3A_2959 : i32
          %get3A_2961 = arith.index_cast %add3A_2960 : i32 to index
          %get3A_2962 = tpu.vector_load %arg5[%get3A_2961] {strides = array<i32>} : memref<40960xf32, #tpu.memory_space<vmem>>, vector<16xf32>,
          %get3A_2963 = vector.shape_cast %get3A_2962 : vector<16xf32> to vector<16xf32>
          %add3A_2964 = arith.addf %add3A_2868, %get3A_2963 : vector<16xf32>
          %mul3A_2965 = arith.constant 32 : i32
          %mul3A_2966 = arith.muli %scan3A_73, %mul3A_2965 : i32
          %mul3A_2967 = arith.constant 128 : i32
          %mul3A_2968 = arith.muli %mul3A_2966, %mul3A_2967 : i32
          %add3A_2969 = arith.constant 3840 : i32
          %add3A_2970 = arith.addi %mul3A_2968, %add3A_2969 : i32
          %add3A_2971 = arith.constant 48 : i32
          %add3A_2972 = arith.addi %add3A_2970, %add3A_2971 : i32
          %get3A_2973 = arith.index_cast %add3A_2972 : i32 to index
          %get3A_2974 = tpu.vector_load %arg5[%get3A_2973] {strides = array<i32>} : memref<40960xf32, #tpu.memory_space<vmem>>, vector<16xf32>,
          %get3A_2975 = vector.shape_cast %get3A_2974 : vector<16xf32> to vector<16xf32>
          %add3A_2976 = arith.addf %add3A_2880, %get3A_2975 : vector<16xf32>
          %mul3A_2977 = arith.constant 32 : i32
          %mul3A_2978 = arith.muli %scan3A_73, %mul3A_2977 : i32
          %mul3A_2979 = arith.constant 128 : i32
          %mul3A_2980 = arith.muli %mul3A_2978, %mul3A_2979 : i32
          %add3A_2981 = arith.constant 3840 : i32
          %add3A_2982 = arith.addi %mul3A_2980, %add3A_2981 : i32
          %add3A_2983 = arith.constant 64 : i32
          %add3A_2984 = arith.addi %add3A_2982, %add3A_2983 : i32
          %get3A_2985 = arith.index_cast %add3A_2984 : i32 to index
          %get3A_2986 = tpu.vector_load %arg5[%get3A_2985] {strides = array<i32>} : memref<40960xf32, #tpu.memory_space<vmem>>, vector<16xf32>,
          %get3A_2987 = vector.shape_cast %get3A_2986 : vector<16xf32> to vector<16xf32>
          %add3A_2988 = arith.addf %add3A_2892, %get3A_2987 : vector<16xf32>
          %mul3A_2989 = arith.constant 32 : i32
          %mul3A_2990 = arith.muli %scan3A_73, %mul3A_2989 : i32
          %mul3A_2991 = arith.constant 128 : i32
          %mul3A_2992 = arith.muli %mul3A_2990, %mul3A_2991 : i32
          %add3A_2993 = arith.constant 3840 : i32
          %add3A_2994 = arith.addi %mul3A_2992, %add3A_2993 : i32
          %add3A_2995 = arith.constant 80 : i32
          %add3A_2996 = arith.addi %add3A_2994, %add3A_2995 : i32
          %get3A_2997 = arith.index_cast %add3A_2996 : i32 to index
          %get3A_2998 = tpu.vector_load %arg5[%get3A_2997] {strides = array<i32>} : memref<40960xf32, #tpu.memory_space<vmem>>, vector<16xf32>,
          %get3A_2999 = vector.shape_cast %get3A_2998 : vector<16xf32> to vector<16xf32>
          %add3A_3000 = arith.addf %add3A_2904, %get3A_2999 : vector<16xf32>
          %mul3A_3001 = arith.constant 32 : i32
          %mul3A_3002 = arith.muli %scan3A_73, %mul3A_3001 : i32
          %mul3A_3003 = arith.constant 128 : i32
          %mul3A_3004 = arith.muli %mul3A_3002, %mul3A_3003 : i32
          %add3A_3005 = arith.constant 3840 : i32
          %add3A_3006 = arith.addi %mul3A_3004, %add3A_3005 : i32
          %add3A_3007 = arith.constant 96 : i32
          %add3A_3008 = arith.addi %add3A_3006, %add3A_3007 : i32
          %get3A_3009 = arith.index_cast %add3A_3008 : i32 to index
          %get3A_3010 = tpu.vector_load %arg5[%get3A_3009] {strides = array<i32>} : memref<40960xf32, #tpu.memory_space<vmem>>, vector<16xf32>,
          %get3A_3011 = vector.shape_cast %get3A_3010 : vector<16xf32> to vector<16xf32>
          %add3A_3012 = arith.addf %add3A_2916, %get3A_3011 : vector<16xf32>
          %mul3A_3013 = arith.constant 32 : i32
          %mul3A_3014 = arith.muli %scan3A_73, %mul3A_3013 : i32
          %mul3A_3015 = arith.constant 128 : i32
          %mul3A_3016 = arith.muli %mul3A_3014, %mul3A_3015 : i32
          %add3A_3017 = arith.constant 3840 : i32
          %add3A_3018 = arith.addi %mul3A_3016, %add3A_3017 : i32
          %add3A_3019 = arith.constant 112 : i32
          %add3A_3020 = arith.addi %add3A_3018, %add3A_3019 : i32
          %get3A_3021 = arith.index_cast %add3A_3020 : i32 to index
          %get3A_3022 = tpu.vector_load %arg5[%get3A_3021] {strides = array<i32>} : memref<40960xf32, #tpu.memory_space<vmem>>, vector<16xf32>,
          %get3A_3023 = vector.shape_cast %get3A_3022 : vector<16xf32> to vector<16xf32>
          %add3A_3024 = arith.addf %add3A_2928, %get3A_3023 : vector<16xf32>
          %mul3A_3025 = arith.constant 32 : i32
          %mul3A_3026 = arith.muli %scan3A_73, %mul3A_3025 : i32
          %mul3A_3027 = arith.constant 128 : i32
          %mul3A_3028 = arith.muli %mul3A_3026, %mul3A_3027 : i32
          %add3A_3029 = arith.constant 3968 : i32
          %add3A_3030 = arith.addi %mul3A_3028, %add3A_3029 : i32
          %add3A_3031 = arith.constant 0 : i32
          %add3A_3032 = arith.addi %add3A_3030, %add3A_3031 : i32
          %get3A_3033 = arith.index_cast %add3A_3032 : i32 to index
          %get3A_3034 = tpu.vector_load %arg5[%get3A_3033] {strides = array<i32>} : memref<40960xf32, #tpu.memory_space<vmem>>, vector<16xf32>,
          %get3A_3035 = vector.shape_cast %get3A_3034 : vector<16xf32> to vector<16xf32>
          %add3A_3036 = arith.addf %add3A_2940, %get3A_3035 : vector<16xf32>
          %mul3A_3037 = arith.constant 32 : i32
          %mul3A_3038 = arith.muli %scan3A_73, %mul3A_3037 : i32
          %mul3A_3039 = arith.constant 128 : i32
          %mul3A_3040 = arith.muli %mul3A_3038, %mul3A_3039 : i32
          %add3A_3041 = arith.constant 3968 : i32
          %add3A_3042 = arith.addi %mul3A_3040, %add3A_3041 : i32
          %add3A_3043 = arith.constant 16 : i32
          %add3A_3044 = arith.addi %add3A_3042, %add3A_3043 : i32
          %get3A_3045 = arith.index_cast %add3A_3044 : i32 to index
          %get3A_3046 = tpu.vector_load %arg5[%get3A_3045] {strides = array<i32>} : memref<40960xf32, #tpu.memory_space<vmem>>, vector<16xf32>,
          %get3A_3047 = vector.shape_cast %get3A_3046 : vector<16xf32> to vector<16xf32>
          %add3A_3048 = arith.addf %add3A_2952, %get3A_3047 : vector<16xf32>
          %mul3A_3049 = arith.constant 32 : i32
          %mul3A_3050 = arith.muli %scan3A_73, %mul3A_3049 : i32
          %mul3A_3051 = arith.constant 128 : i32
          %mul3A_3052 = arith.muli %mul3A_3050, %mul3A_3051 : i32
          %add3A_3053 = arith.constant 3968 : i32
          %add3A_3054 = arith.addi %mul3A_3052, %add3A_3053 : i32
          %add3A_3055 = arith.constant 32 : i32
          %add3A_3056 = arith.addi %add3A_3054, %add3A_3055 : i32
          %get3A_3057 = arith.index_cast %add3A_3056 : i32 to index
          %get3A_3058 = tpu.vector_load %arg5[%get3A_3057] {strides = array<i32>} : memref<40960xf32, #tpu.memory_space<vmem>>, vector<16xf32>,
          %get3A_3059 = vector.shape_cast %get3A_3058 : vector<16xf32> to vector<16xf32>
          %add3A_3060 = arith.addf %add3A_2964, %get3A_3059 : vector<16xf32>
          %mul3A_3061 = arith.constant 32 : i32
          %mul3A_3062 = arith.muli %scan3A_73, %mul3A_3061 : i32
          %mul3A_3063 = arith.constant 128 : i32
          %mul3A_3064 = arith.muli %mul3A_3062, %mul3A_3063 : i32
          %add3A_3065 = arith.constant 3968 : i32
          %add3A_3066 = arith.addi %mul3A_3064, %add3A_3065 : i32
          %add3A_3067 = arith.constant 48 : i32
          %add3A_3068 = arith.addi %add3A_3066, %add3A_3067 : i32
          %get3A_3069 = arith.index_cast %add3A_3068 : i32 to index
          %get3A_3070 = tpu.vector_load %arg5[%get3A_3069] {strides = array<i32>} : memref<40960xf32, #tpu.memory_space<vmem>>, vector<16xf32>,
          %get3A_3071 = vector.shape_cast %get3A_3070 : vector<16xf32> to vector<16xf32>
          %add3A_3072 = arith.addf %add3A_2976, %get3A_3071 : vector<16xf32>
          %mul3A_3073 = arith.constant 32 : i32
          %mul3A_3074 = arith.muli %scan3A_73, %mul3A_3073 : i32
          %mul3A_3075 = arith.constant 128 : i32
          %mul3A_3076 = arith.muli %mul3A_3074, %mul3A_3075 : i32
          %add3A_3077 = arith.constant 3968 : i32
          %add3A_3078 = arith.addi %mul3A_3076, %add3A_3077 : i32
          %add3A_3079 = arith.constant 64 : i32
          %add3A_3080 = arith.addi %add3A_3078, %add3A_3079 : i32
          %get3A_3081 = arith.index_cast %add3A_3080 : i32 to index
          %get3A_3082 = tpu.vector_load %arg5[%get3A_3081] {strides = array<i32>} : memref<40960xf32, #tpu.memory_space<vmem>>, vector<16xf32>,
          %get3A_3083 = vector.shape_cast %get3A_3082 : vector<16xf32> to vector<16xf32>
          %add3A_3084 = arith.addf %add3A_2988, %get3A_3083 : vector<16xf32>
          %mul3A_3085 = arith.constant 32 : i32
          %mul3A_3086 = arith.muli %scan3A_73, %mul3A_3085 : i32
          %mul3A_3087 = arith.constant 128 : i32
          %mul3A_3088 = arith.muli %mul3A_3086, %mul3A_3087 : i32
          %add3A_3089 = arith.constant 3968 : i32
          %add3A_3090 = arith.addi %mul3A_3088, %add3A_3089 : i32
          %add3A_3091 = arith.constant 80 : i32
          %add3A_3092 = arith.addi %add3A_3090, %add3A_3091 : i32
          %get3A_3093 = arith.index_cast %add3A_3092 : i32 to index
          %get3A_3094 = tpu.vector_load %arg5[%get3A_3093] {strides = array<i32>} : memref<40960xf32, #tpu.memory_space<vmem>>, vector<16xf32>,
          %get3A_3095 = vector.shape_cast %get3A_3094 : vector<16xf32> to vector<16xf32>
          %add3A_3096 = arith.addf %add3A_3000, %get3A_3095 : vector<16xf32>
          %mul3A_3097 = arith.constant 32 : i32
          %mul3A_3098 = arith.muli %scan3A_73, %mul3A_3097 : i32
          %mul3A_3099 = arith.constant 128 : i32
          %mul3A_3100 = arith.muli %mul3A_3098, %mul3A_3099 : i32
          %add3A_3101 = arith.constant 3968 : i32
          %add3A_3102 = arith.addi %mul3A_3100, %add3A_3101 : i32
          %add3A_3103 = arith.constant 96 : i32
          %add3A_3104 = arith.addi %add3A_3102, %add3A_3103 : i32
          %get3A_3105 = arith.index_cast %add3A_3104 : i32 to index
          %get3A_3106 = tpu.vector_load %arg5[%get3A_3105] {strides = array<i32>} : memref<40960xf32, #tpu.memory_space<vmem>>, vector<16xf32>,
          %get3A_3107 = vector.shape_cast %get3A_3106 : vector<16xf32> to vector<16xf32>
          %add3A_3108 = arith.addf %add3A_3012, %get3A_3107 : vector<16xf32>
          %mul3A_3109 = arith.constant 32 : i32
          %mul3A_3110 = arith.muli %scan3A_73, %mul3A_3109 : i32
          %mul3A_3111 = arith.constant 128 : i32
          %mul3A_3112 = arith.muli %mul3A_3110, %mul3A_3111 : i32
          %add3A_3113 = arith.constant 3968 : i32
          %add3A_3114 = arith.addi %mul3A_3112, %add3A_3113 : i32
          %add3A_3115 = arith.constant 112 : i32
          %add3A_3116 = arith.addi %add3A_3114, %add3A_3115 : i32
          %get3A_3117 = arith.index_cast %add3A_3116 : i32 to index
          %get3A_3118 = tpu.vector_load %arg5[%get3A_3117] {strides = array<i32>} : memref<40960xf32, #tpu.memory_space<vmem>>, vector<16xf32>,
          %get3A_3119 = vector.shape_cast %get3A_3118 : vector<16xf32> to vector<16xf32>
          %add3A_3120 = arith.addf %add3A_3024, %get3A_3119 : vector<16xf32>
          %mul3A_3121 = arith.constant 10 : i32
          %mul3A_3122 = arith.muli %add3A_66, %mul3A_3121 : i32
          %add3A_3123 = arith.addi %mul3A_3122, %scan3A_73 : i32
          %mul3A_3124 = arith.constant 128 : i32
          %mul3A_3125 = arith.muli %add3A_3123, %mul3A_3124 : i32
          %add3A_3126 = arith.constant 0 : i32
          %add3A_3127 = arith.addi %mul3A_3125, %add3A_3126 : i32
          %swap3A = arith.index_cast %add3A_3127 : i32 to index
          %swap3A_3128 = tpu.vector_load %arg6[%swap3A] {strides = array<i32>} : memref<19200xf32, #tpu.memory_space<vmem>>, vector<16xf32>,
          %swap3A_3129 = vector.shape_cast %swap3A_3128 : vector<16xf32> to vector<16xf32>
          %swap3A_3130 = vector.shape_cast %add3A_3036 : vector<16xf32> to vector<16xf32>
          tpu.vector_store %arg6[%swap3A], %swap3A_3130 {strides = array<i32>} : memref<19200xf32, #tpu.memory_space<vmem>>, vector<16xf32>,
          %mul3A_3131 = arith.constant 10 : i32
          %mul3A_3132 = arith.muli %add3A_66, %mul3A_3131 : i32
          %add3A_3133 = arith.addi %mul3A_3132, %scan3A_73 : i32
          %mul3A_3134 = arith.constant 128 : i32
          %mul3A_3135 = arith.muli %add3A_3133, %mul3A_3134 : i32
          %add3A_3136 = arith.constant 16 : i32
          %add3A_3137 = arith.addi %mul3A_3135, %add3A_3136 : i32
          %swap3A_3138 = arith.index_cast %add3A_3137 : i32 to index
          %swap3A_3139 = tpu.vector_load %arg6[%swap3A_3138] {strides = array<i32>} : memref<19200xf32, #tpu.memory_space<vmem>>, vector<16xf32>,
          %swap3A_3140 = vector.shape_cast %swap3A_3139 : vector<16xf32> to vector<16xf32>
          %swap3A_3141 = vector.shape_cast %add3A_3048 : vector<16xf32> to vector<16xf32>
          tpu.vector_store %arg6[%swap3A_3138], %swap3A_3141 {strides = array<i32>} : memref<19200xf32, #tpu.memory_space<vmem>>, vector<16xf32>,
          %mul3A_3142 = arith.constant 10 : i32
          %mul3A_3143 = arith.muli %add3A_66, %mul3A_3142 : i32
          %add3A_3144 = arith.addi %mul3A_3143, %scan3A_73 : i32
          %mul3A_3145 = arith.constant 128 : i32
          %mul3A_3146 = arith.muli %add3A_3144, %mul3A_3145 : i32
          %add3A_3147 = arith.constant 32 : i32
          %add3A_3148 = arith.addi %mul3A_3146, %add3A_3147 : i32
          %swap3A_3149 = arith.index_cast %add3A_3148 : i32 to index
          %swap3A_3150 = tpu.vector_load %arg6[%swap3A_3149] {strides = array<i32>} : memref<19200xf32, #tpu.memory_space<vmem>>, vector<16xf32>,
          %swap3A_3151 = vector.shape_cast %swap3A_3150 : vector<16xf32> to vector<16xf32>
          %swap3A_3152 = vector.shape_cast %add3A_3060 : vector<16xf32> to vector<16xf32>
          tpu.vector_store %arg6[%swap3A_3149], %swap3A_3152 {strides = array<i32>} : memref<19200xf32, #tpu.memory_space<vmem>>, vector<16xf32>,
          %mul3A_3153 = arith.constant 10 : i32
          %mul3A_3154 = arith.muli %add3A_66, %mul3A_3153 : i32
          %add3A_3155 = arith.addi %mul3A_3154, %scan3A_73 : i32
          %mul3A_3156 = arith.constant 128 : i32
          %mul3A_3157 = arith.muli %add3A_3155, %mul3A_3156 : i32
          %add3A_3158 = arith.constant 48 : i32
          %add3A_3159 = arith.addi %mul3A_3157, %add3A_3158 : i32
          %swap3A_3160 = arith.index_cast %add3A_3159 : i32 to index
          %swap3A_3161 = tpu.vector_load %arg6[%swap3A_3160] {strides = array<i32>} : memref<19200xf32, #tpu.memory_space<vmem>>, vector<16xf32>,
          %swap3A_3162 = vector.shape_cast %swap3A_3161 : vector<16xf32> to vector<16xf32>
          %swap3A_3163 = vector.shape_cast %add3A_3072 : vector<16xf32> to vector<16xf32>
          tpu.vector_store %arg6[%swap3A_3160], %swap3A_3163 {strides = array<i32>} : memref<19200xf32, #tpu.memory_space<vmem>>, vector<16xf32>,
          %mul3A_3164 = arith.constant 10 : i32
          %mul3A_3165 = arith.muli %add3A_66, %mul3A_3164 : i32
          %add3A_3166 = arith.addi %mul3A_3165, %scan3A_73 : i32
          %mul3A_3167 = arith.constant 128 : i32
          %mul3A_3168 = arith.muli %add3A_3166, %mul3A_3167 : i32
          %add3A_3169 = arith.constant 64 : i32
          %add3A_3170 = arith.addi %mul3A_3168, %add3A_3169 : i32
          %swap3A_3171 = arith.index_cast %add3A_3170 : i32 to index
          %swap3A_3172 = tpu.vector_load %arg6[%swap3A_3171] {strides = array<i32>} : memref<19200xf32, #tpu.memory_space<vmem>>, vector<16xf32>,
          %swap3A_3173 = vector.shape_cast %swap3A_3172 : vector<16xf32> to vector<16xf32>
          %swap3A_3174 = vector.shape_cast %add3A_3084 : vector<16xf32> to vector<16xf32>
          tpu.vector_store %arg6[%swap3A_3171], %swap3A_3174 {strides = array<i32>} : memref<19200xf32, #tpu.memory_space<vmem>>, vector<16xf32>,
          %mul3A_3175 = arith.constant 10 : i32
          %mul3A_3176 = arith.muli %add3A_66, %mul3A_3175 : i32
          %add3A_3177 = arith.addi %mul3A_3176, %scan3A_73 : i32
          %mul3A_3178 = arith.constant 128 : i32
          %mul3A_3179 = arith.muli %add3A_3177, %mul3A_3178 : i32
          %add3A_3180 = arith.constant 80 : i32
          %add3A_3181 = arith.addi %mul3A_3179, %add3A_3180 : i32
          %swap3A_3182 = arith.index_cast %add3A_3181 : i32 to index
          %swap3A_3183 = tpu.vector_load %arg6[%swap3A_3182] {strides = array<i32>} : memref<19200xf32, #tpu.memory_space<vmem>>, vector<16xf32>,
          %swap3A_3184 = vector.shape_cast %swap3A_3183 : vector<16xf32> to vector<16xf32>
          %swap3A_3185 = vector.shape_cast %add3A_3096 : vector<16xf32> to vector<16xf32>
          tpu.vector_store %arg6[%swap3A_3182], %swap3A_3185 {strides = array<i32>} : memref<19200xf32, #tpu.memory_space<vmem>>, vector<16xf32>,
          %mul3A_3186 = arith.constant 10 : i32
          %mul3A_3187 = arith.muli %add3A_66, %mul3A_3186 : i32
          %add3A_3188 = arith.addi %mul3A_3187, %scan3A_73 : i32
          %mul3A_3189 = arith.constant 128 : i32
          %mul3A_3190 = arith.muli %add3A_3188, %mul3A_3189 : i32
          %add3A_3191 = arith.constant 96 : i32
          %add3A_3192 = arith.addi %mul3A_3190, %add3A_3191 : i32
          %swap3A_3193 = arith.index_cast %add3A_3192 : i32 to index
          %swap3A_3194 = tpu.vector_load %arg6[%swap3A_3193] {strides = array<i32>} : memref<19200xf32, #tpu.memory_space<vmem>>, vector<16xf32>,
          %swap3A_3195 = vector.shape_cast %swap3A_3194 : vector<16xf32> to vector<16xf32>
          %swap3A_3196 = vector.shape_cast %add3A_3108 : vector<16xf32> to vector<16xf32>
          tpu.vector_store %arg6[%swap3A_3193], %swap3A_3196 {strides = array<i32>} : memref<19200xf32, #tpu.memory_space<vmem>>, vector<16xf32>,
          %mul3A_3197 = arith.constant 10 : i32
          %mul3A_3198 = arith.muli %add3A_66, %mul3A_3197 : i32
          %add3A_3199 = arith.addi %mul3A_3198, %scan3A_73 : i32
          %mul3A_3200 = arith.constant 128 : i32
          %mul3A_3201 = arith.muli %add3A_3199, %mul3A_3200 : i32
          %add3A_3202 = arith.constant 112 : i32
          %add3A_3203 = arith.addi %mul3A_3201, %add3A_3202 : i32
          %swap3A_3204 = arith.index_cast %add3A_3203 : i32 to index
          %swap3A_3205 = tpu.vector_load %arg6[%swap3A_3204] {strides = array<i32>} : memref<19200xf32, #tpu.memory_space<vmem>>, vector<16xf32>,
          %swap3A_3206 = vector.shape_cast %swap3A_3205 : vector<16xf32> to vector<16xf32>
          %swap3A_3207 = vector.shape_cast %add3A_3120 : vector<16xf32> to vector<16xf32>
          tpu.vector_store %arg6[%swap3A_3204], %swap3A_3207 {strides = array<i32>} : memref<19200xf32, #tpu.memory_space<vmem>>, vector<16xf32>,
        }
        %scan3A_72 = arith.constant 10 : i32
      } else {
      }
    }
    %scan3A_16 = arith.constant 8 : i32
    %mul3A_17 = arith.constant 128 : i32
    %mul3A_18 = arith.muli %mul3A_2, %mul3A_17 : i32
    "tpu.region"() ({
      %run_scoped3A = tpu.sem_alloc : memref<!tpu.dma_semaphore, #tpu.memory_space<semaphore_mem>>
      %dma_start3A_19 = tpu.memref_slice %arg3[%mul3A_18] : memref<614400xf32, #tpu.memory_space<hbm>> -> memref<19200xf32, #tpu.memory_space<hbm>>
      %dma_start3A_20 = tpu.memref_slice %arg3[%mul3A_18] : memref<614400xf32, #tpu.memory_space<hbm>> -> memref<19200xf32, #tpu.memory_space<hbm>>
      tpu.enqueue_dma source(%arg6 : memref<19200xf32, #tpu.memory_space<vmem>>) target(%dma_start3A_20 : memref<19200xf32, #tpu.memory_space<hbm>>) target_semaphore(%run_scoped3A : memref<!tpu.dma_semaphore, #tpu.memory_space<semaphore_mem>>)
      %dma_wait3A = tpu.memref_slice %arg3[%mul3A_18] : memref<614400xf32, #tpu.memory_space<hbm>> -> memref<19200xf32, #tpu.memory_space<hbm>>
      %dma_wait3A_21 = tpu.memref_slice %arg3[%mul3A_18] : memref<614400xf32, #tpu.memory_space<hbm>> -> memref<19200xf32, #tpu.memory_space<hbm>>
      tpu.wait_dma2 semaphore(%run_scoped3A : memref<!tpu.dma_semaphore, #tpu.memory_space<semaphore_mem>>) src(%arg6 : memref<19200xf32, #tpu.memory_space<vmem>>) dst(%dma_wait3A_21 : memref<19200xf32, #tpu.memory_space<hbm>>)
      tpu.yield
    }) : () -> ()
    return
  }
}

module attributes {stable_mosaic.version = 14 : i64} {
  func.func @_tc_fused_body(%arg0: i32, %arg1: memref<400x128xf32, #tpu.memory_space<vmem>>, %arg2: memref<12800x128xf32, #tpu.memory_space<vmem>>, %arg3: memref<128x128xf32, #tpu.memory_space<vmem>>, %arg4: memref<128x128xf32, #tpu.memory_space<vmem>>, %arg5: memref<1x128xf32, #tpu.memory_space<vmem>>, %arg6: memref<400x128xf32, #tpu.memory_space<vmem>>) attributes {dimension_semantics = [#tpu.dimension_semantics<arbitrary>], iteration_bounds = array<i64: 13>, scalar_prefetch = 0 : i64, scratch_operands = 0 : i64, tpu.core_type = #tpu.core_type<tc>, window_params = [{transform_indices = @transform_0, window_bounds = array<i64: 400, 128>}, {transform_indices = @transform_1, window_bounds = array<i64: 12800, 128>}, {pipeline_mode = #tpu.pipeline_mode<synchronous>, transform_indices = @transform_2, window_bounds = array<i64: 128, 128>}, {pipeline_mode = #tpu.pipeline_mode<synchronous>, transform_indices = @transform_3, window_bounds = array<i64: 128, 128>}, {pipeline_mode = #tpu.pipeline_mode<synchronous>, transform_indices = @transform_4, window_bounds = array<i64: 1, 128>}, {transform_indices = @transform_5, window_bounds = array<i64: 400, 128>}]} {
    %get3A = arith.constant 0 : index
    %get3A_0 = arith.constant 0 : index
    %get3A_1 = vector.load %arg2[%get3A, %get3A_0] : memref<12800x128xf32, #tpu.memory_space<vmem>>, vector<12800x128xf32>
    %reshape3A = vector.shape_cast %get3A_1 : vector<12800x128xf32> to vector<400x32x128xf32>
    %reduce_sum3A = arith.constant dense<0.000000e+00> : vector<400x128xf32>
    %reduce_sum3A_2 = vector.multi_reduction <add>, %reshape3A, %reduce_sum3A [1] : vector<400x32x128xf32> to vector<400x128xf32>
    %div3A = arith.constant 3.200000e+01 : f32
    %div3A_3 = vector.broadcast %div3A : f32 to vector<400x128xf32>
    %div3A_4 = arith.divf %reduce_sum3A_2, %div3A_3 : vector<400x128xf32>
    %get3A_5 = arith.constant 0 : index
    %get3A_6 = arith.constant 0 : index
    %get3A_7 = vector.load %arg1[%get3A_5, %get3A_6] : memref<400x128xf32, #tpu.memory_space<vmem>>, vector<400x128xf32>
    %get3A_8 = arith.constant 0 : index
    %get3A_9 = arith.constant 0 : index
    %get3A_10 = vector.load %arg3[%get3A_8, %get3A_9] : memref<128x128xf32, #tpu.memory_space<vmem>>, vector<128x128xf32>
    %dot_general3A = arith.constant dense<0.000000e+00> : vector<400x128xf32>
    %dot_general3A_11 = tpu.matmul %get3A_7, %get3A_10, %dot_general3A {dimension_numbers = #tpu.dot_dimension_numbers<[1], [0], [0], [1], [0, 0, 1, 1], [], []>, transpose_lhs_hint = false} : vector<400x128xf32>, vector<128x128xf32>, vector<400x128xf32> -> vector<400x128xf32>
    %get3A_12 = arith.constant 0 : index
    %get3A_13 = arith.constant 0 : index
    %get3A_14 = vector.load %arg4[%get3A_12, %get3A_13] : memref<128x128xf32, #tpu.memory_space<vmem>>, vector<128x128xf32>
    %dot_general3A_15 = arith.constant dense<0.000000e+00> : vector<400x128xf32>
    %dot_general3A_16 = tpu.matmul %div3A_4, %get3A_14, %dot_general3A_15 {dimension_numbers = #tpu.dot_dimension_numbers<[1], [0], [0], [1], [0, 0, 1, 1], [], []>, transpose_lhs_hint = false} : vector<400x128xf32>, vector<128x128xf32>, vector<400x128xf32> -> vector<400x128xf32>
    %add3A = arith.addf %dot_general3A_11, %dot_general3A_16 : vector<400x128xf32>
    %get3A_17 = arith.constant 0 : index
    %get3A_18 = arith.constant 0 : index
    %get3A_19 = vector.load %arg5[%get3A_17, %get3A_18] : memref<1x128xf32, #tpu.memory_space<vmem>>, vector<1x128xf32>
    %add3A_20 = vector.broadcast %get3A_19 : vector<1x128xf32> to vector<400x128xf32>
    %add3A_21 = arith.addf %add3A, %add3A_20 : vector<400x128xf32>
    %swap3A = arith.constant 0 : index
    %swap3A_22 = arith.constant 0 : index
    %swap3A_23 = vector.load %arg6[%swap3A, %swap3A_22] : memref<400x128xf32, #tpu.memory_space<vmem>>, vector<400x128xf32>
    tpu.vector_store %arg6[%swap3A, %swap3A_22], %add3A_21 {strides = array<i32>} : memref<400x128xf32, #tpu.memory_space<vmem>>, vector<400x128xf32>,
    return
  }
  func.func @transform_0(%arg0: i32) -> (i32, i32) {
    %c0_i32 = arith.constant 0 : i32
    %c0_i32_0 = arith.constant 0 : i32
    return %arg0, %c0_i32 : i32, i32
  }
  func.func @transform_1(%arg0: i32) -> (i32, i32) {
    %c0_i32 = arith.constant 0 : i32
    %c0_i32_0 = arith.constant 0 : i32
    return %arg0, %c0_i32 : i32, i32
  }
  func.func @transform_2(%arg0: i32) -> (i32, i32) {
    %c0_i32 = arith.constant 0 : i32
    %c0_i32_0 = arith.constant 0 : i32
    %c0_i32_1 = arith.constant 0 : i32
    return %c0_i32, %c0_i32_0 : i32, i32
  }
  func.func @transform_3(%arg0: i32) -> (i32, i32) {
    %c0_i32 = arith.constant 0 : i32
    %c0_i32_0 = arith.constant 0 : i32
    %c0_i32_1 = arith.constant 0 : i32
    return %c0_i32, %c0_i32_0 : i32, i32
  }
  func.func @transform_4(%arg0: i32) -> (i32, i32) {
    %c0_i32 = arith.constant 0 : i32
    %c0_i32_0 = arith.constant 0 : i32
    %c0_i32_1 = arith.constant 0 : i32
    return %c0_i32, %c0_i32_0 : i32, i32
  }
  func.func @transform_5(%arg0: i32) -> (i32, i32) {
    %c0_i32 = arith.constant 0 : i32
    %c0_i32_0 = arith.constant 0 : i32
    return %arg0, %c0_i32 : i32, i32
  }
}

module attributes {stable_mosaic.version = 14 : i64} {
  func.func @_tc_combine_body(%arg0: i32, %arg1: memref<400x128xf32, #tpu.memory_space<vmem>>, %arg2: memref<400x128xf32, #tpu.memory_space<vmem>>, %arg3: memref<128x128xf32, #tpu.memory_space<vmem>>, %arg4: memref<128x128xf32, #tpu.memory_space<vmem>>, %arg5: memref<1x128xf32, #tpu.memory_space<vmem>>, %arg6: memref<400x128xf32, #tpu.memory_space<vmem>>) attributes {dimension_semantics = [#tpu.dimension_semantics<arbitrary>], iteration_bounds = array<i64: 12>, scalar_prefetch = 0 : i64, scratch_operands = 0 : i64, tpu.core_type = #tpu.core_type<tc>, window_params = [{transform_indices = @transform_0, window_bounds = array<i64: 400, 128>}, {transform_indices = @transform_1, window_bounds = array<i64: 400, 128>}, {pipeline_mode = #tpu.pipeline_mode<synchronous>, transform_indices = @transform_2, window_bounds = array<i64: 128, 128>}, {pipeline_mode = #tpu.pipeline_mode<synchronous>, transform_indices = @transform_3, window_bounds = array<i64: 128, 128>}, {pipeline_mode = #tpu.pipeline_mode<synchronous>, transform_indices = @transform_4, window_bounds = array<i64: 1, 128>}, {transform_indices = @transform_5, window_bounds = array<i64: 400, 128>}]} {
    %get3A = arith.constant 0 : index
    %get3A_0 = arith.constant 0 : index
    %get3A_1 = vector.load %arg1[%get3A, %get3A_0] : memref<400x128xf32, #tpu.memory_space<vmem>>, vector<400x128xf32>
    %get3A_2 = arith.constant 0 : index
    %get3A_3 = arith.constant 0 : index
    %get3A_4 = vector.load %arg3[%get3A_2, %get3A_3] : memref<128x128xf32, #tpu.memory_space<vmem>>, vector<128x128xf32>
    %dot_general3A = arith.constant dense<0.000000e+00> : vector<400x128xf32>
    %dot_general3A_5 = tpu.matmul %get3A_1, %get3A_4, %dot_general3A {dimension_numbers = #tpu.dot_dimension_numbers<[1], [0], [0], [1], [0, 0, 1, 1], [], []>, transpose_lhs_hint = false} : vector<400x128xf32>, vector<128x128xf32>, vector<400x128xf32> -> vector<400x128xf32>
    %get3A_6 = arith.constant 0 : index
    %get3A_7 = arith.constant 0 : index
    %get3A_8 = vector.load %arg2[%get3A_6, %get3A_7] : memref<400x128xf32, #tpu.memory_space<vmem>>, vector<400x128xf32>
    %get3A_9 = arith.constant 0 : index
    %get3A_10 = arith.constant 0 : index
    %get3A_11 = vector.load %arg4[%get3A_9, %get3A_10] : memref<128x128xf32, #tpu.memory_space<vmem>>, vector<128x128xf32>
    %dot_general3A_12 = arith.constant dense<0.000000e+00> : vector<400x128xf32>
    %dot_general3A_13 = tpu.matmul %get3A_8, %get3A_11, %dot_general3A_12 {dimension_numbers = #tpu.dot_dimension_numbers<[1], [0], [0], [1], [0, 0, 1, 1], [], []>, transpose_lhs_hint = false} : vector<400x128xf32>, vector<128x128xf32>, vector<400x128xf32> -> vector<400x128xf32>
    %add3A = arith.addf %dot_general3A_5, %dot_general3A_13 : vector<400x128xf32>
    %get3A_14 = arith.constant 0 : index
    %get3A_15 = arith.constant 0 : index
    %get3A_16 = vector.load %arg5[%get3A_14, %get3A_15] : memref<1x128xf32, #tpu.memory_space<vmem>>, vector<1x128xf32>
    %add3A_17 = vector.broadcast %get3A_16 : vector<1x128xf32> to vector<400x128xf32>
    %add3A_18 = arith.addf %add3A, %add3A_17 : vector<400x128xf32>
    %swap3A = arith.constant 0 : index
    %swap3A_19 = arith.constant 0 : index
    %swap3A_20 = vector.load %arg6[%swap3A, %swap3A_19] : memref<400x128xf32, #tpu.memory_space<vmem>>, vector<400x128xf32>
    tpu.vector_store %arg6[%swap3A, %swap3A_19], %add3A_18 {strides = array<i32>} : memref<400x128xf32, #tpu.memory_space<vmem>>, vector<400x128xf32>,
    return
  }
  func.func @transform_0(%arg0: i32) -> (i32, i32) {
    %add3A = arith.constant 13 : i32
    %add3A_0 = arith.addi %arg0, %add3A : i32
    %c0_i32 = arith.constant 0 : i32
    %c0_i32_1 = arith.constant 0 : i32
    return %add3A_0, %c0_i32 : i32, i32
  }
  func.func @transform_1(%arg0: i32) -> (i32, i32) {
    %c0_i32 = arith.constant 0 : i32
    %c0_i32_0 = arith.constant 0 : i32
    return %arg0, %c0_i32 : i32, i32
  }
  func.func @transform_2(%arg0: i32) -> (i32, i32) {
    %c0_i32 = arith.constant 0 : i32
    %c0_i32_0 = arith.constant 0 : i32
    %c0_i32_1 = arith.constant 0 : i32
    return %c0_i32, %c0_i32_0 : i32, i32
  }
  func.func @transform_3(%arg0: i32) -> (i32, i32) {
    %c0_i32 = arith.constant 0 : i32
    %c0_i32_0 = arith.constant 0 : i32
    %c0_i32_1 = arith.constant 0 : i32
    return %c0_i32, %c0_i32_0 : i32, i32
  }
  func.func @transform_4(%arg0: i32) -> (i32, i32) {
    %c0_i32 = arith.constant 0 : i32
    %c0_i32_0 = arith.constant 0 : i32
    %c0_i32_1 = arith.constant 0 : i32
    return %c0_i32, %c0_i32_0 : i32, i32
  }
  func.func @transform_5(%arg0: i32) -> (i32, i32) {
    %c0_i32 = arith.constant 0 : i32
    %c0_i32_0 = arith.constant 0 : i32
    return %arg0, %c0_i32 : i32, i32
  }
}

</mosaic_0001>

<sc_bundles>
// kernel: kernel.5.cloned.1.call-start
scs
__scs_entry_jumppad:
0x0: {  	(pc) =	sbr.rel $0x88, $3  }
0x1: {  	(tag) =	ssettag $0x0;
	lr =	simm.s32 $0x1  }
0x2: {  	[smem:$0x3F9B] =	sst lr;
	_ =	strace $0xD0000000  }
0x3: {  	_ = 	snop  }
0x4: {  	_ = 	snop  }
0x5: {  	_ = 	snop  }
0x6: {  	_ = 	snop  }
0x7: {  	_ = 	snop  }
__scs_overlays_trampoline_lowered:
0x8: {  	[smem:$0x3FAA] =	sst s0  }
0x9: {  	[smem:$0x3FAB] =	sst s1  }
0xa: {  	[smem:$0x3FAC] =	sst s2  }
0xb: {  	[smem:$0x3FAD] =	sst s3  }
0xc: {  	[smem:$0x3FAE] =	sst s4  }
0xd: {  	[smem:$0x3FAF] =	sst s5  }
0xe: {  	[smem:$0x3FB0] =	sst s6  }
0xf: {  	[smem:$0x3FB1] =	sst s7  }
0x10: {  	[smem:$0x3FB2] =	sst s8  }
0x11: {  	[smem:$0x3FB3] =	sst s9;
	s0 =	simm.s32 @!p0 $0x0  }
0x12: {  	s1 =	sld [smem:$0x3F99];
	s0 =	simm.s32 @p0 $0x1  }
0x13: {  	[smem:$0x3FB4] =	sst s0;
	s0 =	simm.s32 @!p1 $0x0  }
0x14: {  	s2 =	sld [smem:$0x3F98];
	s0 =	simm.s32 @p1 $0x1  }
0x15: {  	[smem:$0x3FB5] =	sst s0;
	s0 =	simm.s32 @!p2 $0x0  }
0x16: {  	s3 =	sld [smem:$0x3FDB];
	s0 =	simm.s32 @p2 $0x1  }
0x17: {  	s4 =	simm.s32 $0x1BF5;
	[smem:$0x3FB7] =	sst s0  }
0x18: {  	s0 =	sld [smem:$0x3F9A];
	_ =	swait.ge [sflag:s4], $0x0  }
0x19: {  	s7 =	sld [smem:$0x3F9B]  }
0x1a: {  	s8 =	sadd.s32 $0xFFFFE003, lr  }
0x1b: {  	s9 =	sadd.s32 $0xFFFFFEF7, lr;
	s5 =	simm.s32 $0xFFFFFFFF;
	p2 =	slt.u32 s8, $0xFFFFF086  }
0x1c: {  	p1 =	slt.u32 s9, $0xF7A;
	s5 =	simm.s32 @!p2 $0x0  }
0x1d: {  	s5 =	simm.s32 @p1 $0x1;
	p0 =	seq.s32 s7, s2  }
0x1e: {  	s7 =	smul.u32 @!p0 $0xF7A, s2;
	p2 =	seq.s32 @!p0 s5, $0x0  }
0x1f: {  	s9 =	smul.u32 $0xF7A, s1;
	s8 =	simm.s32 @!p0 $0x1BF5;
	p2 =	por !p2, p0  }
0x20: {  	[sflag:s8] =	ssyncset.s32 @!p0 $0xFFFFF086;
	s6 =	sadd.s32 @!p0 s3, s7;
	s7 =	simm.s32 @!p0 $0x108  }
0x21: {  	s3 =	sadd.s32 s3, s9;
	s6 =	sadd.s32 @!p0 $0x88, s6;
	s7 =	simm.s32 @p2 $0x1082  }
0x22: {  	[simem:s7], [sflag:s8] =	dma.local @!p0 [hbm:s6], $0xF7A  }
0x23: {  	s9 =	sor.u32 $0xD0000000, s2;
	s6 =	simm.s32 $0x108;
	_ =	swait.ge @!p0 [sflag:s8], $0x0  }
0x24: {  	s3 =	sadd.s32 $0x88, s3;
	s6 =	simm.s32 @!p1 $0x1082;
	[sflag:s4] =	ssyncset.s32 $0xFFFFF086  }
0x25: {  	[simem:s6], [sflag:s4] =	dma.local [hbm:s3], $0xF7A  }
0x26: {  	[smem:$0x3F9B] =	sst s1;
	(tag) =	ssettag s2;
	_ =	strace s9  }
0x27: {  	s1 =	sld [smem:$0x3FAB]  }
0x28: {  	s2 =	sld [smem:$0x3FAC]  }
0x29: {  	s4 =	sld [smem:$0x3FAE]  }
0x2a: {  	p0 =	seq.s32 s5, $0x0;
	s5 =	sld [smem:$0x3FAF]  }
0x2b: {  	s6 =	sld [smem:$0x3FB0]  }
0x2c: {  	s7 =	sld [smem:$0x3FB1]  }
0x2d: {  	s3 =	simm.s32 $0x108;
	s8 =	sld [smem:$0x3FB2]  }
0x2e: {  	s3 =	simm.s32 @!p0 $0x1082;
	s9 =	sld [smem:$0x3FB3]  }
0x2f: {  	lr =	sadd.s32 s0, s3;
	s0 =	sld [smem:$0x3FAA]  }
0x30: {  	s3 =	sld [smem:$0x3FAD]  }
0x31: {  	[smem:$0x3FB6] =	sst s10  }
0x32: {  	s10 =	sld [smem:$0x3FB4];
	_ =	sdelay $0x3  }
0x33: {  	p0 =	seq.s32 s10, $0x1;
	s10 =	sld [smem:$0x3FB6];
	_ =	sdelay $0x3  }
0x34: {  	[smem:$0x3FB6] =	sst s10  }
0x35: {  	s10 =	sld [smem:$0x3FB5];
	_ =	sdelay $0x3  }
0x36: {  	p1 =	seq.s32 s10, $0x1;
	s10 =	sld [smem:$0x3FB6];
	_ =	sdelay $0x3  }
0x37: {  	[smem:$0x3FB6] =	sst s10  }
0x38: {  	s10 =	sld [smem:$0x3FB7]  }
0x39: {  	_ = 	snop;
	(pc) =	sbr.ind lr, $3  }
0x3a: {  	_ = 	snop  }
0x3b: {  	_ = 	snop  }
0x3c: {  	p2 =	seq.s32 s10, $0x1;
	s10 =	sld [smem:$0x3FB6]  }
0x3d: {  	_ =	shalt  }
0x3e: {  	_ =	shalt  }
0x3f: {  	_ =	shalt  }
0x40: {  	_ =	shalt  }
0x41: {  	_ =	shalt  }
0x42: {  	_ =	shalt  }
0x43: {  	_ =	shalt  }
0x44: {  	_ =	shalt  }
0x45: {  	_ =	shalt  }
0x46: {  	_ =	shalt  }
0x47: {  	_ =	shalt  }
0x48: {  	_ =	shalt  }
0x49: {  	_ =	shalt  }
0x4a: {  	_ =	shalt  }
0x4b: {  	_ =	shalt  }
0x4c: {  	_ =	shalt  }
0x4d: {  	_ =	shalt  }
0x4e: {  	_ =	shalt  }
0x4f: {  	_ =	shalt  }
0x50: {  	_ =	shalt  }
0x51: {  	_ =	shalt  }
0x52: {  	_ =	shalt  }
0x53: {  	_ =	shalt  }
0x54: {  	_ =	shalt  }
0x55: {  	_ =	shalt  }
0x56: {  	_ =	shalt  }
0x57: {  	_ =	shalt  }
0x58: {  	_ =	shalt  }
0x59: {  	_ =	shalt  }
0x5a: {  	_ =	shalt  }
0x5b: {  	_ =	shalt  }
0x5c: {  	_ =	shalt  }
0x5d: {  	_ =	shalt  }
0x5e: {  	_ =	shalt  }
0x5f: {  	_ =	shalt  }
0x60: {  	_ =	shalt  }
0x61: {  	_ =	shalt  }
0x62: {  	_ =	shalt  }
0x63: {  	_ =	shalt  }
0x64: {  	_ =	shalt  }
0x65: {  	_ =	shalt  }
0x66: {  	_ =	shalt  }
0x67: {  	_ =	shalt  }
0x68: {  	_ =	shalt  }
0x69: {  	_ =	shalt  }
0x6a: {  	_ =	shalt  }
0x6b: {  	_ =	shalt  }
0x6c: {  	_ =	shalt  }
0x6d: {  	_ =	shalt  }
0x6e: {  	_ =	shalt  }
0x6f: {  	_ =	shalt  }
0x70: {  	_ =	shalt  }
0x71: {  	_ =	shalt  }
0x72: {  	_ =	shalt  }
0x73: {  	_ =	shalt  }
0x74: {  	_ =	shalt  }
0x75: {  	_ =	shalt  }
0x76: {  	_ =	shalt  }
0x77: {  	_ =	shalt  }
0x78: {  	_ =	shalt  }
0x79: {  	_ =	shalt  }
0x7a: {  	_ =	shalt  }
0x7b: {  	_ =	shalt  }
0x7c: {  	_ =	shalt  }
0x7d: {  	_ =	shalt  }
0x7e: {  	_ =	shalt  }
0x7f: {  	_ =	shalt  }
0x80: {  	_ =	shalt  }
0x81: {  	_ =	shalt  }
0x82: {  	_ =	shalt  }
0x83: {  	_ =	shalt  }
0x84: {  	_ =	shalt  }
0x85: {  	_ =	shalt  }
0x86: {  	_ =	shalt  }
0x87: {  	_ =	shalt  }
.Lfunc_end0:
.L_simem_size_0:
called_computation_lowered:
.L_overlay_start_0:
0x88: {  	s2 =	sld [smem:$0x3FD9]  }
0x89: {  	s3 =	sld [smem:$0x3FFE];
	_ =	sdelay $0x1  }
0x8a: {  	s1 =	srdreg.scid  }
0x8b: {  	s0 =	sand.u32 $0x1, s1  }
0x8c: {  	s18 =	sshll.u32 s0, $0xA;
	s2 =	sadd.s32 s3, s2  }
0x8d: {  	s2 =	sadd.s32 s2, s18  }
0x8e: {  	[smem:$0x3FC2] =	sst s2  }
0x8f: {  	_ = 	snop  }
0x90: {  	s2 =	sld [smem:$0x3FC8]  }
0x91: {  	s19 =	sld [smem:$0x3FD0];
	(tm) =	ssettm $0x1  }
0x92: {  	s4 =	sld [smem:$0x3FFB];
	_ =	sdelay $0x3  }
0x93: {  	_ =	strace s4  }
0x94: {  	s4 =	sld [smem:$0x3FFC];
	_ =	sdelay $0x3  }
0x95: {  	_ =	strace s4  }
0x96: {  	s4 =	sld [smem:$0x3FFD];
	_ =	sdelay $0x3  }
0x97: {  	_ =	strace s4  }
0x98: {  	_ =	strace $0x8FFFFFFF  }
0x99: {  	s20 =	sld [smem:$0x3FDB];
	_ =	sdelay $0x1  }
0x9a: {  	s5 =	simm.s32 $_scs_section_size  }
0x9b: {  	s6 =	simm.s32 $_size__tile_overlayer_lowered;
	s7 =	simm.s32 $_tile_overlayer_lowered  }
0x9c: {  	s23 =	simm.s32 $0x1BFF;
	s22 =	sshll.u32 s7, $0x1;
	s4 =	sadd.s32 s5, s20  }
0x9d: {  	s8 =	simm.s32 $0x0;
	s21 =	sshll.u32 s6, $0x1;
	s6 =	sadd.s32 s22, s4  }
0x9e: {  	[timem:s8], [sflag:s23] =	dma.local [hbm:s6], s21  }
0x9f: {  	_ =	swait.ge [sflag:s23], s21  }
0xa0: {  	s5 =	ssub.s32 $0x0, s21;
	[sflag:s23] =	ssyncset.done $0x0  }
0xa1: {  	[sflag:s23] =	ssyncadd.s32 s5;
	_ =	sdelay $0x1  }
0xa2: {  	s24 =	simm.s32 $0x1B8B  }
0xa3: {  	_ =	swait.ge [sflag:s24], $0x1  }
0xa4: {  	[sflag:s24] =	ssyncset.done $0x0  }
0xa5: {  	s25 =	simm.s32 $0x1B8E;
	[sflag:s24] =	ssyncadd.s32 $0xFFFFFFFF  }
0xa6: {  	s26 =	simm.s32 $execute0_lowered;
	[smem:$0x3FD2] =	sst s25  }
0xa7: {  	s5 =	sshll.u32 s26, $0x1;
	_ =	strace $0x80000046;
	[dreg:$0x1] =	wrdreg $0xFFFFFFFF  }
0xa8: {  	s28 =	simm.s32 $_size_execute0_lowered;
	s4 =	sadd.s32 s4, s5;
	[dreg:$0x0] =	wrdreg $0x0  }
0xa9: {  	s5 =	sshll.u32 s28, $0x1;
	[dreg:$0x2] =	wrdreg s4  }
0xaa: {  	[dreg:$0x3] =	wrdreg s5  }
0xab: {  	[dreg:$0x4] =	wrdreg $0xC0  }
0xac: {  	_ =	task [dreg:s8], $0x5FFFF  }
0xad: {  	[dreg:$0x1] =	wrdreg $0xFFFFFFFF  }
0xae: {  	[dreg:$0x0] =	wrdreg $0x60  }
0xaf: {  	[dreg:$0x2] =	wrdreg s2  }
0xb0: {  	[dreg:$0x3] =	wrdreg s19  }
0xb1: {  	[dreg:$0x4] =	wrdreg $0x9  }
0xb2: {  	_ =	task.clear_ibuf [dreg:s8], $0x5FFFF;
	_ =	strace $0x90000046  }
0xb3: {  	s29 =	simm.s32 $0x9;
	_ =	strace $0x80000048  }
0xb4: {  	_ =	swait.ge [sflag:s29], $0x1  }
0xb5: {  	[sflag:s29] =	ssyncadd.s32 $0xFFFFFFFF  }
0xb6: {  	_ =	strace $0x90000048  }
0xb7: {  	_ =	sfence  }
0xb8: {  	s30 =	sld [smem:$0x0];
	_ =	sdelay $0x2  }
0xb9: {  	s31 =	sshll.u32 s1, $0xD;
	s1 =	sshrl.u32 s1, $0x2  }
0xba: {  	s3 =	sand.u32 $0x4000, s31;
	s1 =	sadd.s32 s1, s30  }
0xbb: {  	s0 =	sor.u32 s3, s0;
	s1 =	sshll.u32 s1, $0x11  }
0xbc: {  	s0 =	sor.u32 s1, s0  }
0xbd: {  	s0 =	sadd.s32 $0x8F2B, s0  }
0xbe: {  	[sflag:s0] =	ssyncadd.remote.s32 $0x1  }
0xbf: {  	_ =	sfence.sel $0xFFFF  }
0xc0: {  	[dreg:$0x0] =	wrdreg $0xFFFFFFFF;
	(pc) =	sbr.abs _section_cstart, $3  }
0xc1: {  	[dreg:$0x1] =	wrdreg $0xFFFFFFFF  }
0xc2: {  	_ =	task.clear_ibuf [dreg:s8], $0x2FFFF;
	_ =	strace $0x9FFFFFFF  }
0xc3: {  	(tm) =	ssettm $0x7FFFFFFF  }
tec
execute0_lowered:
.L_overlay_start_1:
0x0: {  	(tag) =	ssettag $0x1  }
0x1: {  	s1 =	srdreg.scid;
	s0 =	stileid.u32  }
0x2: {  	s4 =	rddreg [dreg:$0x0];
	s5 =	sand.u32 $0x1, s1;
	s30 =	sshll.u32 s0, $0x1  }
0x3: {  	s7 =	rddreg [dreg:$0x1];
	s2 =	simm.s32 $0x0;
	s6 =	sor.u32 s5, s30  }
0x4: {  	s11 =	simm.s32 $0x14000;
	s12 =	simm.s32 $0x3;
	s3 =	smul.u32 $0x96, s6  }
0x5: {  	s13 =	simm.s32 $0x0;
	s1 =	rddreg [dreg:$0x2];
	s8 =	smul.u32 $0x96000, s6  }
.Ltmp0:
0x6: {  	[smem:$0x7FF] =	sst s2;
	s5 =	ssub.s32 $0x2, s5;
	(pc) =	sbr.rel .LBB2_1-.Ltmp0, $4  }
0x7: {  	s4 =	sadd.s32 $0x28A000, s4;
	s9 =	sshrl.u32 s5, $0x1;
	s10 =	smul.u32 $0x960, s6  }
0x8: {  	_ =	strace $0x80000047;
	s9 =	ssub.s32 s5, s9;
	s31 =	sshrl.u32 s8, $0x3  }
0x9: {  	s6 =	sadd.s32 $0x14, s3;
	s7 =	sadd.s32 s7, s10;
	s8 =	smax.u32 s9, $0x1  }
0xa: {  	s9 =	simm.s32 $0x1;
	s10 =	simm.s32 $0x2;
	s5 =	sadd.s32 s31, s4  }
.LBB2_8:
0xb: {  	s13 =	sadd.s32 $0x1, s13  }
0xc: {  	p0 =	sne.s32 s13, s8  }
.Ltmp1:
0xd: {  	_ = 	snop;
	(pc) =	sbr.rel @!p0 .LBB2_9-.Ltmp1, $4  }
0xe: {  	[hbm4b:s7+s2] =	stream.linear.scatter [tilespmem:s11], [sflag:$0x3], $0x4B00, $0x38;
	[tilespmem:$0x18B00] =	vst v63  }
0xf: {  	_ =	swait.ge [sflag:s12], $0x4B00  }
0x10: {  	[sflag:s12] =	ssyncset.done $0x0  }
0x11: {  	[sflag:s12] =	ssyncadd.s32 $0xFFFFB500  }
.LBB2_1:
.Ltmp2:
0x12: {  	(pc) =	sbr.rel .LBB2_2-.Ltmp2, $3  }
0x13: {  	_ =	sdelay $0x1  }
0x14: {  	[tilespmem:s2], [sflag:$0x1] =	stream.linear.gather [hbm4b:s5+s2], $0xA000, $0x38;
	[tilespmem:$0x18B00] =	vst v63  }
0x15: {  	s14 =	simm.s32 $0x0  }
.LBB2_7:
0x16: {  	s14 =	sadd.s32 $0x1, s14  }
0x17: {  	p0 =	sne.s32 s14, $0x8  }
.Ltmp3:
0x18: {  	_ = 	snop;
	(pc) =	sbr.rel @!p0 .LBB2_8-.Ltmp3, $1  }
0x19: {  	_ =	sdelay $0x3  }
.LBB2_2:
0x1a: {  	s15 =	sshllo.u32 s14, $0x1  }
0x1b: {  	p0 =	sgt.u32 s15, $0xE  }
0x1c: {  	s16 =	smul.u32 @!p0 $0xA, s15  }
0x1d: {  	_ =	swait.ge [sflag:s9], $0xA000  }
0x1e: {  	[sflag:s9] =	ssyncset.done $0x0;
	s16 =	sadd.s32 @!p0 s3, s16  }
0x1f: {  	[sflag:s9] =	ssyncadd.s32 $0xFFFF6000;
	s16 =	sshll.u32 @!p0 s16, $0x9  }
0x20: {  	s17 =	simm.s32 @!p0 $0x0;
	s18 =	simm.s32 @!p0 $0xA000;
	s16 =	sadd.s32 @!p0 s16, s4  }
0x21: {  	[tilespmem:s18], [sflag:$0x2] =	stream.linear.gather @!p0 [hbm4b:s16+s17], $0xA000, $0x38;
	[tilespmem:$0x18B00] =	vst v63  }
0x22: {  	s16 =	smul.u32 $0x14, s14;
	s17 =	simm.s32 $0x0  }
.LBB2_3:
0x23: {  	s18 =	sshll.u32 s17, $0xC  }
0x24: {  	s18 =	sand.u32 $0x3FFFF000, s18  }
0x25: {  	v62 =	vld [tilespmem:s18+$0x3E0];
	_ =	sdelay $0x4  }
0x26: {  	[tilespmem:$0x1FA60] =	vst v62;
	v62 =	vld [tilespmem:s18+$0x400];
	_ =	sdelay $0x4  }
0x27: {  	[tilespmem:$0x1FA70] =	vst v62;
	v62 =	vld [tilespmem:s18+$0x410];
	_ =	sdelay $0x4  }
0x28: {  	[tilespmem:$0x1FA80] =	vst v62;
	v62 =	vld [tilespmem:s18+$0x420];
	_ =	sdelay $0x4  }
0x29: {  	[tilespmem:$0x1FA90] =	vst v62;
	v62 =	vld [tilespmem:s18+$0x430];
	_ =	sdelay $0x4  }
0x2a: {  	[tilespmem:$0x1FAA0] =	vst v62;
	v62 =	vld [tilespmem:s18+$0x440];
	_ =	sdelay $0x4  }
0x2b: {  	[tilespmem:$0x1FAB0] =	vst v62;
	v62 =	vld [tilespmem:s18+$0x450];
	_ =	sdelay $0x4  }
0x2c: {  	[tilespmem:$0x1FAC0] =	vst v62;
	v62 =	vld [tilespmem:s18+$0x460];
	_ =	sdelay $0x4  }
0x2d: {  	[tilespmem:$0x1FAD0] =	vst v62;
	v62 =	vld [tilespmem:s18+$0x470];
	_ =	sdelay $0x4  }
0x2e: {  	[tilespmem:$0x1FAE0] =	vst v62;
	v62 =	vld [tilespmem:s18+$0x480];
	_ =	sdelay $0x4  }
0x2f: {  	[tilespmem:$0x1FAF0] =	vst v62;
	v62 =	vld [tilespmem:s18+$0x490];
	_ =	sdelay $0x4  }
0x30: {  	[tilespmem:$0x1FB00] =	vst v62;
	v62 =	vld [tilespmem:s18+$0x4A0];
	_ =	sdelay $0x4  }
0x31: {  	[tilespmem:$0x1FB10] =	vst v62;
	v62 =	vld [tilespmem:s18+$0x4B0];
	_ =	sdelay $0x4  }
0x32: {  	[tilespmem:$0x1FB20] =	vst v62;
	v62 =	vld [tilespmem:s18+$0x4C0];
	_ =	sdelay $0x4  }
0x33: {  	[tilespmem:$0x1FB30] =	vst v62;
	v62 =	vld [tilespmem:s18+$0x4D0];
	_ =	sdelay $0x4  }
0x34: {  	[tilespmem:$0x1FB40] =	vst v62;
	v62 =	vld [tilespmem:s18+$0x4E0];
	_ =	sdelay $0x4  }
0x35: {  	[tilespmem:$0x1FB50] =	vst v62;
	v62 =	vld [tilespmem:s18+$0x4F0];
	_ =	sdelay $0x4  }
0x36: {  	[tilespmem:$0x1FB60] =	vst v62;
	v62 =	vld [tilespmem:s18+$0x500];
	_ =	sdelay $0x4  }
0x37: {  	[tilespmem:$0x1FB70] =	vst v62;
	v62 =	vld [tilespmem:s18+$0x510];
	_ =	sdelay $0x4  }
0x38: {  	[tilespmem:$0x1FB80] =	vst v62;
	v62 =	vld [tilespmem:s18+$0x520];
	_ =	sdelay $0x4  }
0x39: {  	[tilespmem:$0x1FB90] =	vst v62;
	v62 =	vld [tilespmem:s18+$0x530];
	_ =	sdelay $0x4  }
0x3a: {  	[tilespmem:$0x1FBA0] =	vst v62;
	v62 =	vld [tilespmem:s18+$0x540];
	_ =	sdelay $0x4  }
0x3b: {  	[tilespmem:$0x1FBB0] =	vst v62;
	v62 =	vld [tilespmem:s18+$0x550];
	_ =	sdelay $0x4  }
0x3c: {  	[tilespmem:$0x1FBC0] =	vst v62;
	v62 =	vld [tilespmem:s18+$0x560];
	_ =	sdelay $0x4  }
0x3d: {  	[tilespmem:$0x1FBD0] =	vst v62;
	v62 =	vld [tilespmem:s18+$0x570];
	_ =	sdelay $0x4  }
0x3e: {  	[tilespmem:$0x1FBE0] =	vst v62;
	v62 =	vld [tilespmem:s18+$0x580];
	_ =	sdelay $0x2  }
0x3f: {  	v16 =	vld [tilespmem:s18+$0x0]  }
0x40: {  	v17 =	vld [tilespmem:s18+$0x10]  }
0x41: {  	[tilespmem:$0x1FBF0] =	vst v62;
	v62 =	vld [tilespmem:s18+$0x590]  }
0x42: {  	v20 =	vld [tilespmem:s18+$0x20]  }
0x43: {  	v21 =	vld [tilespmem:s18+$0x30]  }
0x44: {  	v24 =	vld [tilespmem:s18+$0x40]  }
0x45: {  	v25 =	vld [tilespmem:s18+$0x50]  }
0x46: {  	[tilespmem:$0x1FC00] =	vst v62;
	v62 =	vld [tilespmem:s18+$0x5A0]  }
0x47: {  	v28 =	vld [tilespmem:s18+$0x60]  }
0x48: {  	v29 =	vld [tilespmem:s18+$0x70]  }
0x49: {  	v0 =	vld [tilespmem:s18+$0x80]  }
0x4a: {  	v1 =	vld [tilespmem:s18+$0x90]  }
0x4b: {  	[tilespmem:$0x1FC10] =	vst v62;
	v62 =	vld [tilespmem:s18+$0x5B0]  }
0x4c: {  	v2 =	vld [tilespmem:s18+$0xA0]  }
0x4d: {  	v3 =	vld [tilespmem:s18+$0xB0]  }
0x4e: {  	v4 =	vld [tilespmem:s18+$0xC0]  }
0x4f: {  	v5 =	vld [tilespmem:s18+$0xD0]  }
0x50: {  	[tilespmem:$0x1FC20] =	vst v62;
	v62 =	vld [tilespmem:s18+$0x5C0]  }
0x51: {  	v6 =	vld [tilespmem:s18+$0xE0]  }
0x52: {  	v7 =	vld [tilespmem:s18+$0xF0]  }
0x53: {  	v8 =	vld [tilespmem:s18+$0x100]  }
0x54: {  	v9 =	vld [tilespmem:s18+$0x110]  }
0x55: {  	[tilespmem:$0x1FC30] =	vst v62;
	v62 =	vld [tilespmem:s18+$0x5D0]  }
0x56: {  	v10 =	vld [tilespmem:s18+$0x120]  }
0x57: {  	v11 =	vld [tilespmem:s18+$0x130]  }
0x58: {  	v12 =	vld [tilespmem:s18+$0x140]  }
0x59: {  	v13 =	vld [tilespmem:s18+$0x150]  }
0x5a: {  	[tilespmem:$0x1FC40] =	vst v62;
	v62 =	vld [tilespmem:s18+$0x5E0]  }
0x5b: {  	v14 =	vld [tilespmem:s18+$0x160]  }
0x5c: {  	v15 =	vld [tilespmem:s18+$0x170]  }
0x5d: {  	v18 =	vld [tilespmem:s18+$0x180]  }
0x5e: {  	v19 =	vld [tilespmem:s18+$0x190]  }
0x5f: {  	[tilespmem:$0x1FC50] =	vst v62;
	v62 =	vld [tilespmem:s18+$0x5F0]  }
0x60: {  	v22 =	vld [tilespmem:s18+$0x1A0]  }
0x61: {  	v23 =	vld [tilespmem:s18+$0x1B0]  }
0x62: {  	v26 =	vld [tilespmem:s18+$0x1C0]  }
0x63: {  	v27 =	vld [tilespmem:s18+$0x1D0]  }
0x64: {  	[tilespmem:$0x1FC60] =	vst v62;
	v62 =	vld [tilespmem:s18+$0x600]  }
0x65: {  	v30 =	vld [tilespmem:s18+$0x1E0]  }
0x66: {  	v31 =	vld [tilespmem:s18+$0x1F0]  }
0x67: {  	v53 =	vld [tilespmem:s18+$0x200]  }
0x68: {  	v32 =	vld [tilespmem:s18+$0x210]  }
0x69: {  	[tilespmem:$0x1FC70] =	vst v62;
	v62 =	vld [tilespmem:s18+$0x610]  }
0x6a: {  	v56 =	vld [tilespmem:s18+$0x220]  }
0x6b: {  	v33 =	vld [tilespmem:s18+$0x230]  }
0x6c: {  	v61 =	vld [tilespmem:s18+$0x240]  }
0x6d: {  	v34 =	vld [tilespmem:s18+$0x250]  }
0x6e: {  	[tilespmem:$0x1FC80] =	vst v62;
	v62 =	vld [tilespmem:s18+$0x620]  }
0x6f: {  	v48 =	vld [tilespmem:s18+$0x260]  }
0x70: {  	v35 =	vld [tilespmem:s18+$0x270]  }
0x71: {  	v44 =	vld [tilespmem:s18+$0x280]  }
0x72: {  	v36 =	vld [tilespmem:s18+$0x290]  }
0x73: {  	[tilespmem:$0x1FC90] =	vst v62;
	v62 =	vld [tilespmem:s18+$0x630]  }
0x74: {  	v38 =	vld [tilespmem:s18+$0x2A0]  }
0x75: {  	v37 =	vld [tilespmem:s18+$0x2B0]  }
0x76: {  	v39 =	vld [tilespmem:s18+$0x2C0]  }
0x77: {  	v40 =	vld [tilespmem:s18+$0x2D0]  }
0x78: {  	[tilespmem:$0x1FCA0] =	vst v62;
	v62 =	vld [tilespmem:s18+$0x640]  }
0x79: {  	v41 =	vld [tilespmem:s18+$0x2E0]  }
0x7a: {  	v42 =	vld [tilespmem:s18+$0x2F0]  }
0x7b: {  	v45 =	vld [tilespmem:s18+$0x300]  }
0x7c: {  	v43 =	vld [tilespmem:s18+$0x310]  }
0x7d: {  	[tilespmem:$0x1FCB0] =	vst v62;
	v62 =	vld [tilespmem:s18+$0x650]  }
0x7e: {  	v47 =	vld [tilespmem:s18+$0x320]  }
0x7f: {  	v46 =	vld [tilespmem:s18+$0x330]  }
0x80: {  	v49 =	vld [tilespmem:s18+$0x340]  }
0x81: {  	v50 =	vld [tilespmem:s18+$0x350]  }
0x82: {  	[tilespmem:$0x1FCC0] =	vst v62;
	v62 =	vld [tilespmem:s18+$0x660]  }
0x83: {  	v52 =	vld [tilespmem:s18+$0x360]  }
0x84: {  	v51 =	vld [tilespmem:s18+$0x370]  }
0x85: {  	v54 =	vld [tilespmem:s18+$0x380]  }
0x86: {  	v55 =	vld [tilespmem:s18+$0x390]  }
0x87: {  	[tilespmem:$0x1FCD0] =	vst v62;
	v62 =	vld [tilespmem:s18+$0x670]  }
0x88: {  	v58 =	vld [tilespmem:s18+$0x3A0]  }
0x89: {  	v57 =	vld [tilespmem:s18+$0x3B0]  }
0x8a: {  	v60 =	vld [tilespmem:s18+$0x3C0]  }
0x8b: {  	v59 =	vld [tilespmem:s18+$0x3D0]  }
0x8c: {  	[tilespmem:$0x1FCE0] =	vst v62;
	v62 =	vld [tilespmem:s18+$0x680]  }
0x8d: {  	v63 =	vld [tilespmem:s18+$0x3F0]  }
0x8e: {  	v3 =	vadd.f32 v3, v21;
	v21 =	vld [tilespmem:s18+$0x8A0]  }
0x8f: {  	v4 =	vadd.f32 v4, v24;
	v24 =	vld [tilespmem:s18+$0x8B0]  }
0x90: {  	v5 =	vadd.f32 v5, v25;
	v25 =	vld [tilespmem:s18+$0x8C0]  }
0x91: {  	[tilespmem:$0x1FCF0] =	vst v62;
	v62 =	vld [tilespmem:s18+$0x690]  }
0x92: {  	v6 =	vadd.f32 v6, v28;
	v28 =	vld [tilespmem:s18+$0x8D0]  }
0x93: {  	v7 =	vadd.f32 v7, v29;
	v29 =	vld [tilespmem:s18+$0x8E0]  }
0x94: {  	v0 =	vadd.f32 v0, v16;
	v16 =	vld [tilespmem:s18+$0x910]  }
0x95: {  	v1 =	vadd.f32 v1, v17;
	v17 =	vld [tilespmem:s18+$0x920]  }
0x96: {  	[tilespmem:$0x1FD00] =	vst v62;
	v62 =	vld [tilespmem:s18+$0x6A0]  }
0x97: {  	v2 =	vadd.f32 v2, v20;
	v20 =	vld [tilespmem:s18+$0x950]  }
0x98: {  	v5 =	vadd.f32 v13, v5;
	v13 =	vld [tilespmem:s18+$0x8F0]  }
0x99: {  	v7 =	vadd.f32 v15, v7;
	v15 =	vld [tilespmem:s18+$0x900]  }
0x9a: {  	v6 =	vadd.f32 v14, v6;
	v14 =	vld [tilespmem:s18+$0xA30]  }
0x9b: {  	v0 =	vadd.f32 v8, v0;
	[tilespmem:$0x1FD10] =	vst v62;
	v62 =	vld [tilespmem:s18+$0x6B0]  }
0x9c: {  	v1 =	vadd.f32 v9, v1;
	v8 =	vld [tilespmem:s18+$0xA40]  }
0x9d: {  	v2 =	vadd.f32 v10, v2;
	v0 =	vadd.f32 v18, v0;
	v18 =	vld [tilespmem:s18+$0x930]  }
0x9e: {  	v1 =	vadd.f32 v19, v1;
	v19 =	vld [tilespmem:s18+$0x940]  }
0x9f: {  	v3 =	vadd.f32 v11, v3;
	v2 =	vadd.f32 v22, v2;
	v22 =	vld [tilespmem:s18+$0x970]  }
0xa0: {  	[tilespmem:$0x1FD20] =	vst v62;
	v62 =	vld [tilespmem:s18+$0x6C0]  }
0xa1: {  	v3 =	vadd.f32 v23, v3;
	v23 =	vld [tilespmem:s18+$0x980]  }
0xa2: {  	[tilespmem:$0x1FF00] =	vst v21;
	v21 =	vld [tilespmem:s18+$0x960]  }
0xa3: {  	[tilespmem:$0x1FF10] =	vst v24;
	v24 =	vld [tilespmem:s18+$0x990]  }
0xa4: {  	[tilespmem:$0x1FF40] =	vst v29;
	v29 =	vld [tilespmem:s18+$0xA00]  }
0xa5: {  	[tilespmem:$0x1FD30] =	vst v62;
	v62 =	vld [tilespmem:s18+$0x6D0]  }
0xa6: {  	[tilespmem:$0x1FFB0] =	vst v20;
	v20 =	vld [tilespmem:s18+$0xA20]  }
0xa7: {  	v6 =	vadd.f32 v30, v6;
	v2 =	vadd.f32 v56, v2;
	v56 =	vld [tilespmem:s18+$0x9A0]  }
0xa8: {  	v0 =	vadd.f32 v53, v0;
	v53 =	vld [tilespmem:s18+$0x9B0]  }
0xa9: {  	v6 =	vadd.f32 v48, v6;
	v48 =	vld [tilespmem:s18+$0x9C0]  }
0xaa: {  	v4 =	vadd.f32 v12, v4;
	[tilespmem:$0x1FD40] =	vst v62;
	v62 =	vld [tilespmem:s18+$0x6E0]  }
0xab: {  	v7 =	vadd.f32 v31, v7;
	v1 =	vadd.f32 v32, v1;
	v32 =	vld [tilespmem:s18+$0x9F0]  }
0xac: {  	v3 =	vadd.f32 v33, v3;
	v33 =	vld [tilespmem:$0x1FA60]  }
0xad: {  	v4 =	vadd.f32 v26, v4;
	v7 =	vadd.f32 v35, v7;
	v35 =	vld [tilespmem:$0x1FA70]  }
0xae: {  	v5 =	vadd.f32 v27, v5;
	v0 =	vadd.f32 v44, v0;
	v44 =	vld [tilespmem:s18+$0x9D0]  }
0xaf: {  	v4 =	vadd.f32 v61, v4;
	[tilespmem:$0x1FD50] =	vst v62;
	v62 =	vld [tilespmem:s18+$0x6F0]  }
0xb0: {  	v5 =	vadd.f32 v34, v5;
	v2 =	vadd.f32 v38, v2;
	v38 =	vld [tilespmem:s18+$0x9E0]  }
0xb1: {  	v1 =	vadd.f32 v36, v1;
	v4 =	vadd.f32 v39, v4;
	[tilespmem:$0x1FFE0] =	vst v23;
	v23 =	vld [tilespmem:s18+$0xA10]  }
0xb2: {  	[tilespmem:$0x1FF20] =	vst v25;
	v5 =	vadd.f32 v40, v5;
	v25 =	vadd.f32 v47, v2;
	v2 =	vld [tilespmem:s18+$0xCE0]  }
0xb3: {  	v6 =	vadd.f32 v41, v6;
	v4 =	vadd.f32 v49, v4;
	v36 =	vld [tilespmem:$0x1FA80]  }
0xb4: {  	v3 =	vadd.f32 v37, v3;
	v5 =	vadd.f32 v50, v5;
	[tilespmem:$0x1FD60] =	vst v62;
	v62 =	vld [tilespmem:s18+$0x700]  }
0xb5: {  	v6 =	vadd.f32 v52, v6;
	v30 =	vadd.f32 v60, v4;
	v4 =	vld [tilespmem:s18+$0xA50]  }
0xb6: {  	v3 =	vadd.f32 v46, v3;
	v31 =	vadd.f32 v59, v5;
	v5 =	vld [tilespmem:s18+$0xA60]  }
0xb7: {  	v34 =	vadd.f32 v33, v6;
	v6 =	vld [tilespmem:s18+$0xA70]  }
0xb8: {  	[tilespmem:$0x1FF30] =	vst v28;
	v28 =	vadd.f32 v57, v3;
	v3 =	vld [tilespmem:s18+$0xCD0]  }
0xb9: {  	v1 =	vadd.f32 v43, v1;
	[tilespmem:$0x1FD70] =	vst v62;
	v62 =	vld [tilespmem:s18+$0x710]  }
0xba: {  	v0 =	vadd.f32 v45, v0;
	v37 =	vld [tilespmem:$0x1FA90]  }
0xbb: {  	v27 =	vadd.f32 v55, v1;
	v1 =	vld [tilespmem:s18+$0xCF0]  }
0xbc: {  	v26 =	vadd.f32 v54, v0;
	v0 =	vld [tilespmem:s18+$0xD00]  }
0xbd: {  	v9 =	vadd.f32 v58, v25;
	v40 =	vld [tilespmem:$0x1FAA0]  }
0xbe: {  	[tilespmem:$0x1FD80] =	vst v62;
	v62 =	vld [tilespmem:s18+$0x720]  }
0xbf: {  	v39 =	vadd.f32 v37, v9;
	v9 =	vld [tilespmem:s18+$0xA90]  }
0xc0: {  	v7 =	vadd.f32 v42, v7;
	v41 =	vld [tilespmem:$0x1FAB0]  }
0xc1: {  	v45 =	vld [tilespmem:$0x1FAE0]  }
0xc2: {  	v7 =	vadd.f32 v51, v7;
	v42 =	vld [tilespmem:$0x1FAC0]  }
0xc3: {  	[tilespmem:$0x1FD90] =	vst v62;
	v62 =	vld [tilespmem:s18+$0x730]  }
0xc4: {  	v7 =	vadd.f32 v63, v7;
	v47 =	vld [tilespmem:$0x1FAF0]  }
0xc5: {  	v43 =	vld [tilespmem:$0x1FAD0]  }
0xc6: {  	v46 =	vadd.f32 v45, v7;
	v7 =	vld [tilespmem:s18+$0xA80]  }
0xc7: {  	v10 =	vadd.f32 v35, v26;
	v50 =	vld [tilespmem:$0x1FB00]  }
0xc8: {  	[tilespmem:$0x1FDA0] =	vst v62;
	v62 =	vld [tilespmem:s18+$0x740]  }
0xc9: {  	v49 =	vadd.f32 v47, v10;
	v10 =	vld [tilespmem:s18+$0xAA0]  }
0xca: {  	v11 =	vadd.f32 v36, v27;
	v52 =	vld [tilespmem:$0x1FB10]  }
0xcb: {  	v54 =	vld [tilespmem:$0x1FB20]  }
0xcc: {  	v51 =	vadd.f32 v50, v11;
	v11 =	vld [tilespmem:s18+$0xAB0]  }
0xcd: {  	[tilespmem:$0x1FDB0] =	vst v62;
	v62 =	vld [tilespmem:s18+$0x750]  }
0xce: {  	v12 =	vadd.f32 v40, v28;
	v57 =	vld [tilespmem:$0x1FB30]  }
0xcf: {  	v59 =	vld [tilespmem:$0x1FB40]  }
0xd0: {  	[tilespmem:$0x1FF50] =	vst v13;
	v55 =	vadd.f32 v54, v12;
	v12 =	vld [tilespmem:s18+$0xAC0]  }
0xd1: {  	[tilespmem:$0x1FF60] =	vst v15;
	v13 =	vadd.f32 v41, v30;
	v61 =	vld [tilespmem:$0x1FB50]  }
0xd2: {  	v15 =	vadd.f32 v42, v31;
	[tilespmem:$0x1FDC0] =	vst v62;
	v62 =	vld [tilespmem:s18+$0x760]  }
0xd3: {  	v58 =	vadd.f32 v57, v13;
	v13 =	vld [tilespmem:s18+$0xAD0]  }
0xd4: {  	[tilespmem:$0x1FF70] =	vst v16;
	v16 =	vadd.f32 v43, v34;
	v60 =	vadd.f32 v59, v15;
	v15 =	vld [tilespmem:s18+$0xAE0]  }
0xd5: {  	v27 =	vld [tilespmem:$0x1FB60]  }
0xd6: {  	v63 =	vadd.f32 v61, v16;
	v16 =	vld [tilespmem:s18+$0xAF0]  }
0xd7: {  	[tilespmem:$0x1FDD0] =	vst v62;
	v62 =	vld [tilespmem:s18+$0x770]  }
0xd8: {  	v31 =	vld [tilespmem:$0x1FB90]  }
0xd9: {  	v28 =	vld [tilespmem:$0x1FB70]  }
0xda: {  	v30 =	vld [tilespmem:$0x1FB80]  }
0xdb: {  	[tilespmem:$0x1FF80] =	vst v17;
	v17 =	vadd.f32 v52, v39;
	v34 =	vld [tilespmem:$0x1FBA0]  }
0xdc: {  	[tilespmem:$0x1FDE0] =	vst v62;
	v62 =	vld [tilespmem:s18+$0x780]  }
0xdd: {  	v33 =	vadd.f32 v31, v17;
	v17 =	vld [tilespmem:s18+$0xB00]  }
0xde: {  	v31 =	vld [tilespmem:s18+$0xB30]  }
0xdf: {  	v35 =	vld [tilespmem:$0x1FBB0]  }
0xe0: {  	[tilespmem:$0x1FFD0] =	vst v22;
	v22 =	vadd.f32 v34, v55;
	v34 =	vld [tilespmem:s18+$0xB50]  }
0xe1: {  	[tilespmem:$0x1FDF0] =	vst v62;
	v62 =	vld [tilespmem:s18+$0x790]  }
0xe2: {  	v36 =	vld [tilespmem:$0x1FBC0]  }
0xe3: {  	v37 =	vld [tilespmem:$0x1FBD0]  }
0xe4: {  	[tilespmem:$0x1FFF0] =	vst v24;
	v24 =	vadd.f32 v35, v58;
	v35 =	vld [tilespmem:s18+$0xB60]  }
0xe5: {  	v39 =	vld [tilespmem:$0x1FBE0]  }
0xe6: {  	[tilespmem:$0x1FE00] =	vst v62;
	v62 =	vld [tilespmem:s18+$0x7A0]  }
0xe7: {  	v25 =	vadd.f32 v36, v60;
	v36 =	vld [tilespmem:s18+$0xB70]  }
0xe8: {  	[tilespmem:$0x1FF90] =	vst v18;
	v18 =	vadd.f32 v27, v46;
	v26 =	vadd.f32 v37, v63;
	v37 =	vld [tilespmem:s18+$0xB80]  }
0xe9: {  	v41 =	vld [tilespmem:$0x1FBF0]  }
0xea: {  	v40 =	vadd.f32 v39, v18;
	v18 =	vld [tilespmem:s18+$0xB10]  }
0xeb: {  	[tilespmem:$0x1FE10] =	vst v62;
	v62 =	vld [tilespmem:s18+$0x7B0]  }
0xec: {  	[tilespmem:$0x1FFA0] =	vst v19;
	v19 =	vadd.f32 v28, v49;
	v45 =	vld [tilespmem:$0x1FC10]  }
0xed: {  	v43 =	vld [tilespmem:$0x1FC00]  }
0xee: {  	v42 =	vadd.f32 v41, v19;
	v19 =	vld [tilespmem:s18+$0xB20]  }
0xef: {  	v46 =	vld [tilespmem:$0x1FC20]  }
0xf0: {  	[tilespmem:$0x1FE20] =	vst v62;
	v62 =	vld [tilespmem:s18+$0x7C0]  }
0xf1: {  	v27 =	vadd.f32 v45, v33;
	v33 =	vld [tilespmem:s18+$0xB40]  }
0xf2: {  	v47 =	vld [tilespmem:$0x1FC30]  }
0xf3: {  	v49 =	vld [tilespmem:$0x1FC40]  }
0xf4: {  	v50 =	vld [tilespmem:$0x1FC50]  }
0xf5: {  	[tilespmem:$0x1FE30] =	vst v62;
	v62 =	vld [tilespmem:s18+$0x7D0]  }
0xf6: {  	[tilespmem:$0x1FFC0] =	vst v21;
	v21 =	vadd.f32 v30, v51;
	v51 =	vld [tilespmem:$0x1FC60]  }
0xf7: {  	v52 =	vld [tilespmem:$0x1FC70]  }
0xf8: {  	v54 =	vld [tilespmem:$0x1FC80]  }
0xf9: {  	v55 =	vld [tilespmem:$0x1FC90]  }
0xfa: {  	[tilespmem:$0x1FE40] =	vst v62;
	v62 =	vld [tilespmem:s18+$0x7E0]  }
0xfb: {  	v57 =	vld [tilespmem:$0x1FCA0]  }
0xfc: {  	v58 =	vld [tilespmem:$0x1FCB0]  }
0xfd: {  	v59 =	vld [tilespmem:$0x1FCC0]  }
0xfe: {  	v60 =	vld [tilespmem:$0x1FCD0]  }
0xff: {  	[tilespmem:$0x1FE50] =	vst v62;
	v62 =	vld [tilespmem:s18+$0x7F0]  }
0x100: {  	v39 =	vld [tilespmem:$0x1FD00]  }
0x101: {  	v21 =	vadd.f32 v43, v21;
	v61 =	vld [tilespmem:$0x1FCE0]  }
0x102: {  	v28 =	vadd.f32 v51, v40;
	v40 =	vld [tilespmem:$0x1FD10]  }
0x103: {  	v21 =	vadd.f32 v54, v21;
	v63 =	vld [tilespmem:$0x1FCF0]  }
0x104: {  	[tilespmem:$0x1FE60] =	vst v62;
	v62 =	vld [tilespmem:s18+$0x800]  }
0x105: {  	v27 =	vadd.f32 v55, v27;
	v21 =	vadd.f32 v39, v21;
	v39 =	vld [tilespmem:s18+$0xB90]  }
0x106: {  	v41 =	vld [tilespmem:$0x1FD20]  }
0x107: {  	v22 =	vadd.f32 v46, v22;
	v27 =	vadd.f32 v40, v27;
	v40 =	vld [tilespmem:s18+$0xBA0]  }
0x108: {  	v30 =	vadd.f32 v52, v42;
	v42 =	vld [tilespmem:$0x1FD30]  }
0x109: {  	v24 =	vadd.f32 v47, v24;
	v22 =	vadd.f32 v57, v22;
	[tilespmem:$0x1FE70] =	vst v62;
	v62 =	vld [tilespmem:s18+$0x810]  }
0x10a: {  	v25 =	vadd.f32 v49, v25;
	v43 =	vld [tilespmem:$0x1FD40]  }
0x10b: {  	v24 =	vadd.f32 v58, v24;
	v22 =	vadd.f32 v41, v22;
	v41 =	vld [tilespmem:s18+$0xBB0]  }
0x10c: {  	v26 =	vadd.f32 v50, v26;
	v45 =	vld [tilespmem:$0x1FD50]  }
0x10d: {  	v25 =	vadd.f32 v59, v25;
	v24 =	vadd.f32 v42, v24;
	v42 =	vld [tilespmem:s18+$0xBC0]  }
0x10e: {  	[tilespmem:$0x1FE80] =	vst v62;
	v62 =	vld [tilespmem:s18+$0x820]  }
0x10f: {  	v26 =	vadd.f32 v60, v26;
	v25 =	vadd.f32 v43, v25;
	v43 =	vld [tilespmem:s18+$0xBD0]  }
0x110: {  	v46 =	vld [tilespmem:$0x1FD60]  }
0x111: {  	v26 =	vadd.f32 v45, v26;
	v45 =	vld [tilespmem:s18+$0xBE0]  }
0x112: {  	v47 =	vld [tilespmem:$0x1FD70]  }
0x113: {  	v28 =	vadd.f32 v61, v28;
	[tilespmem:$0x1FE90] =	vst v62;
	v62 =	vld [tilespmem:s18+$0x830]  }
0x114: {  	v49 =	vld [tilespmem:$0x1FD80]  }
0x115: {  	v30 =	vadd.f32 v63, v30;
	v28 =	vadd.f32 v46, v28;
	v46 =	vld [tilespmem:s18+$0xBF0]  }
0x116: {  	v50 =	vld [tilespmem:$0x1FD90]  }
0x117: {  	v30 =	vadd.f32 v47, v30;
	v47 =	vld [tilespmem:s18+$0xC00]  }
0x118: {  	[tilespmem:$0x1FEA0] =	vst v62;
	v62 =	vld [tilespmem:s18+$0x840]  }
0x119: {  	v21 =	vadd.f32 v49, v21;
	v49 =	vld [tilespmem:s18+$0xC10]  }
0x11a: {  	v51 =	vld [tilespmem:$0x1FDA0]  }
0x11b: {  	v27 =	vadd.f32 v50, v27;
	v50 =	vld [tilespmem:s18+$0xC20]  }
0x11c: {  	v52 =	vld [tilespmem:$0x1FDB0]  }
0x11d: {  	[tilespmem:$0x1FEB0] =	vst v62;
	v62 =	vld [tilespmem:s18+$0x850]  }
0x11e: {  	v54 =	vld [tilespmem:$0x1FDC0]  }
0x11f: {  	v55 =	vld [tilespmem:$0x1FDD0]  }
0x120: {  	v61 =	vld [tilespmem:$0x1FE20]  }
0x121: {  	v59 =	vld [tilespmem:$0x1FE00]  }
0x122: {  	[tilespmem:$0x1FEC0] =	vst v62;
	v62 =	vld [tilespmem:s18+$0x860]  }
0x123: {  	v22 =	vadd.f32 v51, v22;
	v51 =	vld [tilespmem:$0x1FE40]  }
0x124: {  	v57 =	vld [tilespmem:$0x1FDE0]  }
0x125: {  	v22 =	vadd.f32 v61, v22;
	v61 =	vld [tilespmem:$0x1FEC0]  }
0x126: {  	v25 =	vadd.f32 v54, v25;
	v63 =	vld [tilespmem:$0x1FE30]  }
0x127: {  	[tilespmem:$0x1FED0] =	vst v62;
	v62 =	vld [tilespmem:s18+$0x870]  }
0x128: {  	v21 =	vadd.f32 v59, v21;
	v25 =	vadd.f32 v51, v25;
	v59 =	vld [tilespmem:$0x1FEA0]  }
0x129: {  	v58 =	vld [tilespmem:$0x1FDF0]  }
0x12a: {  	v25 =	vadd.f32 v61, v25;
	v61 =	vld [tilespmem:$0x1FF10]  }
0x12b: {  	v24 =	vadd.f32 v52, v24;
	v52 =	vld [tilespmem:$0x1FE50]  }
0x12c: {  	[tilespmem:$0x1FEE0] =	vst v62;
	v62 =	vld [tilespmem:s18+$0x880]  }
0x12d: {  	v24 =	vadd.f32 v63, v24;
	v22 =	vadd.f32 v59, v22;
	v63 =	vld [tilespmem:$0x1FED0]  }
0x12e: {  	v26 =	vadd.f32 v55, v26;
	v60 =	vld [tilespmem:$0x1FE10]  }
0x12f: {  	v22 =	vadd.f32 v61, v22;
	v61 =	vld [tilespmem:$0x1FF40]  }
0x130: {  	v26 =	vadd.f32 v52, v26;
	v55 =	vld [tilespmem:$0x1FE70]  }
0x131: {  	v51 =	vld [tilespmem:s18+$0xC30];
	[tilespmem:$0x1FEF0] =	vst v62  }
0x132: {  	v26 =	vadd.f32 v63, v26;
	v59 =	vld [tilespmem:$0x1FEF0]  }
0x133: {  	v30 =	vadd.f32 v58, v30;
	v54 =	vld [tilespmem:$0x1FE60]  }
0x134: {  	v26 =	vadd.f32 v61, v26;
	v61 =	vld [tilespmem:$0x1FF60]  }
0x135: {  	v28 =	vadd.f32 v57, v28;
	v30 =	vadd.f32 v55, v30;
	v57 =	vld [tilespmem:$0x1FE80]  }
0x136: {  	v27 =	vadd.f32 v60, v27;
	v60 =	vld [tilespmem:$0x1FEB0]  }
0x137: {  	v62 =	vld [tilespmem:s18+$0x890];
	v30 =	vadd.f32 v59, v30  }
0x138: {  	v52 =	vld [tilespmem:s18+$0xC40]  }
0x139: {  	v30 =	vadd.f32 v61, v30;
	v61 =	vld [tilespmem:$0x1FF70]  }
0x13a: {  	v21 =	vadd.f32 v57, v21;
	v58 =	vld [tilespmem:$0x1FE90]  }
0x13b: {  	v28 =	vadd.f32 v54, v28;
	v54 =	vld [tilespmem:s18+$0xC50]  }
0x13c: {  	v24 =	vadd.f32 v60, v24;
	v60 =	vld [tilespmem:$0x1FF00];
	v21 =	vadd.f32 v62, v21  }
0x13d: {  	v55 =	vld [tilespmem:s18+$0xC60]  }
0x13e: {  	v21 =	vadd.f32 v61, v21;
	v61 =	vld [tilespmem:$0x1FF80]  }
0x13f: {  	v27 =	vadd.f32 v58, v27;
	v63 =	vld [tilespmem:$0x1FF30]  }
0x140: {  	v57 =	vld [tilespmem:s18+$0xC70]  }
0x141: {  	v27 =	vadd.f32 v60, v27;
	v58 =	vld [tilespmem:$0x1FEE0]  }
0x142: {  	v60 =	vld [tilespmem:s18+$0xCA0]  }
0x143: {  	v27 =	vadd.f32 v61, v27;
	v61 =	vld [tilespmem:$0x1FF90]  }
0x144: {  	v25 =	vadd.f32 v63, v25;
	v63 =	vld [tilespmem:$0x1FF50]  }
0x145: {  	v62 =	vld [tilespmem:$0x1FF20]  }
0x146: {  	v28 =	vadd.f32 v58, v28;
	v58 =	vld [tilespmem:s18+$0xC80]  }
0x147: {  	v59 =	vld [tilespmem:s18+$0xC90]  }
0x148: {  	v27 =	vadd.f32 v56, v27;
	v22 =	vadd.f32 v61, v22;
	v61 =	vld [tilespmem:$0x1FFA0]  }
0x149: {  	v28 =	vadd.f32 v63, v28;
	v63 =	vld [tilespmem:s18+$0xCC0]  }
0x14a: {  	v24 =	vadd.f32 v62, v24;
	v62 =	vld [tilespmem:s18+$0xCB0];
	v20 =	vadd.f32 v20, v27  }
0x14b: {  	v56 =	vld [tilespmem:s18+$0xE70];
	v22 =	vadd.f32 v53, v22  }
0x14c: {  	v27 =	vld [tilespmem:s18+$0xE40];
	v10 =	vadd.f32 v10, v20  }
0x14d: {  	v14 =	vadd.f32 v14, v22;
	v24 =	vadd.f32 v61, v24;
	v61 =	vld [tilespmem:$0x1FFB0]  }
0x14e: {  	v20 =	vld [tilespmem:s18+$0xE20]  }
0x14f: {  	v53 =	vld [tilespmem:s18+$0xD20];
	v10 =	vadd.f32 v19, v10;
	v11 =	vadd.f32 v11, v14  }
0x150: {  	v19 =	vld [tilespmem:s18+$0xE10];
	v24 =	vadd.f32 v48, v24  }
0x151: {  	v22 =	vld [tilespmem:s18+$0xD60];
	v10 =	vadd.f32 v40, v10;
	v11 =	vadd.f32 v31, v11  }
0x152: {  	v8 =	vadd.f32 v8, v24;
	v25 =	vadd.f32 v61, v25;
	v61 =	vld [tilespmem:$0x1FFC0]  }
0x153: {  	v40 =	vld [tilespmem:s18+$0xED0];
	v10 =	vadd.f32 v50, v10  }
0x154: {  	v14 =	vld [tilespmem:s18+$0xDA0];
	v11 =	vadd.f32 v41, v11;
	v8 =	vadd.f32 v12, v8  }
0x155: {  	v48 =	vld [tilespmem:s18+$0xDD0];
	v10 =	vadd.f32 v60, v10;
	v25 =	vadd.f32 v44, v25  }
0x156: {  	v44 =	vld [tilespmem:s18+$0xD30];
	v11 =	vadd.f32 v51, v11;
	v8 =	vadd.f32 v33, v8  }
0x157: {  	v4 =	vadd.f32 v4, v25;
	v26 =	vadd.f32 v61, v26;
	v61 =	vld [tilespmem:$0x1FFD0]  }
0x158: {  	v50 =	vld [tilespmem:s18+$0xF50];
	v41 =	vadd.f32 v53, v10;
	v8 =	vadd.f32 v42, v8  }
0x159: {  	v24 =	vld [tilespmem:s18+$0xD70];
	v11 =	vadd.f32 v62, v11;
	v4 =	vadd.f32 v13, v4  }
0x15a: {  	v12 =	vld [tilespmem:s18+$0xDB0];
	v26 =	vadd.f32 v38, v26;
	v8 =	vadd.f32 v52, v8  }
0x15b: {  	v60 =	vld [tilespmem:s18+$0xFF0];
	v42 =	vadd.f32 v44, v11;
	v4 =	vadd.f32 v34, v4  }
0x15c: {  	v5 =	vadd.f32 v5, v26;
	v28 =	vadd.f32 v61, v28;
	v61 =	vld [tilespmem:$0x1FFE0]  }
0x15d: {  	v26 =	vld [tilespmem:s18+$0xE30];
	v8 =	vadd.f32 v63, v8;
	v4 =	vadd.f32 v43, v4  }
0x15e: {  	v53 =	vld [tilespmem:s18+$0xF80];
	v5 =	vadd.f32 v15, v5;
	v28 =	vadd.f32 v32, v28  }
0x15f: {  	v10 =	vadd.f32 v12, v42;
	v32 =	vld [tilespmem:s18+$0xD40];
	v4 =	vadd.f32 v54, v4  }
0x160: {  	v51 =	vld [tilespmem:s18+$0xF60];
	v5 =	vadd.f32 v35, v5;
	v6 =	vadd.f32 v6, v28  }
0x161: {  	v13 =	vld [tilespmem:s18+$0xDC0];
	v3 =	vadd.f32 v3, v4;
	v30 =	vadd.f32 v61, v30  }
0x162: {  	v10 =	vadd.f32 v26, v10;
	v61 =	vld [tilespmem:$0x1FFF0];
	v5 =	vadd.f32 v45, v5  }
0x163: {  	v25 =	vld [tilespmem:s18+$0xD80];
	v6 =	vadd.f32 v16, v6;
	v29 =	vadd.f32 v29, v30  }
0x164: {  	v38 =	vld [tilespmem:s18+$0xEC0];
	v5 =	vadd.f32 v55, v5;
	v8 =	vadd.f32 v32, v8  }
0x165: {  	v44 =	vld [tilespmem:s18+$0xEF0];
	v6 =	vadd.f32 v36, v6;
	v7 =	vadd.f32 v7, v29  }
0x166: {  	v16 =	vld [tilespmem:s18+$0xDE0];
	v2 =	vadd.f32 v2, v5;
	v8 =	vadd.f32 v13, v8  }
0x167: {  	v52 =	vld [tilespmem:s18+$0xF70];
	v21 =	vadd.f32 v61, v21;
	v6 =	vadd.f32 v46, v6  }
0x168: {  	v29 =	vld [tilespmem:s18+$0xE60];
	v7 =	vadd.f32 v17, v7;
	v2 =	vadd.f32 v22, v2  }
0x169: {  	v43 =	vld [tilespmem:s18+$0xEE0];
	v8 =	vadd.f32 v27, v8;
	v21 =	vadd.f32 v23, v21  }
0x16a: {  	v23 =	vld [tilespmem:s18+$0xD50];
	v6 =	vadd.f32 v57, v6;
	v7 =	vadd.f32 v37, v7  }
0x16b: {  	v17 =	vld [tilespmem:s18+$0xDF0];
	v2 =	vadd.f32 v16, v2;
	v5 =	vadd.f32 v38, v8  }
0x16c: {  	v37 =	vld [tilespmem:s18+$0xEB0];
	v9 =	vadd.f32 v9, v21;
	v1 =	vadd.f32 v1, v6  }
0x16d: {  	v28 =	vld [tilespmem:s18+$0xE50];
	v7 =	vadd.f32 v47, v7;
	v2 =	vadd.f32 v29, v2  }
0x16e: {  	v45 =	vld [tilespmem:s18+$0xF00];
	v9 =	vadd.f32 v18, v9;
	v1 =	vadd.f32 v24, v1  }
0x16f: {  	v36 =	vld [tilespmem:s18+$0xEA0];
	v7 =	vadd.f32 v58, v7;
	v3 =	vadd.f32 v23, v3  }
0x170: {  	v61 =	vld [tilespmem:s18+$0xD10];
	v2 =	vadd.f32 v43, v2;
	v9 =	vadd.f32 v39, v9  }
0x171: {  	v18 =	vld [tilespmem:s18+$0xE00];
	v1 =	vadd.f32 v17, v1;
	v4 =	vadd.f32 v37, v10  }
0x172: {  	v57 =	vld [tilespmem:s18+$0xE80];
	v0 =	vadd.f32 v0, v7;
	v3 =	vadd.f32 v48, v3  }
0x173: {  	v48 =	vld [tilespmem:s18+$0xF30];
	v9 =	vadd.f32 v49, v9;
	v1 =	vadd.f32 v56, v1  }
0x174: {  	v49 =	vld [tilespmem:s18+$0xF40];
	v0 =	vadd.f32 v25, v0;
	v3 =	vadd.f32 v28, v3  }
0x175: {  	v21 =	vld [tilespmem:s18+$0xD90];
	v9 =	vadd.f32 v59, v9;
	v1 =	vadd.f32 v44, v1  }
0x176: {  	v56 =	vld [tilespmem:s18+$0xFB0];
	v0 =	vadd.f32 v18, v0;
	v3 =	vadd.f32 v40, v3  }
0x177: {  	v46 =	vld [tilespmem:s18+$0xF10];
	v39 =	vadd.f32 v61, v9;
	v9 =	vadd.f32 v14, v41  }
0x178: {  	v47 =	vld [tilespmem:s18+$0xF20];
	v4 =	vadd.f32 v48, v4;
	v1 =	vadd.f32 v52, v1  }
0x179: {  	v59 =	vld [tilespmem:s18+$0xE90];
	v0 =	vadd.f32 v57, v0;
	v5 =	vadd.f32 v49, v5  }
0x17a: {  	v57 =	vld [tilespmem:s18+$0xFC0];
	v61 =	vadd.f32 v50, v3;
	v6 =	vadd.f32 v21, v39  }
0x17b: {  	s19 =	sadd.s32 s16, s17;
	v58 =	vld [tilespmem:s18+$0xFD0];
	v9 =	vadd.f32 v20, v9;
	v62 =	vadd.f32 v56, v4  }
0x17c: {  	s19 =	sshll.u32 s19, $0x7;
	v55 =	vld [tilespmem:s18+$0xFA0];
	v0 =	vadd.f32 v45, v0;
	v6 =	vadd.f32 v19, v6  }
0x17d: {  	s31 =	sand.u32 $0x3FFFFF80, s19;
	v54 =	vld [tilespmem:s18+$0xF90];
	v1 =	vadd.f32 v60, v1;
	v9 =	vadd.f32 v36, v9  }
0x17e: {  	v0 =	vadd.f32 v53, v0;
	v6 =	vadd.f32 v59, v6;
	v59 =	vld [tilespmem:s18+$0xFE0];
	[tilespmem:s31+$0x14030] =	vst v62  }
0x17f: {  	v9 =	vadd.f32 v47, v9;
	v63 =	vadd.f32 v57, v5;
	[tilespmem:s31+$0x14070] =	vst v1  }
0x180: {  	p1 =	sne.s32 s17, $0x9;
	[tilespmem:s31+$0x14000] =	vst v0;
	v0 =	vadd.f32 v58, v61;
	v6 =	vadd.f32 v46, v6  }
.Ltmp4:
0x181: {  	v2 =	vadd.f32 v51, v2;
	v9 =	vadd.f32 v55, v9;
	[tilespmem:s31+$0x14040] =	vst v63;
	(pc) =	sbr.rel @p1 .LBB2_3-.Ltmp4, $4  }
0x182: {  	[tilespmem:s31+$0x14050] =	vst v0;
	v6 =	vadd.f32 v54, v6  }
0x183: {  	[tilespmem:s31+$0x14020] =	vst v9;
	v2 =	vadd.f32 v59, v2  }
0x184: {  	[tilespmem:s31+$0x14010] =	vst v6  }
0x185: {  	s17 =	sadd.s32 $0x1, s17;
	[tilespmem:s31+$0x14060] =	vst v2  }
.Ltmp5:
0x186: {  	(pc) =	sbr.rel @p0 .LBB2_7-.Ltmp5, $1  }
0x187: {  	_ =	sdelay $0x3  }
0x188: {  	_ =	swait.ge [sflag:s10], $0xA000;
	s16 =	sadd.s32 s16, s6  }
0x189: {  	s15 =	smul.u32 $0xA, s15;
	[sflag:s10] =	ssyncset.done $0x0;
	s16 =	sshll.u32 s16, $0x9  }
0x18a: {  	[sflag:s10] =	ssyncadd.s32 $0xFFFF6000;
	s17 =	sadd.s32 s16, s4;
	s16 =	simm.s32 $0x0  }
0x18b: {  	[tilespmem:s16], [sflag:$0x1] =	stream.linear.gather [hbm4b:s17+s16], $0xA000, $0x38;
	[tilespmem:$0x18B00] =	vst v63  }
.LBB2_6:
0x18c: {  	s17 =	sshll.u32 s16, $0xC  }
0x18d: {  	s17 =	sand.u32 $0x3FFFF000, s17  }
0x18e: {  	v62 =	vld [tilespmem:s17+$0xA3E0];
	_ =	sdelay $0x4  }
0x18f: {  	[tilespmem:$0x1F4C0] =	vst v62;
	v62 =	vld [tilespmem:s17+$0xA400];
	_ =	sdelay $0x4  }
0x190: {  	[tilespmem:$0x1F4D0] =	vst v62;
	v62 =	vld [tilespmem:s17+$0xA410];
	_ =	sdelay $0x4  }
0x191: {  	[tilespmem:$0x1F4E0] =	vst v62;
	v62 =	vld [tilespmem:s17+$0xA420];
	_ =	sdelay $0x4  }
0x192: {  	[tilespmem:$0x1F4F0] =	vst v62;
	v62 =	vld [tilespmem:s17+$0xA430];
	_ =	sdelay $0x4  }
0x193: {  	[tilespmem:$0x1F500] =	vst v62;
	v62 =	vld [tilespmem:s17+$0xA440];
	_ =	sdelay $0x4  }
0x194: {  	[tilespmem:$0x1F510] =	vst v62;
	v62 =	vld [tilespmem:s17+$0xA450];
	_ =	sdelay $0x4  }
0x195: {  	[tilespmem:$0x1F520] =	vst v62;
	v62 =	vld [tilespmem:s17+$0xA460];
	_ =	sdelay $0x4  }
0x196: {  	[tilespmem:$0x1F530] =	vst v62;
	v62 =	vld [tilespmem:s17+$0xA470];
	_ =	sdelay $0x4  }
0x197: {  	[tilespmem:$0x1F540] =	vst v62;
	v62 =	vld [tilespmem:s17+$0xA480];
	_ =	sdelay $0x4  }
0x198: {  	[tilespmem:$0x1F550] =	vst v62;
	v62 =	vld [tilespmem:s17+$0xA490];
	_ =	sdelay $0x4  }
0x199: {  	[tilespmem:$0x1F560] =	vst v62;
	v62 =	vld [tilespmem:s17+$0xA4A0];
	_ =	sdelay $0x4  }
0x19a: {  	[tilespmem:$0x1F570] =	vst v62;
	v62 =	vld [tilespmem:s17+$0xA4B0];
	_ =	sdelay $0x4  }
0x19b: {  	[tilespmem:$0x1F580] =	vst v62;
	v62 =	vld [tilespmem:s17+$0xA4C0];
	_ =	sdelay $0x4  }
0x19c: {  	[tilespmem:$0x1F590] =	vst v62;
	v62 =	vld [tilespmem:s17+$0xA4D0];
	_ =	sdelay $0x4  }
0x19d: {  	[tilespmem:$0x1F5A0] =	vst v62;
	v62 =	vld [tilespmem:s17+$0xA4E0];
	_ =	sdelay $0x4  }
0x19e: {  	[tilespmem:$0x1F5B0] =	vst v62;
	v62 =	vld [tilespmem:s17+$0xA4F0];
	_ =	sdelay $0x4  }
0x19f: {  	[tilespmem:$0x1F5C0] =	vst v62;
	v62 =	vld [tilespmem:s17+$0xA500];
	_ =	sdelay $0x4  }
0x1a0: {  	[tilespmem:$0x1F5D0] =	vst v62;
	v62 =	vld [tilespmem:s17+$0xA510];
	_ =	sdelay $0x4  }
0x1a1: {  	[tilespmem:$0x1F5E0] =	vst v62;
	v62 =	vld [tilespmem:s17+$0xA520];
	_ =	sdelay $0x4  }
0x1a2: {  	[tilespmem:$0x1F5F0] =	vst v62;
	v62 =	vld [tilespmem:s17+$0xA530];
	_ =	sdelay $0x4  }
0x1a3: {  	[tilespmem:$0x1F600] =	vst v62;
	v62 =	vld [tilespmem:s17+$0xA540];
	_ =	sdelay $0x4  }
0x1a4: {  	[tilespmem:$0x1F610] =	vst v62;
	v62 =	vld [tilespmem:s17+$0xA550];
	_ =	sdelay $0x4  }
0x1a5: {  	[tilespmem:$0x1F620] =	vst v62;
	v62 =	vld [tilespmem:s17+$0xA560];
	_ =	sdelay $0x4  }
0x1a6: {  	[tilespmem:$0x1F630] =	vst v62;
	v62 =	vld [tilespmem:s17+$0xA570];
	_ =	sdelay $0x4  }
0x1a7: {  	[tilespmem:$0x1F640] =	vst v62;
	v62 =	vld [tilespmem:s17+$0xA580];
	_ =	sdelay $0x2  }
0x1a8: {  	v16 =	vld [tilespmem:s17+$0xA000]  }
0x1a9: {  	v17 =	vld [tilespmem:s17+$0xA010]  }
0x1aa: {  	[tilespmem:$0x1F650] =	vst v62;
	v62 =	vld [tilespmem:s17+$0xA590]  }
0x1ab: {  	v20 =	vld [tilespmem:s17+$0xA020]  }
0x1ac: {  	v21 =	vld [tilespmem:s17+$0xA030]  }
0x1ad: {  	v24 =	vld [tilespmem:s17+$0xA040]  }
0x1ae: {  	v25 =	vld [tilespmem:s17+$0xA050]  }
0x1af: {  	[tilespmem:$0x1F660] =	vst v62;
	v62 =	vld [tilespmem:s17+$0xA5A0]  }
0x1b0: {  	v28 =	vld [tilespmem:s17+$0xA060]  }
0x1b1: {  	v29 =	vld [tilespmem:s17+$0xA070]  }
0x1b2: {  	v0 =	vld [tilespmem:s17+$0xA080]  }
0x1b3: {  	v1 =	vld [tilespmem:s17+$0xA090]  }
0x1b4: {  	[tilespmem:$0x1F670] =	vst v62;
	v62 =	vld [tilespmem:s17+$0xA5B0]  }
0x1b5: {  	v2 =	vld [tilespmem:s17+$0xA0A0]  }
0x1b6: {  	v3 =	vld [tilespmem:s17+$0xA0B0]  }
0x1b7: {  	v4 =	vld [tilespmem:s17+$0xA0C0]  }
0x1b8: {  	v5 =	vld [tilespmem:s17+$0xA0D0]  }
0x1b9: {  	[tilespmem:$0x1F680] =	vst v62;
	v62 =	vld [tilespmem:s17+$0xA5C0]  }
0x1ba: {  	v6 =	vld [tilespmem:s17+$0xA0E0]  }
0x1bb: {  	v7 =	vld [tilespmem:s17+$0xA0F0]  }
0x1bc: {  	v8 =	vld [tilespmem:s17+$0xA100]  }
0x1bd: {  	v9 =	vld [tilespmem:s17+$0xA110]  }
0x1be: {  	[tilespmem:$0x1F690] =	vst v62;
	v62 =	vld [tilespmem:s17+$0xA5D0]  }
0x1bf: {  	v10 =	vld [tilespmem:s17+$0xA120]  }
0x1c0: {  	v11 =	vld [tilespmem:s17+$0xA130]  }
0x1c1: {  	v12 =	vld [tilespmem:s17+$0xA140]  }
0x1c2: {  	v13 =	vld [tilespmem:s17+$0xA150]  }
0x1c3: {  	[tilespmem:$0x1F6A0] =	vst v62;
	v62 =	vld [tilespmem:s17+$0xA5E0]  }
0x1c4: {  	v14 =	vld [tilespmem:s17+$0xA160]  }
0x1c5: {  	v15 =	vld [tilespmem:s17+$0xA170]  }
0x1c6: {  	v18 =	vld [tilespmem:s17+$0xA180]  }
0x1c7: {  	v19 =	vld [tilespmem:s17+$0xA190]  }
0x1c8: {  	[tilespmem:$0x1F6B0] =	vst v62;
	v62 =	vld [tilespmem:s17+$0xA5F0]  }
0x1c9: {  	v22 =	vld [tilespmem:s17+$0xA1A0]  }
0x1ca: {  	v23 =	vld [tilespmem:s17+$0xA1B0]  }
0x1cb: {  	v26 =	vld [tilespmem:s17+$0xA1C0]  }
0x1cc: {  	v27 =	vld [tilespmem:s17+$0xA1D0]  }
0x1cd: {  	[tilespmem:$0x1F6C0] =	vst v62;
	v62 =	vld [tilespmem:s17+$0xA600]  }
0x1ce: {  	v30 =	vld [tilespmem:s17+$0xA1E0]  }
0x1cf: {  	v31 =	vld [tilespmem:s17+$0xA1F0]  }
0x1d0: {  	v53 =	vld [tilespmem:s17+$0xA200]  }
0x1d1: {  	v32 =	vld [tilespmem:s17+$0xA210]  }
0x1d2: {  	[tilespmem:$0x1F6D0] =	vst v62;
	v62 =	vld [tilespmem:s17+$0xA610]  }
0x1d3: {  	v56 =	vld [tilespmem:s17+$0xA220]  }
0x1d4: {  	v33 =	vld [tilespmem:s17+$0xA230]  }
0x1d5: {  	v61 =	vld [tilespmem:s17+$0xA240]  }
0x1d6: {  	v34 =	vld [tilespmem:s17+$0xA250]  }
0x1d7: {  	[tilespmem:$0x1F6E0] =	vst v62;
	v62 =	vld [tilespmem:s17+$0xA620]  }
0x1d8: {  	v48 =	vld [tilespmem:s17+$0xA260]  }
0x1d9: {  	v35 =	vld [tilespmem:s17+$0xA270]  }
0x1da: {  	v44 =	vld [tilespmem:s17+$0xA280]  }
0x1db: {  	v36 =	vld [tilespmem:s17+$0xA290]  }
0x1dc: {  	[tilespmem:$0x1F6F0] =	vst v62;
	v62 =	vld [tilespmem:s17+$0xA630]  }
0x1dd: {  	v38 =	vld [tilespmem:s17+$0xA2A0]  }
0x1de: {  	v37 =	vld [tilespmem:s17+$0xA2B0]  }
0x1df: {  	v39 =	vld [tilespmem:s17+$0xA2C0]  }
0x1e0: {  	v40 =	vld [tilespmem:s17+$0xA2D0]  }
0x1e1: {  	[tilespmem:$0x1F700] =	vst v62;
	v62 =	vld [tilespmem:s17+$0xA640]  }
0x1e2: {  	v41 =	vld [tilespmem:s17+$0xA2E0]  }
0x1e3: {  	v42 =	vld [tilespmem:s17+$0xA2F0]  }
0x1e4: {  	v45 =	vld [tilespmem:s17+$0xA300]  }
0x1e5: {  	v43 =	vld [tilespmem:s17+$0xA310]  }
0x1e6: {  	[tilespmem:$0x1F710] =	vst v62;
	v62 =	vld [tilespmem:s17+$0xA650]  }
0x1e7: {  	v47 =	vld [tilespmem:s17+$0xA320]  }
0x1e8: {  	v46 =	vld [tilespmem:s17+$0xA330]  }
0x1e9: {  	v49 =	vld [tilespmem:s17+$0xA340]  }
0x1ea: {  	v50 =	vld [tilespmem:s17+$0xA350]  }
0x1eb: {  	[tilespmem:$0x1F720] =	vst v62;
	v62 =	vld [tilespmem:s17+$0xA660]  }
0x1ec: {  	v52 =	vld [tilespmem:s17+$0xA360]  }
0x1ed: {  	v51 =	vld [tilespmem:s17+$0xA370]  }
0x1ee: {  	v54 =	vld [tilespmem:s17+$0xA380]  }
0x1ef: {  	v55 =	vld [tilespmem:s17+$0xA390]  }
0x1f0: {  	[tilespmem:$0x1F730] =	vst v62;
	v62 =	vld [tilespmem:s17+$0xA670]  }
0x1f1: {  	v58 =	vld [tilespmem:s17+$0xA3A0]  }
0x1f2: {  	v57 =	vld [tilespmem:s17+$0xA3B0]  }
0x1f3: {  	v60 =	vld [tilespmem:s17+$0xA3C0]  }
0x1f4: {  	v59 =	vld [tilespmem:s17+$0xA3D0]  }
0x1f5: {  	[tilespmem:$0x1F740] =	vst v62;
	v62 =	vld [tilespmem:s17+$0xA680]  }
0x1f6: {  	v63 =	vld [tilespmem:s17+$0xA3F0]  }
0x1f7: {  	v3 =	vadd.f32 v3, v21;
	v21 =	vld [tilespmem:s17+$0xA8A0]  }
0x1f8: {  	v4 =	vadd.f32 v4, v24;
	v24 =	vld [tilespmem:s17+$0xA8B0]  }
0x1f9: {  	v5 =	vadd.f32 v5, v25;
	v25 =	vld [tilespmem:s17+$0xA8C0]  }
0x1fa: {  	[tilespmem:$0x1F750] =	vst v62;
	v62 =	vld [tilespmem:s17+$0xA690]  }
0x1fb: {  	v6 =	vadd.f32 v6, v28;
	v28 =	vld [tilespmem:s17+$0xA8D0]  }
0x1fc: {  	v7 =	vadd.f32 v7, v29;
	v29 =	vld [tilespmem:s17+$0xA8E0]  }
0x1fd: {  	v0 =	vadd.f32 v0, v16;
	v16 =	vld [tilespmem:s17+$0xA910]  }
0x1fe: {  	v1 =	vadd.f32 v1, v17;
	v17 =	vld [tilespmem:s17+$0xA920]  }
0x1ff: {  	[tilespmem:$0x1F760] =	vst v62;
	v62 =	vld [tilespmem:s17+$0xA6A0]  }
0x200: {  	v2 =	vadd.f32 v2, v20;
	v20 =	vld [tilespmem:s17+$0xA950]  }
0x201: {  	v5 =	vadd.f32 v13, v5;
	v13 =	vld [tilespmem:s17+$0xA8F0]  }
0x202: {  	v7 =	vadd.f32 v15, v7;
	v15 =	vld [tilespmem:s17+$0xA900]  }
0x203: {  	v6 =	vadd.f32 v14, v6;
	v14 =	vld [tilespmem:s17+$0xAA30]  }
0x204: {  	v0 =	vadd.f32 v8, v0;
	[tilespmem:$0x1F770] =	vst v62;
	v62 =	vld [tilespmem:s17+$0xA6B0]  }
0x205: {  	v1 =	vadd.f32 v9, v1;
	v8 =	vld [tilespmem:s17+$0xAA40]  }
0x206: {  	v2 =	vadd.f32 v10, v2;
	v0 =	vadd.f32 v18, v0;
	v18 =	vld [tilespmem:s17+$0xA930]  }
0x207: {  	v1 =	vadd.f32 v19, v1;
	v19 =	vld [tilespmem:s17+$0xA940]  }
0x208: {  	v3 =	vadd.f32 v11, v3;
	v2 =	vadd.f32 v22, v2;
	v22 =	vld [tilespmem:s17+$0xA970]  }
0x209: {  	[tilespmem:$0x1F780] =	vst v62;
	v62 =	vld [tilespmem:s17+$0xA6C0]  }
0x20a: {  	v3 =	vadd.f32 v23, v3;
	v23 =	vld [tilespmem:s17+$0xA980]  }
0x20b: {  	[tilespmem:$0x1F960] =	vst v21;
	v21 =	vld [tilespmem:s17+$0xA960]  }
0x20c: {  	[tilespmem:$0x1F970] =	vst v24;
	v24 =	vld [tilespmem:s17+$0xA990]  }
0x20d: {  	[tilespmem:$0x1F9A0] =	vst v29;
	v29 =	vld [tilespmem:s17+$0xAA00]  }
0x20e: {  	[tilespmem:$0x1F790] =	vst v62;
	v62 =	vld [tilespmem:s17+$0xA6D0]  }
0x20f: {  	[tilespmem:$0x1FA10] =	vst v20;
	v20 =	vld [tilespmem:s17+$0xAA20]  }
0x210: {  	v6 =	vadd.f32 v30, v6;
	v2 =	vadd.f32 v56, v2;
	v56 =	vld [tilespmem:s17+$0xA9A0]  }
0x211: {  	v0 =	vadd.f32 v53, v0;
	v53 =	vld [tilespmem:s17+$0xA9B0]  }
0x212: {  	v6 =	vadd.f32 v48, v6;
	v48 =	vld [tilespmem:s17+$0xA9C0]  }
0x213: {  	v4 =	vadd.f32 v12, v4;
	[tilespmem:$0x1F7A0] =	vst v62;
	v62 =	vld [tilespmem:s17+$0xA6E0]  }
0x214: {  	v7 =	vadd.f32 v31, v7;
	v1 =	vadd.f32 v32, v1;
	v32 =	vld [tilespmem:s17+$0xA9F0]  }
0x215: {  	v3 =	vadd.f32 v33, v3;
	v33 =	vld [tilespmem:$0x1F4C0]  }
0x216: {  	v4 =	vadd.f32 v26, v4;
	v7 =	vadd.f32 v35, v7;
	v35 =	vld [tilespmem:$0x1F4D0]  }
0x217: {  	v5 =	vadd.f32 v27, v5;
	v0 =	vadd.f32 v44, v0;
	v44 =	vld [tilespmem:s17+$0xA9D0]  }
0x218: {  	v4 =	vadd.f32 v61, v4;
	[tilespmem:$0x1F7B0] =	vst v62;
	v62 =	vld [tilespmem:s17+$0xA6F0]  }
0x219: {  	v5 =	vadd.f32 v34, v5;
	v2 =	vadd.f32 v38, v2;
	v38 =	vld [tilespmem:s17+$0xA9E0]  }
0x21a: {  	v1 =	vadd.f32 v36, v1;
	v4 =	vadd.f32 v39, v4;
	[tilespmem:$0x1FA40] =	vst v23;
	v23 =	vld [tilespmem:s17+$0xAA10]  }
0x21b: {  	[tilespmem:$0x1F980] =	vst v25;
	v5 =	vadd.f32 v40, v5;
	v25 =	vadd.f32 v47, v2;
	v2 =	vld [tilespmem:s17+$0xACE0]  }
0x21c: {  	v6 =	vadd.f32 v41, v6;
	v4 =	vadd.f32 v49, v4;
	v36 =	vld [tilespmem:$0x1F4E0]  }
0x21d: {  	v3 =	vadd.f32 v37, v3;
	v5 =	vadd.f32 v50, v5;
	[tilespmem:$0x1F7C0] =	vst v62;
	v62 =	vld [tilespmem:s17+$0xA700]  }
0x21e: {  	v6 =	vadd.f32 v52, v6;
	v30 =	vadd.f32 v60, v4;
	v4 =	vld [tilespmem:s17+$0xAA50]  }
0x21f: {  	v3 =	vadd.f32 v46, v3;
	v31 =	vadd.f32 v59, v5;
	v5 =	vld [tilespmem:s17+$0xAA60]  }
0x220: {  	v34 =	vadd.f32 v33, v6;
	v6 =	vld [tilespmem:s17+$0xAA70]  }
0x221: {  	[tilespmem:$0x1F990] =	vst v28;
	v28 =	vadd.f32 v57, v3;
	v3 =	vld [tilespmem:s17+$0xACD0]  }
0x222: {  	v1 =	vadd.f32 v43, v1;
	[tilespmem:$0x1F7D0] =	vst v62;
	v62 =	vld [tilespmem:s17+$0xA710]  }
0x223: {  	v0 =	vadd.f32 v45, v0;
	v37 =	vld [tilespmem:$0x1F4F0]  }
0x224: {  	v27 =	vadd.f32 v55, v1;
	v1 =	vld [tilespmem:s17+$0xACF0]  }
0x225: {  	v26 =	vadd.f32 v54, v0;
	v0 =	vld [tilespmem:s17+$0xAD00]  }
0x226: {  	v9 =	vadd.f32 v58, v25;
	v40 =	vld [tilespmem:$0x1F500]  }
0x227: {  	[tilespmem:$0x1F7E0] =	vst v62;
	v62 =	vld [tilespmem:s17+$0xA720]  }
0x228: {  	v39 =	vadd.f32 v37, v9;
	v9 =	vld [tilespmem:s17+$0xAA90]  }
0x229: {  	v7 =	vadd.f32 v42, v7;
	v41 =	vld [tilespmem:$0x1F510]  }
0x22a: {  	v45 =	vld [tilespmem:$0x1F540]  }
0x22b: {  	v7 =	vadd.f32 v51, v7;
	v42 =	vld [tilespmem:$0x1F520]  }
0x22c: {  	[tilespmem:$0x1F7F0] =	vst v62;
	v62 =	vld [tilespmem:s17+$0xA730]  }
0x22d: {  	v7 =	vadd.f32 v63, v7;
	v47 =	vld [tilespmem:$0x1F550]  }
0x22e: {  	v43 =	vld [tilespmem:$0x1F530]  }
0x22f: {  	v46 =	vadd.f32 v45, v7;
	v7 =	vld [tilespmem:s17+$0xAA80]  }
0x230: {  	v10 =	vadd.f32 v35, v26;
	v50 =	vld [tilespmem:$0x1F560]  }
0x231: {  	[tilespmem:$0x1F800] =	vst v62;
	v62 =	vld [tilespmem:s17+$0xA740]  }
0x232: {  	v49 =	vadd.f32 v47, v10;
	v10 =	vld [tilespmem:s17+$0xAAA0]  }
0x233: {  	v11 =	vadd.f32 v36, v27;
	v52 =	vld [tilespmem:$0x1F570]  }
0x234: {  	v54 =	vld [tilespmem:$0x1F580]  }
0x235: {  	v51 =	vadd.f32 v50, v11;
	v11 =	vld [tilespmem:s17+$0xAAB0]  }
0x236: {  	[tilespmem:$0x1F810] =	vst v62;
	v62 =	vld [tilespmem:s17+$0xA750]  }
0x237: {  	v12 =	vadd.f32 v40, v28;
	v57 =	vld [tilespmem:$0x1F590]  }
0x238: {  	v59 =	vld [tilespmem:$0x1F5A0]  }
0x239: {  	[tilespmem:$0x1F9B0] =	vst v13;
	v55 =	vadd.f32 v54, v12;
	v12 =	vld [tilespmem:s17+$0xAAC0]  }
0x23a: {  	[tilespmem:$0x1F9C0] =	vst v15;
	v13 =	vadd.f32 v41, v30;
	v61 =	vld [tilespmem:$0x1F5B0]  }
0x23b: {  	v15 =	vadd.f32 v42, v31;
	[tilespmem:$0x1F820] =	vst v62;
	v62 =	vld [tilespmem:s17+$0xA760]  }
0x23c: {  	v58 =	vadd.f32 v57, v13;
	v13 =	vld [tilespmem:s17+$0xAAD0]  }
0x23d: {  	[tilespmem:$0x1F9D0] =	vst v16;
	v16 =	vadd.f32 v43, v34;
	v60 =	vadd.f32 v59, v15;
	v15 =	vld [tilespmem:s17+$0xAAE0]  }
0x23e: {  	v27 =	vld [tilespmem:$0x1F5C0]  }
0x23f: {  	v63 =	vadd.f32 v61, v16;
	v16 =	vld [tilespmem:s17+$0xAAF0]  }
0x240: {  	[tilespmem:$0x1F830] =	vst v62;
	v62 =	vld [tilespmem:s17+$0xA770]  }
0x241: {  	v31 =	vld [tilespmem:$0x1F5F0]  }
0x242: {  	v28 =	vld [tilespmem:$0x1F5D0]  }
0x243: {  	v30 =	vld [tilespmem:$0x1F5E0]  }
0x244: {  	[tilespmem:$0x1F9E0] =	vst v17;
	v17 =	vadd.f32 v52, v39;
	v34 =	vld [tilespmem:$0x1F600]  }
0x245: {  	[tilespmem:$0x1F840] =	vst v62;
	v62 =	vld [tilespmem:s17+$0xA780]  }
0x246: {  	v33 =	vadd.f32 v31, v17;
	v17 =	vld [tilespmem:s17+$0xAB00]  }
0x247: {  	v31 =	vld [tilespmem:s17+$0xAB30]  }
0x248: {  	v35 =	vld [tilespmem:$0x1F610]  }
0x249: {  	[tilespmem:$0x1FA30] =	vst v22;
	v22 =	vadd.f32 v34, v55;
	v34 =	vld [tilespmem:s17+$0xAB50]  }
0x24a: {  	[tilespmem:$0x1F850] =	vst v62;
	v62 =	vld [tilespmem:s17+$0xA790]  }
0x24b: {  	v36 =	vld [tilespmem:$0x1F620]  }
0x24c: {  	v37 =	vld [tilespmem:$0x1F630]  }
0x24d: {  	[tilespmem:$0x1FA50] =	vst v24;
	v24 =	vadd.f32 v35, v58;
	v35 =	vld [tilespmem:s17+$0xAB60]  }
0x24e: {  	v39 =	vld [tilespmem:$0x1F640]  }
0x24f: {  	[tilespmem:$0x1F860] =	vst v62;
	v62 =	vld [tilespmem:s17+$0xA7A0]  }
0x250: {  	v25 =	vadd.f32 v36, v60;
	v36 =	vld [tilespmem:s17+$0xAB70]  }
0x251: {  	[tilespmem:$0x1F9F0] =	vst v18;
	v18 =	vadd.f32 v27, v46;
	v26 =	vadd.f32 v37, v63;
	v37 =	vld [tilespmem:s17+$0xAB80]  }
0x252: {  	v41 =	vld [tilespmem:$0x1F650]  }
0x253: {  	v40 =	vadd.f32 v39, v18;
	v18 =	vld [tilespmem:s17+$0xAB10]  }
0x254: {  	[tilespmem:$0x1F870] =	vst v62;
	v62 =	vld [tilespmem:s17+$0xA7B0]  }
0x255: {  	[tilespmem:$0x1FA00] =	vst v19;
	v19 =	vadd.f32 v28, v49;
	v45 =	vld [tilespmem:$0x1F670]  }
0x256: {  	v43 =	vld [tilespmem:$0x1F660]  }
0x257: {  	v42 =	vadd.f32 v41, v19;
	v19 =	vld [tilespmem:s17+$0xAB20]  }
0x258: {  	v46 =	vld [tilespmem:$0x1F680]  }
0x259: {  	[tilespmem:$0x1F880] =	vst v62;
	v62 =	vld [tilespmem:s17+$0xA7C0]  }
0x25a: {  	v27 =	vadd.f32 v45, v33;
	v33 =	vld [tilespmem:s17+$0xAB40]  }
0x25b: {  	v47 =	vld [tilespmem:$0x1F690]  }
0x25c: {  	v49 =	vld [tilespmem:$0x1F6A0]  }
0x25d: {  	v50 =	vld [tilespmem:$0x1F6B0]  }
0x25e: {  	[tilespmem:$0x1F890] =	vst v62;
	v62 =	vld [tilespmem:s17+$0xA7D0]  }
0x25f: {  	[tilespmem:$0x1FA20] =	vst v21;
	v21 =	vadd.f32 v30, v51;
	v51 =	vld [tilespmem:$0x1F6C0]  }
0x260: {  	v52 =	vld [tilespmem:$0x1F6D0]  }
0x261: {  	v54 =	vld [tilespmem:$0x1F6E0]  }
0x262: {  	v55 =	vld [tilespmem:$0x1F6F0]  }
0x263: {  	[tilespmem:$0x1F8A0] =	vst v62;
	v62 =	vld [tilespmem:s17+$0xA7E0]  }
0x264: {  	v57 =	vld [tilespmem:$0x1F700]  }
0x265: {  	v58 =	vld [tilespmem:$0x1F710]  }
0x266: {  	v59 =	vld [tilespmem:$0x1F720]  }
0x267: {  	v60 =	vld [tilespmem:$0x1F730]  }
0x268: {  	[tilespmem:$0x1F8B0] =	vst v62;
	v62 =	vld [tilespmem:s17+$0xA7F0]  }
0x269: {  	v39 =	vld [tilespmem:$0x1F760]  }
0x26a: {  	v21 =	vadd.f32 v43, v21;
	v61 =	vld [tilespmem:$0x1F740]  }
0x26b: {  	v28 =	vadd.f32 v51, v40;
	v40 =	vld [tilespmem:$0x1F770]  }
0x26c: {  	v21 =	vadd.f32 v54, v21;
	v63 =	vld [tilespmem:$0x1F750]  }
0x26d: {  	[tilespmem:$0x1F8C0] =	vst v62;
	v62 =	vld [tilespmem:s17+$0xA800]  }
0x26e: {  	v27 =	vadd.f32 v55, v27;
	v21 =	vadd.f32 v39, v21;
	v39 =	vld [tilespmem:s17+$0xAB90]  }
0x26f: {  	v41 =	vld [tilespmem:$0x1F780]  }
0x270: {  	v22 =	vadd.f32 v46, v22;
	v27 =	vadd.f32 v40, v27;
	v40 =	vld [tilespmem:s17+$0xABA0]  }
0x271: {  	v30 =	vadd.f32 v52, v42;
	v42 =	vld [tilespmem:$0x1F790]  }
0x272: {  	v24 =	vadd.f32 v47, v24;
	v22 =	vadd.f32 v57, v22;
	[tilespmem:$0x1F8D0] =	vst v62;
	v62 =	vld [tilespmem:s17+$0xA810]  }
0x273: {  	v25 =	vadd.f32 v49, v25;
	v43 =	vld [tilespmem:$0x1F7A0]  }
0x274: {  	v24 =	vadd.f32 v58, v24;
	v22 =	vadd.f32 v41, v22;
	v41 =	vld [tilespmem:s17+$0xABB0]  }
0x275: {  	v26 =	vadd.f32 v50, v26;
	v45 =	vld [tilespmem:$0x1F7B0]  }
0x276: {  	v25 =	vadd.f32 v59, v25;
	v24 =	vadd.f32 v42, v24;
	v42 =	vld [tilespmem:s17+$0xABC0]  }
0x277: {  	[tilespmem:$0x1F8E0] =	vst v62;
	v62 =	vld [tilespmem:s17+$0xA820]  }
0x278: {  	v26 =	vadd.f32 v60, v26;
	v25 =	vadd.f32 v43, v25;
	v43 =	vld [tilespmem:s17+$0xABD0]  }
0x279: {  	v46 =	vld [tilespmem:$0x1F7C0]  }
0x27a: {  	v26 =	vadd.f32 v45, v26;
	v45 =	vld [tilespmem:s17+$0xABE0]  }
0x27b: {  	v47 =	vld [tilespmem:$0x1F7D0]  }
0x27c: {  	v28 =	vadd.f32 v61, v28;
	[tilespmem:$0x1F8F0] =	vst v62;
	v62 =	vld [tilespmem:s17+$0xA830]  }
0x27d: {  	v49 =	vld [tilespmem:$0x1F7E0]  }
0x27e: {  	v30 =	vadd.f32 v63, v30;
	v28 =	vadd.f32 v46, v28;
	v46 =	vld [tilespmem:s17+$0xABF0]  }
0x27f: {  	v50 =	vld [tilespmem:$0x1F7F0]  }
0x280: {  	v30 =	vadd.f32 v47, v30;
	v47 =	vld [tilespmem:s17+$0xAC00]  }
0x281: {  	[tilespmem:$0x1F900] =	vst v62;
	v62 =	vld [tilespmem:s17+$0xA840]  }
0x282: {  	v21 =	vadd.f32 v49, v21;
	v49 =	vld [tilespmem:s17+$0xAC10]  }
0x283: {  	v51 =	vld [tilespmem:$0x1F800]  }
0x284: {  	v27 =	vadd.f32 v50, v27;
	v50 =	vld [tilespmem:s17+$0xAC20]  }
0x285: {  	v52 =	vld [tilespmem:$0x1F810]  }
0x286: {  	[tilespmem:$0x1F910] =	vst v62;
	v62 =	vld [tilespmem:s17+$0xA850]  }
0x287: {  	v54 =	vld [tilespmem:$0x1F820]  }
0x288: {  	v55 =	vld [tilespmem:$0x1F830]  }
0x289: {  	v61 =	vld [tilespmem:$0x1F880]  }
0x28a: {  	v59 =	vld [tilespmem:$0x1F860]  }
0x28b: {  	[tilespmem:$0x1F920] =	vst v62;
	v62 =	vld [tilespmem:s17+$0xA860]  }
0x28c: {  	v22 =	vadd.f32 v51, v22;
	v51 =	vld [tilespmem:$0x1F8A0]  }
0x28d: {  	v57 =	vld [tilespmem:$0x1F840]  }
0x28e: {  	v22 =	vadd.f32 v61, v22;
	v61 =	vld [tilespmem:$0x1F920]  }
0x28f: {  	v25 =	vadd.f32 v54, v25;
	v63 =	vld [tilespmem:$0x1F890]  }
0x290: {  	[tilespmem:$0x1F930] =	vst v62;
	v62 =	vld [tilespmem:s17+$0xA870]  }
0x291: {  	v21 =	vadd.f32 v59, v21;
	v25 =	vadd.f32 v51, v25;
	v59 =	vld [tilespmem:$0x1F900]  }
0x292: {  	v58 =	vld [tilespmem:$0x1F850]  }
0x293: {  	v25 =	vadd.f32 v61, v25;
	v61 =	vld [tilespmem:$0x1F970]  }
0x294: {  	v24 =	vadd.f32 v52, v24;
	v52 =	vld [tilespmem:$0x1F8B0]  }
0x295: {  	[tilespmem:$0x1F940] =	vst v62;
	v62 =	vld [tilespmem:s17+$0xA880]  }
0x296: {  	v24 =	vadd.f32 v63, v24;
	v22 =	vadd.f32 v59, v22;
	v63 =	vld [tilespmem:$0x1F930]  }
0x297: {  	v26 =	vadd.f32 v55, v26;
	v60 =	vld [tilespmem:$0x1F870]  }
0x298: {  	v22 =	vadd.f32 v61, v22;
	v61 =	vld [tilespmem:$0x1F9A0]  }
0x299: {  	v26 =	vadd.f32 v52, v26;
	v55 =	vld [tilespmem:$0x1F8D0]  }
0x29a: {  	v51 =	vld [tilespmem:s17+$0xAC30];
	[tilespmem:$0x1F950] =	vst v62  }
0x29b: {  	v26 =	vadd.f32 v63, v26;
	v59 =	vld [tilespmem:$0x1F950]  }
0x29c: {  	v30 =	vadd.f32 v58, v30;
	v54 =	vld [tilespmem:$0x1F8C0]  }
0x29d: {  	v26 =	vadd.f32 v61, v26;
	v61 =	vld [tilespmem:$0x1F9C0]  }
0x29e: {  	v28 =	vadd.f32 v57, v28;
	v30 =	vadd.f32 v55, v30;
	v57 =	vld [tilespmem:$0x1F8E0]  }
0x29f: {  	v27 =	vadd.f32 v60, v27;
	v60 =	vld [tilespmem:$0x1F910]  }
0x2a0: {  	v62 =	vld [tilespmem:s17+$0xA890];
	v30 =	vadd.f32 v59, v30  }
0x2a1: {  	v52 =	vld [tilespmem:s17+$0xAC40]  }
0x2a2: {  	v30 =	vadd.f32 v61, v30;
	v61 =	vld [tilespmem:$0x1F9D0]  }
0x2a3: {  	v21 =	vadd.f32 v57, v21;
	v58 =	vld [tilespmem:$0x1F8F0]  }
0x2a4: {  	v28 =	vadd.f32 v54, v28;
	v54 =	vld [tilespmem:s17+$0xAC50]  }
0x2a5: {  	v24 =	vadd.f32 v60, v24;
	v60 =	vld [tilespmem:$0x1F960];
	v21 =	vadd.f32 v62, v21  }
0x2a6: {  	v55 =	vld [tilespmem:s17+$0xAC60]  }
0x2a7: {  	v21 =	vadd.f32 v61, v21;
	v61 =	vld [tilespmem:$0x1F9E0]  }
0x2a8: {  	v27 =	vadd.f32 v58, v27;
	v63 =	vld [tilespmem:$0x1F990]  }
0x2a9: {  	v57 =	vld [tilespmem:s17+$0xAC70]  }
0x2aa: {  	v27 =	vadd.f32 v60, v27;
	v58 =	vld [tilespmem:$0x1F940]  }
0x2ab: {  	v60 =	vld [tilespmem:s17+$0xACA0]  }
0x2ac: {  	v27 =	vadd.f32 v61, v27;
	v61 =	vld [tilespmem:$0x1F9F0]  }
0x2ad: {  	v25 =	vadd.f32 v63, v25;
	v63 =	vld [tilespmem:$0x1F9B0]  }
0x2ae: {  	v62 =	vld [tilespmem:$0x1F980]  }
0x2af: {  	v28 =	vadd.f32 v58, v28;
	v58 =	vld [tilespmem:s17+$0xAC80]  }
0x2b0: {  	v59 =	vld [tilespmem:s17+$0xAC90]  }
0x2b1: {  	v27 =	vadd.f32 v56, v27;
	v22 =	vadd.f32 v61, v22;
	v61 =	vld [tilespmem:$0x1FA00]  }
0x2b2: {  	v28 =	vadd.f32 v63, v28;
	v63 =	vld [tilespmem:s17+$0xACC0]  }
0x2b3: {  	v24 =	vadd.f32 v62, v24;
	v62 =	vld [tilespmem:s17+$0xACB0];
	v20 =	vadd.f32 v20, v27  }
0x2b4: {  	v56 =	vld [tilespmem:s17+$0xAE70];
	v22 =	vadd.f32 v53, v22  }
0x2b5: {  	v27 =	vld [tilespmem:s17+$0xAE40];
	v10 =	vadd.f32 v10, v20  }
0x2b6: {  	v14 =	vadd.f32 v14, v22;
	v24 =	vadd.f32 v61, v24;
	v61 =	vld [tilespmem:$0x1FA10]  }
0x2b7: {  	v20 =	vld [tilespmem:s17+$0xAE20]  }
0x2b8: {  	v53 =	vld [tilespmem:s17+$0xAD20];
	v10 =	vadd.f32 v19, v10;
	v11 =	vadd.f32 v11, v14  }
0x2b9: {  	v19 =	vld [tilespmem:s17+$0xAE10];
	v24 =	vadd.f32 v48, v24  }
0x2ba: {  	v22 =	vld [tilespmem:s17+$0xAD60];
	v10 =	vadd.f32 v40, v10;
	v11 =	vadd.f32 v31, v11  }
0x2bb: {  	v8 =	vadd.f32 v8, v24;
	v25 =	vadd.f32 v61, v25;
	v61 =	vld [tilespmem:$0x1FA20]  }
0x2bc: {  	v40 =	vld [tilespmem:s17+$0xAED0];
	v10 =	vadd.f32 v50, v10  }
0x2bd: {  	v14 =	vld [tilespmem:s17+$0xADA0];
	v11 =	vadd.f32 v41, v11;
	v8 =	vadd.f32 v12, v8  }
0x2be: {  	v48 =	vld [tilespmem:s17+$0xADD0];
	v10 =	vadd.f32 v60, v10;
	v25 =	vadd.f32 v44, v25  }
0x2bf: {  	v44 =	vld [tilespmem:s17+$0xAD30];
	v11 =	vadd.f32 v51, v11;
	v8 =	vadd.f32 v33, v8  }
0x2c0: {  	v4 =	vadd.f32 v4, v25;
	v26 =	vadd.f32 v61, v26;
	v61 =	vld [tilespmem:$0x1FA30]  }
0x2c1: {  	v50 =	vld [tilespmem:s17+$0xAF50];
	v41 =	vadd.f32 v53, v10;
	v8 =	vadd.f32 v42, v8  }
0x2c2: {  	v24 =	vld [tilespmem:s17+$0xAD70];
	v11 =	vadd.f32 v62, v11;
	v4 =	vadd.f32 v13, v4  }
0x2c3: {  	v12 =	vld [tilespmem:s17+$0xADB0];
	v26 =	vadd.f32 v38, v26;
	v8 =	vadd.f32 v52, v8  }
0x2c4: {  	v60 =	vld [tilespmem:s17+$0xAFF0];
	v42 =	vadd.f32 v44, v11;
	v4 =	vadd.f32 v34, v4  }
0x2c5: {  	v5 =	vadd.f32 v5, v26;
	v28 =	vadd.f32 v61, v28;
	v61 =	vld [tilespmem:$0x1FA40]  }
0x2c6: {  	v26 =	vld [tilespmem:s17+$0xAE30];
	v8 =	vadd.f32 v63, v8;
	v4 =	vadd.f32 v43, v4  }
0x2c7: {  	v53 =	vld [tilespmem:s17+$0xAF80];
	v5 =	vadd.f32 v15, v5;
	v28 =	vadd.f32 v32, v28  }
0x2c8: {  	v10 =	vadd.f32 v12, v42;
	v32 =	vld [tilespmem:s17+$0xAD40];
	v4 =	vadd.f32 v54, v4  }
0x2c9: {  	v51 =	vld [tilespmem:s17+$0xAF60];
	v5 =	vadd.f32 v35, v5;
	v6 =	vadd.f32 v6, v28  }
0x2ca: {  	v13 =	vld [tilespmem:s17+$0xADC0];
	v3 =	vadd.f32 v3, v4;
	v30 =	vadd.f32 v61, v30  }
0x2cb: {  	v10 =	vadd.f32 v26, v10;
	v61 =	vld [tilespmem:$0x1FA50];
	v5 =	vadd.f32 v45, v5  }
0x2cc: {  	v25 =	vld [tilespmem:s17+$0xAD80];
	v6 =	vadd.f32 v16, v6;
	v29 =	vadd.f32 v29, v30  }
0x2cd: {  	v38 =	vld [tilespmem:s17+$0xAEC0];
	v5 =	vadd.f32 v55, v5;
	v8 =	vadd.f32 v32, v8  }
0x2ce: {  	v44 =	vld [tilespmem:s17+$0xAEF0];
	v6 =	vadd.f32 v36, v6;
	v7 =	vadd.f32 v7, v29  }
0x2cf: {  	v16 =	vld [tilespmem:s17+$0xADE0];
	v2 =	vadd.f32 v2, v5;
	v8 =	vadd.f32 v13, v8  }
0x2d0: {  	v52 =	vld [tilespmem:s17+$0xAF70];
	v21 =	vadd.f32 v61, v21;
	v6 =	vadd.f32 v46, v6  }
0x2d1: {  	v29 =	vld [tilespmem:s17+$0xAE60];
	v7 =	vadd.f32 v17, v7;
	v2 =	vadd.f32 v22, v2  }
0x2d2: {  	v43 =	vld [tilespmem:s17+$0xAEE0];
	v8 =	vadd.f32 v27, v8;
	v21 =	vadd.f32 v23, v21  }
0x2d3: {  	v23 =	vld [tilespmem:s17+$0xAD50];
	v6 =	vadd.f32 v57, v6;
	v7 =	vadd.f32 v37, v7  }
0x2d4: {  	v17 =	vld [tilespmem:s17+$0xADF0];
	v2 =	vadd.f32 v16, v2;
	v5 =	vadd.f32 v38, v8  }
0x2d5: {  	v37 =	vld [tilespmem:s17+$0xAEB0];
	v9 =	vadd.f32 v9, v21;
	v1 =	vadd.f32 v1, v6  }
0x2d6: {  	v28 =	vld [tilespmem:s17+$0xAE50];
	v7 =	vadd.f32 v47, v7;
	v2 =	vadd.f32 v29, v2  }
0x2d7: {  	v45 =	vld [tilespmem:s17+$0xAF00];
	v9 =	vadd.f32 v18, v9;
	v1 =	vadd.f32 v24, v1  }
0x2d8: {  	v36 =	vld [tilespmem:s17+$0xAEA0];
	v7 =	vadd.f32 v58, v7;
	v3 =	vadd.f32 v23, v3  }
0x2d9: {  	v61 =	vld [tilespmem:s17+$0xAD10];
	v2 =	vadd.f32 v43, v2;
	v9 =	vadd.f32 v39, v9  }
0x2da: {  	v18 =	vld [tilespmem:s17+$0xAE00];
	v1 =	vadd.f32 v17, v1;
	v4 =	vadd.f32 v37, v10  }
0x2db: {  	v57 =	vld [tilespmem:s17+$0xAE80];
	v0 =	vadd.f32 v0, v7;
	v3 =	vadd.f32 v48, v3  }
0x2dc: {  	v48 =	vld [tilespmem:s17+$0xAF30];
	v9 =	vadd.f32 v49, v9;
	v1 =	vadd.f32 v56, v1  }
0x2dd: {  	v49 =	vld [tilespmem:s17+$0xAF40];
	v0 =	vadd.f32 v25, v0;
	v3 =	vadd.f32 v28, v3  }
0x2de: {  	v21 =	vld [tilespmem:s17+$0xAD90];
	v9 =	vadd.f32 v59, v9;
	v1 =	vadd.f32 v44, v1  }
0x2df: {  	v56 =	vld [tilespmem:s17+$0xAFB0];
	v0 =	vadd.f32 v18, v0;
	v3 =	vadd.f32 v40, v3  }
0x2e0: {  	v46 =	vld [tilespmem:s17+$0xAF10];
	v39 =	vadd.f32 v61, v9;
	v9 =	vadd.f32 v14, v41  }
0x2e1: {  	v47 =	vld [tilespmem:s17+$0xAF20];
	v4 =	vadd.f32 v48, v4;
	v1 =	vadd.f32 v52, v1  }
0x2e2: {  	v59 =	vld [tilespmem:s17+$0xAE90];
	v0 =	vadd.f32 v57, v0;
	v5 =	vadd.f32 v49, v5  }
0x2e3: {  	v57 =	vld [tilespmem:s17+$0xAFC0];
	v61 =	vadd.f32 v50, v3;
	v6 =	vadd.f32 v21, v39  }
0x2e4: {  	s18 =	sadd.s32 s15, s16;
	v58 =	vld [tilespmem:s17+$0xAFD0];
	v9 =	vadd.f32 v20, v9;
	v62 =	vadd.f32 v56, v4  }
0x2e5: {  	s18 =	sshll.u32 s18, $0x7;
	v55 =	vld [tilespmem:s17+$0xAFA0];
	v0 =	vadd.f32 v45, v0;
	v6 =	vadd.f32 v19, v6  }
0x2e6: {  	s31 =	sand.u32 $0x3FFFFF80, s18;
	v54 =	vld [tilespmem:s17+$0xAF90];
	v1 =	vadd.f32 v60, v1;
	v9 =	vadd.f32 v36, v9  }
0x2e7: {  	v0 =	vadd.f32 v53, v0;
	v6 =	vadd.f32 v59, v6;
	v59 =	vld [tilespmem:s17+$0xAFE0];
	[tilespmem:s31+$0x14030] =	vst v62  }
0x2e8: {  	v9 =	vadd.f32 v47, v9;
	v63 =	vadd.f32 v57, v5;
	[tilespmem:s31+$0x14070] =	vst v1  }
0x2e9: {  	p0 =	sne.s32 s16, $0x9;
	[tilespmem:s31+$0x14000] =	vst v0;
	v0 =	vadd.f32 v58, v61;
	v6 =	vadd.f32 v46, v6  }
.Ltmp6:
0x2ea: {  	v2 =	vadd.f32 v51, v2;
	v9 =	vadd.f32 v55, v9;
	[tilespmem:s31+$0x14040] =	vst v63;
	(pc) =	sbr.rel @p0 .LBB2_6-.Ltmp6, $4  }
0x2eb: {  	[tilespmem:s31+$0x14050] =	vst v0;
	v6 =	vadd.f32 v54, v6  }
0x2ec: {  	[tilespmem:s31+$0x14020] =	vst v9;
	v2 =	vadd.f32 v59, v2  }
0x2ed: {  	[tilespmem:s31+$0x14010] =	vst v6  }
0x2ee: {  	s16 =	sadd.s32 $0x1, s16;
	[tilespmem:s31+$0x14060] =	vst v2  }
.Ltmp7:
0x2ef: {  	_ = 	snop;
	(pc) =	sbr.rel .LBB2_7-.Ltmp7, $1  }
0x2f0: {  	_ =	sdelay $0x3  }
.LBB2_9:
0x2f1: {  	_ =	sfence.sel $0x180000  }
0x2f2: {  	[bflag:$0x0] =	sbarrier.arrive $0xFFFF  }
0x2f3: {  	p0 =	sne.s32 s0, $0x0;
	_ =	strace $0x90000047  }
0x2f4: {  	s0 =	sadd.s32 @!p0 $0x100000, s1;
	[bflag:$0x2] =	sbarrier.arrive $0xFFFF  }
0x2f5: {  	[sflag:s0] =	ssyncadd.tile.s32 @!p0 $0x1;
	_ =	shalt  }
.Lfunc_end2:
_tile_overlayer_lowered:
.L_overlay_start_2:
0x2f6: {  	(tag) =	ssettag $0x2  }
0x2f7: {  	s0 =	rddreg [dreg:$0x0];
	s2 =	stileid.u32  }
0x2f8: {  	s1 =	rddreg [dreg:$0x1];
	p0 =	sne.s32 s2, $0x0  }
0x2f9: {  	s3 =	rddreg [dreg:$0x2];
	[bflag:$0x3] =	sbarrier.arrive $0xFFFF;
	s2 =	simm.s32 @!p0 $0x1C03  }
0x2fa: {  	[timem:s3], [sflag:s2] =	dma.local @!p0 [hbm:s0], s1  }
0x2fb: {  	s0 =	simm.s32 @!p0 $0x3  }
0x2fc: {  	_ =	swait.ge @!p0 [sflag:s0], s1  }
0x2fd: {  	s1 =	ssub.s32 @!p0 $0x0, s1;
	[sflag:s0] =	ssyncset.done @!p0 $0x0  }
0x2fe: {  	[sflag:s0] =	ssyncadd.s32 @!p0 s1  }
0x2ff: {  	[bflag:$0x3] =	sbarrier.arrive $0xFFFF  }
0x300: {  	_ =	shalt  }

</sc_bundles>
